<compile_context>
chip_gen: v7x
topology: tpu7x:2x2x1
jax: 0.10.2.dev20260603
libtpu: 0.0.44.dev20260713+nightly
codegen_flags: <defaults>
</compile_context>

<pallas_src>
import jax
import jax.numpy as jnp
from jax import lax
from jax.experimental import pallas as pl
from jax.experimental.pallas import tpu as pltpu
from jax.experimental.pallas import tpu_sc as plsc

_B, _T, _D, _E, _K = 1, 2048, 768, 8, 2
_NA = _T * _K
_MT = 128
_NPAD = _NA + _E * _MT
_NTILES = _NPAD // _MT
_NW = 32
_GP = _NPAD // _NW
_CH = _NA // 16
_TPW = _T // _NW
_L = 16



def _gate_body(x_ref, wg_ref, idx_ref, w_ref):
    x = x_ref[...]
    logits = jnp.dot(x, wg_ref[...], preferred_element_type=jnp.float32)
    lane = lax.broadcasted_iota(jnp.int32, logits.shape, 1)
    neg = jnp.float32(-jnp.inf)
    logits = jnp.where(lane < _E, logits, neg)
    m1 = jnp.max(logits, axis=1, keepdims=True)
    i1 = jnp.min(jnp.where(logits == m1, lane, _E), axis=1, keepdims=True)
    l2 = jnp.where(lane == i1, neg, logits)
    m2 = jnp.max(l2, axis=1, keepdims=True)
    i2 = jnp.min(jnp.where(l2 == m2, lane, _E), axis=1, keepdims=True)
    w1 = 1.0 / (1.0 + jnp.exp(m2 - m1))
    w2 = 1.0 - w1
    idx_ref[...] = jnp.where(lane == 0, i1, jnp.where(lane == 1, i2, 0))
    w_ref[...] = jnp.where(lane == 0, w1, jnp.where(lane == 1, w2, 0.0))


def _gate(x2, wgp, interpret=False):
    return pl.pallas_call(
        _gate_body,
        grid=(4,),
        in_specs=[
            pl.BlockSpec((_T // 4, _D), lambda i: (i, 0)),
            pl.BlockSpec((_D, 128), lambda i: (0, 0)),
        ],
        out_specs=[
            pl.BlockSpec((_T // 4, 128), lambda i: (i, 0)),
            pl.BlockSpec((_T // 4, 128), lambda i: (i, 0)),
        ],
        out_shape=[
            jax.ShapeDtypeStruct((_T, 128), jnp.int32),
            jax.ShapeDtypeStruct((_T, 128), jnp.float32),
        ],
        interpret=interpret,
    )(x2, wgp)



def _route_body(x_hbm, ef_hbm, wf_hbm, xs_hbm, slots_hbm, te_hbm, ws_hbm,
                efall_v, wv, slotidx_v, te_v, xrow_v, xrow2_v,
                sem, sem2, sem3, sem4, sem5, sem6):
    cid = lax.axis_index("c")
    sid = lax.axis_index("s")
    lanes = lax.iota(jnp.int32, _L)

    a0 = cid * _T + sid * 128

    lde = pltpu.async_copy(ef_hbm, efall_v, sem)
    ldw = [pltpu.async_copy(wf_hbm.at[pl.ds(a0 + q * 64, 64)], wv.at[q], sem2)
           for q in range(2)]
    lde.wait()

    def hist_body(v, carry):
        evv = efall_v[pl.ds(v * _L, _L)]
        before = lax.broadcast(v * _L < a0, (_L,))
        new = []
        for e in range(_E):
            m = jnp.where(evv == e, 1, 0)
            new.append(carry[e] + m)
            new.append(carry[_E + e] + jnp.where(before, m, 0))
        return tuple(new[0::2] + new[1::2])

    z = tuple(jnp.zeros((_L,), jnp.int32) for _ in range(2 * _E))
    acc = lax.fori_loop(0, _NA // _L, hist_body, z)
    tot = [jnp.sum(acc[e]) for e in range(_E)]
    pre = [jnp.sum(acc[_E + e]) for e in range(_E)]
    g = [jnp.int32(0)]
    for e in range(1, _E):
        g.append((g[e - 1] + tot[e - 1] + (_MT - 1)) // _MT * _MT)

    @pl.when(jnp.logical_and(cid == 0, sid == 0))
    def _():
        for v in range(3):
            j = (lax.iota(jnp.int32, _L) + v * _L) * _MT
            acc2 = jnp.full((_L,), -1, jnp.int32)
            for e in range(_E):
                acc2 = acc2 + jnp.where(j >= lax.broadcast(g[e], (_L,)), 1, 0)
            te_v[pl.ds(v * _L, _L)] = jnp.minimum(acc2, _E - 1)
        pltpu.sync_copy(te_v, te_hbm)

    running = [lax.broadcast(g[e] + pre[e], (_L,)) for e in range(_E)]
    for v in range(8):
        evv = efall_v[pl.ds(a0 + v * _L, _L)]
        slot = jnp.zeros((_L,), jnp.int32)
        for e in range(_E):
            m = evv == e
            cs = plsc.cumsum(jnp.where(m, 1, 0))
            slot = jnp.where(m, running[e] + cs - 1, slot)
            running[e] = running[e] + lax.broadcast(cs[_L - 1], (_L,))
        slotidx_v[v // 4, pl.ds((v % 4) * _L, _L)] = slot

    for cp in ldw:
        cp.wait()
    pub = [pltpu.async_copy(slotidx_v.at[q],
                            slots_hbm.at[pl.ds(a0 + q * 64, 64)], sem3)
           for q in range(2)]
    wsc = [pltpu.async_copy(wv.at[q], ws_hbm.at[slotidx_v.at[q]], sem4)
           for q in range(2)]

    tb = sid * 128
    g0 = pltpu.async_copy(x_hbm.at[pl.ds(tb, 64)], xrow_v, sem)
    g1 = pltpu.async_copy(x_hbm.at[pl.ds(tb + 64, 64)], xrow2_v, sem2)
    g0.wait()
    s0 = pltpu.async_copy(xrow_v, xs_hbm.at[slotidx_v.at[0]], sem5)
    g1.wait()
    s1 = pltpu.async_copy(xrow2_v, xs_hbm.at[slotidx_v.at[1]], sem6)
    for cp in pub + wsc + [s0, s1]:
        cp.wait()


def _route(x2, ef, wf, interpret=False):
    mesh = plsc.VectorSubcoreMesh(core_axis_name="c", subcore_axis_name="s",
                                  num_cores=2, num_subcores=16)
    kern = pl.kernel(
        _route_body,
        out_type=[
            jax.ShapeDtypeStruct((_NPAD, _D), jnp.float32),
            jax.ShapeDtypeStruct((_NA,), jnp.int32),
            jax.ShapeDtypeStruct((48,), jnp.int32),
            jax.ShapeDtypeStruct((_NPAD,), jnp.float32),
        ],
        mesh=mesh,
        scratch_types=[
            pltpu.VMEM((_NA,), jnp.int32),
            pltpu.VMEM((2, 64), jnp.float32),
            pltpu.VMEM((2, 64), jnp.int32),
            pltpu.VMEM((48,), jnp.int32),
            pltpu.VMEM((64, _D), jnp.float32),
            pltpu.VMEM((64, _D), jnp.float32),
            pltpu.SemaphoreType.DMA,
            pltpu.SemaphoreType.DMA,
            pltpu.SemaphoreType.DMA,
            pltpu.SemaphoreType.DMA,
            pltpu.SemaphoreType.DMA,
            pltpu.SemaphoreType.DMA,
        ],
        compiler_params=pltpu.CompilerParams(needs_layout_passes=False),
        interpret=interpret,
    )
    return kern(x2, ef, wf)



def _gmm_body(te_ref, xs_ref, we_ref, ws_ref, y_ref):
    del te_ref
    y = jnp.dot(xs_ref[...].astype(jnp.bfloat16), we_ref[0],
                preferred_element_type=jnp.float32)
    y_ref[...] = y * ws_ref[...]


def _gmm(te, xs, web, ws, interpret=False):
    grid_spec = pltpu.PrefetchScalarGridSpec(
        num_scalar_prefetch=1,
        grid=(_NTILES,),
        in_specs=[
            pl.BlockSpec((_MT, _D), lambda i, te: (i, 0)),
            pl.BlockSpec((1, _D, _D), lambda i, te: (te[i], 0, 0)),
            pl.BlockSpec((_MT, 1), lambda i, te: (i, 0)),
        ],
        out_specs=pl.BlockSpec((_MT, _D), lambda i, te: (i, 0)),
    )
    return pl.pallas_call(
        _gmm_body,
        grid_spec=grid_spec,
        out_shape=jax.ShapeDtypeStruct((_NPAD, _D), jnp.float32),
        interpret=interpret,
    )(te, xs, web, ws)



def _combine_body(slots_hbm, y_hbm, out_hbm, sidx_v, sstage_v, r0_v, r1_v,
                  out_v, sems, osem):
    cid = lax.axis_index("c")
    sid = lax.axis_index("s")
    wid = cid * 16 + sid

    for c in range(2):
        tb = wid * _TPW + c * 32
        l0 = pltpu.async_copy(slots_hbm.at[pl.ds(tb, 32)],
                              sstage_v.at[0], sems[0])
        l1 = pltpu.async_copy(slots_hbm.at[pl.ds(_T + tb, 32)],
                              sstage_v.at[1], sems[1])
        l0.wait()
        l1.wait()
        for r in range(2):
            for i in range(2):
                sidx_v[r, pl.ds(i * _L, _L)] = jnp.minimum(
                    sstage_v[r, pl.ds(i * _L, _L)], _NPAD - 1)
        g0 = pltpu.async_copy(y_hbm.at[sidx_v.at[0]], r0_v, sems[2])
        g1 = pltpu.async_copy(y_hbm.at[sidx_v.at[1]], r1_v, sems[3])
        g0.wait()
        g1.wait()

        def body(i, _):
            for v in range(_D // _L):
                sl = pl.ds(v * _L, _L)
                out_v[i, sl] = r0_v[i, sl] + r1_v[i, sl]
            return 0

        lax.fori_loop(0, 32, body, 0)
        pltpu.sync_copy(out_v, out_hbm.at[pl.ds(tb, 32)])


def _combine(slots, y, interpret=False):
    mesh = plsc.VectorSubcoreMesh(core_axis_name="c", subcore_axis_name="s",
                                  num_cores=2, num_subcores=16)
    kern = pl.kernel(
        _combine_body,
        out_type=jax.ShapeDtypeStruct((_T, _D), jnp.float32),
        mesh=mesh,
        scratch_types=[
            pltpu.VMEM((2, 32), jnp.int32),
            pltpu.VMEM((2, 32), jnp.int32),
            pltpu.VMEM((32, _D), jnp.float32),
            pltpu.VMEM((32, _D), jnp.float32),
            pltpu.VMEM((32, _D), jnp.float32),
            [pltpu.SemaphoreType.DMA] * 4,
            pltpu.SemaphoreType.DMA,
        ],
        compiler_params=pltpu.CompilerParams(needs_layout_passes=False),
        interpret=interpret,
    )
    return kern(slots, y)



@jax.jit
def _pipeline(x2, wgp, web):
    idxp, wp = _gate(x2, wgp)
    ef = idxp[:, :_K].T.reshape(_NA)
    wf = wp[:, :_K].T.reshape(_NA)
    xs, slots, te, ws = _route(x2, ef, wf)
    y = _gmm(te, xs, web, ws.reshape(_NPAD, 1))
    out = _combine(slots, y)
    return out


def kernel(x, Wg, We):
    x2 = x.reshape(_T, _D)
    wgp = jnp.zeros((_D, 128), jnp.float32).at[:, :_E].set(Wg)
    web = We.astype(jnp.bfloat16)
    return _pipeline(x2, wgp, web).reshape(_B, _T, _D)

# --- scband reference (transcript-rebuilt; emitter-appended) ---
"""Pipeline reference for scband-mo-e-67276367724864 (READ-ONLY COPY).

The authoritative reference and input builder live on the scoring server;
editing this copy changes nothing except your own understanding.
"""

import jax, jax.numpy as jnp
import numpy as np

B, T, D = 1, 2048, 768
E, K = 8, 2

def setup_inputs(seed: int = 0) -> dict:
    key = jax.random.key(seed)
    k1, k2, k3 = jax.random.split(key, 3)
    x = jax.random.normal(k1, (B, T, D), dtype=jnp.float32)
    # gate: nn.Linear(d_model, n_experts, bias=False); store as (D, E) so logits = x @ Wg
    Wg = jax.random.normal(k2, (D, E), dtype=jnp.float32) * (1.0 / np.sqrt(D))
    # We: xavier_uniform over (E, D, D)
    limit = float(np.sqrt(6.0 / (D + D)))
    We = jax.random.uniform(k3, (E, D, D), dtype=jnp.float32, minval=-limit, maxval=limit)
    return {"x": x, "Wg": Wg, "We": We}

def reference(x, Wg, We):
    # logits = gate(x): (B, T, E)
    logits = jnp.einsum('btd,de->bte', x, Wg)
    top_val, top_idx = jax.lax.top_k(logits, K)          # (B, T, K)
    top_w = jax.nn.softmax(top_val, axis=-1)             # (B, T, K)
    # Faithful math: x_experts[b,t,k] = x[b,t] @ We[top_idx[b,t,k]].
    # Compute dense per-expert outputs then gather the selected ones
    # (identical result to torch.einsum('btd,btkdm->btkm', x, We[top_idx])
    # without materializing the (B,T,K,D,D) gathered weight tensor).
    y_all = jnp.einsum('btd,edm->btem', x, We)           # (B, T, E, D)
    x_experts = jnp.take_along_axis(y_all, top_idx[..., None], axis=2)  # (B, T, K, D)
    out = (x_experts * top_w[..., None]).sum(axis=2)     # (B, T, D)
    return out

if __name__ == "__main__":
    import jax
    _d = setup_inputs()
    print(jax.jit(kernel)(*tuple(_d.values())))

</pallas_src>

<mosaic_0001>
#map = affine_map<(d0, d1) -> (0, 0)>
#map1 = affine_map<(d0, d1) -> (0)>
module attributes {stable_mosaic.version = 14 : i64} {
  func.func @_route_body(%arg0: i32, %arg1: i32, %arg2: memref<2048x768xf32, #tpu.memory_space<hbm>>, %arg3: memref<4096xi32, #tpu.memory_space<hbm>>, %arg4: memref<4096xf32, #tpu.memory_space<hbm>>, %arg5: memref<5120x768xf32, #tpu.memory_space<hbm>>, %arg6: memref<4096xi32, #tpu.memory_space<hbm>>, %arg7: memref<48xi32, #tpu.memory_space<hbm>>, %arg8: memref<5120xf32, #tpu.memory_space<hbm>>, %arg9: memref<4096xi32, #tpu.memory_space<vmem>>, %arg10: memref<2x64xf32, #tpu.memory_space<vmem>>, %arg11: memref<2x64xi32, #tpu.memory_space<vmem>>, %arg12: memref<48xi32, #tpu.memory_space<vmem>>, %arg13: memref<64x768xf32, #tpu.memory_space<vmem>>, %arg14: memref<64x768xf32, #tpu.memory_space<vmem>>, %arg15: memref<!tpu.dma_semaphore, #tpu.memory_space<semaphore_mem>>, %arg16: memref<!tpu.dma_semaphore, #tpu.memory_space<semaphore_mem>>, %arg17: memref<!tpu.dma_semaphore, #tpu.memory_space<semaphore_mem>>, %arg18: memref<!tpu.dma_semaphore, #tpu.memory_space<semaphore_mem>>, %arg19: memref<!tpu.dma_semaphore, #tpu.memory_space<semaphore_mem>>, %arg20: memref<!tpu.dma_semaphore, #tpu.memory_space<semaphore_mem>>) attributes {dimension_semantics = [#tpu.dimension_semantics<core_parallel>, #tpu.dimension_semantics<subcore_parallel>], iteration_bounds = array<i64: 2, 16>, scalar_prefetch = 0 : i64, scratch_operands = 12 : i64, tpu.core_type = #tpu.core_type<sc_vector_subcore>, window_params = [{transform_indices = #map}, {transform_indices = #map1}, {transform_indices = #map1}, {transform_indices = #map}, {transform_indices = #map1}, {transform_indices = #map1}, {transform_indices = #map1}]} {
    %iota3A = tpu.iota {dimensions = array<i32: 0>} : vector<16xi32>
    %mul3A = arith.constant 2048 : i32
    %mul3A_0 = arith.muli %arg0, %mul3A : i32
    %mul3A_1 = arith.constant 128 : i32
    %mul3A_2 = arith.muli %arg1, %mul3A_1 : i32
    %add3A = arith.addi %mul3A_0, %mul3A_2 : i32
    tpu.enqueue_dma source(%arg3 : memref<4096xi32, #tpu.memory_space<hbm>>) target(%arg9 : memref<4096xi32, #tpu.memory_space<vmem>>) target_semaphore(%arg15 : memref<!tpu.dma_semaphore, #tpu.memory_space<semaphore_mem>>)
    %add3A_3 = arith.constant 0 : i32
    %add3A_4 = arith.addi %add3A, %add3A_3 : i32
    %dma_start3A = arith.constant 0 : i32
    %dma_start3A_5 = arith.constant 0 : i32
    %dma_start3A_6 = tpu.memref_slice %arg10[%dma_start3A, %dma_start3A_5] : memref<2x64xf32, #tpu.memory_space<vmem>> -> memref<1x64xf32, #tpu.memory_space<vmem>>
    %dma_start3A_7 = tpu.memref_squeeze %dma_start3A_6 : memref<1x64xf32, #tpu.memory_space<vmem>> -> memref<64xf32, #tpu.memory_space<vmem>>
    %dma_start3A_8 = tpu.memref_slice %arg4[%add3A_4] : memref<4096xf32, #tpu.memory_space<hbm>> -> memref<64xf32, #tpu.memory_space<hbm>>
    %dma_start3A_9 = arith.constant 0 : i32
    %dma_start3A_10 = tpu.memref_slice %arg10[%dma_start3A, %dma_start3A_9] : memref<2x64xf32, #tpu.memory_space<vmem>> -> memref<1x64xf32, #tpu.memory_space<vmem>>
    %dma_start3A_11 = tpu.memref_squeeze %dma_start3A_10 : memref<1x64xf32, #tpu.memory_space<vmem>> -> memref<64xf32, #tpu.memory_space<vmem>>
    %dma_start3A_12 = tpu.memref_slice %arg4[%add3A_4] : memref<4096xf32, #tpu.memory_space<hbm>> -> memref<64xf32, #tpu.memory_space<hbm>>
    tpu.enqueue_dma source(%dma_start3A_12 : memref<64xf32, #tpu.memory_space<hbm>>) target(%dma_start3A_11 : memref<64xf32, #tpu.memory_space<vmem>>) target_semaphore(%arg16 : memref<!tpu.dma_semaphore, #tpu.memory_space<semaphore_mem>>)
    %add3A_13 = arith.constant 64 : i32
    %add3A_14 = arith.addi %add3A, %add3A_13 : i32
    %dma_start3A_15 = arith.constant 1 : i32
    %dma_start3A_16 = arith.constant 0 : i32
    %dma_start3A_17 = tpu.memref_slice %arg10[%dma_start3A_15, %dma_start3A_16] : memref<2x64xf32, #tpu.memory_space<vmem>> -> memref<1x64xf32, #tpu.memory_space<vmem>>
    %dma_start3A_18 = tpu.memref_squeeze %dma_start3A_17 : memref<1x64xf32, #tpu.memory_space<vmem>> -> memref<64xf32, #tpu.memory_space<vmem>>
    %dma_start3A_19 = tpu.memref_slice %arg4[%add3A_14] : memref<4096xf32, #tpu.memory_space<hbm>> -> memref<64xf32, #tpu.memory_space<hbm>>
    %dma_start3A_20 = arith.constant 0 : i32
    %dma_start3A_21 = tpu.memref_slice %arg10[%dma_start3A_15, %dma_start3A_20] : memref<2x64xf32, #tpu.memory_space<vmem>> -> memref<1x64xf32, #tpu.memory_space<vmem>>
    %dma_start3A_22 = tpu.memref_squeeze %dma_start3A_21 : memref<1x64xf32, #tpu.memory_space<vmem>> -> memref<64xf32, #tpu.memory_space<vmem>>
    %dma_start3A_23 = tpu.memref_slice %arg4[%add3A_14] : memref<4096xf32, #tpu.memory_space<hbm>> -> memref<64xf32, #tpu.memory_space<hbm>>
    tpu.enqueue_dma source(%dma_start3A_23 : memref<64xf32, #tpu.memory_space<hbm>>) target(%dma_start3A_22 : memref<64xf32, #tpu.memory_space<vmem>>) target_semaphore(%arg16 : memref<!tpu.dma_semaphore, #tpu.memory_space<semaphore_mem>>)
    tpu.wait_dma2 semaphore(%arg15 : memref<!tpu.dma_semaphore, #tpu.memory_space<semaphore_mem>>) src(%arg3 : memref<4096xi32, #tpu.memory_space<hbm>>) dst(%arg9 : memref<4096xi32, #tpu.memory_space<vmem>>)
    %broadcast_in_dim3A = arith.constant 0 : i32
    %broadcast_in_dim3A_24 = vector.broadcast %broadcast_in_dim3A : i32 to vector<16xi32>
    %broadcast_in_dim3A_25 = arith.constant 0 : i32
    %broadcast_in_dim3A_26 = vector.broadcast %broadcast_in_dim3A_25 : i32 to vector<16xi32>
    %broadcast_in_dim3A_27 = arith.constant 0 : i32
    %broadcast_in_dim3A_28 = vector.broadcast %broadcast_in_dim3A_27 : i32 to vector<16xi32>
    %broadcast_in_dim3A_29 = arith.constant 0 : i32
    %broadcast_in_dim3A_30 = vector.broadcast %broadcast_in_dim3A_29 : i32 to vector<16xi32>
    %broadcast_in_dim3A_31 = arith.constant 0 : i32
    %broadcast_in_dim3A_32 = vector.broadcast %broadcast_in_dim3A_31 : i32 to vector<16xi32>
    %broadcast_in_dim3A_33 = arith.constant 0 : i32
    %broadcast_in_dim3A_34 = vector.broadcast %broadcast_in_dim3A_33 : i32 to vector<16xi32>
    %broadcast_in_dim3A_35 = arith.constant 0 : i32
    %broadcast_in_dim3A_36 = vector.broadcast %broadcast_in_dim3A_35 : i32 to vector<16xi32>
    %broadcast_in_dim3A_37 = arith.constant 0 : i32
    %broadcast_in_dim3A_38 = vector.broadcast %broadcast_in_dim3A_37 : i32 to vector<16xi32>
    %broadcast_in_dim3A_39 = arith.constant 0 : i32
    %broadcast_in_dim3A_40 = vector.broadcast %broadcast_in_dim3A_39 : i32 to vector<16xi32>
    %broadcast_in_dim3A_41 = arith.constant 0 : i32
    %broadcast_in_dim3A_42 = vector.broadcast %broadcast_in_dim3A_41 : i32 to vector<16xi32>
    %broadcast_in_dim3A_43 = arith.constant 0 : i32
    %broadcast_in_dim3A_44 = vector.broadcast %broadcast_in_dim3A_43 : i32 to vector<16xi32>
    %broadcast_in_dim3A_45 = arith.constant 0 : i32
    %broadcast_in_dim3A_46 = vector.broadcast %broadcast_in_dim3A_45 : i32 to vector<16xi32>
    %broadcast_in_dim3A_47 = arith.constant 0 : i32
    %broadcast_in_dim3A_48 = vector.broadcast %broadcast_in_dim3A_47 : i32 to vector<16xi32>
    %broadcast_in_dim3A_49 = arith.constant 0 : i32
    %broadcast_in_dim3A_50 = vector.broadcast %broadcast_in_dim3A_49 : i32 to vector<16xi32>
    %broadcast_in_dim3A_51 = arith.constant 0 : i32
    %broadcast_in_dim3A_52 = vector.broadcast %broadcast_in_dim3A_51 : i32 to vector<16xi32>
    %broadcast_in_dim3A_53 = arith.constant 0 : i32
    %broadcast_in_dim3A_54 = vector.broadcast %broadcast_in_dim3A_53 : i32 to vector<16xi32>
    %scan3A = arith.constant 0 : i32
    %scan3A_55 = arith.constant 256 : i32
    %scan3A_56 = arith.addi %scan3A, %scan3A_55 : i32
    %scan3A_57 = arith.constant 1 : i32
    %scan3A_58:16 = scf.for %scan3A_1842 = %scan3A to %scan3A_56 step %scan3A_57 iter_args(%scan3A_1843 = %broadcast_in_dim3A_24, %scan3A_1844 = %broadcast_in_dim3A_26, %scan3A_1845 = %broadcast_in_dim3A_28, %scan3A_1846 = %broadcast_in_dim3A_30, %scan3A_1847 = %broadcast_in_dim3A_32, %scan3A_1848 = %broadcast_in_dim3A_34, %scan3A_1849 = %broadcast_in_dim3A_36, %scan3A_1850 = %broadcast_in_dim3A_38, %scan3A_1851 = %broadcast_in_dim3A_40, %scan3A_1852 = %broadcast_in_dim3A_42, %scan3A_1853 = %broadcast_in_dim3A_44, %scan3A_1854 = %broadcast_in_dim3A_46, %scan3A_1855 = %broadcast_in_dim3A_48, %scan3A_1856 = %broadcast_in_dim3A_50, %scan3A_1857 = %broadcast_in_dim3A_52, %scan3A_1858 = %broadcast_in_dim3A_54) -> (vector<16xi32>, vector<16xi32>, vector<16xi32>, vector<16xi32>, vector<16xi32>, vector<16xi32>, vector<16xi32>, vector<16xi32>, vector<16xi32>, vector<16xi32>, vector<16xi32>, vector<16xi32>, vector<16xi32>, vector<16xi32>, vector<16xi32>, vector<16xi32>)  : i32 {
      %mul3A_1859 = arith.constant 16 : i32
      %mul3A_1860 = arith.muli %scan3A_1842, %mul3A_1859 : i32
      %get3A_1861 = arith.index_cast %mul3A_1860 : i32 to index
      %get3A_1862 = tpu.vector_load %arg9[%get3A_1861] {strides = array<i32>} : memref<4096xi32, #tpu.memory_space<vmem>>, vector<16xi32>,
      %mul3A_1863 = arith.constant 16 : i32
      %mul3A_1864 = arith.muli %scan3A_1842, %mul3A_1863 : i32
      %lt3A = arith.cmpi slt, %mul3A_1864, %add3A : i32
      %broadcast_in_dim3A_1865 = vector.broadcast %lt3A : i1 to vector<16xi1>
      %eq3A_1866 = arith.constant 0 : i32
      %eq3A_1867 = vector.broadcast %eq3A_1866 : i32 to vector<16xi32>
      %eq3A_1868 = arith.cmpi eq, %get3A_1862, %eq3A_1867 : vector<16xi32>
      %jit3A_1869 = arith.constant 1 : i32
      %jit3A_1870 = arith.constant 0 : i32
      %broadcast_in_dim3A_1871 = vector.broadcast %jit3A_1869 : i32 to vector<16xi32>
      %broadcast_in_dim3A_1872 = vector.broadcast %jit3A_1870 : i32 to vector<16xi32>
      %select_n3A_1873 = arith.select %eq3A_1868, %broadcast_in_dim3A_1871, %broadcast_in_dim3A_1872 : vector<16xi1>, vector<16xi32>
      %add3A_1874 = arith.addi %scan3A_1843, %select_n3A_1873 : vector<16xi32>
      %jit3A_1875 = arith.constant 0 : i32
      %broadcast_in_dim3A_1876 = vector.broadcast %jit3A_1875 : i32 to vector<16xi32>
      %select_n3A_1877 = arith.select %broadcast_in_dim3A_1865, %select_n3A_1873, %broadcast_in_dim3A_1876 : vector<16xi1>, vector<16xi32>
      %add3A_1878 = arith.addi %scan3A_1851, %select_n3A_1877 : vector<16xi32>
      %eq3A_1879 = arith.constant 1 : i32
      %eq3A_1880 = vector.broadcast %eq3A_1879 : i32 to vector<16xi32>
      %eq3A_1881 = arith.cmpi eq, %get3A_1862, %eq3A_1880 : vector<16xi32>
      %jit3A_1882 = arith.constant 1 : i32
      %jit3A_1883 = arith.constant 0 : i32
      %broadcast_in_dim3A_1884 = vector.broadcast %jit3A_1882 : i32 to vector<16xi32>
      %broadcast_in_dim3A_1885 = vector.broadcast %jit3A_1883 : i32 to vector<16xi32>
      %select_n3A_1886 = arith.select %eq3A_1881, %broadcast_in_dim3A_1884, %broadcast_in_dim3A_1885 : vector<16xi1>, vector<16xi32>
      %add3A_1887 = arith.addi %scan3A_1844, %select_n3A_1886 : vector<16xi32>
      %jit3A_1888 = arith.constant 0 : i32
      %broadcast_in_dim3A_1889 = vector.broadcast %jit3A_1888 : i32 to vector<16xi32>
      %select_n3A_1890 = arith.select %broadcast_in_dim3A_1865, %select_n3A_1886, %broadcast_in_dim3A_1889 : vector<16xi1>, vector<16xi32>
      %add3A_1891 = arith.addi %scan3A_1852, %select_n3A_1890 : vector<16xi32>
      %eq3A_1892 = arith.constant 2 : i32
      %eq3A_1893 = vector.broadcast %eq3A_1892 : i32 to vector<16xi32>
      %eq3A_1894 = arith.cmpi eq, %get3A_1862, %eq3A_1893 : vector<16xi32>
      %jit3A_1895 = arith.constant 1 : i32
      %jit3A_1896 = arith.constant 0 : i32
      %broadcast_in_dim3A_1897 = vector.broadcast %jit3A_1895 : i32 to vector<16xi32>
      %broadcast_in_dim3A_1898 = vector.broadcast %jit3A_1896 : i32 to vector<16xi32>
      %select_n3A_1899 = arith.select %eq3A_1894, %broadcast_in_dim3A_1897, %broadcast_in_dim3A_1898 : vector<16xi1>, vector<16xi32>
      %add3A_1900 = arith.addi %scan3A_1845, %select_n3A_1899 : vector<16xi32>
      %jit3A_1901 = arith.constant 0 : i32
      %broadcast_in_dim3A_1902 = vector.broadcast %jit3A_1901 : i32 to vector<16xi32>
      %select_n3A_1903 = arith.select %broadcast_in_dim3A_1865, %select_n3A_1899, %broadcast_in_dim3A_1902 : vector<16xi1>, vector<16xi32>
      %add3A_1904 = arith.addi %scan3A_1853, %select_n3A_1903 : vector<16xi32>
      %eq3A_1905 = arith.constant 3 : i32
      %eq3A_1906 = vector.broadcast %eq3A_1905 : i32 to vector<16xi32>
      %eq3A_1907 = arith.cmpi eq, %get3A_1862, %eq3A_1906 : vector<16xi32>
      %jit3A_1908 = arith.constant 1 : i32
      %jit3A_1909 = arith.constant 0 : i32
      %broadcast_in_dim3A_1910 = vector.broadcast %jit3A_1908 : i32 to vector<16xi32>
      %broadcast_in_dim3A_1911 = vector.broadcast %jit3A_1909 : i32 to vector<16xi32>
      %select_n3A_1912 = arith.select %eq3A_1907, %broadcast_in_dim3A_1910, %broadcast_in_dim3A_1911 : vector<16xi1>, vector<16xi32>
      %add3A_1913 = arith.addi %scan3A_1846, %select_n3A_1912 : vector<16xi32>
      %jit3A_1914 = arith.constant 0 : i32
      %broadcast_in_dim3A_1915 = vector.broadcast %jit3A_1914 : i32 to vector<16xi32>
      %select_n3A_1916 = arith.select %broadcast_in_dim3A_1865, %select_n3A_1912, %broadcast_in_dim3A_1915 : vector<16xi1>, vector<16xi32>
      %add3A_1917 = arith.addi %scan3A_1854, %select_n3A_1916 : vector<16xi32>
      %eq3A_1918 = arith.constant 4 : i32
      %eq3A_1919 = vector.broadcast %eq3A_1918 : i32 to vector<16xi32>
      %eq3A_1920 = arith.cmpi eq, %get3A_1862, %eq3A_1919 : vector<16xi32>
      %jit3A_1921 = arith.constant 1 : i32
      %jit3A_1922 = arith.constant 0 : i32
      %broadcast_in_dim3A_1923 = vector.broadcast %jit3A_1921 : i32 to vector<16xi32>
      %broadcast_in_dim3A_1924 = vector.broadcast %jit3A_1922 : i32 to vector<16xi32>
      %select_n3A_1925 = arith.select %eq3A_1920, %broadcast_in_dim3A_1923, %broadcast_in_dim3A_1924 : vector<16xi1>, vector<16xi32>
      %add3A_1926 = arith.addi %scan3A_1847, %select_n3A_1925 : vector<16xi32>
      %jit3A_1927 = arith.constant 0 : i32
      %broadcast_in_dim3A_1928 = vector.broadcast %jit3A_1927 : i32 to vector<16xi32>
      %select_n3A_1929 = arith.select %broadcast_in_dim3A_1865, %select_n3A_1925, %broadcast_in_dim3A_1928 : vector<16xi1>, vector<16xi32>
      %add3A_1930 = arith.addi %scan3A_1855, %select_n3A_1929 : vector<16xi32>
      %eq3A_1931 = arith.constant 5 : i32
      %eq3A_1932 = vector.broadcast %eq3A_1931 : i32 to vector<16xi32>
      %eq3A_1933 = arith.cmpi eq, %get3A_1862, %eq3A_1932 : vector<16xi32>
      %jit3A_1934 = arith.constant 1 : i32
      %jit3A_1935 = arith.constant 0 : i32
      %broadcast_in_dim3A_1936 = vector.broadcast %jit3A_1934 : i32 to vector<16xi32>
      %broadcast_in_dim3A_1937 = vector.broadcast %jit3A_1935 : i32 to vector<16xi32>
      %select_n3A_1938 = arith.select %eq3A_1933, %broadcast_in_dim3A_1936, %broadcast_in_dim3A_1937 : vector<16xi1>, vector<16xi32>
      %add3A_1939 = arith.addi %scan3A_1848, %select_n3A_1938 : vector<16xi32>
      %jit3A_1940 = arith.constant 0 : i32
      %broadcast_in_dim3A_1941 = vector.broadcast %jit3A_1940 : i32 to vector<16xi32>
      %select_n3A_1942 = arith.select %broadcast_in_dim3A_1865, %select_n3A_1938, %broadcast_in_dim3A_1941 : vector<16xi1>, vector<16xi32>
      %add3A_1943 = arith.addi %scan3A_1856, %select_n3A_1942 : vector<16xi32>
      %eq3A_1944 = arith.constant 6 : i32
      %eq3A_1945 = vector.broadcast %eq3A_1944 : i32 to vector<16xi32>
      %eq3A_1946 = arith.cmpi eq, %get3A_1862, %eq3A_1945 : vector<16xi32>
      %jit3A_1947 = arith.constant 1 : i32
      %jit3A_1948 = arith.constant 0 : i32
      %broadcast_in_dim3A_1949 = vector.broadcast %jit3A_1947 : i32 to vector<16xi32>
      %broadcast_in_dim3A_1950 = vector.broadcast %jit3A_1948 : i32 to vector<16xi32>
      %select_n3A_1951 = arith.select %eq3A_1946, %broadcast_in_dim3A_1949, %broadcast_in_dim3A_1950 : vector<16xi1>, vector<16xi32>
      %add3A_1952 = arith.addi %scan3A_1849, %select_n3A_1951 : vector<16xi32>
      %jit3A_1953 = arith.constant 0 : i32
      %broadcast_in_dim3A_1954 = vector.broadcast %jit3A_1953 : i32 to vector<16xi32>
      %select_n3A_1955 = arith.select %broadcast_in_dim3A_1865, %select_n3A_1951, %broadcast_in_dim3A_1954 : vector<16xi1>, vector<16xi32>
      %add3A_1956 = arith.addi %scan3A_1857, %select_n3A_1955 : vector<16xi32>
      %eq3A_1957 = arith.constant 7 : i32
      %eq3A_1958 = vector.broadcast %eq3A_1957 : i32 to vector<16xi32>
      %eq3A_1959 = arith.cmpi eq, %get3A_1862, %eq3A_1958 : vector<16xi32>
      %jit3A_1960 = arith.constant 1 : i32
      %jit3A_1961 = arith.constant 0 : i32
      %broadcast_in_dim3A_1962 = vector.broadcast %jit3A_1960 : i32 to vector<16xi32>
      %broadcast_in_dim3A_1963 = vector.broadcast %jit3A_1961 : i32 to vector<16xi32>
      %select_n3A_1964 = arith.select %eq3A_1959, %broadcast_in_dim3A_1962, %broadcast_in_dim3A_1963 : vector<16xi1>, vector<16xi32>
      %add3A_1965 = arith.addi %scan3A_1850, %select_n3A_1964 : vector<16xi32>
      %jit3A_1966 = arith.constant 0 : i32
      %broadcast_in_dim3A_1967 = vector.broadcast %jit3A_1966 : i32 to vector<16xi32>
      %select_n3A_1968 = arith.select %broadcast_in_dim3A_1865, %select_n3A_1964, %broadcast_in_dim3A_1967 : vector<16xi1>, vector<16xi32>
      %add3A_1969 = arith.addi %scan3A_1858, %select_n3A_1968 : vector<16xi32>
      scf.yield %add3A_1874, %add3A_1887, %add3A_1900, %add3A_1913, %add3A_1926, %add3A_1939, %add3A_1952, %add3A_1965, %add3A_1878, %add3A_1891, %add3A_1904, %add3A_1917, %add3A_1930, %add3A_1943, %add3A_1956, %add3A_1969 : vector<16xi32>, vector<16xi32>, vector<16xi32>, vector<16xi32>, vector<16xi32>, vector<16xi32>, vector<16xi32>, vector<16xi32>, vector<16xi32>, vector<16xi32>, vector<16xi32>, vector<16xi32>, vector<16xi32>, vector<16xi32>, vector<16xi32>, vector<16xi32>
    }
    %scan3A_59 = arith.constant 256 : i32
    %reduce_sum3A = arith.constant true
    %reduce_sum3A_60 = vector.broadcast %reduce_sum3A : i1 to vector<16xi1>
    %reduce_sum3A_61 = tpu.scan <sum>, %scan3A_58#0 masked %reduce_sum3A_60 : vector<16xi32>, vector<16xi1> -> vector<16xi32>
    %reduce_sum3A_62 = vector.extract %reduce_sum3A_61[15] : i32 from vector<16xi32>
    %reduce_sum3A_63 = arith.constant true
    %reduce_sum3A_64 = vector.broadcast %reduce_sum3A_63 : i1 to vector<16xi1>
    %reduce_sum3A_65 = tpu.scan <sum>, %scan3A_58#1 masked %reduce_sum3A_64 : vector<16xi32>, vector<16xi1> -> vector<16xi32>
    %reduce_sum3A_66 = vector.extract %reduce_sum3A_65[15] : i32 from vector<16xi32>
    %reduce_sum3A_67 = arith.constant true
    %reduce_sum3A_68 = vector.broadcast %reduce_sum3A_67 : i1 to vector<16xi1>
    %reduce_sum3A_69 = tpu.scan <sum>, %scan3A_58#2 masked %reduce_sum3A_68 : vector<16xi32>, vector<16xi1> -> vector<16xi32>
    %reduce_sum3A_70 = vector.extract %reduce_sum3A_69[15] : i32 from vector<16xi32>
    %reduce_sum3A_71 = arith.constant true
    %reduce_sum3A_72 = vector.broadcast %reduce_sum3A_71 : i1 to vector<16xi1>
    %reduce_sum3A_73 = tpu.scan <sum>, %scan3A_58#3 masked %reduce_sum3A_72 : vector<16xi32>, vector<16xi1> -> vector<16xi32>
    %reduce_sum3A_74 = vector.extract %reduce_sum3A_73[15] : i32 from vector<16xi32>
    %reduce_sum3A_75 = arith.constant true
    %reduce_sum3A_76 = vector.broadcast %reduce_sum3A_75 : i1 to vector<16xi1>
    %reduce_sum3A_77 = tpu.scan <sum>, %scan3A_58#4 masked %reduce_sum3A_76 : vector<16xi32>, vector<16xi1> -> vector<16xi32>
    %reduce_sum3A_78 = vector.extract %reduce_sum3A_77[15] : i32 from vector<16xi32>
    %reduce_sum3A_79 = arith.constant true
    %reduce_sum3A_80 = vector.broadcast %reduce_sum3A_79 : i1 to vector<16xi1>
    %reduce_sum3A_81 = tpu.scan <sum>, %scan3A_58#5 masked %reduce_sum3A_80 : vector<16xi32>, vector<16xi1> -> vector<16xi32>
    %reduce_sum3A_82 = vector.extract %reduce_sum3A_81[15] : i32 from vector<16xi32>
    %reduce_sum3A_83 = arith.constant true
    %reduce_sum3A_84 = vector.broadcast %reduce_sum3A_83 : i1 to vector<16xi1>
    %reduce_sum3A_85 = tpu.scan <sum>, %scan3A_58#6 masked %reduce_sum3A_84 : vector<16xi32>, vector<16xi1> -> vector<16xi32>
    %reduce_sum3A_86 = vector.extract %reduce_sum3A_85[15] : i32 from vector<16xi32>
    %reduce_sum3A_87 = arith.constant true
    %reduce_sum3A_88 = vector.broadcast %reduce_sum3A_87 : i1 to vector<16xi1>
    %reduce_sum3A_89 = tpu.scan <sum>, %scan3A_58#7 masked %reduce_sum3A_88 : vector<16xi32>, vector<16xi1> -> vector<16xi32>
    %reduce_sum3A_90 = vector.extract %reduce_sum3A_89[15] : i32 from vector<16xi32>
    %reduce_sum3A_91 = arith.constant true
    %reduce_sum3A_92 = vector.broadcast %reduce_sum3A_91 : i1 to vector<16xi1>
    %reduce_sum3A_93 = tpu.scan <sum>, %scan3A_58#8 masked %reduce_sum3A_92 : vector<16xi32>, vector<16xi1> -> vector<16xi32>
    %reduce_sum3A_94 = vector.extract %reduce_sum3A_93[15] : i32 from vector<16xi32>
    %reduce_sum3A_95 = arith.constant true
    %reduce_sum3A_96 = vector.broadcast %reduce_sum3A_95 : i1 to vector<16xi1>
    %reduce_sum3A_97 = tpu.scan <sum>, %scan3A_58#9 masked %reduce_sum3A_96 : vector<16xi32>, vector<16xi1> -> vector<16xi32>
    %reduce_sum3A_98 = vector.extract %reduce_sum3A_97[15] : i32 from vector<16xi32>
    %reduce_sum3A_99 = arith.constant true
    %reduce_sum3A_100 = vector.broadcast %reduce_sum3A_99 : i1 to vector<16xi1>
    %reduce_sum3A_101 = tpu.scan <sum>, %scan3A_58#10 masked %reduce_sum3A_100 : vector<16xi32>, vector<16xi1> -> vector<16xi32>
    %reduce_sum3A_102 = vector.extract %reduce_sum3A_101[15] : i32 from vector<16xi32>
    %reduce_sum3A_103 = arith.constant true
    %reduce_sum3A_104 = vector.broadcast %reduce_sum3A_103 : i1 to vector<16xi1>
    %reduce_sum3A_105 = tpu.scan <sum>, %scan3A_58#11 masked %reduce_sum3A_104 : vector<16xi32>, vector<16xi1> -> vector<16xi32>
    %reduce_sum3A_106 = vector.extract %reduce_sum3A_105[15] : i32 from vector<16xi32>
    %reduce_sum3A_107 = arith.constant true
    %reduce_sum3A_108 = vector.broadcast %reduce_sum3A_107 : i1 to vector<16xi1>
    %reduce_sum3A_109 = tpu.scan <sum>, %scan3A_58#12 masked %reduce_sum3A_108 : vector<16xi32>, vector<16xi1> -> vector<16xi32>
    %reduce_sum3A_110 = vector.extract %reduce_sum3A_109[15] : i32 from vector<16xi32>
    %reduce_sum3A_111 = arith.constant true
    %reduce_sum3A_112 = vector.broadcast %reduce_sum3A_111 : i1 to vector<16xi1>
    %reduce_sum3A_113 = tpu.scan <sum>, %scan3A_58#13 masked %reduce_sum3A_112 : vector<16xi32>, vector<16xi1> -> vector<16xi32>
    %reduce_sum3A_114 = vector.extract %reduce_sum3A_113[15] : i32 from vector<16xi32>
    %reduce_sum3A_115 = arith.constant true
    %reduce_sum3A_116 = vector.broadcast %reduce_sum3A_115 : i1 to vector<16xi1>
    %reduce_sum3A_117 = tpu.scan <sum>, %scan3A_58#14 masked %reduce_sum3A_116 : vector<16xi32>, vector<16xi1> -> vector<16xi32>
    %reduce_sum3A_118 = vector.extract %reduce_sum3A_117[15] : i32 from vector<16xi32>
    %reduce_sum3A_119 = arith.constant true
    %reduce_sum3A_120 = vector.broadcast %reduce_sum3A_119 : i1 to vector<16xi1>
    %reduce_sum3A_121 = tpu.scan <sum>, %scan3A_58#15 masked %reduce_sum3A_120 : vector<16xi32>, vector<16xi1> -> vector<16xi32>
    %reduce_sum3A_122 = vector.extract %reduce_sum3A_121[15] : i32 from vector<16xi32>
    %add3A_123 = arith.constant 0 : i32
    %add3A_124 = arith.addi %add3A_123, %reduce_sum3A_62 : i32
    %add3A_125 = arith.constant 127 : i32
    %add3A_126 = arith.addi %add3A_124, %add3A_125 : i32
    %jit3A = arith.constant 128 : i32
    %div3A = arith.divsi %add3A_126, %jit3A : i32
    %sign3A = arith.constant 0 : i32
    %sign3A_127 = arith.cmpi sgt, %add3A_126, %sign3A : i32
    %sign3A_128 = arith.extui %sign3A_127 : i1 to i32
    %sign3A_129 = arith.constant 0 : i32
    %sign3A_130 = arith.cmpi slt, %add3A_126, %sign3A_129 : i32
    %sign3A_131 = arith.extui %sign3A_130 : i1 to i32
    %sign3A_132 = arith.subi %sign3A_128, %sign3A_131 : i32
    %sign3A_133 = arith.constant 0 : i32
    %sign3A_134 = arith.cmpi sgt, %jit3A, %sign3A_133 : i32
    %sign3A_135 = arith.extui %sign3A_134 : i1 to i32
    %sign3A_136 = arith.constant 0 : i32
    %sign3A_137 = arith.cmpi slt, %jit3A, %sign3A_136 : i32
    %sign3A_138 = arith.extui %sign3A_137 : i1 to i32
    %sign3A_139 = arith.subi %sign3A_135, %sign3A_138 : i32
    %ne3A = arith.cmpi ne, %sign3A_132, %sign3A_139 : i32
    %rem3A = arith.remsi %add3A_126, %jit3A : i32
    %ne3A_140 = arith.constant 0 : i32
    %ne3A_141 = arith.cmpi ne, %rem3A, %ne3A_140 : i32
    %and3A = arith.andi %ne3A, %ne3A_141 : i1
    %sub3A = arith.constant 1 : i32
    %sub3A_142 = arith.subi %div3A, %sub3A : i32
    %select_n3A = arith.select %and3A, %sub3A_142, %div3A : i32
    %mul3A_143 = arith.constant 128 : i32
    %mul3A_144 = arith.muli %select_n3A, %mul3A_143 : i32
    %add3A_145 = arith.addi %mul3A_144, %reduce_sum3A_66 : i32
    %add3A_146 = arith.constant 127 : i32
    %add3A_147 = arith.addi %add3A_145, %add3A_146 : i32
    %jit3A_148 = arith.constant 128 : i32
    %div3A_149 = arith.divsi %add3A_147, %jit3A_148 : i32
    %sign3A_150 = arith.constant 0 : i32
    %sign3A_151 = arith.cmpi sgt, %add3A_147, %sign3A_150 : i32
    %sign3A_152 = arith.extui %sign3A_151 : i1 to i32
    %sign3A_153 = arith.constant 0 : i32
    %sign3A_154 = arith.cmpi slt, %add3A_147, %sign3A_153 : i32
    %sign3A_155 = arith.extui %sign3A_154 : i1 to i32
    %sign3A_156 = arith.subi %sign3A_152, %sign3A_155 : i32
    %sign3A_157 = arith.constant 0 : i32
    %sign3A_158 = arith.cmpi sgt, %jit3A_148, %sign3A_157 : i32
    %sign3A_159 = arith.extui %sign3A_158 : i1 to i32
    %sign3A_160 = arith.constant 0 : i32
    %sign3A_161 = arith.cmpi slt, %jit3A_148, %sign3A_160 : i32
    %sign3A_162 = arith.extui %sign3A_161 : i1 to i32
    %sign3A_163 = arith.subi %sign3A_159, %sign3A_162 : i32
    %ne3A_164 = arith.cmpi ne, %sign3A_156, %sign3A_163 : i32
    %rem3A_165 = arith.remsi %add3A_147, %jit3A_148 : i32
    %ne3A_166 = arith.constant 0 : i32
    %ne3A_167 = arith.cmpi ne, %rem3A_165, %ne3A_166 : i32
    %and3A_168 = arith.andi %ne3A_164, %ne3A_167 : i1
    %sub3A_169 = arith.constant 1 : i32
    %sub3A_170 = arith.subi %div3A_149, %sub3A_169 : i32
    %select_n3A_171 = arith.select %and3A_168, %sub3A_170, %div3A_149 : i32
    %mul3A_172 = arith.constant 128 : i32
    %mul3A_173 = arith.muli %select_n3A_171, %mul3A_172 : i32
    %add3A_174 = arith.addi %mul3A_173, %reduce_sum3A_70 : i32
    %add3A_175 = arith.constant 127 : i32
    %add3A_176 = arith.addi %add3A_174, %add3A_175 : i32
    %jit3A_177 = arith.constant 128 : i32
    %div3A_178 = arith.divsi %add3A_176, %jit3A_177 : i32
    %sign3A_179 = arith.constant 0 : i32
    %sign3A_180 = arith.cmpi sgt, %add3A_176, %sign3A_179 : i32
    %sign3A_181 = arith.extui %sign3A_180 : i1 to i32
    %sign3A_182 = arith.constant 0 : i32
    %sign3A_183 = arith.cmpi slt, %add3A_176, %sign3A_182 : i32
    %sign3A_184 = arith.extui %sign3A_183 : i1 to i32
    %sign3A_185 = arith.subi %sign3A_181, %sign3A_184 : i32
    %sign3A_186 = arith.constant 0 : i32
    %sign3A_187 = arith.cmpi sgt, %jit3A_177, %sign3A_186 : i32
    %sign3A_188 = arith.extui %sign3A_187 : i1 to i32
    %sign3A_189 = arith.constant 0 : i32
    %sign3A_190 = arith.cmpi slt, %jit3A_177, %sign3A_189 : i32
    %sign3A_191 = arith.extui %sign3A_190 : i1 to i32
    %sign3A_192 = arith.subi %sign3A_188, %sign3A_191 : i32
    %ne3A_193 = arith.cmpi ne, %sign3A_185, %sign3A_192 : i32
    %rem3A_194 = arith.remsi %add3A_176, %jit3A_177 : i32
    %ne3A_195 = arith.constant 0 : i32
    %ne3A_196 = arith.cmpi ne, %rem3A_194, %ne3A_195 : i32
    %and3A_197 = arith.andi %ne3A_193, %ne3A_196 : i1
    %sub3A_198 = arith.constant 1 : i32
    %sub3A_199 = arith.subi %div3A_178, %sub3A_198 : i32
    %select_n3A_200 = arith.select %and3A_197, %sub3A_199, %div3A_178 : i32
    %mul3A_201 = arith.constant 128 : i32
    %mul3A_202 = arith.muli %select_n3A_200, %mul3A_201 : i32
    %add3A_203 = arith.addi %mul3A_202, %reduce_sum3A_74 : i32
    %add3A_204 = arith.constant 127 : i32
    %add3A_205 = arith.addi %add3A_203, %add3A_204 : i32
    %jit3A_206 = arith.constant 128 : i32
    %div3A_207 = arith.divsi %add3A_205, %jit3A_206 : i32
    %sign3A_208 = arith.constant 0 : i32
    %sign3A_209 = arith.cmpi sgt, %add3A_205, %sign3A_208 : i32
    %sign3A_210 = arith.extui %sign3A_209 : i1 to i32
    %sign3A_211 = arith.constant 0 : i32
    %sign3A_212 = arith.cmpi slt, %add3A_205, %sign3A_211 : i32
    %sign3A_213 = arith.extui %sign3A_212 : i1 to i32
    %sign3A_214 = arith.subi %sign3A_210, %sign3A_213 : i32
    %sign3A_215 = arith.constant 0 : i32
    %sign3A_216 = arith.cmpi sgt, %jit3A_206, %sign3A_215 : i32
    %sign3A_217 = arith.extui %sign3A_216 : i1 to i32
    %sign3A_218 = arith.constant 0 : i32
    %sign3A_219 = arith.cmpi slt, %jit3A_206, %sign3A_218 : i32
    %sign3A_220 = arith.extui %sign3A_219 : i1 to i32
    %sign3A_221 = arith.subi %sign3A_217, %sign3A_220 : i32
    %ne3A_222 = arith.cmpi ne, %sign3A_214, %sign3A_221 : i32
    %rem3A_223 = arith.remsi %add3A_205, %jit3A_206 : i32
    %ne3A_224 = arith.constant 0 : i32
    %ne3A_225 = arith.cmpi ne, %rem3A_223, %ne3A_224 : i32
    %and3A_226 = arith.andi %ne3A_222, %ne3A_225 : i1
    %sub3A_227 = arith.constant 1 : i32
    %sub3A_228 = arith.subi %div3A_207, %sub3A_227 : i32
    %select_n3A_229 = arith.select %and3A_226, %sub3A_228, %div3A_207 : i32
    %mul3A_230 = arith.constant 128 : i32
    %mul3A_231 = arith.muli %select_n3A_229, %mul3A_230 : i32
    %add3A_232 = arith.addi %mul3A_231, %reduce_sum3A_78 : i32
    %add3A_233 = arith.constant 127 : i32
    %add3A_234 = arith.addi %add3A_232, %add3A_233 : i32
    %jit3A_235 = arith.constant 128 : i32
    %div3A_236 = arith.divsi %add3A_234, %jit3A_235 : i32
    %sign3A_237 = arith.constant 0 : i32
    %sign3A_238 = arith.cmpi sgt, %add3A_234, %sign3A_237 : i32
    %sign3A_239 = arith.extui %sign3A_238 : i1 to i32
    %sign3A_240 = arith.constant 0 : i32
    %sign3A_241 = arith.cmpi slt, %add3A_234, %sign3A_240 : i32
    %sign3A_242 = arith.extui %sign3A_241 : i1 to i32
    %sign3A_243 = arith.subi %sign3A_239, %sign3A_242 : i32
    %sign3A_244 = arith.constant 0 : i32
    %sign3A_245 = arith.cmpi sgt, %jit3A_235, %sign3A_244 : i32
    %sign3A_246 = arith.extui %sign3A_245 : i1 to i32
    %sign3A_247 = arith.constant 0 : i32
    %sign3A_248 = arith.cmpi slt, %jit3A_235, %sign3A_247 : i32
    %sign3A_249 = arith.extui %sign3A_248 : i1 to i32
    %sign3A_250 = arith.subi %sign3A_246, %sign3A_249 : i32
    %ne3A_251 = arith.cmpi ne, %sign3A_243, %sign3A_250 : i32
    %rem3A_252 = arith.remsi %add3A_234, %jit3A_235 : i32
    %ne3A_253 = arith.constant 0 : i32
    %ne3A_254 = arith.cmpi ne, %rem3A_252, %ne3A_253 : i32
    %and3A_255 = arith.andi %ne3A_251, %ne3A_254 : i1
    %sub3A_256 = arith.constant 1 : i32
    %sub3A_257 = arith.subi %div3A_236, %sub3A_256 : i32
    %select_n3A_258 = arith.select %and3A_255, %sub3A_257, %div3A_236 : i32
    %mul3A_259 = arith.constant 128 : i32
    %mul3A_260 = arith.muli %select_n3A_258, %mul3A_259 : i32
    %add3A_261 = arith.addi %mul3A_260, %reduce_sum3A_82 : i32
    %add3A_262 = arith.constant 127 : i32
    %add3A_263 = arith.addi %add3A_261, %add3A_262 : i32
    %jit3A_264 = arith.constant 128 : i32
    %div3A_265 = arith.divsi %add3A_263, %jit3A_264 : i32
    %sign3A_266 = arith.constant 0 : i32
    %sign3A_267 = arith.cmpi sgt, %add3A_263, %sign3A_266 : i32
    %sign3A_268 = arith.extui %sign3A_267 : i1 to i32
    %sign3A_269 = arith.constant 0 : i32
    %sign3A_270 = arith.cmpi slt, %add3A_263, %sign3A_269 : i32
    %sign3A_271 = arith.extui %sign3A_270 : i1 to i32
    %sign3A_272 = arith.subi %sign3A_268, %sign3A_271 : i32
    %sign3A_273 = arith.constant 0 : i32
    %sign3A_274 = arith.cmpi sgt, %jit3A_264, %sign3A_273 : i32
    %sign3A_275 = arith.extui %sign3A_274 : i1 to i32
    %sign3A_276 = arith.constant 0 : i32
    %sign3A_277 = arith.cmpi slt, %jit3A_264, %sign3A_276 : i32
    %sign3A_278 = arith.extui %sign3A_277 : i1 to i32
    %sign3A_279 = arith.subi %sign3A_275, %sign3A_278 : i32
    %ne3A_280 = arith.cmpi ne, %sign3A_272, %sign3A_279 : i32
    %rem3A_281 = arith.remsi %add3A_263, %jit3A_264 : i32
    %ne3A_282 = arith.constant 0 : i32
    %ne3A_283 = arith.cmpi ne, %rem3A_281, %ne3A_282 : i32
    %and3A_284 = arith.andi %ne3A_280, %ne3A_283 : i1
    %sub3A_285 = arith.constant 1 : i32
    %sub3A_286 = arith.subi %div3A_265, %sub3A_285 : i32
    %select_n3A_287 = arith.select %and3A_284, %sub3A_286, %div3A_265 : i32
    %mul3A_288 = arith.constant 128 : i32
    %mul3A_289 = arith.muli %select_n3A_287, %mul3A_288 : i32
    %add3A_290 = arith.addi %mul3A_289, %reduce_sum3A_86 : i32
    %add3A_291 = arith.constant 127 : i32
    %add3A_292 = arith.addi %add3A_290, %add3A_291 : i32
    %jit3A_293 = arith.constant 128 : i32
    %div3A_294 = arith.divsi %add3A_292, %jit3A_293 : i32
    %sign3A_295 = arith.constant 0 : i32
    %sign3A_296 = arith.cmpi sgt, %add3A_292, %sign3A_295 : i32
    %sign3A_297 = arith.extui %sign3A_296 : i1 to i32
    %sign3A_298 = arith.constant 0 : i32
    %sign3A_299 = arith.cmpi slt, %add3A_292, %sign3A_298 : i32
    %sign3A_300 = arith.extui %sign3A_299 : i1 to i32
    %sign3A_301 = arith.subi %sign3A_297, %sign3A_300 : i32
    %sign3A_302 = arith.constant 0 : i32
    %sign3A_303 = arith.cmpi sgt, %jit3A_293, %sign3A_302 : i32
    %sign3A_304 = arith.extui %sign3A_303 : i1 to i32
    %sign3A_305 = arith.constant 0 : i32
    %sign3A_306 = arith.cmpi slt, %jit3A_293, %sign3A_305 : i32
    %sign3A_307 = arith.extui %sign3A_306 : i1 to i32
    %sign3A_308 = arith.subi %sign3A_304, %sign3A_307 : i32
    %ne3A_309 = arith.cmpi ne, %sign3A_301, %sign3A_308 : i32
    %rem3A_310 = arith.remsi %add3A_292, %jit3A_293 : i32
    %ne3A_311 = arith.constant 0 : i32
    %ne3A_312 = arith.cmpi ne, %rem3A_310, %ne3A_311 : i32
    %and3A_313 = arith.andi %ne3A_309, %ne3A_312 : i1
    %sub3A_314 = arith.constant 1 : i32
    %sub3A_315 = arith.subi %div3A_294, %sub3A_314 : i32
    %select_n3A_316 = arith.select %and3A_313, %sub3A_315, %div3A_294 : i32
    %mul3A_317 = arith.constant 128 : i32
    %mul3A_318 = arith.muli %select_n3A_316, %mul3A_317 : i32
    %eq3A = arith.constant 0 : i32
    %eq3A_319 = arith.cmpi eq, %arg0, %eq3A : i32
    %eq3A_320 = arith.constant 0 : i32
    %eq3A_321 = arith.cmpi eq, %arg1, %eq3A_320 : i32
    %and3A_322 = arith.andi %eq3A_319, %eq3A_321 : i1
    %convert_element_type3A = arith.extui %and3A_322 : i1 to i32
    %cond3A = arith.constant 0 : i32
    %cond3A_323 = arith.constant 0 : i32
    %cond3A_324 = arith.cmpi ne, %convert_element_type3A, %cond3A_323 : i32
    scf.if %cond3A_324 {
      %iota3A_1842 = tpu.iota {dimensions = array<i32: 0>} : vector<16xi32>
      %add3A_1843 = arith.constant 0 : i32
      %add3A_1844 = vector.broadcast %add3A_1843 : i32 to vector<16xi32>
      %add3A_1845 = arith.addi %iota3A_1842, %add3A_1844 : vector<16xi32>
      %mul3A_1846 = arith.constant 128 : i32
      %mul3A_1847 = vector.broadcast %mul3A_1846 : i32 to vector<16xi32>
      %mul3A_1848 = arith.muli %add3A_1845, %mul3A_1847 : vector<16xi32>
      %broadcast_in_dim3A_1849 = arith.constant -1 : i32
      %broadcast_in_dim3A_1850 = vector.broadcast %broadcast_in_dim3A_1849 : i32 to vector<16xi32>
      %broadcast_in_dim3A_1851 = vector.broadcast %cond3A : i32 to vector<16xi32>
      %ge3A = arith.cmpi sge, %mul3A_1848, %broadcast_in_dim3A_1851 : vector<16xi32>
      %jit3A_1852 = arith.constant 1 : i32
      %jit3A_1853 = arith.constant 0 : i32
      %broadcast_in_dim3A_1854 = vector.broadcast %jit3A_1852 : i32 to vector<16xi32>
      %broadcast_in_dim3A_1855 = vector.broadcast %jit3A_1853 : i32 to vector<16xi32>
      %select_n3A_1856 = arith.select %ge3A, %broadcast_in_dim3A_1854, %broadcast_in_dim3A_1855 : vector<16xi1>, vector<16xi32>
      %add3A_1857 = arith.addi %broadcast_in_dim3A_1850, %select_n3A_1856 : vector<16xi32>
      %broadcast_in_dim3A_1858 = vector.broadcast %mul3A_144 : i32 to vector<16xi32>
      %ge3A_1859 = arith.cmpi sge, %mul3A_1848, %broadcast_in_dim3A_1858 : vector<16xi32>
      %jit3A_1860 = arith.constant 1 : i32
      %jit3A_1861 = arith.constant 0 : i32
      %broadcast_in_dim3A_1862 = vector.broadcast %jit3A_1860 : i32 to vector<16xi32>
      %broadcast_in_dim3A_1863 = vector.broadcast %jit3A_1861 : i32 to vector<16xi32>
      %select_n3A_1864 = arith.select %ge3A_1859, %broadcast_in_dim3A_1862, %broadcast_in_dim3A_1863 : vector<16xi1>, vector<16xi32>
      %add3A_1865 = arith.addi %add3A_1857, %select_n3A_1864 : vector<16xi32>
      %broadcast_in_dim3A_1866 = vector.broadcast %mul3A_173 : i32 to vector<16xi32>
      %ge3A_1867 = arith.cmpi sge, %mul3A_1848, %broadcast_in_dim3A_1866 : vector<16xi32>
      %jit3A_1868 = arith.constant 1 : i32
      %jit3A_1869 = arith.constant 0 : i32
      %broadcast_in_dim3A_1870 = vector.broadcast %jit3A_1868 : i32 to vector<16xi32>
      %broadcast_in_dim3A_1871 = vector.broadcast %jit3A_1869 : i32 to vector<16xi32>
      %select_n3A_1872 = arith.select %ge3A_1867, %broadcast_in_dim3A_1870, %broadcast_in_dim3A_1871 : vector<16xi1>, vector<16xi32>
      %add3A_1873 = arith.addi %add3A_1865, %select_n3A_1872 : vector<16xi32>
      %broadcast_in_dim3A_1874 = vector.broadcast %mul3A_202 : i32 to vector<16xi32>
      %ge3A_1875 = arith.cmpi sge, %mul3A_1848, %broadcast_in_dim3A_1874 : vector<16xi32>
      %jit3A_1876 = arith.constant 1 : i32
      %jit3A_1877 = arith.constant 0 : i32
      %broadcast_in_dim3A_1878 = vector.broadcast %jit3A_1876 : i32 to vector<16xi32>
      %broadcast_in_dim3A_1879 = vector.broadcast %jit3A_1877 : i32 to vector<16xi32>
      %select_n3A_1880 = arith.select %ge3A_1875, %broadcast_in_dim3A_1878, %broadcast_in_dim3A_1879 : vector<16xi1>, vector<16xi32>
      %add3A_1881 = arith.addi %add3A_1873, %select_n3A_1880 : vector<16xi32>
      %broadcast_in_dim3A_1882 = vector.broadcast %mul3A_231 : i32 to vector<16xi32>
      %ge3A_1883 = arith.cmpi sge, %mul3A_1848, %broadcast_in_dim3A_1882 : vector<16xi32>
      %jit3A_1884 = arith.constant 1 : i32
      %jit3A_1885 = arith.constant 0 : i32
      %broadcast_in_dim3A_1886 = vector.broadcast %jit3A_1884 : i32 to vector<16xi32>
      %broadcast_in_dim3A_1887 = vector.broadcast %jit3A_1885 : i32 to vector<16xi32>
      %select_n3A_1888 = arith.select %ge3A_1883, %broadcast_in_dim3A_1886, %broadcast_in_dim3A_1887 : vector<16xi1>, vector<16xi32>
      %add3A_1889 = arith.addi %add3A_1881, %select_n3A_1888 : vector<16xi32>
      %broadcast_in_dim3A_1890 = vector.broadcast %mul3A_260 : i32 to vector<16xi32>
      %ge3A_1891 = arith.cmpi sge, %mul3A_1848, %broadcast_in_dim3A_1890 : vector<16xi32>
      %jit3A_1892 = arith.constant 1 : i32
      %jit3A_1893 = arith.constant 0 : i32
      %broadcast_in_dim3A_1894 = vector.broadcast %jit3A_1892 : i32 to vector<16xi32>
      %broadcast_in_dim3A_1895 = vector.broadcast %jit3A_1893 : i32 to vector<16xi32>
      %select_n3A_1896 = arith.select %ge3A_1891, %broadcast_in_dim3A_1894, %broadcast_in_dim3A_1895 : vector<16xi1>, vector<16xi32>
      %add3A_1897 = arith.addi %add3A_1889, %select_n3A_1896 : vector<16xi32>
      %broadcast_in_dim3A_1898 = vector.broadcast %mul3A_289 : i32 to vector<16xi32>
      %ge3A_1899 = arith.cmpi sge, %mul3A_1848, %broadcast_in_dim3A_1898 : vector<16xi32>
      %jit3A_1900 = arith.constant 1 : i32
      %jit3A_1901 = arith.constant 0 : i32
      %broadcast_in_dim3A_1902 = vector.broadcast %jit3A_1900 : i32 to vector<16xi32>
      %broadcast_in_dim3A_1903 = vector.broadcast %jit3A_1901 : i32 to vector<16xi32>
      %select_n3A_1904 = arith.select %ge3A_1899, %broadcast_in_dim3A_1902, %broadcast_in_dim3A_1903 : vector<16xi1>, vector<16xi32>
      %add3A_1905 = arith.addi %add3A_1897, %select_n3A_1904 : vector<16xi32>
      %broadcast_in_dim3A_1906 = vector.broadcast %mul3A_318 : i32 to vector<16xi32>
      %ge3A_1907 = arith.cmpi sge, %mul3A_1848, %broadcast_in_dim3A_1906 : vector<16xi32>
      %jit3A_1908 = arith.constant 1 : i32
      %jit3A_1909 = arith.constant 0 : i32
      %broadcast_in_dim3A_1910 = vector.broadcast %jit3A_1908 : i32 to vector<16xi32>
      %broadcast_in_dim3A_1911 = vector.broadcast %jit3A_1909 : i32 to vector<16xi32>
      %select_n3A_1912 = arith.select %ge3A_1907, %broadcast_in_dim3A_1910, %broadcast_in_dim3A_1911 : vector<16xi1>, vector<16xi32>
      %add3A_1913 = arith.addi %add3A_1905, %select_n3A_1912 : vector<16xi32>
      %min3A = arith.constant 7 : i32
      %min3A_1914 = vector.broadcast %min3A : i32 to vector<16xi32>
      %min3A_1915 = arith.minsi %add3A_1913, %min3A_1914 : vector<16xi32>
      %swap3A_1916 = arith.constant 0 : index
      %swap3A_1917 = tpu.vector_load %arg12[%swap3A_1916] {strides = array<i32>} : memref<48xi32, #tpu.memory_space<vmem>>, vector<16xi32>,
      tpu.vector_store %arg12[%swap3A_1916], %min3A_1915 {strides = array<i32>} : memref<48xi32, #tpu.memory_space<vmem>>, vector<16xi32>,
      %iota3A_1918 = tpu.iota {dimensions = array<i32: 0>} : vector<16xi32>
      %add3A_1919 = arith.constant 16 : i32
      %add3A_1920 = vector.broadcast %add3A_1919 : i32 to vector<16xi32>
      %add3A_1921 = arith.addi %iota3A_1918, %add3A_1920 : vector<16xi32>
      %mul3A_1922 = arith.constant 128 : i32
      %mul3A_1923 = vector.broadcast %mul3A_1922 : i32 to vector<16xi32>
      %mul3A_1924 = arith.muli %add3A_1921, %mul3A_1923 : vector<16xi32>
      %broadcast_in_dim3A_1925 = arith.constant -1 : i32
      %broadcast_in_dim3A_1926 = vector.broadcast %broadcast_in_dim3A_1925 : i32 to vector<16xi32>
      %broadcast_in_dim3A_1927 = vector.broadcast %cond3A : i32 to vector<16xi32>
      %ge3A_1928 = arith.cmpi sge, %mul3A_1924, %broadcast_in_dim3A_1927 : vector<16xi32>
      %jit3A_1929 = arith.constant 1 : i32
      %jit3A_1930 = arith.constant 0 : i32
      %broadcast_in_dim3A_1931 = vector.broadcast %jit3A_1929 : i32 to vector<16xi32>
      %broadcast_in_dim3A_1932 = vector.broadcast %jit3A_1930 : i32 to vector<16xi32>
      %select_n3A_1933 = arith.select %ge3A_1928, %broadcast_in_dim3A_1931, %broadcast_in_dim3A_1932 : vector<16xi1>, vector<16xi32>
      %add3A_1934 = arith.addi %broadcast_in_dim3A_1926, %select_n3A_1933 : vector<16xi32>
      %broadcast_in_dim3A_1935 = vector.broadcast %mul3A_144 : i32 to vector<16xi32>
      %ge3A_1936 = arith.cmpi sge, %mul3A_1924, %broadcast_in_dim3A_1935 : vector<16xi32>
      %jit3A_1937 = arith.constant 1 : i32
      %jit3A_1938 = arith.constant 0 : i32
      %broadcast_in_dim3A_1939 = vector.broadcast %jit3A_1937 : i32 to vector<16xi32>
      %broadcast_in_dim3A_1940 = vector.broadcast %jit3A_1938 : i32 to vector<16xi32>
      %select_n3A_1941 = arith.select %ge3A_1936, %broadcast_in_dim3A_1939, %broadcast_in_dim3A_1940 : vector<16xi1>, vector<16xi32>
      %add3A_1942 = arith.addi %add3A_1934, %select_n3A_1941 : vector<16xi32>
      %broadcast_in_dim3A_1943 = vector.broadcast %mul3A_173 : i32 to vector<16xi32>
      %ge3A_1944 = arith.cmpi sge, %mul3A_1924, %broadcast_in_dim3A_1943 : vector<16xi32>
      %jit3A_1945 = arith.constant 1 : i32
      %jit3A_1946 = arith.constant 0 : i32
      %broadcast_in_dim3A_1947 = vector.broadcast %jit3A_1945 : i32 to vector<16xi32>
      %broadcast_in_dim3A_1948 = vector.broadcast %jit3A_1946 : i32 to vector<16xi32>
      %select_n3A_1949 = arith.select %ge3A_1944, %broadcast_in_dim3A_1947, %broadcast_in_dim3A_1948 : vector<16xi1>, vector<16xi32>
      %add3A_1950 = arith.addi %add3A_1942, %select_n3A_1949 : vector<16xi32>
      %broadcast_in_dim3A_1951 = vector.broadcast %mul3A_202 : i32 to vector<16xi32>
      %ge3A_1952 = arith.cmpi sge, %mul3A_1924, %broadcast_in_dim3A_1951 : vector<16xi32>
      %jit3A_1953 = arith.constant 1 : i32
      %jit3A_1954 = arith.constant 0 : i32
      %broadcast_in_dim3A_1955 = vector.broadcast %jit3A_1953 : i32 to vector<16xi32>
      %broadcast_in_dim3A_1956 = vector.broadcast %jit3A_1954 : i32 to vector<16xi32>
      %select_n3A_1957 = arith.select %ge3A_1952, %broadcast_in_dim3A_1955, %broadcast_in_dim3A_1956 : vector<16xi1>, vector<16xi32>
      %add3A_1958 = arith.addi %add3A_1950, %select_n3A_1957 : vector<16xi32>
      %broadcast_in_dim3A_1959 = vector.broadcast %mul3A_231 : i32 to vector<16xi32>
      %ge3A_1960 = arith.cmpi sge, %mul3A_1924, %broadcast_in_dim3A_1959 : vector<16xi32>
      %jit3A_1961 = arith.constant 1 : i32
      %jit3A_1962 = arith.constant 0 : i32
      %broadcast_in_dim3A_1963 = vector.broadcast %jit3A_1961 : i32 to vector<16xi32>
      %broadcast_in_dim3A_1964 = vector.broadcast %jit3A_1962 : i32 to vector<16xi32>
      %select_n3A_1965 = arith.select %ge3A_1960, %broadcast_in_dim3A_1963, %broadcast_in_dim3A_1964 : vector<16xi1>, vector<16xi32>
      %add3A_1966 = arith.addi %add3A_1958, %select_n3A_1965 : vector<16xi32>
      %broadcast_in_dim3A_1967 = vector.broadcast %mul3A_260 : i32 to vector<16xi32>
      %ge3A_1968 = arith.cmpi sge, %mul3A_1924, %broadcast_in_dim3A_1967 : vector<16xi32>
      %jit3A_1969 = arith.constant 1 : i32
      %jit3A_1970 = arith.constant 0 : i32
      %broadcast_in_dim3A_1971 = vector.broadcast %jit3A_1969 : i32 to vector<16xi32>
      %broadcast_in_dim3A_1972 = vector.broadcast %jit3A_1970 : i32 to vector<16xi32>
      %select_n3A_1973 = arith.select %ge3A_1968, %broadcast_in_dim3A_1971, %broadcast_in_dim3A_1972 : vector<16xi1>, vector<16xi32>
      %add3A_1974 = arith.addi %add3A_1966, %select_n3A_1973 : vector<16xi32>
      %broadcast_in_dim3A_1975 = vector.broadcast %mul3A_289 : i32 to vector<16xi32>
      %ge3A_1976 = arith.cmpi sge, %mul3A_1924, %broadcast_in_dim3A_1975 : vector<16xi32>
      %jit3A_1977 = arith.constant 1 : i32
      %jit3A_1978 = arith.constant 0 : i32
      %broadcast_in_dim3A_1979 = vector.broadcast %jit3A_1977 : i32 to vector<16xi32>
      %broadcast_in_dim3A_1980 = vector.broadcast %jit3A_1978 : i32 to vector<16xi32>
      %select_n3A_1981 = arith.select %ge3A_1976, %broadcast_in_dim3A_1979, %broadcast_in_dim3A_1980 : vector<16xi1>, vector<16xi32>
      %add3A_1982 = arith.addi %add3A_1974, %select_n3A_1981 : vector<16xi32>
      %broadcast_in_dim3A_1983 = vector.broadcast %mul3A_318 : i32 to vector<16xi32>
      %ge3A_1984 = arith.cmpi sge, %mul3A_1924, %broadcast_in_dim3A_1983 : vector<16xi32>
      %jit3A_1985 = arith.constant 1 : i32
      %jit3A_1986 = arith.constant 0 : i32
      %broadcast_in_dim3A_1987 = vector.broadcast %jit3A_1985 : i32 to vector<16xi32>
      %broadcast_in_dim3A_1988 = vector.broadcast %jit3A_1986 : i32 to vector<16xi32>
      %select_n3A_1989 = arith.select %ge3A_1984, %broadcast_in_dim3A_1987, %broadcast_in_dim3A_1988 : vector<16xi1>, vector<16xi32>
      %add3A_1990 = arith.addi %add3A_1982, %select_n3A_1989 : vector<16xi32>
      %min3A_1991 = arith.constant 7 : i32
      %min3A_1992 = vector.broadcast %min3A_1991 : i32 to vector<16xi32>
      %min3A_1993 = arith.minsi %add3A_1990, %min3A_1992 : vector<16xi32>
      %swap3A_1994 = arith.constant 16 : index
      %swap3A_1995 = tpu.vector_load %arg12[%swap3A_1994] {strides = array<i32>} : memref<48xi32, #tpu.memory_space<vmem>>, vector<16xi32>,
      tpu.vector_store %arg12[%swap3A_1994], %min3A_1993 {strides = array<i32>} : memref<48xi32, #tpu.memory_space<vmem>>, vector<16xi32>,
      %iota3A_1996 = tpu.iota {dimensions = array<i32: 0>} : vector<16xi32>
      %add3A_1997 = arith.constant 32 : i32
      %add3A_1998 = vector.broadcast %add3A_1997 : i32 to vector<16xi32>
      %add3A_1999 = arith.addi %iota3A_1996, %add3A_1998 : vector<16xi32>
      %mul3A_2000 = arith.constant 128 : i32
      %mul3A_2001 = vector.broadcast %mul3A_2000 : i32 to vector<16xi32>
      %mul3A_2002 = arith.muli %add3A_1999, %mul3A_2001 : vector<16xi32>
      %broadcast_in_dim3A_2003 = arith.constant -1 : i32
      %broadcast_in_dim3A_2004 = vector.broadcast %broadcast_in_dim3A_2003 : i32 to vector<16xi32>
      %broadcast_in_dim3A_2005 = vector.broadcast %cond3A : i32 to vector<16xi32>
      %ge3A_2006 = arith.cmpi sge, %mul3A_2002, %broadcast_in_dim3A_2005 : vector<16xi32>
      %jit3A_2007 = arith.constant 1 : i32
      %jit3A_2008 = arith.constant 0 : i32
      %broadcast_in_dim3A_2009 = vector.broadcast %jit3A_2007 : i32 to vector<16xi32>
      %broadcast_in_dim3A_2010 = vector.broadcast %jit3A_2008 : i32 to vector<16xi32>
      %select_n3A_2011 = arith.select %ge3A_2006, %broadcast_in_dim3A_2009, %broadcast_in_dim3A_2010 : vector<16xi1>, vector<16xi32>
      %add3A_2012 = arith.addi %broadcast_in_dim3A_2004, %select_n3A_2011 : vector<16xi32>
      %broadcast_in_dim3A_2013 = vector.broadcast %mul3A_144 : i32 to vector<16xi32>
      %ge3A_2014 = arith.cmpi sge, %mul3A_2002, %broadcast_in_dim3A_2013 : vector<16xi32>
      %jit3A_2015 = arith.constant 1 : i32
      %jit3A_2016 = arith.constant 0 : i32
      %broadcast_in_dim3A_2017 = vector.broadcast %jit3A_2015 : i32 to vector<16xi32>
      %broadcast_in_dim3A_2018 = vector.broadcast %jit3A_2016 : i32 to vector<16xi32>
      %select_n3A_2019 = arith.select %ge3A_2014, %broadcast_in_dim3A_2017, %broadcast_in_dim3A_2018 : vector<16xi1>, vector<16xi32>
      %add3A_2020 = arith.addi %add3A_2012, %select_n3A_2019 : vector<16xi32>
      %broadcast_in_dim3A_2021 = vector.broadcast %mul3A_173 : i32 to vector<16xi32>
      %ge3A_2022 = arith.cmpi sge, %mul3A_2002, %broadcast_in_dim3A_2021 : vector<16xi32>
      %jit3A_2023 = arith.constant 1 : i32
      %jit3A_2024 = arith.constant 0 : i32
      %broadcast_in_dim3A_2025 = vector.broadcast %jit3A_2023 : i32 to vector<16xi32>
      %broadcast_in_dim3A_2026 = vector.broadcast %jit3A_2024 : i32 to vector<16xi32>
      %select_n3A_2027 = arith.select %ge3A_2022, %broadcast_in_dim3A_2025, %broadcast_in_dim3A_2026 : vector<16xi1>, vector<16xi32>
      %add3A_2028 = arith.addi %add3A_2020, %select_n3A_2027 : vector<16xi32>
      %broadcast_in_dim3A_2029 = vector.broadcast %mul3A_202 : i32 to vector<16xi32>
      %ge3A_2030 = arith.cmpi sge, %mul3A_2002, %broadcast_in_dim3A_2029 : vector<16xi32>
      %jit3A_2031 = arith.constant 1 : i32
      %jit3A_2032 = arith.constant 0 : i32
      %broadcast_in_dim3A_2033 = vector.broadcast %jit3A_2031 : i32 to vector<16xi32>
      %broadcast_in_dim3A_2034 = vector.broadcast %jit3A_2032 : i32 to vector<16xi32>
      %select_n3A_2035 = arith.select %ge3A_2030, %broadcast_in_dim3A_2033, %broadcast_in_dim3A_2034 : vector<16xi1>, vector<16xi32>
      %add3A_2036 = arith.addi %add3A_2028, %select_n3A_2035 : vector<16xi32>
      %broadcast_in_dim3A_2037 = vector.broadcast %mul3A_231 : i32 to vector<16xi32>
      %ge3A_2038 = arith.cmpi sge, %mul3A_2002, %broadcast_in_dim3A_2037 : vector<16xi32>
      %jit3A_2039 = arith.constant 1 : i32
      %jit3A_2040 = arith.constant 0 : i32
      %broadcast_in_dim3A_2041 = vector.broadcast %jit3A_2039 : i32 to vector<16xi32>
      %broadcast_in_dim3A_2042 = vector.broadcast %jit3A_2040 : i32 to vector<16xi32>
      %select_n3A_2043 = arith.select %ge3A_2038, %broadcast_in_dim3A_2041, %broadcast_in_dim3A_2042 : vector<16xi1>, vector<16xi32>
      %add3A_2044 = arith.addi %add3A_2036, %select_n3A_2043 : vector<16xi32>
      %broadcast_in_dim3A_2045 = vector.broadcast %mul3A_260 : i32 to vector<16xi32>
      %ge3A_2046 = arith.cmpi sge, %mul3A_2002, %broadcast_in_dim3A_2045 : vector<16xi32>
      %jit3A_2047 = arith.constant 1 : i32
      %jit3A_2048 = arith.constant 0 : i32
      %broadcast_in_dim3A_2049 = vector.broadcast %jit3A_2047 : i32 to vector<16xi32>
      %broadcast_in_dim3A_2050 = vector.broadcast %jit3A_2048 : i32 to vector<16xi32>
      %select_n3A_2051 = arith.select %ge3A_2046, %broadcast_in_dim3A_2049, %broadcast_in_dim3A_2050 : vector<16xi1>, vector<16xi32>
      %add3A_2052 = arith.addi %add3A_2044, %select_n3A_2051 : vector<16xi32>
      %broadcast_in_dim3A_2053 = vector.broadcast %mul3A_289 : i32 to vector<16xi32>
      %ge3A_2054 = arith.cmpi sge, %mul3A_2002, %broadcast_in_dim3A_2053 : vector<16xi32>
      %jit3A_2055 = arith.constant 1 : i32
      %jit3A_2056 = arith.constant 0 : i32
      %broadcast_in_dim3A_2057 = vector.broadcast %jit3A_2055 : i32 to vector<16xi32>
      %broadcast_in_dim3A_2058 = vector.broadcast %jit3A_2056 : i32 to vector<16xi32>
      %select_n3A_2059 = arith.select %ge3A_2054, %broadcast_in_dim3A_2057, %broadcast_in_dim3A_2058 : vector<16xi1>, vector<16xi32>
      %add3A_2060 = arith.addi %add3A_2052, %select_n3A_2059 : vector<16xi32>
      %broadcast_in_dim3A_2061 = vector.broadcast %mul3A_318 : i32 to vector<16xi32>
      %ge3A_2062 = arith.cmpi sge, %mul3A_2002, %broadcast_in_dim3A_2061 : vector<16xi32>
      %jit3A_2063 = arith.constant 1 : i32
      %jit3A_2064 = arith.constant 0 : i32
      %broadcast_in_dim3A_2065 = vector.broadcast %jit3A_2063 : i32 to vector<16xi32>
      %broadcast_in_dim3A_2066 = vector.broadcast %jit3A_2064 : i32 to vector<16xi32>
      %select_n3A_2067 = arith.select %ge3A_2062, %broadcast_in_dim3A_2065, %broadcast_in_dim3A_2066 : vector<16xi1>, vector<16xi32>
      %add3A_2068 = arith.addi %add3A_2060, %select_n3A_2067 : vector<16xi32>
      %min3A_2069 = arith.constant 7 : i32
      %min3A_2070 = vector.broadcast %min3A_2069 : i32 to vector<16xi32>
      %min3A_2071 = arith.minsi %add3A_2068, %min3A_2070 : vector<16xi32>
      %swap3A_2072 = arith.constant 32 : index
      %swap3A_2073 = tpu.vector_load %arg12[%swap3A_2072] {strides = array<i32>} : memref<48xi32, #tpu.memory_space<vmem>>, vector<16xi32>,
      tpu.vector_store %arg12[%swap3A_2072], %min3A_2071 {strides = array<i32>} : memref<48xi32, #tpu.memory_space<vmem>>, vector<16xi32>,
      "tpu.region"() ({
        %run_scoped3A = tpu.sem_alloc : memref<!tpu.dma_semaphore, #tpu.memory_space<semaphore_mem>>
        tpu.enqueue_dma source(%arg12 : memref<48xi32, #tpu.memory_space<vmem>>) target(%arg7 : memref<48xi32, #tpu.memory_space<hbm>>) target_semaphore(%run_scoped3A : memref<!tpu.dma_semaphore, #tpu.memory_space<semaphore_mem>>)
        tpu.wait_dma2 semaphore(%run_scoped3A : memref<!tpu.dma_semaphore, #tpu.memory_space<semaphore_mem>>) src(%arg12 : memref<48xi32, #tpu.memory_space<vmem>>) dst(%arg7 : memref<48xi32, #tpu.memory_space<hbm>>)
        tpu.yield
      }) : () -> ()
    } else {
    }
    %add3A_325 = arith.constant 0 : i32
    %add3A_326 = arith.addi %add3A_325, %reduce_sum3A_94 : i32
    %broadcast_in_dim3A_327 = vector.broadcast %add3A_326 : i32 to vector<16xi32>
    %add3A_328 = arith.addi %mul3A_144, %reduce_sum3A_98 : i32
    %broadcast_in_dim3A_329 = vector.broadcast %add3A_328 : i32 to vector<16xi32>
    %add3A_330 = arith.addi %mul3A_173, %reduce_sum3A_102 : i32
    %broadcast_in_dim3A_331 = vector.broadcast %add3A_330 : i32 to vector<16xi32>
    %add3A_332 = arith.addi %mul3A_202, %reduce_sum3A_106 : i32
    %broadcast_in_dim3A_333 = vector.broadcast %add3A_332 : i32 to vector<16xi32>
    %add3A_334 = arith.addi %mul3A_231, %reduce_sum3A_110 : i32
    %broadcast_in_dim3A_335 = vector.broadcast %add3A_334 : i32 to vector<16xi32>
    %add3A_336 = arith.addi %mul3A_260, %reduce_sum3A_114 : i32
    %broadcast_in_dim3A_337 = vector.broadcast %add3A_336 : i32 to vector<16xi32>
    %add3A_338 = arith.addi %mul3A_289, %reduce_sum3A_118 : i32
    %broadcast_in_dim3A_339 = vector.broadcast %add3A_338 : i32 to vector<16xi32>
    %add3A_340 = arith.addi %mul3A_318, %reduce_sum3A_122 : i32
    %broadcast_in_dim3A_341 = vector.broadcast %add3A_340 : i32 to vector<16xi32>
    %add3A_342 = arith.constant 0 : i32
    %add3A_343 = arith.addi %add3A, %add3A_342 : i32
    %get3A = arith.index_cast %add3A_343 : i32 to index
    %get3A_344 = tpu.vector_load %arg9[%get3A] {strides = array<i32>} : memref<4096xi32, #tpu.memory_space<vmem>>, vector<16xi32>,
    %broadcast_in_dim3A_345 = arith.constant 0 : i32
    %broadcast_in_dim3A_346 = vector.broadcast %broadcast_in_dim3A_345 : i32 to vector<16xi32>
    %eq3A_347 = arith.constant 0 : i32
    %eq3A_348 = vector.broadcast %eq3A_347 : i32 to vector<16xi32>
    %eq3A_349 = arith.cmpi eq, %get3A_344, %eq3A_348 : vector<16xi32>
    %jit3A_350 = arith.constant 1 : i32
    %jit3A_351 = arith.constant 0 : i32
    %broadcast_in_dim3A_352 = vector.broadcast %jit3A_350 : i32 to vector<16xi32>
    %broadcast_in_dim3A_353 = vector.broadcast %jit3A_351 : i32 to vector<16xi32>
    %select_n3A_354 = arith.select %eq3A_349, %broadcast_in_dim3A_352, %broadcast_in_dim3A_353 : vector<16xi1>, vector<16xi32>
    %broadcast_in_dim3A_355 = arith.constant true
    %broadcast_in_dim3A_356 = vector.broadcast %broadcast_in_dim3A_355 : i1 to vector<16xi1>
    %masked_cumsum3A = tpu.scan <sum>, %select_n3A_354 masked %broadcast_in_dim3A_356 : vector<16xi32>, vector<16xi1> -> vector<16xi32>
    %add3A_357 = arith.addi %broadcast_in_dim3A_327, %masked_cumsum3A : vector<16xi32>
    %sub3A_358 = arith.constant 1 : i32
    %sub3A_359 = vector.broadcast %sub3A_358 : i32 to vector<16xi32>
    %sub3A_360 = arith.subi %add3A_357, %sub3A_359 : vector<16xi32>
    %select_n3A_361 = arith.select %eq3A_349, %sub3A_360, %broadcast_in_dim3A_346 : vector<16xi1>, vector<16xi32>
    %slice3A = vector.extract_strided_slice %masked_cumsum3A {offsets = [15], sizes = [1], strides = [1]} : vector<16xi32> to vector<1xi32>
    %squeeze3A = vector.extract %slice3A[0] : i32 from vector<1xi32>
    %broadcast_in_dim3A_362 = vector.broadcast %squeeze3A : i32 to vector<16xi32>
    %add3A_363 = arith.addi %broadcast_in_dim3A_327, %broadcast_in_dim3A_362 : vector<16xi32>
    %eq3A_364 = arith.constant 1 : i32
    %eq3A_365 = vector.broadcast %eq3A_364 : i32 to vector<16xi32>
    %eq3A_366 = arith.cmpi eq, %get3A_344, %eq3A_365 : vector<16xi32>
    %jit3A_367 = arith.constant 1 : i32
    %jit3A_368 = arith.constant 0 : i32
    %broadcast_in_dim3A_369 = vector.broadcast %jit3A_367 : i32 to vector<16xi32>
    %broadcast_in_dim3A_370 = vector.broadcast %jit3A_368 : i32 to vector<16xi32>
    %select_n3A_371 = arith.select %eq3A_366, %broadcast_in_dim3A_369, %broadcast_in_dim3A_370 : vector<16xi1>, vector<16xi32>
    %broadcast_in_dim3A_372 = arith.constant true
    %broadcast_in_dim3A_373 = vector.broadcast %broadcast_in_dim3A_372 : i1 to vector<16xi1>
    %masked_cumsum3A_374 = tpu.scan <sum>, %select_n3A_371 masked %broadcast_in_dim3A_373 : vector<16xi32>, vector<16xi1> -> vector<16xi32>
    %add3A_375 = arith.addi %broadcast_in_dim3A_329, %masked_cumsum3A_374 : vector<16xi32>
    %sub3A_376 = arith.constant 1 : i32
    %sub3A_377 = vector.broadcast %sub3A_376 : i32 to vector<16xi32>
    %sub3A_378 = arith.subi %add3A_375, %sub3A_377 : vector<16xi32>
    %select_n3A_379 = arith.select %eq3A_366, %sub3A_378, %select_n3A_361 : vector<16xi1>, vector<16xi32>
    %slice3A_380 = vector.extract_strided_slice %masked_cumsum3A_374 {offsets = [15], sizes = [1], strides = [1]} : vector<16xi32> to vector<1xi32>
    %squeeze3A_381 = vector.extract %slice3A_380[0] : i32 from vector<1xi32>
    %broadcast_in_dim3A_382 = vector.broadcast %squeeze3A_381 : i32 to vector<16xi32>
    %add3A_383 = arith.addi %broadcast_in_dim3A_329, %broadcast_in_dim3A_382 : vector<16xi32>
    %eq3A_384 = arith.constant 2 : i32
    %eq3A_385 = vector.broadcast %eq3A_384 : i32 to vector<16xi32>
    %eq3A_386 = arith.cmpi eq, %get3A_344, %eq3A_385 : vector<16xi32>
    %jit3A_387 = arith.constant 1 : i32
    %jit3A_388 = arith.constant 0 : i32
    %broadcast_in_dim3A_389 = vector.broadcast %jit3A_387 : i32 to vector<16xi32>
    %broadcast_in_dim3A_390 = vector.broadcast %jit3A_388 : i32 to vector<16xi32>
    %select_n3A_391 = arith.select %eq3A_386, %broadcast_in_dim3A_389, %broadcast_in_dim3A_390 : vector<16xi1>, vector<16xi32>
    %broadcast_in_dim3A_392 = arith.constant true
    %broadcast_in_dim3A_393 = vector.broadcast %broadcast_in_dim3A_392 : i1 to vector<16xi1>
    %masked_cumsum3A_394 = tpu.scan <sum>, %select_n3A_391 masked %broadcast_in_dim3A_393 : vector<16xi32>, vector<16xi1> -> vector<16xi32>
    %add3A_395 = arith.addi %broadcast_in_dim3A_331, %masked_cumsum3A_394 : vector<16xi32>
    %sub3A_396 = arith.constant 1 : i32
    %sub3A_397 = vector.broadcast %sub3A_396 : i32 to vector<16xi32>
    %sub3A_398 = arith.subi %add3A_395, %sub3A_397 : vector<16xi32>
    %select_n3A_399 = arith.select %eq3A_386, %sub3A_398, %select_n3A_379 : vector<16xi1>, vector<16xi32>
    %slice3A_400 = vector.extract_strided_slice %masked_cumsum3A_394 {offsets = [15], sizes = [1], strides = [1]} : vector<16xi32> to vector<1xi32>
    %squeeze3A_401 = vector.extract %slice3A_400[0] : i32 from vector<1xi32>
    %broadcast_in_dim3A_402 = vector.broadcast %squeeze3A_401 : i32 to vector<16xi32>
    %add3A_403 = arith.addi %broadcast_in_dim3A_331, %broadcast_in_dim3A_402 : vector<16xi32>
    %eq3A_404 = arith.constant 3 : i32
    %eq3A_405 = vector.broadcast %eq3A_404 : i32 to vector<16xi32>
    %eq3A_406 = arith.cmpi eq, %get3A_344, %eq3A_405 : vector<16xi32>
    %jit3A_407 = arith.constant 1 : i32
    %jit3A_408 = arith.constant 0 : i32
    %broadcast_in_dim3A_409 = vector.broadcast %jit3A_407 : i32 to vector<16xi32>
    %broadcast_in_dim3A_410 = vector.broadcast %jit3A_408 : i32 to vector<16xi32>
    %select_n3A_411 = arith.select %eq3A_406, %broadcast_in_dim3A_409, %broadcast_in_dim3A_410 : vector<16xi1>, vector<16xi32>
    %broadcast_in_dim3A_412 = arith.constant true
    %broadcast_in_dim3A_413 = vector.broadcast %broadcast_in_dim3A_412 : i1 to vector<16xi1>
    %masked_cumsum3A_414 = tpu.scan <sum>, %select_n3A_411 masked %broadcast_in_dim3A_413 : vector<16xi32>, vector<16xi1> -> vector<16xi32>
    %add3A_415 = arith.addi %broadcast_in_dim3A_333, %masked_cumsum3A_414 : vector<16xi32>
    %sub3A_416 = arith.constant 1 : i32
    %sub3A_417 = vector.broadcast %sub3A_416 : i32 to vector<16xi32>
    %sub3A_418 = arith.subi %add3A_415, %sub3A_417 : vector<16xi32>
    %select_n3A_419 = arith.select %eq3A_406, %sub3A_418, %select_n3A_399 : vector<16xi1>, vector<16xi32>
    %slice3A_420 = vector.extract_strided_slice %masked_cumsum3A_414 {offsets = [15], sizes = [1], strides = [1]} : vector<16xi32> to vector<1xi32>
    %squeeze3A_421 = vector.extract %slice3A_420[0] : i32 from vector<1xi32>
    %broadcast_in_dim3A_422 = vector.broadcast %squeeze3A_421 : i32 to vector<16xi32>
    %add3A_423 = arith.addi %broadcast_in_dim3A_333, %broadcast_in_dim3A_422 : vector<16xi32>
    %eq3A_424 = arith.constant 4 : i32
    %eq3A_425 = vector.broadcast %eq3A_424 : i32 to vector<16xi32>
    %eq3A_426 = arith.cmpi eq, %get3A_344, %eq3A_425 : vector<16xi32>
    %jit3A_427 = arith.constant 1 : i32
    %jit3A_428 = arith.constant 0 : i32
    %broadcast_in_dim3A_429 = vector.broadcast %jit3A_427 : i32 to vector<16xi32>
    %broadcast_in_dim3A_430 = vector.broadcast %jit3A_428 : i32 to vector<16xi32>
    %select_n3A_431 = arith.select %eq3A_426, %broadcast_in_dim3A_429, %broadcast_in_dim3A_430 : vector<16xi1>, vector<16xi32>
    %broadcast_in_dim3A_432 = arith.constant true
    %broadcast_in_dim3A_433 = vector.broadcast %broadcast_in_dim3A_432 : i1 to vector<16xi1>
    %masked_cumsum3A_434 = tpu.scan <sum>, %select_n3A_431 masked %broadcast_in_dim3A_433 : vector<16xi32>, vector<16xi1> -> vector<16xi32>
    %add3A_435 = arith.addi %broadcast_in_dim3A_335, %masked_cumsum3A_434 : vector<16xi32>
    %sub3A_436 = arith.constant 1 : i32
    %sub3A_437 = vector.broadcast %sub3A_436 : i32 to vector<16xi32>
    %sub3A_438 = arith.subi %add3A_435, %sub3A_437 : vector<16xi32>
    %select_n3A_439 = arith.select %eq3A_426, %sub3A_438, %select_n3A_419 : vector<16xi1>, vector<16xi32>
    %slice3A_440 = vector.extract_strided_slice %masked_cumsum3A_434 {offsets = [15], sizes = [1], strides = [1]} : vector<16xi32> to vector<1xi32>
    %squeeze3A_441 = vector.extract %slice3A_440[0] : i32 from vector<1xi32>
    %broadcast_in_dim3A_442 = vector.broadcast %squeeze3A_441 : i32 to vector<16xi32>
    %add3A_443 = arith.addi %broadcast_in_dim3A_335, %broadcast_in_dim3A_442 : vector<16xi32>
    %eq3A_444 = arith.constant 5 : i32
    %eq3A_445 = vector.broadcast %eq3A_444 : i32 to vector<16xi32>
    %eq3A_446 = arith.cmpi eq, %get3A_344, %eq3A_445 : vector<16xi32>
    %jit3A_447 = arith.constant 1 : i32
    %jit3A_448 = arith.constant 0 : i32
    %broadcast_in_dim3A_449 = vector.broadcast %jit3A_447 : i32 to vector<16xi32>
    %broadcast_in_dim3A_450 = vector.broadcast %jit3A_448 : i32 to vector<16xi32>
    %select_n3A_451 = arith.select %eq3A_446, %broadcast_in_dim3A_449, %broadcast_in_dim3A_450 : vector<16xi1>, vector<16xi32>
    %broadcast_in_dim3A_452 = arith.constant true
    %broadcast_in_dim3A_453 = vector.broadcast %broadcast_in_dim3A_452 : i1 to vector<16xi1>
    %masked_cumsum3A_454 = tpu.scan <sum>, %select_n3A_451 masked %broadcast_in_dim3A_453 : vector<16xi32>, vector<16xi1> -> vector<16xi32>
    %add3A_455 = arith.addi %broadcast_in_dim3A_337, %masked_cumsum3A_454 : vector<16xi32>
    %sub3A_456 = arith.constant 1 : i32
    %sub3A_457 = vector.broadcast %sub3A_456 : i32 to vector<16xi32>
    %sub3A_458 = arith.subi %add3A_455, %sub3A_457 : vector<16xi32>
    %select_n3A_459 = arith.select %eq3A_446, %sub3A_458, %select_n3A_439 : vector<16xi1>, vector<16xi32>
    %slice3A_460 = vector.extract_strided_slice %masked_cumsum3A_454 {offsets = [15], sizes = [1], strides = [1]} : vector<16xi32> to vector<1xi32>
    %squeeze3A_461 = vector.extract %slice3A_460[0] : i32 from vector<1xi32>
    %broadcast_in_dim3A_462 = vector.broadcast %squeeze3A_461 : i32 to vector<16xi32>
    %add3A_463 = arith.addi %broadcast_in_dim3A_337, %broadcast_in_dim3A_462 : vector<16xi32>
    %eq3A_464 = arith.constant 6 : i32
    %eq3A_465 = vector.broadcast %eq3A_464 : i32 to vector<16xi32>
    %eq3A_466 = arith.cmpi eq, %get3A_344, %eq3A_465 : vector<16xi32>
    %jit3A_467 = arith.constant 1 : i32
    %jit3A_468 = arith.constant 0 : i32
    %broadcast_in_dim3A_469 = vector.broadcast %jit3A_467 : i32 to vector<16xi32>
    %broadcast_in_dim3A_470 = vector.broadcast %jit3A_468 : i32 to vector<16xi32>
    %select_n3A_471 = arith.select %eq3A_466, %broadcast_in_dim3A_469, %broadcast_in_dim3A_470 : vector<16xi1>, vector<16xi32>
    %broadcast_in_dim3A_472 = arith.constant true
    %broadcast_in_dim3A_473 = vector.broadcast %broadcast_in_dim3A_472 : i1 to vector<16xi1>
    %masked_cumsum3A_474 = tpu.scan <sum>, %select_n3A_471 masked %broadcast_in_dim3A_473 : vector<16xi32>, vector<16xi1> -> vector<16xi32>
    %add3A_475 = arith.addi %broadcast_in_dim3A_339, %masked_cumsum3A_474 : vector<16xi32>
    %sub3A_476 = arith.constant 1 : i32
    %sub3A_477 = vector.broadcast %sub3A_476 : i32 to vector<16xi32>
    %sub3A_478 = arith.subi %add3A_475, %sub3A_477 : vector<16xi32>
    %select_n3A_479 = arith.select %eq3A_466, %sub3A_478, %select_n3A_459 : vector<16xi1>, vector<16xi32>
    %slice3A_480 = vector.extract_strided_slice %masked_cumsum3A_474 {offsets = [15], sizes = [1], strides = [1]} : vector<16xi32> to vector<1xi32>
    %squeeze3A_481 = vector.extract %slice3A_480[0] : i32 from vector<1xi32>
    %broadcast_in_dim3A_482 = vector.broadcast %squeeze3A_481 : i32 to vector<16xi32>
    %add3A_483 = arith.addi %broadcast_in_dim3A_339, %broadcast_in_dim3A_482 : vector<16xi32>
    %eq3A_484 = arith.constant 7 : i32
    %eq3A_485 = vector.broadcast %eq3A_484 : i32 to vector<16xi32>
    %eq3A_486 = arith.cmpi eq, %get3A_344, %eq3A_485 : vector<16xi32>
    %jit3A_487 = arith.constant 1 : i32
    %jit3A_488 = arith.constant 0 : i32
    %broadcast_in_dim3A_489 = vector.broadcast %jit3A_487 : i32 to vector<16xi32>
    %broadcast_in_dim3A_490 = vector.broadcast %jit3A_488 : i32 to vector<16xi32>
    %select_n3A_491 = arith.select %eq3A_486, %broadcast_in_dim3A_489, %broadcast_in_dim3A_490 : vector<16xi1>, vector<16xi32>
    %broadcast_in_dim3A_492 = arith.constant true
    %broadcast_in_dim3A_493 = vector.broadcast %broadcast_in_dim3A_492 : i1 to vector<16xi1>
    %masked_cumsum3A_494 = tpu.scan <sum>, %select_n3A_491 masked %broadcast_in_dim3A_493 : vector<16xi32>, vector<16xi1> -> vector<16xi32>
    %add3A_495 = arith.addi %broadcast_in_dim3A_341, %masked_cumsum3A_494 : vector<16xi32>
    %sub3A_496 = arith.constant 1 : i32
    %sub3A_497 = vector.broadcast %sub3A_496 : i32 to vector<16xi32>
    %sub3A_498 = arith.subi %add3A_495, %sub3A_497 : vector<16xi32>
    %select_n3A_499 = arith.select %eq3A_486, %sub3A_498, %select_n3A_479 : vector<16xi1>, vector<16xi32>
    %slice3A_500 = vector.extract_strided_slice %masked_cumsum3A_494 {offsets = [15], sizes = [1], strides = [1]} : vector<16xi32> to vector<1xi32>
    %squeeze3A_501 = vector.extract %slice3A_500[0] : i32 from vector<1xi32>
    %broadcast_in_dim3A_502 = vector.broadcast %squeeze3A_501 : i32 to vector<16xi32>
    %add3A_503 = arith.addi %broadcast_in_dim3A_341, %broadcast_in_dim3A_502 : vector<16xi32>
    %swap3A = arith.constant 0 : i32
    %swap3A_504 = arith.index_cast %swap3A : i32 to index
    %swap3A_505 = arith.constant 0 : index
    %swap3A_506 = tpu.vector_load %arg11[%swap3A_504, %swap3A_505] {strides = array<i32>} : memref<2x64xi32, #tpu.memory_space<vmem>>, vector<16xi32>,
    tpu.vector_store %arg11[%swap3A_504, %swap3A_505], %select_n3A_499 {strides = array<i32>} : memref<2x64xi32, #tpu.memory_space<vmem>>, vector<16xi32>,
    %add3A_507 = arith.constant 16 : i32
    %add3A_508 = arith.addi %add3A, %add3A_507 : i32
    %get3A_509 = arith.index_cast %add3A_508 : i32 to index
    %get3A_510 = tpu.vector_load %arg9[%get3A_509] {strides = array<i32>} : memref<4096xi32, #tpu.memory_space<vmem>>, vector<16xi32>,
    %broadcast_in_dim3A_511 = arith.constant 0 : i32
    %broadcast_in_dim3A_512 = vector.broadcast %broadcast_in_dim3A_511 : i32 to vector<16xi32>
    %eq3A_513 = arith.constant 0 : i32
    %eq3A_514 = vector.broadcast %eq3A_513 : i32 to vector<16xi32>
    %eq3A_515 = arith.cmpi eq, %get3A_510, %eq3A_514 : vector<16xi32>
    %jit3A_516 = arith.constant 1 : i32
    %jit3A_517 = arith.constant 0 : i32
    %broadcast_in_dim3A_518 = vector.broadcast %jit3A_516 : i32 to vector<16xi32>
    %broadcast_in_dim3A_519 = vector.broadcast %jit3A_517 : i32 to vector<16xi32>
    %select_n3A_520 = arith.select %eq3A_515, %broadcast_in_dim3A_518, %broadcast_in_dim3A_519 : vector<16xi1>, vector<16xi32>
    %broadcast_in_dim3A_521 = arith.constant true
    %broadcast_in_dim3A_522 = vector.broadcast %broadcast_in_dim3A_521 : i1 to vector<16xi1>
    %masked_cumsum3A_523 = tpu.scan <sum>, %select_n3A_520 masked %broadcast_in_dim3A_522 : vector<16xi32>, vector<16xi1> -> vector<16xi32>
    %add3A_524 = arith.addi %add3A_363, %masked_cumsum3A_523 : vector<16xi32>
    %sub3A_525 = arith.constant 1 : i32
    %sub3A_526 = vector.broadcast %sub3A_525 : i32 to vector<16xi32>
    %sub3A_527 = arith.subi %add3A_524, %sub3A_526 : vector<16xi32>
    %select_n3A_528 = arith.select %eq3A_515, %sub3A_527, %broadcast_in_dim3A_512 : vector<16xi1>, vector<16xi32>
    %slice3A_529 = vector.extract_strided_slice %masked_cumsum3A_523 {offsets = [15], sizes = [1], strides = [1]} : vector<16xi32> to vector<1xi32>
    %squeeze3A_530 = vector.extract %slice3A_529[0] : i32 from vector<1xi32>
    %broadcast_in_dim3A_531 = vector.broadcast %squeeze3A_530 : i32 to vector<16xi32>
    %add3A_532 = arith.addi %add3A_363, %broadcast_in_dim3A_531 : vector<16xi32>
    %eq3A_533 = arith.constant 1 : i32
    %eq3A_534 = vector.broadcast %eq3A_533 : i32 to vector<16xi32>
    %eq3A_535 = arith.cmpi eq, %get3A_510, %eq3A_534 : vector<16xi32>
    %jit3A_536 = arith.constant 1 : i32
    %jit3A_537 = arith.constant 0 : i32
    %broadcast_in_dim3A_538 = vector.broadcast %jit3A_536 : i32 to vector<16xi32>
    %broadcast_in_dim3A_539 = vector.broadcast %jit3A_537 : i32 to vector<16xi32>
    %select_n3A_540 = arith.select %eq3A_535, %broadcast_in_dim3A_538, %broadcast_in_dim3A_539 : vector<16xi1>, vector<16xi32>
    %broadcast_in_dim3A_541 = arith.constant true
    %broadcast_in_dim3A_542 = vector.broadcast %broadcast_in_dim3A_541 : i1 to vector<16xi1>
    %masked_cumsum3A_543 = tpu.scan <sum>, %select_n3A_540 masked %broadcast_in_dim3A_542 : vector<16xi32>, vector<16xi1> -> vector<16xi32>
    %add3A_544 = arith.addi %add3A_383, %masked_cumsum3A_543 : vector<16xi32>
    %sub3A_545 = arith.constant 1 : i32
    %sub3A_546 = vector.broadcast %sub3A_545 : i32 to vector<16xi32>
    %sub3A_547 = arith.subi %add3A_544, %sub3A_546 : vector<16xi32>
    %select_n3A_548 = arith.select %eq3A_535, %sub3A_547, %select_n3A_528 : vector<16xi1>, vector<16xi32>
    %slice3A_549 = vector.extract_strided_slice %masked_cumsum3A_543 {offsets = [15], sizes = [1], strides = [1]} : vector<16xi32> to vector<1xi32>
    %squeeze3A_550 = vector.extract %slice3A_549[0] : i32 from vector<1xi32>
    %broadcast_in_dim3A_551 = vector.broadcast %squeeze3A_550 : i32 to vector<16xi32>
    %add3A_552 = arith.addi %add3A_383, %broadcast_in_dim3A_551 : vector<16xi32>
    %eq3A_553 = arith.constant 2 : i32
    %eq3A_554 = vector.broadcast %eq3A_553 : i32 to vector<16xi32>
    %eq3A_555 = arith.cmpi eq, %get3A_510, %eq3A_554 : vector<16xi32>
    %jit3A_556 = arith.constant 1 : i32
    %jit3A_557 = arith.constant 0 : i32
    %broadcast_in_dim3A_558 = vector.broadcast %jit3A_556 : i32 to vector<16xi32>
    %broadcast_in_dim3A_559 = vector.broadcast %jit3A_557 : i32 to vector<16xi32>
    %select_n3A_560 = arith.select %eq3A_555, %broadcast_in_dim3A_558, %broadcast_in_dim3A_559 : vector<16xi1>, vector<16xi32>
    %broadcast_in_dim3A_561 = arith.constant true
    %broadcast_in_dim3A_562 = vector.broadcast %broadcast_in_dim3A_561 : i1 to vector<16xi1>
    %masked_cumsum3A_563 = tpu.scan <sum>, %select_n3A_560 masked %broadcast_in_dim3A_562 : vector<16xi32>, vector<16xi1> -> vector<16xi32>
    %add3A_564 = arith.addi %add3A_403, %masked_cumsum3A_563 : vector<16xi32>
    %sub3A_565 = arith.constant 1 : i32
    %sub3A_566 = vector.broadcast %sub3A_565 : i32 to vector<16xi32>
    %sub3A_567 = arith.subi %add3A_564, %sub3A_566 : vector<16xi32>
    %select_n3A_568 = arith.select %eq3A_555, %sub3A_567, %select_n3A_548 : vector<16xi1>, vector<16xi32>
    %slice3A_569 = vector.extract_strided_slice %masked_cumsum3A_563 {offsets = [15], sizes = [1], strides = [1]} : vector<16xi32> to vector<1xi32>
    %squeeze3A_570 = vector.extract %slice3A_569[0] : i32 from vector<1xi32>
    %broadcast_in_dim3A_571 = vector.broadcast %squeeze3A_570 : i32 to vector<16xi32>
    %add3A_572 = arith.addi %add3A_403, %broadcast_in_dim3A_571 : vector<16xi32>
    %eq3A_573 = arith.constant 3 : i32
    %eq3A_574 = vector.broadcast %eq3A_573 : i32 to vector<16xi32>
    %eq3A_575 = arith.cmpi eq, %get3A_510, %eq3A_574 : vector<16xi32>
    %jit3A_576 = arith.constant 1 : i32
    %jit3A_577 = arith.constant 0 : i32
    %broadcast_in_dim3A_578 = vector.broadcast %jit3A_576 : i32 to vector<16xi32>
    %broadcast_in_dim3A_579 = vector.broadcast %jit3A_577 : i32 to vector<16xi32>
    %select_n3A_580 = arith.select %eq3A_575, %broadcast_in_dim3A_578, %broadcast_in_dim3A_579 : vector<16xi1>, vector<16xi32>
    %broadcast_in_dim3A_581 = arith.constant true
    %broadcast_in_dim3A_582 = vector.broadcast %broadcast_in_dim3A_581 : i1 to vector<16xi1>
    %masked_cumsum3A_583 = tpu.scan <sum>, %select_n3A_580 masked %broadcast_in_dim3A_582 : vector<16xi32>, vector<16xi1> -> vector<16xi32>
    %add3A_584 = arith.addi %add3A_423, %masked_cumsum3A_583 : vector<16xi32>
    %sub3A_585 = arith.constant 1 : i32
    %sub3A_586 = vector.broadcast %sub3A_585 : i32 to vector<16xi32>
    %sub3A_587 = arith.subi %add3A_584, %sub3A_586 : vector<16xi32>
    %select_n3A_588 = arith.select %eq3A_575, %sub3A_587, %select_n3A_568 : vector<16xi1>, vector<16xi32>
    %slice3A_589 = vector.extract_strided_slice %masked_cumsum3A_583 {offsets = [15], sizes = [1], strides = [1]} : vector<16xi32> to vector<1xi32>
    %squeeze3A_590 = vector.extract %slice3A_589[0] : i32 from vector<1xi32>
    %broadcast_in_dim3A_591 = vector.broadcast %squeeze3A_590 : i32 to vector<16xi32>
    %add3A_592 = arith.addi %add3A_423, %broadcast_in_dim3A_591 : vector<16xi32>
    %eq3A_593 = arith.constant 4 : i32
    %eq3A_594 = vector.broadcast %eq3A_593 : i32 to vector<16xi32>
    %eq3A_595 = arith.cmpi eq, %get3A_510, %eq3A_594 : vector<16xi32>
    %jit3A_596 = arith.constant 1 : i32
    %jit3A_597 = arith.constant 0 : i32
    %broadcast_in_dim3A_598 = vector.broadcast %jit3A_596 : i32 to vector<16xi32>
    %broadcast_in_dim3A_599 = vector.broadcast %jit3A_597 : i32 to vector<16xi32>
    %select_n3A_600 = arith.select %eq3A_595, %broadcast_in_dim3A_598, %broadcast_in_dim3A_599 : vector<16xi1>, vector<16xi32>
    %broadcast_in_dim3A_601 = arith.constant true
    %broadcast_in_dim3A_602 = vector.broadcast %broadcast_in_dim3A_601 : i1 to vector<16xi1>
    %masked_cumsum3A_603 = tpu.scan <sum>, %select_n3A_600 masked %broadcast_in_dim3A_602 : vector<16xi32>, vector<16xi1> -> vector<16xi32>
    %add3A_604 = arith.addi %add3A_443, %masked_cumsum3A_603 : vector<16xi32>
    %sub3A_605 = arith.constant 1 : i32
    %sub3A_606 = vector.broadcast %sub3A_605 : i32 to vector<16xi32>
    %sub3A_607 = arith.subi %add3A_604, %sub3A_606 : vector<16xi32>
    %select_n3A_608 = arith.select %eq3A_595, %sub3A_607, %select_n3A_588 : vector<16xi1>, vector<16xi32>
    %slice3A_609 = vector.extract_strided_slice %masked_cumsum3A_603 {offsets = [15], sizes = [1], strides = [1]} : vector<16xi32> to vector<1xi32>
    %squeeze3A_610 = vector.extract %slice3A_609[0] : i32 from vector<1xi32>
    %broadcast_in_dim3A_611 = vector.broadcast %squeeze3A_610 : i32 to vector<16xi32>
    %add3A_612 = arith.addi %add3A_443, %broadcast_in_dim3A_611 : vector<16xi32>
    %eq3A_613 = arith.constant 5 : i32
    %eq3A_614 = vector.broadcast %eq3A_613 : i32 to vector<16xi32>
    %eq3A_615 = arith.cmpi eq, %get3A_510, %eq3A_614 : vector<16xi32>
    %jit3A_616 = arith.constant 1 : i32
    %jit3A_617 = arith.constant 0 : i32
    %broadcast_in_dim3A_618 = vector.broadcast %jit3A_616 : i32 to vector<16xi32>
    %broadcast_in_dim3A_619 = vector.broadcast %jit3A_617 : i32 to vector<16xi32>
    %select_n3A_620 = arith.select %eq3A_615, %broadcast_in_dim3A_618, %broadcast_in_dim3A_619 : vector<16xi1>, vector<16xi32>
    %broadcast_in_dim3A_621 = arith.constant true
    %broadcast_in_dim3A_622 = vector.broadcast %broadcast_in_dim3A_621 : i1 to vector<16xi1>
    %masked_cumsum3A_623 = tpu.scan <sum>, %select_n3A_620 masked %broadcast_in_dim3A_622 : vector<16xi32>, vector<16xi1> -> vector<16xi32>
    %add3A_624 = arith.addi %add3A_463, %masked_cumsum3A_623 : vector<16xi32>
    %sub3A_625 = arith.constant 1 : i32
    %sub3A_626 = vector.broadcast %sub3A_625 : i32 to vector<16xi32>
    %sub3A_627 = arith.subi %add3A_624, %sub3A_626 : vector<16xi32>
    %select_n3A_628 = arith.select %eq3A_615, %sub3A_627, %select_n3A_608 : vector<16xi1>, vector<16xi32>
    %slice3A_629 = vector.extract_strided_slice %masked_cumsum3A_623 {offsets = [15], sizes = [1], strides = [1]} : vector<16xi32> to vector<1xi32>
    %squeeze3A_630 = vector.extract %slice3A_629[0] : i32 from vector<1xi32>
    %broadcast_in_dim3A_631 = vector.broadcast %squeeze3A_630 : i32 to vector<16xi32>
    %add3A_632 = arith.addi %add3A_463, %broadcast_in_dim3A_631 : vector<16xi32>
    %eq3A_633 = arith.constant 6 : i32
    %eq3A_634 = vector.broadcast %eq3A_633 : i32 to vector<16xi32>
    %eq3A_635 = arith.cmpi eq, %get3A_510, %eq3A_634 : vector<16xi32>
    %jit3A_636 = arith.constant 1 : i32
    %jit3A_637 = arith.constant 0 : i32
    %broadcast_in_dim3A_638 = vector.broadcast %jit3A_636 : i32 to vector<16xi32>
    %broadcast_in_dim3A_639 = vector.broadcast %jit3A_637 : i32 to vector<16xi32>
    %select_n3A_640 = arith.select %eq3A_635, %broadcast_in_dim3A_638, %broadcast_in_dim3A_639 : vector<16xi1>, vector<16xi32>
    %broadcast_in_dim3A_641 = arith.constant true
    %broadcast_in_dim3A_642 = vector.broadcast %broadcast_in_dim3A_641 : i1 to vector<16xi1>
    %masked_cumsum3A_643 = tpu.scan <sum>, %select_n3A_640 masked %broadcast_in_dim3A_642 : vector<16xi32>, vector<16xi1> -> vector<16xi32>
    %add3A_644 = arith.addi %add3A_483, %masked_cumsum3A_643 : vector<16xi32>
    %sub3A_645 = arith.constant 1 : i32
    %sub3A_646 = vector.broadcast %sub3A_645 : i32 to vector<16xi32>
    %sub3A_647 = arith.subi %add3A_644, %sub3A_646 : vector<16xi32>
    %select_n3A_648 = arith.select %eq3A_635, %sub3A_647, %select_n3A_628 : vector<16xi1>, vector<16xi32>
    %slice3A_649 = vector.extract_strided_slice %masked_cumsum3A_643 {offsets = [15], sizes = [1], strides = [1]} : vector<16xi32> to vector<1xi32>
    %squeeze3A_650 = vector.extract %slice3A_649[0] : i32 from vector<1xi32>
    %broadcast_in_dim3A_651 = vector.broadcast %squeeze3A_650 : i32 to vector<16xi32>
    %add3A_652 = arith.addi %add3A_483, %broadcast_in_dim3A_651 : vector<16xi32>
    %eq3A_653 = arith.constant 7 : i32
    %eq3A_654 = vector.broadcast %eq3A_653 : i32 to vector<16xi32>
    %eq3A_655 = arith.cmpi eq, %get3A_510, %eq3A_654 : vector<16xi32>
    %jit3A_656 = arith.constant 1 : i32
    %jit3A_657 = arith.constant 0 : i32
    %broadcast_in_dim3A_658 = vector.broadcast %jit3A_656 : i32 to vector<16xi32>
    %broadcast_in_dim3A_659 = vector.broadcast %jit3A_657 : i32 to vector<16xi32>
    %select_n3A_660 = arith.select %eq3A_655, %broadcast_in_dim3A_658, %broadcast_in_dim3A_659 : vector<16xi1>, vector<16xi32>
    %broadcast_in_dim3A_661 = arith.constant true
    %broadcast_in_dim3A_662 = vector.broadcast %broadcast_in_dim3A_661 : i1 to vector<16xi1>
    %masked_cumsum3A_663 = tpu.scan <sum>, %select_n3A_660 masked %broadcast_in_dim3A_662 : vector<16xi32>, vector<16xi1> -> vector<16xi32>
    %add3A_664 = arith.addi %add3A_503, %masked_cumsum3A_663 : vector<16xi32>
    %sub3A_665 = arith.constant 1 : i32
    %sub3A_666 = vector.broadcast %sub3A_665 : i32 to vector<16xi32>
    %sub3A_667 = arith.subi %add3A_664, %sub3A_666 : vector<16xi32>
    %select_n3A_668 = arith.select %eq3A_655, %sub3A_667, %select_n3A_648 : vector<16xi1>, vector<16xi32>
    %slice3A_669 = vector.extract_strided_slice %masked_cumsum3A_663 {offsets = [15], sizes = [1], strides = [1]} : vector<16xi32> to vector<1xi32>
    %squeeze3A_670 = vector.extract %slice3A_669[0] : i32 from vector<1xi32>
    %broadcast_in_dim3A_671 = vector.broadcast %squeeze3A_670 : i32 to vector<16xi32>
    %add3A_672 = arith.addi %add3A_503, %broadcast_in_dim3A_671 : vector<16xi32>
    %swap3A_673 = arith.constant 0 : i32
    %swap3A_674 = arith.index_cast %swap3A_673 : i32 to index
    %swap3A_675 = arith.constant 16 : index
    %swap3A_676 = tpu.vector_load %arg11[%swap3A_674, %swap3A_675] {strides = array<i32>} : memref<2x64xi32, #tpu.memory_space<vmem>>, vector<16xi32>,
    tpu.vector_store %arg11[%swap3A_674, %swap3A_675], %select_n3A_668 {strides = array<i32>} : memref<2x64xi32, #tpu.memory_space<vmem>>, vector<16xi32>,
    %add3A_677 = arith.constant 32 : i32
    %add3A_678 = arith.addi %add3A, %add3A_677 : i32
    %get3A_679 = arith.index_cast %add3A_678 : i32 to index
    %get3A_680 = tpu.vector_load %arg9[%get3A_679] {strides = array<i32>} : memref<4096xi32, #tpu.memory_space<vmem>>, vector<16xi32>,
    %broadcast_in_dim3A_681 = arith.constant 0 : i32
    %broadcast_in_dim3A_682 = vector.broadcast %broadcast_in_dim3A_681 : i32 to vector<16xi32>
    %eq3A_683 = arith.constant 0 : i32
    %eq3A_684 = vector.broadcast %eq3A_683 : i32 to vector<16xi32>
    %eq3A_685 = arith.cmpi eq, %get3A_680, %eq3A_684 : vector<16xi32>
    %jit3A_686 = arith.constant 1 : i32
    %jit3A_687 = arith.constant 0 : i32
    %broadcast_in_dim3A_688 = vector.broadcast %jit3A_686 : i32 to vector<16xi32>
    %broadcast_in_dim3A_689 = vector.broadcast %jit3A_687 : i32 to vector<16xi32>
    %select_n3A_690 = arith.select %eq3A_685, %broadcast_in_dim3A_688, %broadcast_in_dim3A_689 : vector<16xi1>, vector<16xi32>
    %broadcast_in_dim3A_691 = arith.constant true
    %broadcast_in_dim3A_692 = vector.broadcast %broadcast_in_dim3A_691 : i1 to vector<16xi1>
    %masked_cumsum3A_693 = tpu.scan <sum>, %select_n3A_690 masked %broadcast_in_dim3A_692 : vector<16xi32>, vector<16xi1> -> vector<16xi32>
    %add3A_694 = arith.addi %add3A_532, %masked_cumsum3A_693 : vector<16xi32>
    %sub3A_695 = arith.constant 1 : i32
    %sub3A_696 = vector.broadcast %sub3A_695 : i32 to vector<16xi32>
    %sub3A_697 = arith.subi %add3A_694, %sub3A_696 : vector<16xi32>
    %select_n3A_698 = arith.select %eq3A_685, %sub3A_697, %broadcast_in_dim3A_682 : vector<16xi1>, vector<16xi32>
    %slice3A_699 = vector.extract_strided_slice %masked_cumsum3A_693 {offsets = [15], sizes = [1], strides = [1]} : vector<16xi32> to vector<1xi32>
    %squeeze3A_700 = vector.extract %slice3A_699[0] : i32 from vector<1xi32>
    %broadcast_in_dim3A_701 = vector.broadcast %squeeze3A_700 : i32 to vector<16xi32>
    %add3A_702 = arith.addi %add3A_532, %broadcast_in_dim3A_701 : vector<16xi32>
    %eq3A_703 = arith.constant 1 : i32
    %eq3A_704 = vector.broadcast %eq3A_703 : i32 to vector<16xi32>
    %eq3A_705 = arith.cmpi eq, %get3A_680, %eq3A_704 : vector<16xi32>
    %jit3A_706 = arith.constant 1 : i32
    %jit3A_707 = arith.constant 0 : i32
    %broadcast_in_dim3A_708 = vector.broadcast %jit3A_706 : i32 to vector<16xi32>
    %broadcast_in_dim3A_709 = vector.broadcast %jit3A_707 : i32 to vector<16xi32>
    %select_n3A_710 = arith.select %eq3A_705, %broadcast_in_dim3A_708, %broadcast_in_dim3A_709 : vector<16xi1>, vector<16xi32>
    %broadcast_in_dim3A_711 = arith.constant true
    %broadcast_in_dim3A_712 = vector.broadcast %broadcast_in_dim3A_711 : i1 to vector<16xi1>
    %masked_cumsum3A_713 = tpu.scan <sum>, %select_n3A_710 masked %broadcast_in_dim3A_712 : vector<16xi32>, vector<16xi1> -> vector<16xi32>
    %add3A_714 = arith.addi %add3A_552, %masked_cumsum3A_713 : vector<16xi32>
    %sub3A_715 = arith.constant 1 : i32
    %sub3A_716 = vector.broadcast %sub3A_715 : i32 to vector<16xi32>
    %sub3A_717 = arith.subi %add3A_714, %sub3A_716 : vector<16xi32>
    %select_n3A_718 = arith.select %eq3A_705, %sub3A_717, %select_n3A_698 : vector<16xi1>, vector<16xi32>
    %slice3A_719 = vector.extract_strided_slice %masked_cumsum3A_713 {offsets = [15], sizes = [1], strides = [1]} : vector<16xi32> to vector<1xi32>
    %squeeze3A_720 = vector.extract %slice3A_719[0] : i32 from vector<1xi32>
    %broadcast_in_dim3A_721 = vector.broadcast %squeeze3A_720 : i32 to vector<16xi32>
    %add3A_722 = arith.addi %add3A_552, %broadcast_in_dim3A_721 : vector<16xi32>
    %eq3A_723 = arith.constant 2 : i32
    %eq3A_724 = vector.broadcast %eq3A_723 : i32 to vector<16xi32>
    %eq3A_725 = arith.cmpi eq, %get3A_680, %eq3A_724 : vector<16xi32>
    %jit3A_726 = arith.constant 1 : i32
    %jit3A_727 = arith.constant 0 : i32
    %broadcast_in_dim3A_728 = vector.broadcast %jit3A_726 : i32 to vector<16xi32>
    %broadcast_in_dim3A_729 = vector.broadcast %jit3A_727 : i32 to vector<16xi32>
    %select_n3A_730 = arith.select %eq3A_725, %broadcast_in_dim3A_728, %broadcast_in_dim3A_729 : vector<16xi1>, vector<16xi32>
    %broadcast_in_dim3A_731 = arith.constant true
    %broadcast_in_dim3A_732 = vector.broadcast %broadcast_in_dim3A_731 : i1 to vector<16xi1>
    %masked_cumsum3A_733 = tpu.scan <sum>, %select_n3A_730 masked %broadcast_in_dim3A_732 : vector<16xi32>, vector<16xi1> -> vector<16xi32>
    %add3A_734 = arith.addi %add3A_572, %masked_cumsum3A_733 : vector<16xi32>
    %sub3A_735 = arith.constant 1 : i32
    %sub3A_736 = vector.broadcast %sub3A_735 : i32 to vector<16xi32>
    %sub3A_737 = arith.subi %add3A_734, %sub3A_736 : vector<16xi32>
    %select_n3A_738 = arith.select %eq3A_725, %sub3A_737, %select_n3A_718 : vector<16xi1>, vector<16xi32>
    %slice3A_739 = vector.extract_strided_slice %masked_cumsum3A_733 {offsets = [15], sizes = [1], strides = [1]} : vector<16xi32> to vector<1xi32>
    %squeeze3A_740 = vector.extract %slice3A_739[0] : i32 from vector<1xi32>
    %broadcast_in_dim3A_741 = vector.broadcast %squeeze3A_740 : i32 to vector<16xi32>
    %add3A_742 = arith.addi %add3A_572, %broadcast_in_dim3A_741 : vector<16xi32>
    %eq3A_743 = arith.constant 3 : i32
    %eq3A_744 = vector.broadcast %eq3A_743 : i32 to vector<16xi32>
    %eq3A_745 = arith.cmpi eq, %get3A_680, %eq3A_744 : vector<16xi32>
    %jit3A_746 = arith.constant 1 : i32
    %jit3A_747 = arith.constant 0 : i32
    %broadcast_in_dim3A_748 = vector.broadcast %jit3A_746 : i32 to vector<16xi32>
    %broadcast_in_dim3A_749 = vector.broadcast %jit3A_747 : i32 to vector<16xi32>
    %select_n3A_750 = arith.select %eq3A_745, %broadcast_in_dim3A_748, %broadcast_in_dim3A_749 : vector<16xi1>, vector<16xi32>
    %broadcast_in_dim3A_751 = arith.constant true
    %broadcast_in_dim3A_752 = vector.broadcast %broadcast_in_dim3A_751 : i1 to vector<16xi1>
    %masked_cumsum3A_753 = tpu.scan <sum>, %select_n3A_750 masked %broadcast_in_dim3A_752 : vector<16xi32>, vector<16xi1> -> vector<16xi32>
    %add3A_754 = arith.addi %add3A_592, %masked_cumsum3A_753 : vector<16xi32>
    %sub3A_755 = arith.constant 1 : i32
    %sub3A_756 = vector.broadcast %sub3A_755 : i32 to vector<16xi32>
    %sub3A_757 = arith.subi %add3A_754, %sub3A_756 : vector<16xi32>
    %select_n3A_758 = arith.select %eq3A_745, %sub3A_757, %select_n3A_738 : vector<16xi1>, vector<16xi32>
    %slice3A_759 = vector.extract_strided_slice %masked_cumsum3A_753 {offsets = [15], sizes = [1], strides = [1]} : vector<16xi32> to vector<1xi32>
    %squeeze3A_760 = vector.extract %slice3A_759[0] : i32 from vector<1xi32>
    %broadcast_in_dim3A_761 = vector.broadcast %squeeze3A_760 : i32 to vector<16xi32>
    %add3A_762 = arith.addi %add3A_592, %broadcast_in_dim3A_761 : vector<16xi32>
    %eq3A_763 = arith.constant 4 : i32
    %eq3A_764 = vector.broadcast %eq3A_763 : i32 to vector<16xi32>
    %eq3A_765 = arith.cmpi eq, %get3A_680, %eq3A_764 : vector<16xi32>
    %jit3A_766 = arith.constant 1 : i32
    %jit3A_767 = arith.constant 0 : i32
    %broadcast_in_dim3A_768 = vector.broadcast %jit3A_766 : i32 to vector<16xi32>
    %broadcast_in_dim3A_769 = vector.broadcast %jit3A_767 : i32 to vector<16xi32>
    %select_n3A_770 = arith.select %eq3A_765, %broadcast_in_dim3A_768, %broadcast_in_dim3A_769 : vector<16xi1>, vector<16xi32>
    %broadcast_in_dim3A_771 = arith.constant true
    %broadcast_in_dim3A_772 = vector.broadcast %broadcast_in_dim3A_771 : i1 to vector<16xi1>
    %masked_cumsum3A_773 = tpu.scan <sum>, %select_n3A_770 masked %broadcast_in_dim3A_772 : vector<16xi32>, vector<16xi1> -> vector<16xi32>
    %add3A_774 = arith.addi %add3A_612, %masked_cumsum3A_773 : vector<16xi32>
    %sub3A_775 = arith.constant 1 : i32
    %sub3A_776 = vector.broadcast %sub3A_775 : i32 to vector<16xi32>
    %sub3A_777 = arith.subi %add3A_774, %sub3A_776 : vector<16xi32>
    %select_n3A_778 = arith.select %eq3A_765, %sub3A_777, %select_n3A_758 : vector<16xi1>, vector<16xi32>
    %slice3A_779 = vector.extract_strided_slice %masked_cumsum3A_773 {offsets = [15], sizes = [1], strides = [1]} : vector<16xi32> to vector<1xi32>
    %squeeze3A_780 = vector.extract %slice3A_779[0] : i32 from vector<1xi32>
    %broadcast_in_dim3A_781 = vector.broadcast %squeeze3A_780 : i32 to vector<16xi32>
    %add3A_782 = arith.addi %add3A_612, %broadcast_in_dim3A_781 : vector<16xi32>
    %eq3A_783 = arith.constant 5 : i32
    %eq3A_784 = vector.broadcast %eq3A_783 : i32 to vector<16xi32>
    %eq3A_785 = arith.cmpi eq, %get3A_680, %eq3A_784 : vector<16xi32>
    %jit3A_786 = arith.constant 1 : i32
    %jit3A_787 = arith.constant 0 : i32
    %broadcast_in_dim3A_788 = vector.broadcast %jit3A_786 : i32 to vector<16xi32>
    %broadcast_in_dim3A_789 = vector.broadcast %jit3A_787 : i32 to vector<16xi32>
    %select_n3A_790 = arith.select %eq3A_785, %broadcast_in_dim3A_788, %broadcast_in_dim3A_789 : vector<16xi1>, vector<16xi32>
    %broadcast_in_dim3A_791 = arith.constant true
    %broadcast_in_dim3A_792 = vector.broadcast %broadcast_in_dim3A_791 : i1 to vector<16xi1>
    %masked_cumsum3A_793 = tpu.scan <sum>, %select_n3A_790 masked %broadcast_in_dim3A_792 : vector<16xi32>, vector<16xi1> -> vector<16xi32>
    %add3A_794 = arith.addi %add3A_632, %masked_cumsum3A_793 : vector<16xi32>
    %sub3A_795 = arith.constant 1 : i32
    %sub3A_796 = vector.broadcast %sub3A_795 : i32 to vector<16xi32>
    %sub3A_797 = arith.subi %add3A_794, %sub3A_796 : vector<16xi32>
    %select_n3A_798 = arith.select %eq3A_785, %sub3A_797, %select_n3A_778 : vector<16xi1>, vector<16xi32>
    %slice3A_799 = vector.extract_strided_slice %masked_cumsum3A_793 {offsets = [15], sizes = [1], strides = [1]} : vector<16xi32> to vector<1xi32>
    %squeeze3A_800 = vector.extract %slice3A_799[0] : i32 from vector<1xi32>
    %broadcast_in_dim3A_801 = vector.broadcast %squeeze3A_800 : i32 to vector<16xi32>
    %add3A_802 = arith.addi %add3A_632, %broadcast_in_dim3A_801 : vector<16xi32>
    %eq3A_803 = arith.constant 6 : i32
    %eq3A_804 = vector.broadcast %eq3A_803 : i32 to vector<16xi32>
    %eq3A_805 = arith.cmpi eq, %get3A_680, %eq3A_804 : vector<16xi32>
    %jit3A_806 = arith.constant 1 : i32
    %jit3A_807 = arith.constant 0 : i32
    %broadcast_in_dim3A_808 = vector.broadcast %jit3A_806 : i32 to vector<16xi32>
    %broadcast_in_dim3A_809 = vector.broadcast %jit3A_807 : i32 to vector<16xi32>
    %select_n3A_810 = arith.select %eq3A_805, %broadcast_in_dim3A_808, %broadcast_in_dim3A_809 : vector<16xi1>, vector<16xi32>
    %broadcast_in_dim3A_811 = arith.constant true
    %broadcast_in_dim3A_812 = vector.broadcast %broadcast_in_dim3A_811 : i1 to vector<16xi1>
    %masked_cumsum3A_813 = tpu.scan <sum>, %select_n3A_810 masked %broadcast_in_dim3A_812 : vector<16xi32>, vector<16xi1> -> vector<16xi32>
    %add3A_814 = arith.addi %add3A_652, %masked_cumsum3A_813 : vector<16xi32>
    %sub3A_815 = arith.constant 1 : i32
    %sub3A_816 = vector.broadcast %sub3A_815 : i32 to vector<16xi32>
    %sub3A_817 = arith.subi %add3A_814, %sub3A_816 : vector<16xi32>
    %select_n3A_818 = arith.select %eq3A_805, %sub3A_817, %select_n3A_798 : vector<16xi1>, vector<16xi32>
    %slice3A_819 = vector.extract_strided_slice %masked_cumsum3A_813 {offsets = [15], sizes = [1], strides = [1]} : vector<16xi32> to vector<1xi32>
    %squeeze3A_820 = vector.extract %slice3A_819[0] : i32 from vector<1xi32>
    %broadcast_in_dim3A_821 = vector.broadcast %squeeze3A_820 : i32 to vector<16xi32>
    %add3A_822 = arith.addi %add3A_652, %broadcast_in_dim3A_821 : vector<16xi32>
    %eq3A_823 = arith.constant 7 : i32
    %eq3A_824 = vector.broadcast %eq3A_823 : i32 to vector<16xi32>
    %eq3A_825 = arith.cmpi eq, %get3A_680, %eq3A_824 : vector<16xi32>
    %jit3A_826 = arith.constant 1 : i32
    %jit3A_827 = arith.constant 0 : i32
    %broadcast_in_dim3A_828 = vector.broadcast %jit3A_826 : i32 to vector<16xi32>
    %broadcast_in_dim3A_829 = vector.broadcast %jit3A_827 : i32 to vector<16xi32>
    %select_n3A_830 = arith.select %eq3A_825, %broadcast_in_dim3A_828, %broadcast_in_dim3A_829 : vector<16xi1>, vector<16xi32>
    %broadcast_in_dim3A_831 = arith.constant true
    %broadcast_in_dim3A_832 = vector.broadcast %broadcast_in_dim3A_831 : i1 to vector<16xi1>
    %masked_cumsum3A_833 = tpu.scan <sum>, %select_n3A_830 masked %broadcast_in_dim3A_832 : vector<16xi32>, vector<16xi1> -> vector<16xi32>
    %add3A_834 = arith.addi %add3A_672, %masked_cumsum3A_833 : vector<16xi32>
    %sub3A_835 = arith.constant 1 : i32
    %sub3A_836 = vector.broadcast %sub3A_835 : i32 to vector<16xi32>
    %sub3A_837 = arith.subi %add3A_834, %sub3A_836 : vector<16xi32>
    %select_n3A_838 = arith.select %eq3A_825, %sub3A_837, %select_n3A_818 : vector<16xi1>, vector<16xi32>
    %slice3A_839 = vector.extract_strided_slice %masked_cumsum3A_833 {offsets = [15], sizes = [1], strides = [1]} : vector<16xi32> to vector<1xi32>
    %squeeze3A_840 = vector.extract %slice3A_839[0] : i32 from vector<1xi32>
    %broadcast_in_dim3A_841 = vector.broadcast %squeeze3A_840 : i32 to vector<16xi32>
    %add3A_842 = arith.addi %add3A_672, %broadcast_in_dim3A_841 : vector<16xi32>
    %swap3A_843 = arith.constant 0 : i32
    %swap3A_844 = arith.index_cast %swap3A_843 : i32 to index
    %swap3A_845 = arith.constant 32 : index
    %swap3A_846 = tpu.vector_load %arg11[%swap3A_844, %swap3A_845] {strides = array<i32>} : memref<2x64xi32, #tpu.memory_space<vmem>>, vector<16xi32>,
    tpu.vector_store %arg11[%swap3A_844, %swap3A_845], %select_n3A_838 {strides = array<i32>} : memref<2x64xi32, #tpu.memory_space<vmem>>, vector<16xi32>,
    %add3A_847 = arith.constant 48 : i32
    %add3A_848 = arith.addi %add3A, %add3A_847 : i32
    %get3A_849 = arith.index_cast %add3A_848 : i32 to index
    %get3A_850 = tpu.vector_load %arg9[%get3A_849] {strides = array<i32>} : memref<4096xi32, #tpu.memory_space<vmem>>, vector<16xi32>,
    %broadcast_in_dim3A_851 = arith.constant 0 : i32
    %broadcast_in_dim3A_852 = vector.broadcast %broadcast_in_dim3A_851 : i32 to vector<16xi32>
    %eq3A_853 = arith.constant 0 : i32
    %eq3A_854 = vector.broadcast %eq3A_853 : i32 to vector<16xi32>
    %eq3A_855 = arith.cmpi eq, %get3A_850, %eq3A_854 : vector<16xi32>
    %jit3A_856 = arith.constant 1 : i32
    %jit3A_857 = arith.constant 0 : i32
    %broadcast_in_dim3A_858 = vector.broadcast %jit3A_856 : i32 to vector<16xi32>
    %broadcast_in_dim3A_859 = vector.broadcast %jit3A_857 : i32 to vector<16xi32>
    %select_n3A_860 = arith.select %eq3A_855, %broadcast_in_dim3A_858, %broadcast_in_dim3A_859 : vector<16xi1>, vector<16xi32>
    %broadcast_in_dim3A_861 = arith.constant true
    %broadcast_in_dim3A_862 = vector.broadcast %broadcast_in_dim3A_861 : i1 to vector<16xi1>
    %masked_cumsum3A_863 = tpu.scan <sum>, %select_n3A_860 masked %broadcast_in_dim3A_862 : vector<16xi32>, vector<16xi1> -> vector<16xi32>
    %add3A_864 = arith.addi %add3A_702, %masked_cumsum3A_863 : vector<16xi32>
    %sub3A_865 = arith.constant 1 : i32
    %sub3A_866 = vector.broadcast %sub3A_865 : i32 to vector<16xi32>
    %sub3A_867 = arith.subi %add3A_864, %sub3A_866 : vector<16xi32>
    %select_n3A_868 = arith.select %eq3A_855, %sub3A_867, %broadcast_in_dim3A_852 : vector<16xi1>, vector<16xi32>
    %slice3A_869 = vector.extract_strided_slice %masked_cumsum3A_863 {offsets = [15], sizes = [1], strides = [1]} : vector<16xi32> to vector<1xi32>
    %squeeze3A_870 = vector.extract %slice3A_869[0] : i32 from vector<1xi32>
    %broadcast_in_dim3A_871 = vector.broadcast %squeeze3A_870 : i32 to vector<16xi32>
    %add3A_872 = arith.addi %add3A_702, %broadcast_in_dim3A_871 : vector<16xi32>
    %eq3A_873 = arith.constant 1 : i32
    %eq3A_874 = vector.broadcast %eq3A_873 : i32 to vector<16xi32>
    %eq3A_875 = arith.cmpi eq, %get3A_850, %eq3A_874 : vector<16xi32>
    %jit3A_876 = arith.constant 1 : i32
    %jit3A_877 = arith.constant 0 : i32
    %broadcast_in_dim3A_878 = vector.broadcast %jit3A_876 : i32 to vector<16xi32>
    %broadcast_in_dim3A_879 = vector.broadcast %jit3A_877 : i32 to vector<16xi32>
    %select_n3A_880 = arith.select %eq3A_875, %broadcast_in_dim3A_878, %broadcast_in_dim3A_879 : vector<16xi1>, vector<16xi32>
    %broadcast_in_dim3A_881 = arith.constant true
    %broadcast_in_dim3A_882 = vector.broadcast %broadcast_in_dim3A_881 : i1 to vector<16xi1>
    %masked_cumsum3A_883 = tpu.scan <sum>, %select_n3A_880 masked %broadcast_in_dim3A_882 : vector<16xi32>, vector<16xi1> -> vector<16xi32>
    %add3A_884 = arith.addi %add3A_722, %masked_cumsum3A_883 : vector<16xi32>
    %sub3A_885 = arith.constant 1 : i32
    %sub3A_886 = vector.broadcast %sub3A_885 : i32 to vector<16xi32>
    %sub3A_887 = arith.subi %add3A_884, %sub3A_886 : vector<16xi32>
    %select_n3A_888 = arith.select %eq3A_875, %sub3A_887, %select_n3A_868 : vector<16xi1>, vector<16xi32>
    %slice3A_889 = vector.extract_strided_slice %masked_cumsum3A_883 {offsets = [15], sizes = [1], strides = [1]} : vector<16xi32> to vector<1xi32>
    %squeeze3A_890 = vector.extract %slice3A_889[0] : i32 from vector<1xi32>
    %broadcast_in_dim3A_891 = vector.broadcast %squeeze3A_890 : i32 to vector<16xi32>
    %add3A_892 = arith.addi %add3A_722, %broadcast_in_dim3A_891 : vector<16xi32>
    %eq3A_893 = arith.constant 2 : i32
    %eq3A_894 = vector.broadcast %eq3A_893 : i32 to vector<16xi32>
    %eq3A_895 = arith.cmpi eq, %get3A_850, %eq3A_894 : vector<16xi32>
    %jit3A_896 = arith.constant 1 : i32
    %jit3A_897 = arith.constant 0 : i32
    %broadcast_in_dim3A_898 = vector.broadcast %jit3A_896 : i32 to vector<16xi32>
    %broadcast_in_dim3A_899 = vector.broadcast %jit3A_897 : i32 to vector<16xi32>
    %select_n3A_900 = arith.select %eq3A_895, %broadcast_in_dim3A_898, %broadcast_in_dim3A_899 : vector<16xi1>, vector<16xi32>
    %broadcast_in_dim3A_901 = arith.constant true
    %broadcast_in_dim3A_902 = vector.broadcast %broadcast_in_dim3A_901 : i1 to vector<16xi1>
    %masked_cumsum3A_903 = tpu.scan <sum>, %select_n3A_900 masked %broadcast_in_dim3A_902 : vector<16xi32>, vector<16xi1> -> vector<16xi32>
    %add3A_904 = arith.addi %add3A_742, %masked_cumsum3A_903 : vector<16xi32>
    %sub3A_905 = arith.constant 1 : i32
    %sub3A_906 = vector.broadcast %sub3A_905 : i32 to vector<16xi32>
    %sub3A_907 = arith.subi %add3A_904, %sub3A_906 : vector<16xi32>
    %select_n3A_908 = arith.select %eq3A_895, %sub3A_907, %select_n3A_888 : vector<16xi1>, vector<16xi32>
    %slice3A_909 = vector.extract_strided_slice %masked_cumsum3A_903 {offsets = [15], sizes = [1], strides = [1]} : vector<16xi32> to vector<1xi32>
    %squeeze3A_910 = vector.extract %slice3A_909[0] : i32 from vector<1xi32>
    %broadcast_in_dim3A_911 = vector.broadcast %squeeze3A_910 : i32 to vector<16xi32>
    %add3A_912 = arith.addi %add3A_742, %broadcast_in_dim3A_911 : vector<16xi32>
    %eq3A_913 = arith.constant 3 : i32
    %eq3A_914 = vector.broadcast %eq3A_913 : i32 to vector<16xi32>
    %eq3A_915 = arith.cmpi eq, %get3A_850, %eq3A_914 : vector<16xi32>
    %jit3A_916 = arith.constant 1 : i32
    %jit3A_917 = arith.constant 0 : i32
    %broadcast_in_dim3A_918 = vector.broadcast %jit3A_916 : i32 to vector<16xi32>
    %broadcast_in_dim3A_919 = vector.broadcast %jit3A_917 : i32 to vector<16xi32>
    %select_n3A_920 = arith.select %eq3A_915, %broadcast_in_dim3A_918, %broadcast_in_dim3A_919 : vector<16xi1>, vector<16xi32>
    %broadcast_in_dim3A_921 = arith.constant true
    %broadcast_in_dim3A_922 = vector.broadcast %broadcast_in_dim3A_921 : i1 to vector<16xi1>
    %masked_cumsum3A_923 = tpu.scan <sum>, %select_n3A_920 masked %broadcast_in_dim3A_922 : vector<16xi32>, vector<16xi1> -> vector<16xi32>
    %add3A_924 = arith.addi %add3A_762, %masked_cumsum3A_923 : vector<16xi32>
    %sub3A_925 = arith.constant 1 : i32
    %sub3A_926 = vector.broadcast %sub3A_925 : i32 to vector<16xi32>
    %sub3A_927 = arith.subi %add3A_924, %sub3A_926 : vector<16xi32>
    %select_n3A_928 = arith.select %eq3A_915, %sub3A_927, %select_n3A_908 : vector<16xi1>, vector<16xi32>
    %slice3A_929 = vector.extract_strided_slice %masked_cumsum3A_923 {offsets = [15], sizes = [1], strides = [1]} : vector<16xi32> to vector<1xi32>
    %squeeze3A_930 = vector.extract %slice3A_929[0] : i32 from vector<1xi32>
    %broadcast_in_dim3A_931 = vector.broadcast %squeeze3A_930 : i32 to vector<16xi32>
    %add3A_932 = arith.addi %add3A_762, %broadcast_in_dim3A_931 : vector<16xi32>
    %eq3A_933 = arith.constant 4 : i32
    %eq3A_934 = vector.broadcast %eq3A_933 : i32 to vector<16xi32>
    %eq3A_935 = arith.cmpi eq, %get3A_850, %eq3A_934 : vector<16xi32>
    %jit3A_936 = arith.constant 1 : i32
    %jit3A_937 = arith.constant 0 : i32
    %broadcast_in_dim3A_938 = vector.broadcast %jit3A_936 : i32 to vector<16xi32>
    %broadcast_in_dim3A_939 = vector.broadcast %jit3A_937 : i32 to vector<16xi32>
    %select_n3A_940 = arith.select %eq3A_935, %broadcast_in_dim3A_938, %broadcast_in_dim3A_939 : vector<16xi1>, vector<16xi32>
    %broadcast_in_dim3A_941 = arith.constant true
    %broadcast_in_dim3A_942 = vector.broadcast %broadcast_in_dim3A_941 : i1 to vector<16xi1>
    %masked_cumsum3A_943 = tpu.scan <sum>, %select_n3A_940 masked %broadcast_in_dim3A_942 : vector<16xi32>, vector<16xi1> -> vector<16xi32>
    %add3A_944 = arith.addi %add3A_782, %masked_cumsum3A_943 : vector<16xi32>
    %sub3A_945 = arith.constant 1 : i32
    %sub3A_946 = vector.broadcast %sub3A_945 : i32 to vector<16xi32>
    %sub3A_947 = arith.subi %add3A_944, %sub3A_946 : vector<16xi32>
    %select_n3A_948 = arith.select %eq3A_935, %sub3A_947, %select_n3A_928 : vector<16xi1>, vector<16xi32>
    %slice3A_949 = vector.extract_strided_slice %masked_cumsum3A_943 {offsets = [15], sizes = [1], strides = [1]} : vector<16xi32> to vector<1xi32>
    %squeeze3A_950 = vector.extract %slice3A_949[0] : i32 from vector<1xi32>
    %broadcast_in_dim3A_951 = vector.broadcast %squeeze3A_950 : i32 to vector<16xi32>
    %add3A_952 = arith.addi %add3A_782, %broadcast_in_dim3A_951 : vector<16xi32>
    %eq3A_953 = arith.constant 5 : i32
    %eq3A_954 = vector.broadcast %eq3A_953 : i32 to vector<16xi32>
    %eq3A_955 = arith.cmpi eq, %get3A_850, %eq3A_954 : vector<16xi32>
    %jit3A_956 = arith.constant 1 : i32
    %jit3A_957 = arith.constant 0 : i32
    %broadcast_in_dim3A_958 = vector.broadcast %jit3A_956 : i32 to vector<16xi32>
    %broadcast_in_dim3A_959 = vector.broadcast %jit3A_957 : i32 to vector<16xi32>
    %select_n3A_960 = arith.select %eq3A_955, %broadcast_in_dim3A_958, %broadcast_in_dim3A_959 : vector<16xi1>, vector<16xi32>
    %broadcast_in_dim3A_961 = arith.constant true
    %broadcast_in_dim3A_962 = vector.broadcast %broadcast_in_dim3A_961 : i1 to vector<16xi1>
    %masked_cumsum3A_963 = tpu.scan <sum>, %select_n3A_960 masked %broadcast_in_dim3A_962 : vector<16xi32>, vector<16xi1> -> vector<16xi32>
    %add3A_964 = arith.addi %add3A_802, %masked_cumsum3A_963 : vector<16xi32>
    %sub3A_965 = arith.constant 1 : i32
    %sub3A_966 = vector.broadcast %sub3A_965 : i32 to vector<16xi32>
    %sub3A_967 = arith.subi %add3A_964, %sub3A_966 : vector<16xi32>
    %select_n3A_968 = arith.select %eq3A_955, %sub3A_967, %select_n3A_948 : vector<16xi1>, vector<16xi32>
    %slice3A_969 = vector.extract_strided_slice %masked_cumsum3A_963 {offsets = [15], sizes = [1], strides = [1]} : vector<16xi32> to vector<1xi32>
    %squeeze3A_970 = vector.extract %slice3A_969[0] : i32 from vector<1xi32>
    %broadcast_in_dim3A_971 = vector.broadcast %squeeze3A_970 : i32 to vector<16xi32>
    %add3A_972 = arith.addi %add3A_802, %broadcast_in_dim3A_971 : vector<16xi32>
    %eq3A_973 = arith.constant 6 : i32
    %eq3A_974 = vector.broadcast %eq3A_973 : i32 to vector<16xi32>
    %eq3A_975 = arith.cmpi eq, %get3A_850, %eq3A_974 : vector<16xi32>
    %jit3A_976 = arith.constant 1 : i32
    %jit3A_977 = arith.constant 0 : i32
    %broadcast_in_dim3A_978 = vector.broadcast %jit3A_976 : i32 to vector<16xi32>
    %broadcast_in_dim3A_979 = vector.broadcast %jit3A_977 : i32 to vector<16xi32>
    %select_n3A_980 = arith.select %eq3A_975, %broadcast_in_dim3A_978, %broadcast_in_dim3A_979 : vector<16xi1>, vector<16xi32>
    %broadcast_in_dim3A_981 = arith.constant true
    %broadcast_in_dim3A_982 = vector.broadcast %broadcast_in_dim3A_981 : i1 to vector<16xi1>
    %masked_cumsum3A_983 = tpu.scan <sum>, %select_n3A_980 masked %broadcast_in_dim3A_982 : vector<16xi32>, vector<16xi1> -> vector<16xi32>
    %add3A_984 = arith.addi %add3A_822, %masked_cumsum3A_983 : vector<16xi32>
    %sub3A_985 = arith.constant 1 : i32
    %sub3A_986 = vector.broadcast %sub3A_985 : i32 to vector<16xi32>
    %sub3A_987 = arith.subi %add3A_984, %sub3A_986 : vector<16xi32>
    %select_n3A_988 = arith.select %eq3A_975, %sub3A_987, %select_n3A_968 : vector<16xi1>, vector<16xi32>
    %slice3A_989 = vector.extract_strided_slice %masked_cumsum3A_983 {offsets = [15], sizes = [1], strides = [1]} : vector<16xi32> to vector<1xi32>
    %squeeze3A_990 = vector.extract %slice3A_989[0] : i32 from vector<1xi32>
    %broadcast_in_dim3A_991 = vector.broadcast %squeeze3A_990 : i32 to vector<16xi32>
    %add3A_992 = arith.addi %add3A_822, %broadcast_in_dim3A_991 : vector<16xi32>
    %eq3A_993 = arith.constant 7 : i32
    %eq3A_994 = vector.broadcast %eq3A_993 : i32 to vector<16xi32>
    %eq3A_995 = arith.cmpi eq, %get3A_850, %eq3A_994 : vector<16xi32>
    %jit3A_996 = arith.constant 1 : i32
    %jit3A_997 = arith.constant 0 : i32
    %broadcast_in_dim3A_998 = vector.broadcast %jit3A_996 : i32 to vector<16xi32>
    %broadcast_in_dim3A_999 = vector.broadcast %jit3A_997 : i32 to vector<16xi32>
    %select_n3A_1000 = arith.select %eq3A_995, %broadcast_in_dim3A_998, %broadcast_in_dim3A_999 : vector<16xi1>, vector<16xi32>
    %broadcast_in_dim3A_1001 = arith.constant true
    %broadcast_in_dim3A_1002 = vector.broadcast %broadcast_in_dim3A_1001 : i1 to vector<16xi1>
    %masked_cumsum3A_1003 = tpu.scan <sum>, %select_n3A_1000 masked %broadcast_in_dim3A_1002 : vector<16xi32>, vector<16xi1> -> vector<16xi32>
    %add3A_1004 = arith.addi %add3A_842, %masked_cumsum3A_1003 : vector<16xi32>
    %sub3A_1005 = arith.constant 1 : i32
    %sub3A_1006 = vector.broadcast %sub3A_1005 : i32 to vector<16xi32>
    %sub3A_1007 = arith.subi %add3A_1004, %sub3A_1006 : vector<16xi32>
    %select_n3A_1008 = arith.select %eq3A_995, %sub3A_1007, %select_n3A_988 : vector<16xi1>, vector<16xi32>
    %slice3A_1009 = vector.extract_strided_slice %masked_cumsum3A_1003 {offsets = [15], sizes = [1], strides = [1]} : vector<16xi32> to vector<1xi32>
    %squeeze3A_1010 = vector.extract %slice3A_1009[0] : i32 from vector<1xi32>
    %broadcast_in_dim3A_1011 = vector.broadcast %squeeze3A_1010 : i32 to vector<16xi32>
    %add3A_1012 = arith.addi %add3A_842, %broadcast_in_dim3A_1011 : vector<16xi32>
    %swap3A_1013 = arith.constant 0 : i32
    %swap3A_1014 = arith.index_cast %swap3A_1013 : i32 to index
    %swap3A_1015 = arith.constant 48 : index
    %swap3A_1016 = tpu.vector_load %arg11[%swap3A_1014, %swap3A_1015] {strides = array<i32>} : memref<2x64xi32, #tpu.memory_space<vmem>>, vector<16xi32>,
    tpu.vector_store %arg11[%swap3A_1014, %swap3A_1015], %select_n3A_1008 {strides = array<i32>} : memref<2x64xi32, #tpu.memory_space<vmem>>, vector<16xi32>,
    %add3A_1017 = arith.constant 64 : i32
    %add3A_1018 = arith.addi %add3A, %add3A_1017 : i32
    %get3A_1019 = arith.index_cast %add3A_1018 : i32 to index
    %get3A_1020 = tpu.vector_load %arg9[%get3A_1019] {strides = array<i32>} : memref<4096xi32, #tpu.memory_space<vmem>>, vector<16xi32>,
    %broadcast_in_dim3A_1021 = arith.constant 0 : i32
    %broadcast_in_dim3A_1022 = vector.broadcast %broadcast_in_dim3A_1021 : i32 to vector<16xi32>
    %eq3A_1023 = arith.constant 0 : i32
    %eq3A_1024 = vector.broadcast %eq3A_1023 : i32 to vector<16xi32>
    %eq3A_1025 = arith.cmpi eq, %get3A_1020, %eq3A_1024 : vector<16xi32>
    %jit3A_1026 = arith.constant 1 : i32
    %jit3A_1027 = arith.constant 0 : i32
    %broadcast_in_dim3A_1028 = vector.broadcast %jit3A_1026 : i32 to vector<16xi32>
    %broadcast_in_dim3A_1029 = vector.broadcast %jit3A_1027 : i32 to vector<16xi32>
    %select_n3A_1030 = arith.select %eq3A_1025, %broadcast_in_dim3A_1028, %broadcast_in_dim3A_1029 : vector<16xi1>, vector<16xi32>
    %broadcast_in_dim3A_1031 = arith.constant true
    %broadcast_in_dim3A_1032 = vector.broadcast %broadcast_in_dim3A_1031 : i1 to vector<16xi1>
    %masked_cumsum3A_1033 = tpu.scan <sum>, %select_n3A_1030 masked %broadcast_in_dim3A_1032 : vector<16xi32>, vector<16xi1> -> vector<16xi32>
    %add3A_1034 = arith.addi %add3A_872, %masked_cumsum3A_1033 : vector<16xi32>
    %sub3A_1035 = arith.constant 1 : i32
    %sub3A_1036 = vector.broadcast %sub3A_1035 : i32 to vector<16xi32>
    %sub3A_1037 = arith.subi %add3A_1034, %sub3A_1036 : vector<16xi32>
    %select_n3A_1038 = arith.select %eq3A_1025, %sub3A_1037, %broadcast_in_dim3A_1022 : vector<16xi1>, vector<16xi32>
    %slice3A_1039 = vector.extract_strided_slice %masked_cumsum3A_1033 {offsets = [15], sizes = [1], strides = [1]} : vector<16xi32> to vector<1xi32>
    %squeeze3A_1040 = vector.extract %slice3A_1039[0] : i32 from vector<1xi32>
    %broadcast_in_dim3A_1041 = vector.broadcast %squeeze3A_1040 : i32 to vector<16xi32>
    %add3A_1042 = arith.addi %add3A_872, %broadcast_in_dim3A_1041 : vector<16xi32>
    %eq3A_1043 = arith.constant 1 : i32
    %eq3A_1044 = vector.broadcast %eq3A_1043 : i32 to vector<16xi32>
    %eq3A_1045 = arith.cmpi eq, %get3A_1020, %eq3A_1044 : vector<16xi32>
    %jit3A_1046 = arith.constant 1 : i32
    %jit3A_1047 = arith.constant 0 : i32
    %broadcast_in_dim3A_1048 = vector.broadcast %jit3A_1046 : i32 to vector<16xi32>
    %broadcast_in_dim3A_1049 = vector.broadcast %jit3A_1047 : i32 to vector<16xi32>
    %select_n3A_1050 = arith.select %eq3A_1045, %broadcast_in_dim3A_1048, %broadcast_in_dim3A_1049 : vector<16xi1>, vector<16xi32>
    %broadcast_in_dim3A_1051 = arith.constant true
    %broadcast_in_dim3A_1052 = vector.broadcast %broadcast_in_dim3A_1051 : i1 to vector<16xi1>
    %masked_cumsum3A_1053 = tpu.scan <sum>, %select_n3A_1050 masked %broadcast_in_dim3A_1052 : vector<16xi32>, vector<16xi1> -> vector<16xi32>
    %add3A_1054 = arith.addi %add3A_892, %masked_cumsum3A_1053 : vector<16xi32>
    %sub3A_1055 = arith.constant 1 : i32
    %sub3A_1056 = vector.broadcast %sub3A_1055 : i32 to vector<16xi32>
    %sub3A_1057 = arith.subi %add3A_1054, %sub3A_1056 : vector<16xi32>
    %select_n3A_1058 = arith.select %eq3A_1045, %sub3A_1057, %select_n3A_1038 : vector<16xi1>, vector<16xi32>
    %slice3A_1059 = vector.extract_strided_slice %masked_cumsum3A_1053 {offsets = [15], sizes = [1], strides = [1]} : vector<16xi32> to vector<1xi32>
    %squeeze3A_1060 = vector.extract %slice3A_1059[0] : i32 from vector<1xi32>
    %broadcast_in_dim3A_1061 = vector.broadcast %squeeze3A_1060 : i32 to vector<16xi32>
    %add3A_1062 = arith.addi %add3A_892, %broadcast_in_dim3A_1061 : vector<16xi32>
    %eq3A_1063 = arith.constant 2 : i32
    %eq3A_1064 = vector.broadcast %eq3A_1063 : i32 to vector<16xi32>
    %eq3A_1065 = arith.cmpi eq, %get3A_1020, %eq3A_1064 : vector<16xi32>
    %jit3A_1066 = arith.constant 1 : i32
    %jit3A_1067 = arith.constant 0 : i32
    %broadcast_in_dim3A_1068 = vector.broadcast %jit3A_1066 : i32 to vector<16xi32>
    %broadcast_in_dim3A_1069 = vector.broadcast %jit3A_1067 : i32 to vector<16xi32>
    %select_n3A_1070 = arith.select %eq3A_1065, %broadcast_in_dim3A_1068, %broadcast_in_dim3A_1069 : vector<16xi1>, vector<16xi32>
    %broadcast_in_dim3A_1071 = arith.constant true
    %broadcast_in_dim3A_1072 = vector.broadcast %broadcast_in_dim3A_1071 : i1 to vector<16xi1>
    %masked_cumsum3A_1073 = tpu.scan <sum>, %select_n3A_1070 masked %broadcast_in_dim3A_1072 : vector<16xi32>, vector<16xi1> -> vector<16xi32>
    %add3A_1074 = arith.addi %add3A_912, %masked_cumsum3A_1073 : vector<16xi32>
    %sub3A_1075 = arith.constant 1 : i32
    %sub3A_1076 = vector.broadcast %sub3A_1075 : i32 to vector<16xi32>
    %sub3A_1077 = arith.subi %add3A_1074, %sub3A_1076 : vector<16xi32>
    %select_n3A_1078 = arith.select %eq3A_1065, %sub3A_1077, %select_n3A_1058 : vector<16xi1>, vector<16xi32>
    %slice3A_1079 = vector.extract_strided_slice %masked_cumsum3A_1073 {offsets = [15], sizes = [1], strides = [1]} : vector<16xi32> to vector<1xi32>
    %squeeze3A_1080 = vector.extract %slice3A_1079[0] : i32 from vector<1xi32>
    %broadcast_in_dim3A_1081 = vector.broadcast %squeeze3A_1080 : i32 to vector<16xi32>
    %add3A_1082 = arith.addi %add3A_912, %broadcast_in_dim3A_1081 : vector<16xi32>
    %eq3A_1083 = arith.constant 3 : i32
    %eq3A_1084 = vector.broadcast %eq3A_1083 : i32 to vector<16xi32>
    %eq3A_1085 = arith.cmpi eq, %get3A_1020, %eq3A_1084 : vector<16xi32>
    %jit3A_1086 = arith.constant 1 : i32
    %jit3A_1087 = arith.constant 0 : i32
    %broadcast_in_dim3A_1088 = vector.broadcast %jit3A_1086 : i32 to vector<16xi32>
    %broadcast_in_dim3A_1089 = vector.broadcast %jit3A_1087 : i32 to vector<16xi32>
    %select_n3A_1090 = arith.select %eq3A_1085, %broadcast_in_dim3A_1088, %broadcast_in_dim3A_1089 : vector<16xi1>, vector<16xi32>
    %broadcast_in_dim3A_1091 = arith.constant true
    %broadcast_in_dim3A_1092 = vector.broadcast %broadcast_in_dim3A_1091 : i1 to vector<16xi1>
    %masked_cumsum3A_1093 = tpu.scan <sum>, %select_n3A_1090 masked %broadcast_in_dim3A_1092 : vector<16xi32>, vector<16xi1> -> vector<16xi32>
    %add3A_1094 = arith.addi %add3A_932, %masked_cumsum3A_1093 : vector<16xi32>
    %sub3A_1095 = arith.constant 1 : i32
    %sub3A_1096 = vector.broadcast %sub3A_1095 : i32 to vector<16xi32>
    %sub3A_1097 = arith.subi %add3A_1094, %sub3A_1096 : vector<16xi32>
    %select_n3A_1098 = arith.select %eq3A_1085, %sub3A_1097, %select_n3A_1078 : vector<16xi1>, vector<16xi32>
    %slice3A_1099 = vector.extract_strided_slice %masked_cumsum3A_1093 {offsets = [15], sizes = [1], strides = [1]} : vector<16xi32> to vector<1xi32>
    %squeeze3A_1100 = vector.extract %slice3A_1099[0] : i32 from vector<1xi32>
    %broadcast_in_dim3A_1101 = vector.broadcast %squeeze3A_1100 : i32 to vector<16xi32>
    %add3A_1102 = arith.addi %add3A_932, %broadcast_in_dim3A_1101 : vector<16xi32>
    %eq3A_1103 = arith.constant 4 : i32
    %eq3A_1104 = vector.broadcast %eq3A_1103 : i32 to vector<16xi32>
    %eq3A_1105 = arith.cmpi eq, %get3A_1020, %eq3A_1104 : vector<16xi32>
    %jit3A_1106 = arith.constant 1 : i32
    %jit3A_1107 = arith.constant 0 : i32
    %broadcast_in_dim3A_1108 = vector.broadcast %jit3A_1106 : i32 to vector<16xi32>
    %broadcast_in_dim3A_1109 = vector.broadcast %jit3A_1107 : i32 to vector<16xi32>
    %select_n3A_1110 = arith.select %eq3A_1105, %broadcast_in_dim3A_1108, %broadcast_in_dim3A_1109 : vector<16xi1>, vector<16xi32>
    %broadcast_in_dim3A_1111 = arith.constant true
    %broadcast_in_dim3A_1112 = vector.broadcast %broadcast_in_dim3A_1111 : i1 to vector<16xi1>
    %masked_cumsum3A_1113 = tpu.scan <sum>, %select_n3A_1110 masked %broadcast_in_dim3A_1112 : vector<16xi32>, vector<16xi1> -> vector<16xi32>
    %add3A_1114 = arith.addi %add3A_952, %masked_cumsum3A_1113 : vector<16xi32>
    %sub3A_1115 = arith.constant 1 : i32
    %sub3A_1116 = vector.broadcast %sub3A_1115 : i32 to vector<16xi32>
    %sub3A_1117 = arith.subi %add3A_1114, %sub3A_1116 : vector<16xi32>
    %select_n3A_1118 = arith.select %eq3A_1105, %sub3A_1117, %select_n3A_1098 : vector<16xi1>, vector<16xi32>
    %slice3A_1119 = vector.extract_strided_slice %masked_cumsum3A_1113 {offsets = [15], sizes = [1], strides = [1]} : vector<16xi32> to vector<1xi32>
    %squeeze3A_1120 = vector.extract %slice3A_1119[0] : i32 from vector<1xi32>
    %broadcast_in_dim3A_1121 = vector.broadcast %squeeze3A_1120 : i32 to vector<16xi32>
    %add3A_1122 = arith.addi %add3A_952, %broadcast_in_dim3A_1121 : vector<16xi32>
    %eq3A_1123 = arith.constant 5 : i32
    %eq3A_1124 = vector.broadcast %eq3A_1123 : i32 to vector<16xi32>
    %eq3A_1125 = arith.cmpi eq, %get3A_1020, %eq3A_1124 : vector<16xi32>
    %jit3A_1126 = arith.constant 1 : i32
    %jit3A_1127 = arith.constant 0 : i32
    %broadcast_in_dim3A_1128 = vector.broadcast %jit3A_1126 : i32 to vector<16xi32>
    %broadcast_in_dim3A_1129 = vector.broadcast %jit3A_1127 : i32 to vector<16xi32>
    %select_n3A_1130 = arith.select %eq3A_1125, %broadcast_in_dim3A_1128, %broadcast_in_dim3A_1129 : vector<16xi1>, vector<16xi32>
    %broadcast_in_dim3A_1131 = arith.constant true
    %broadcast_in_dim3A_1132 = vector.broadcast %broadcast_in_dim3A_1131 : i1 to vector<16xi1>
    %masked_cumsum3A_1133 = tpu.scan <sum>, %select_n3A_1130 masked %broadcast_in_dim3A_1132 : vector<16xi32>, vector<16xi1> -> vector<16xi32>
    %add3A_1134 = arith.addi %add3A_972, %masked_cumsum3A_1133 : vector<16xi32>
    %sub3A_1135 = arith.constant 1 : i32
    %sub3A_1136 = vector.broadcast %sub3A_1135 : i32 to vector<16xi32>
    %sub3A_1137 = arith.subi %add3A_1134, %sub3A_1136 : vector<16xi32>
    %select_n3A_1138 = arith.select %eq3A_1125, %sub3A_1137, %select_n3A_1118 : vector<16xi1>, vector<16xi32>
    %slice3A_1139 = vector.extract_strided_slice %masked_cumsum3A_1133 {offsets = [15], sizes = [1], strides = [1]} : vector<16xi32> to vector<1xi32>
    %squeeze3A_1140 = vector.extract %slice3A_1139[0] : i32 from vector<1xi32>
    %broadcast_in_dim3A_1141 = vector.broadcast %squeeze3A_1140 : i32 to vector<16xi32>
    %add3A_1142 = arith.addi %add3A_972, %broadcast_in_dim3A_1141 : vector<16xi32>
    %eq3A_1143 = arith.constant 6 : i32
    %eq3A_1144 = vector.broadcast %eq3A_1143 : i32 to vector<16xi32>
    %eq3A_1145 = arith.cmpi eq, %get3A_1020, %eq3A_1144 : vector<16xi32>
    %jit3A_1146 = arith.constant 1 : i32
    %jit3A_1147 = arith.constant 0 : i32
    %broadcast_in_dim3A_1148 = vector.broadcast %jit3A_1146 : i32 to vector<16xi32>
    %broadcast_in_dim3A_1149 = vector.broadcast %jit3A_1147 : i32 to vector<16xi32>
    %select_n3A_1150 = arith.select %eq3A_1145, %broadcast_in_dim3A_1148, %broadcast_in_dim3A_1149 : vector<16xi1>, vector<16xi32>
    %broadcast_in_dim3A_1151 = arith.constant true
    %broadcast_in_dim3A_1152 = vector.broadcast %broadcast_in_dim3A_1151 : i1 to vector<16xi1>
    %masked_cumsum3A_1153 = tpu.scan <sum>, %select_n3A_1150 masked %broadcast_in_dim3A_1152 : vector<16xi32>, vector<16xi1> -> vector<16xi32>
    %add3A_1154 = arith.addi %add3A_992, %masked_cumsum3A_1153 : vector<16xi32>
    %sub3A_1155 = arith.constant 1 : i32
    %sub3A_1156 = vector.broadcast %sub3A_1155 : i32 to vector<16xi32>
    %sub3A_1157 = arith.subi %add3A_1154, %sub3A_1156 : vector<16xi32>
    %select_n3A_1158 = arith.select %eq3A_1145, %sub3A_1157, %select_n3A_1138 : vector<16xi1>, vector<16xi32>
    %slice3A_1159 = vector.extract_strided_slice %masked_cumsum3A_1153 {offsets = [15], sizes = [1], strides = [1]} : vector<16xi32> to vector<1xi32>
    %squeeze3A_1160 = vector.extract %slice3A_1159[0] : i32 from vector<1xi32>
    %broadcast_in_dim3A_1161 = vector.broadcast %squeeze3A_1160 : i32 to vector<16xi32>
    %add3A_1162 = arith.addi %add3A_992, %broadcast_in_dim3A_1161 : vector<16xi32>
    %eq3A_1163 = arith.constant 7 : i32
    %eq3A_1164 = vector.broadcast %eq3A_1163 : i32 to vector<16xi32>
    %eq3A_1165 = arith.cmpi eq, %get3A_1020, %eq3A_1164 : vector<16xi32>
    %jit3A_1166 = arith.constant 1 : i32
    %jit3A_1167 = arith.constant 0 : i32
    %broadcast_in_dim3A_1168 = vector.broadcast %jit3A_1166 : i32 to vector<16xi32>
    %broadcast_in_dim3A_1169 = vector.broadcast %jit3A_1167 : i32 to vector<16xi32>
    %select_n3A_1170 = arith.select %eq3A_1165, %broadcast_in_dim3A_1168, %broadcast_in_dim3A_1169 : vector<16xi1>, vector<16xi32>
    %broadcast_in_dim3A_1171 = arith.constant true
    %broadcast_in_dim3A_1172 = vector.broadcast %broadcast_in_dim3A_1171 : i1 to vector<16xi1>
    %masked_cumsum3A_1173 = tpu.scan <sum>, %select_n3A_1170 masked %broadcast_in_dim3A_1172 : vector<16xi32>, vector<16xi1> -> vector<16xi32>
    %add3A_1174 = arith.addi %add3A_1012, %masked_cumsum3A_1173 : vector<16xi32>
    %sub3A_1175 = arith.constant 1 : i32
    %sub3A_1176 = vector.broadcast %sub3A_1175 : i32 to vector<16xi32>
    %sub3A_1177 = arith.subi %add3A_1174, %sub3A_1176 : vector<16xi32>
    %select_n3A_1178 = arith.select %eq3A_1165, %sub3A_1177, %select_n3A_1158 : vector<16xi1>, vector<16xi32>
    %slice3A_1179 = vector.extract_strided_slice %masked_cumsum3A_1173 {offsets = [15], sizes = [1], strides = [1]} : vector<16xi32> to vector<1xi32>
    %squeeze3A_1180 = vector.extract %slice3A_1179[0] : i32 from vector<1xi32>
    %broadcast_in_dim3A_1181 = vector.broadcast %squeeze3A_1180 : i32 to vector<16xi32>
    %add3A_1182 = arith.addi %add3A_1012, %broadcast_in_dim3A_1181 : vector<16xi32>
    %swap3A_1183 = arith.constant 1 : i32
    %swap3A_1184 = arith.index_cast %swap3A_1183 : i32 to index
    %swap3A_1185 = arith.constant 0 : index
    %swap3A_1186 = tpu.vector_load %arg11[%swap3A_1184, %swap3A_1185] {strides = array<i32>} : memref<2x64xi32, #tpu.memory_space<vmem>>, vector<16xi32>,
    tpu.vector_store %arg11[%swap3A_1184, %swap3A_1185], %select_n3A_1178 {strides = array<i32>} : memref<2x64xi32, #tpu.memory_space<vmem>>, vector<16xi32>,
    %add3A_1187 = arith.constant 80 : i32
    %add3A_1188 = arith.addi %add3A, %add3A_1187 : i32
    %get3A_1189 = arith.index_cast %add3A_1188 : i32 to index
    %get3A_1190 = tpu.vector_load %arg9[%get3A_1189] {strides = array<i32>} : memref<4096xi32, #tpu.memory_space<vmem>>, vector<16xi32>,
    %broadcast_in_dim3A_1191 = arith.constant 0 : i32
    %broadcast_in_dim3A_1192 = vector.broadcast %broadcast_in_dim3A_1191 : i32 to vector<16xi32>
    %eq3A_1193 = arith.constant 0 : i32
    %eq3A_1194 = vector.broadcast %eq3A_1193 : i32 to vector<16xi32>
    %eq3A_1195 = arith.cmpi eq, %get3A_1190, %eq3A_1194 : vector<16xi32>
    %jit3A_1196 = arith.constant 1 : i32
    %jit3A_1197 = arith.constant 0 : i32
    %broadcast_in_dim3A_1198 = vector.broadcast %jit3A_1196 : i32 to vector<16xi32>
    %broadcast_in_dim3A_1199 = vector.broadcast %jit3A_1197 : i32 to vector<16xi32>
    %select_n3A_1200 = arith.select %eq3A_1195, %broadcast_in_dim3A_1198, %broadcast_in_dim3A_1199 : vector<16xi1>, vector<16xi32>
    %broadcast_in_dim3A_1201 = arith.constant true
    %broadcast_in_dim3A_1202 = vector.broadcast %broadcast_in_dim3A_1201 : i1 to vector<16xi1>
    %masked_cumsum3A_1203 = tpu.scan <sum>, %select_n3A_1200 masked %broadcast_in_dim3A_1202 : vector<16xi32>, vector<16xi1> -> vector<16xi32>
    %add3A_1204 = arith.addi %add3A_1042, %masked_cumsum3A_1203 : vector<16xi32>
    %sub3A_1205 = arith.constant 1 : i32
    %sub3A_1206 = vector.broadcast %sub3A_1205 : i32 to vector<16xi32>
    %sub3A_1207 = arith.subi %add3A_1204, %sub3A_1206 : vector<16xi32>
    %select_n3A_1208 = arith.select %eq3A_1195, %sub3A_1207, %broadcast_in_dim3A_1192 : vector<16xi1>, vector<16xi32>
    %slice3A_1209 = vector.extract_strided_slice %masked_cumsum3A_1203 {offsets = [15], sizes = [1], strides = [1]} : vector<16xi32> to vector<1xi32>
    %squeeze3A_1210 = vector.extract %slice3A_1209[0] : i32 from vector<1xi32>
    %broadcast_in_dim3A_1211 = vector.broadcast %squeeze3A_1210 : i32 to vector<16xi32>
    %add3A_1212 = arith.addi %add3A_1042, %broadcast_in_dim3A_1211 : vector<16xi32>
    %eq3A_1213 = arith.constant 1 : i32
    %eq3A_1214 = vector.broadcast %eq3A_1213 : i32 to vector<16xi32>
    %eq3A_1215 = arith.cmpi eq, %get3A_1190, %eq3A_1214 : vector<16xi32>
    %jit3A_1216 = arith.constant 1 : i32
    %jit3A_1217 = arith.constant 0 : i32
    %broadcast_in_dim3A_1218 = vector.broadcast %jit3A_1216 : i32 to vector<16xi32>
    %broadcast_in_dim3A_1219 = vector.broadcast %jit3A_1217 : i32 to vector<16xi32>
    %select_n3A_1220 = arith.select %eq3A_1215, %broadcast_in_dim3A_1218, %broadcast_in_dim3A_1219 : vector<16xi1>, vector<16xi32>
    %broadcast_in_dim3A_1221 = arith.constant true
    %broadcast_in_dim3A_1222 = vector.broadcast %broadcast_in_dim3A_1221 : i1 to vector<16xi1>
    %masked_cumsum3A_1223 = tpu.scan <sum>, %select_n3A_1220 masked %broadcast_in_dim3A_1222 : vector<16xi32>, vector<16xi1> -> vector<16xi32>
    %add3A_1224 = arith.addi %add3A_1062, %masked_cumsum3A_1223 : vector<16xi32>
    %sub3A_1225 = arith.constant 1 : i32
    %sub3A_1226 = vector.broadcast %sub3A_1225 : i32 to vector<16xi32>
    %sub3A_1227 = arith.subi %add3A_1224, %sub3A_1226 : vector<16xi32>
    %select_n3A_1228 = arith.select %eq3A_1215, %sub3A_1227, %select_n3A_1208 : vector<16xi1>, vector<16xi32>
    %slice3A_1229 = vector.extract_strided_slice %masked_cumsum3A_1223 {offsets = [15], sizes = [1], strides = [1]} : vector<16xi32> to vector<1xi32>
    %squeeze3A_1230 = vector.extract %slice3A_1229[0] : i32 from vector<1xi32>
    %broadcast_in_dim3A_1231 = vector.broadcast %squeeze3A_1230 : i32 to vector<16xi32>
    %add3A_1232 = arith.addi %add3A_1062, %broadcast_in_dim3A_1231 : vector<16xi32>
    %eq3A_1233 = arith.constant 2 : i32
    %eq3A_1234 = vector.broadcast %eq3A_1233 : i32 to vector<16xi32>
    %eq3A_1235 = arith.cmpi eq, %get3A_1190, %eq3A_1234 : vector<16xi32>
    %jit3A_1236 = arith.constant 1 : i32
    %jit3A_1237 = arith.constant 0 : i32
    %broadcast_in_dim3A_1238 = vector.broadcast %jit3A_1236 : i32 to vector<16xi32>
    %broadcast_in_dim3A_1239 = vector.broadcast %jit3A_1237 : i32 to vector<16xi32>
    %select_n3A_1240 = arith.select %eq3A_1235, %broadcast_in_dim3A_1238, %broadcast_in_dim3A_1239 : vector<16xi1>, vector<16xi32>
    %broadcast_in_dim3A_1241 = arith.constant true
    %broadcast_in_dim3A_1242 = vector.broadcast %broadcast_in_dim3A_1241 : i1 to vector<16xi1>
    %masked_cumsum3A_1243 = tpu.scan <sum>, %select_n3A_1240 masked %broadcast_in_dim3A_1242 : vector<16xi32>, vector<16xi1> -> vector<16xi32>
    %add3A_1244 = arith.addi %add3A_1082, %masked_cumsum3A_1243 : vector<16xi32>
    %sub3A_1245 = arith.constant 1 : i32
    %sub3A_1246 = vector.broadcast %sub3A_1245 : i32 to vector<16xi32>
    %sub3A_1247 = arith.subi %add3A_1244, %sub3A_1246 : vector<16xi32>
    %select_n3A_1248 = arith.select %eq3A_1235, %sub3A_1247, %select_n3A_1228 : vector<16xi1>, vector<16xi32>
    %slice3A_1249 = vector.extract_strided_slice %masked_cumsum3A_1243 {offsets = [15], sizes = [1], strides = [1]} : vector<16xi32> to vector<1xi32>
    %squeeze3A_1250 = vector.extract %slice3A_1249[0] : i32 from vector<1xi32>
    %broadcast_in_dim3A_1251 = vector.broadcast %squeeze3A_1250 : i32 to vector<16xi32>
    %add3A_1252 = arith.addi %add3A_1082, %broadcast_in_dim3A_1251 : vector<16xi32>
    %eq3A_1253 = arith.constant 3 : i32
    %eq3A_1254 = vector.broadcast %eq3A_1253 : i32 to vector<16xi32>
    %eq3A_1255 = arith.cmpi eq, %get3A_1190, %eq3A_1254 : vector<16xi32>
    %jit3A_1256 = arith.constant 1 : i32
    %jit3A_1257 = arith.constant 0 : i32
    %broadcast_in_dim3A_1258 = vector.broadcast %jit3A_1256 : i32 to vector<16xi32>
    %broadcast_in_dim3A_1259 = vector.broadcast %jit3A_1257 : i32 to vector<16xi32>
    %select_n3A_1260 = arith.select %eq3A_1255, %broadcast_in_dim3A_1258, %broadcast_in_dim3A_1259 : vector<16xi1>, vector<16xi32>
    %broadcast_in_dim3A_1261 = arith.constant true
    %broadcast_in_dim3A_1262 = vector.broadcast %broadcast_in_dim3A_1261 : i1 to vector<16xi1>
    %masked_cumsum3A_1263 = tpu.scan <sum>, %select_n3A_1260 masked %broadcast_in_dim3A_1262 : vector<16xi32>, vector<16xi1> -> vector<16xi32>
    %add3A_1264 = arith.addi %add3A_1102, %masked_cumsum3A_1263 : vector<16xi32>
    %sub3A_1265 = arith.constant 1 : i32
    %sub3A_1266 = vector.broadcast %sub3A_1265 : i32 to vector<16xi32>
    %sub3A_1267 = arith.subi %add3A_1264, %sub3A_1266 : vector<16xi32>
    %select_n3A_1268 = arith.select %eq3A_1255, %sub3A_1267, %select_n3A_1248 : vector<16xi1>, vector<16xi32>
    %slice3A_1269 = vector.extract_strided_slice %masked_cumsum3A_1263 {offsets = [15], sizes = [1], strides = [1]} : vector<16xi32> to vector<1xi32>
    %squeeze3A_1270 = vector.extract %slice3A_1269[0] : i32 from vector<1xi32>
    %broadcast_in_dim3A_1271 = vector.broadcast %squeeze3A_1270 : i32 to vector<16xi32>
    %add3A_1272 = arith.addi %add3A_1102, %broadcast_in_dim3A_1271 : vector<16xi32>
    %eq3A_1273 = arith.constant 4 : i32
    %eq3A_1274 = vector.broadcast %eq3A_1273 : i32 to vector<16xi32>
    %eq3A_1275 = arith.cmpi eq, %get3A_1190, %eq3A_1274 : vector<16xi32>
    %jit3A_1276 = arith.constant 1 : i32
    %jit3A_1277 = arith.constant 0 : i32
    %broadcast_in_dim3A_1278 = vector.broadcast %jit3A_1276 : i32 to vector<16xi32>
    %broadcast_in_dim3A_1279 = vector.broadcast %jit3A_1277 : i32 to vector<16xi32>
    %select_n3A_1280 = arith.select %eq3A_1275, %broadcast_in_dim3A_1278, %broadcast_in_dim3A_1279 : vector<16xi1>, vector<16xi32>
    %broadcast_in_dim3A_1281 = arith.constant true
    %broadcast_in_dim3A_1282 = vector.broadcast %broadcast_in_dim3A_1281 : i1 to vector<16xi1>
    %masked_cumsum3A_1283 = tpu.scan <sum>, %select_n3A_1280 masked %broadcast_in_dim3A_1282 : vector<16xi32>, vector<16xi1> -> vector<16xi32>
    %add3A_1284 = arith.addi %add3A_1122, %masked_cumsum3A_1283 : vector<16xi32>
    %sub3A_1285 = arith.constant 1 : i32
    %sub3A_1286 = vector.broadcast %sub3A_1285 : i32 to vector<16xi32>
    %sub3A_1287 = arith.subi %add3A_1284, %sub3A_1286 : vector<16xi32>
    %select_n3A_1288 = arith.select %eq3A_1275, %sub3A_1287, %select_n3A_1268 : vector<16xi1>, vector<16xi32>
    %slice3A_1289 = vector.extract_strided_slice %masked_cumsum3A_1283 {offsets = [15], sizes = [1], strides = [1]} : vector<16xi32> to vector<1xi32>
    %squeeze3A_1290 = vector.extract %slice3A_1289[0] : i32 from vector<1xi32>
    %broadcast_in_dim3A_1291 = vector.broadcast %squeeze3A_1290 : i32 to vector<16xi32>
    %add3A_1292 = arith.addi %add3A_1122, %broadcast_in_dim3A_1291 : vector<16xi32>
    %eq3A_1293 = arith.constant 5 : i32
    %eq3A_1294 = vector.broadcast %eq3A_1293 : i32 to vector<16xi32>
    %eq3A_1295 = arith.cmpi eq, %get3A_1190, %eq3A_1294 : vector<16xi32>
    %jit3A_1296 = arith.constant 1 : i32
    %jit3A_1297 = arith.constant 0 : i32
    %broadcast_in_dim3A_1298 = vector.broadcast %jit3A_1296 : i32 to vector<16xi32>
    %broadcast_in_dim3A_1299 = vector.broadcast %jit3A_1297 : i32 to vector<16xi32>
    %select_n3A_1300 = arith.select %eq3A_1295, %broadcast_in_dim3A_1298, %broadcast_in_dim3A_1299 : vector<16xi1>, vector<16xi32>
    %broadcast_in_dim3A_1301 = arith.constant true
    %broadcast_in_dim3A_1302 = vector.broadcast %broadcast_in_dim3A_1301 : i1 to vector<16xi1>
    %masked_cumsum3A_1303 = tpu.scan <sum>, %select_n3A_1300 masked %broadcast_in_dim3A_1302 : vector<16xi32>, vector<16xi1> -> vector<16xi32>
    %add3A_1304 = arith.addi %add3A_1142, %masked_cumsum3A_1303 : vector<16xi32>
    %sub3A_1305 = arith.constant 1 : i32
    %sub3A_1306 = vector.broadcast %sub3A_1305 : i32 to vector<16xi32>
    %sub3A_1307 = arith.subi %add3A_1304, %sub3A_1306 : vector<16xi32>
    %select_n3A_1308 = arith.select %eq3A_1295, %sub3A_1307, %select_n3A_1288 : vector<16xi1>, vector<16xi32>
    %slice3A_1309 = vector.extract_strided_slice %masked_cumsum3A_1303 {offsets = [15], sizes = [1], strides = [1]} : vector<16xi32> to vector<1xi32>
    %squeeze3A_1310 = vector.extract %slice3A_1309[0] : i32 from vector<1xi32>
    %broadcast_in_dim3A_1311 = vector.broadcast %squeeze3A_1310 : i32 to vector<16xi32>
    %add3A_1312 = arith.addi %add3A_1142, %broadcast_in_dim3A_1311 : vector<16xi32>
    %eq3A_1313 = arith.constant 6 : i32
    %eq3A_1314 = vector.broadcast %eq3A_1313 : i32 to vector<16xi32>
    %eq3A_1315 = arith.cmpi eq, %get3A_1190, %eq3A_1314 : vector<16xi32>
    %jit3A_1316 = arith.constant 1 : i32
    %jit3A_1317 = arith.constant 0 : i32
    %broadcast_in_dim3A_1318 = vector.broadcast %jit3A_1316 : i32 to vector<16xi32>
    %broadcast_in_dim3A_1319 = vector.broadcast %jit3A_1317 : i32 to vector<16xi32>
    %select_n3A_1320 = arith.select %eq3A_1315, %broadcast_in_dim3A_1318, %broadcast_in_dim3A_1319 : vector<16xi1>, vector<16xi32>
    %broadcast_in_dim3A_1321 = arith.constant true
    %broadcast_in_dim3A_1322 = vector.broadcast %broadcast_in_dim3A_1321 : i1 to vector<16xi1>
    %masked_cumsum3A_1323 = tpu.scan <sum>, %select_n3A_1320 masked %broadcast_in_dim3A_1322 : vector<16xi32>, vector<16xi1> -> vector<16xi32>
    %add3A_1324 = arith.addi %add3A_1162, %masked_cumsum3A_1323 : vector<16xi32>
    %sub3A_1325 = arith.constant 1 : i32
    %sub3A_1326 = vector.broadcast %sub3A_1325 : i32 to vector<16xi32>
    %sub3A_1327 = arith.subi %add3A_1324, %sub3A_1326 : vector<16xi32>
    %select_n3A_1328 = arith.select %eq3A_1315, %sub3A_1327, %select_n3A_1308 : vector<16xi1>, vector<16xi32>
    %slice3A_1329 = vector.extract_strided_slice %masked_cumsum3A_1323 {offsets = [15], sizes = [1], strides = [1]} : vector<16xi32> to vector<1xi32>
    %squeeze3A_1330 = vector.extract %slice3A_1329[0] : i32 from vector<1xi32>
    %broadcast_in_dim3A_1331 = vector.broadcast %squeeze3A_1330 : i32 to vector<16xi32>
    %add3A_1332 = arith.addi %add3A_1162, %broadcast_in_dim3A_1331 : vector<16xi32>
    %eq3A_1333 = arith.constant 7 : i32
    %eq3A_1334 = vector.broadcast %eq3A_1333 : i32 to vector<16xi32>
    %eq3A_1335 = arith.cmpi eq, %get3A_1190, %eq3A_1334 : vector<16xi32>
    %jit3A_1336 = arith.constant 1 : i32
    %jit3A_1337 = arith.constant 0 : i32
    %broadcast_in_dim3A_1338 = vector.broadcast %jit3A_1336 : i32 to vector<16xi32>
    %broadcast_in_dim3A_1339 = vector.broadcast %jit3A_1337 : i32 to vector<16xi32>
    %select_n3A_1340 = arith.select %eq3A_1335, %broadcast_in_dim3A_1338, %broadcast_in_dim3A_1339 : vector<16xi1>, vector<16xi32>
    %broadcast_in_dim3A_1341 = arith.constant true
    %broadcast_in_dim3A_1342 = vector.broadcast %broadcast_in_dim3A_1341 : i1 to vector<16xi1>
    %masked_cumsum3A_1343 = tpu.scan <sum>, %select_n3A_1340 masked %broadcast_in_dim3A_1342 : vector<16xi32>, vector<16xi1> -> vector<16xi32>
    %add3A_1344 = arith.addi %add3A_1182, %masked_cumsum3A_1343 : vector<16xi32>
    %sub3A_1345 = arith.constant 1 : i32
    %sub3A_1346 = vector.broadcast %sub3A_1345 : i32 to vector<16xi32>
    %sub3A_1347 = arith.subi %add3A_1344, %sub3A_1346 : vector<16xi32>
    %select_n3A_1348 = arith.select %eq3A_1335, %sub3A_1347, %select_n3A_1328 : vector<16xi1>, vector<16xi32>
    %slice3A_1349 = vector.extract_strided_slice %masked_cumsum3A_1343 {offsets = [15], sizes = [1], strides = [1]} : vector<16xi32> to vector<1xi32>
    %squeeze3A_1350 = vector.extract %slice3A_1349[0] : i32 from vector<1xi32>
    %broadcast_in_dim3A_1351 = vector.broadcast %squeeze3A_1350 : i32 to vector<16xi32>
    %add3A_1352 = arith.addi %add3A_1182, %broadcast_in_dim3A_1351 : vector<16xi32>
    %swap3A_1353 = arith.constant 1 : i32
    %swap3A_1354 = arith.index_cast %swap3A_1353 : i32 to index
    %swap3A_1355 = arith.constant 16 : index
    %swap3A_1356 = tpu.vector_load %arg11[%swap3A_1354, %swap3A_1355] {strides = array<i32>} : memref<2x64xi32, #tpu.memory_space<vmem>>, vector<16xi32>,
    tpu.vector_store %arg11[%swap3A_1354, %swap3A_1355], %select_n3A_1348 {strides = array<i32>} : memref<2x64xi32, #tpu.memory_space<vmem>>, vector<16xi32>,
    %add3A_1357 = arith.constant 96 : i32
    %add3A_1358 = arith.addi %add3A, %add3A_1357 : i32
    %get3A_1359 = arith.index_cast %add3A_1358 : i32 to index
    %get3A_1360 = tpu.vector_load %arg9[%get3A_1359] {strides = array<i32>} : memref<4096xi32, #tpu.memory_space<vmem>>, vector<16xi32>,
    %broadcast_in_dim3A_1361 = arith.constant 0 : i32
    %broadcast_in_dim3A_1362 = vector.broadcast %broadcast_in_dim3A_1361 : i32 to vector<16xi32>
    %eq3A_1363 = arith.constant 0 : i32
    %eq3A_1364 = vector.broadcast %eq3A_1363 : i32 to vector<16xi32>
    %eq3A_1365 = arith.cmpi eq, %get3A_1360, %eq3A_1364 : vector<16xi32>
    %jit3A_1366 = arith.constant 1 : i32
    %jit3A_1367 = arith.constant 0 : i32
    %broadcast_in_dim3A_1368 = vector.broadcast %jit3A_1366 : i32 to vector<16xi32>
    %broadcast_in_dim3A_1369 = vector.broadcast %jit3A_1367 : i32 to vector<16xi32>
    %select_n3A_1370 = arith.select %eq3A_1365, %broadcast_in_dim3A_1368, %broadcast_in_dim3A_1369 : vector<16xi1>, vector<16xi32>
    %broadcast_in_dim3A_1371 = arith.constant true
    %broadcast_in_dim3A_1372 = vector.broadcast %broadcast_in_dim3A_1371 : i1 to vector<16xi1>
    %masked_cumsum3A_1373 = tpu.scan <sum>, %select_n3A_1370 masked %broadcast_in_dim3A_1372 : vector<16xi32>, vector<16xi1> -> vector<16xi32>
    %add3A_1374 = arith.addi %add3A_1212, %masked_cumsum3A_1373 : vector<16xi32>
    %sub3A_1375 = arith.constant 1 : i32
    %sub3A_1376 = vector.broadcast %sub3A_1375 : i32 to vector<16xi32>
    %sub3A_1377 = arith.subi %add3A_1374, %sub3A_1376 : vector<16xi32>
    %select_n3A_1378 = arith.select %eq3A_1365, %sub3A_1377, %broadcast_in_dim3A_1362 : vector<16xi1>, vector<16xi32>
    %slice3A_1379 = vector.extract_strided_slice %masked_cumsum3A_1373 {offsets = [15], sizes = [1], strides = [1]} : vector<16xi32> to vector<1xi32>
    %squeeze3A_1380 = vector.extract %slice3A_1379[0] : i32 from vector<1xi32>
    %broadcast_in_dim3A_1381 = vector.broadcast %squeeze3A_1380 : i32 to vector<16xi32>
    %add3A_1382 = arith.addi %add3A_1212, %broadcast_in_dim3A_1381 : vector<16xi32>
    %eq3A_1383 = arith.constant 1 : i32
    %eq3A_1384 = vector.broadcast %eq3A_1383 : i32 to vector<16xi32>
    %eq3A_1385 = arith.cmpi eq, %get3A_1360, %eq3A_1384 : vector<16xi32>
    %jit3A_1386 = arith.constant 1 : i32
    %jit3A_1387 = arith.constant 0 : i32
    %broadcast_in_dim3A_1388 = vector.broadcast %jit3A_1386 : i32 to vector<16xi32>
    %broadcast_in_dim3A_1389 = vector.broadcast %jit3A_1387 : i32 to vector<16xi32>
    %select_n3A_1390 = arith.select %eq3A_1385, %broadcast_in_dim3A_1388, %broadcast_in_dim3A_1389 : vector<16xi1>, vector<16xi32>
    %broadcast_in_dim3A_1391 = arith.constant true
    %broadcast_in_dim3A_1392 = vector.broadcast %broadcast_in_dim3A_1391 : i1 to vector<16xi1>
    %masked_cumsum3A_1393 = tpu.scan <sum>, %select_n3A_1390 masked %broadcast_in_dim3A_1392 : vector<16xi32>, vector<16xi1> -> vector<16xi32>
    %add3A_1394 = arith.addi %add3A_1232, %masked_cumsum3A_1393 : vector<16xi32>
    %sub3A_1395 = arith.constant 1 : i32
    %sub3A_1396 = vector.broadcast %sub3A_1395 : i32 to vector<16xi32>
    %sub3A_1397 = arith.subi %add3A_1394, %sub3A_1396 : vector<16xi32>
    %select_n3A_1398 = arith.select %eq3A_1385, %sub3A_1397, %select_n3A_1378 : vector<16xi1>, vector<16xi32>
    %slice3A_1399 = vector.extract_strided_slice %masked_cumsum3A_1393 {offsets = [15], sizes = [1], strides = [1]} : vector<16xi32> to vector<1xi32>
    %squeeze3A_1400 = vector.extract %slice3A_1399[0] : i32 from vector<1xi32>
    %broadcast_in_dim3A_1401 = vector.broadcast %squeeze3A_1400 : i32 to vector<16xi32>
    %add3A_1402 = arith.addi %add3A_1232, %broadcast_in_dim3A_1401 : vector<16xi32>
    %eq3A_1403 = arith.constant 2 : i32
    %eq3A_1404 = vector.broadcast %eq3A_1403 : i32 to vector<16xi32>
    %eq3A_1405 = arith.cmpi eq, %get3A_1360, %eq3A_1404 : vector<16xi32>
    %jit3A_1406 = arith.constant 1 : i32
    %jit3A_1407 = arith.constant 0 : i32
    %broadcast_in_dim3A_1408 = vector.broadcast %jit3A_1406 : i32 to vector<16xi32>
    %broadcast_in_dim3A_1409 = vector.broadcast %jit3A_1407 : i32 to vector<16xi32>
    %select_n3A_1410 = arith.select %eq3A_1405, %broadcast_in_dim3A_1408, %broadcast_in_dim3A_1409 : vector<16xi1>, vector<16xi32>
    %broadcast_in_dim3A_1411 = arith.constant true
    %broadcast_in_dim3A_1412 = vector.broadcast %broadcast_in_dim3A_1411 : i1 to vector<16xi1>
    %masked_cumsum3A_1413 = tpu.scan <sum>, %select_n3A_1410 masked %broadcast_in_dim3A_1412 : vector<16xi32>, vector<16xi1> -> vector<16xi32>
    %add3A_1414 = arith.addi %add3A_1252, %masked_cumsum3A_1413 : vector<16xi32>
    %sub3A_1415 = arith.constant 1 : i32
    %sub3A_1416 = vector.broadcast %sub3A_1415 : i32 to vector<16xi32>
    %sub3A_1417 = arith.subi %add3A_1414, %sub3A_1416 : vector<16xi32>
    %select_n3A_1418 = arith.select %eq3A_1405, %sub3A_1417, %select_n3A_1398 : vector<16xi1>, vector<16xi32>
    %slice3A_1419 = vector.extract_strided_slice %masked_cumsum3A_1413 {offsets = [15], sizes = [1], strides = [1]} : vector<16xi32> to vector<1xi32>
    %squeeze3A_1420 = vector.extract %slice3A_1419[0] : i32 from vector<1xi32>
    %broadcast_in_dim3A_1421 = vector.broadcast %squeeze3A_1420 : i32 to vector<16xi32>
    %add3A_1422 = arith.addi %add3A_1252, %broadcast_in_dim3A_1421 : vector<16xi32>
    %eq3A_1423 = arith.constant 3 : i32
    %eq3A_1424 = vector.broadcast %eq3A_1423 : i32 to vector<16xi32>
    %eq3A_1425 = arith.cmpi eq, %get3A_1360, %eq3A_1424 : vector<16xi32>
    %jit3A_1426 = arith.constant 1 : i32
    %jit3A_1427 = arith.constant 0 : i32
    %broadcast_in_dim3A_1428 = vector.broadcast %jit3A_1426 : i32 to vector<16xi32>
    %broadcast_in_dim3A_1429 = vector.broadcast %jit3A_1427 : i32 to vector<16xi32>
    %select_n3A_1430 = arith.select %eq3A_1425, %broadcast_in_dim3A_1428, %broadcast_in_dim3A_1429 : vector<16xi1>, vector<16xi32>
    %broadcast_in_dim3A_1431 = arith.constant true
    %broadcast_in_dim3A_1432 = vector.broadcast %broadcast_in_dim3A_1431 : i1 to vector<16xi1>
    %masked_cumsum3A_1433 = tpu.scan <sum>, %select_n3A_1430 masked %broadcast_in_dim3A_1432 : vector<16xi32>, vector<16xi1> -> vector<16xi32>
    %add3A_1434 = arith.addi %add3A_1272, %masked_cumsum3A_1433 : vector<16xi32>
    %sub3A_1435 = arith.constant 1 : i32
    %sub3A_1436 = vector.broadcast %sub3A_1435 : i32 to vector<16xi32>
    %sub3A_1437 = arith.subi %add3A_1434, %sub3A_1436 : vector<16xi32>
    %select_n3A_1438 = arith.select %eq3A_1425, %sub3A_1437, %select_n3A_1418 : vector<16xi1>, vector<16xi32>
    %slice3A_1439 = vector.extract_strided_slice %masked_cumsum3A_1433 {offsets = [15], sizes = [1], strides = [1]} : vector<16xi32> to vector<1xi32>
    %squeeze3A_1440 = vector.extract %slice3A_1439[0] : i32 from vector<1xi32>
    %broadcast_in_dim3A_1441 = vector.broadcast %squeeze3A_1440 : i32 to vector<16xi32>
    %add3A_1442 = arith.addi %add3A_1272, %broadcast_in_dim3A_1441 : vector<16xi32>
    %eq3A_1443 = arith.constant 4 : i32
    %eq3A_1444 = vector.broadcast %eq3A_1443 : i32 to vector<16xi32>
    %eq3A_1445 = arith.cmpi eq, %get3A_1360, %eq3A_1444 : vector<16xi32>
    %jit3A_1446 = arith.constant 1 : i32
    %jit3A_1447 = arith.constant 0 : i32
    %broadcast_in_dim3A_1448 = vector.broadcast %jit3A_1446 : i32 to vector<16xi32>
    %broadcast_in_dim3A_1449 = vector.broadcast %jit3A_1447 : i32 to vector<16xi32>
    %select_n3A_1450 = arith.select %eq3A_1445, %broadcast_in_dim3A_1448, %broadcast_in_dim3A_1449 : vector<16xi1>, vector<16xi32>
    %broadcast_in_dim3A_1451 = arith.constant true
    %broadcast_in_dim3A_1452 = vector.broadcast %broadcast_in_dim3A_1451 : i1 to vector<16xi1>
    %masked_cumsum3A_1453 = tpu.scan <sum>, %select_n3A_1450 masked %broadcast_in_dim3A_1452 : vector<16xi32>, vector<16xi1> -> vector<16xi32>
    %add3A_1454 = arith.addi %add3A_1292, %masked_cumsum3A_1453 : vector<16xi32>
    %sub3A_1455 = arith.constant 1 : i32
    %sub3A_1456 = vector.broadcast %sub3A_1455 : i32 to vector<16xi32>
    %sub3A_1457 = arith.subi %add3A_1454, %sub3A_1456 : vector<16xi32>
    %select_n3A_1458 = arith.select %eq3A_1445, %sub3A_1457, %select_n3A_1438 : vector<16xi1>, vector<16xi32>
    %slice3A_1459 = vector.extract_strided_slice %masked_cumsum3A_1453 {offsets = [15], sizes = [1], strides = [1]} : vector<16xi32> to vector<1xi32>
    %squeeze3A_1460 = vector.extract %slice3A_1459[0] : i32 from vector<1xi32>
    %broadcast_in_dim3A_1461 = vector.broadcast %squeeze3A_1460 : i32 to vector<16xi32>
    %add3A_1462 = arith.addi %add3A_1292, %broadcast_in_dim3A_1461 : vector<16xi32>
    %eq3A_1463 = arith.constant 5 : i32
    %eq3A_1464 = vector.broadcast %eq3A_1463 : i32 to vector<16xi32>
    %eq3A_1465 = arith.cmpi eq, %get3A_1360, %eq3A_1464 : vector<16xi32>
    %jit3A_1466 = arith.constant 1 : i32
    %jit3A_1467 = arith.constant 0 : i32
    %broadcast_in_dim3A_1468 = vector.broadcast %jit3A_1466 : i32 to vector<16xi32>
    %broadcast_in_dim3A_1469 = vector.broadcast %jit3A_1467 : i32 to vector<16xi32>
    %select_n3A_1470 = arith.select %eq3A_1465, %broadcast_in_dim3A_1468, %broadcast_in_dim3A_1469 : vector<16xi1>, vector<16xi32>
    %broadcast_in_dim3A_1471 = arith.constant true
    %broadcast_in_dim3A_1472 = vector.broadcast %broadcast_in_dim3A_1471 : i1 to vector<16xi1>
    %masked_cumsum3A_1473 = tpu.scan <sum>, %select_n3A_1470 masked %broadcast_in_dim3A_1472 : vector<16xi32>, vector<16xi1> -> vector<16xi32>
    %add3A_1474 = arith.addi %add3A_1312, %masked_cumsum3A_1473 : vector<16xi32>
    %sub3A_1475 = arith.constant 1 : i32
    %sub3A_1476 = vector.broadcast %sub3A_1475 : i32 to vector<16xi32>
    %sub3A_1477 = arith.subi %add3A_1474, %sub3A_1476 : vector<16xi32>
    %select_n3A_1478 = arith.select %eq3A_1465, %sub3A_1477, %select_n3A_1458 : vector<16xi1>, vector<16xi32>
    %slice3A_1479 = vector.extract_strided_slice %masked_cumsum3A_1473 {offsets = [15], sizes = [1], strides = [1]} : vector<16xi32> to vector<1xi32>
    %squeeze3A_1480 = vector.extract %slice3A_1479[0] : i32 from vector<1xi32>
    %broadcast_in_dim3A_1481 = vector.broadcast %squeeze3A_1480 : i32 to vector<16xi32>
    %add3A_1482 = arith.addi %add3A_1312, %broadcast_in_dim3A_1481 : vector<16xi32>
    %eq3A_1483 = arith.constant 6 : i32
    %eq3A_1484 = vector.broadcast %eq3A_1483 : i32 to vector<16xi32>
    %eq3A_1485 = arith.cmpi eq, %get3A_1360, %eq3A_1484 : vector<16xi32>
    %jit3A_1486 = arith.constant 1 : i32
    %jit3A_1487 = arith.constant 0 : i32
    %broadcast_in_dim3A_1488 = vector.broadcast %jit3A_1486 : i32 to vector<16xi32>
    %broadcast_in_dim3A_1489 = vector.broadcast %jit3A_1487 : i32 to vector<16xi32>
    %select_n3A_1490 = arith.select %eq3A_1485, %broadcast_in_dim3A_1488, %broadcast_in_dim3A_1489 : vector<16xi1>, vector<16xi32>
    %broadcast_in_dim3A_1491 = arith.constant true
    %broadcast_in_dim3A_1492 = vector.broadcast %broadcast_in_dim3A_1491 : i1 to vector<16xi1>
    %masked_cumsum3A_1493 = tpu.scan <sum>, %select_n3A_1490 masked %broadcast_in_dim3A_1492 : vector<16xi32>, vector<16xi1> -> vector<16xi32>
    %add3A_1494 = arith.addi %add3A_1332, %masked_cumsum3A_1493 : vector<16xi32>
    %sub3A_1495 = arith.constant 1 : i32
    %sub3A_1496 = vector.broadcast %sub3A_1495 : i32 to vector<16xi32>
    %sub3A_1497 = arith.subi %add3A_1494, %sub3A_1496 : vector<16xi32>
    %select_n3A_1498 = arith.select %eq3A_1485, %sub3A_1497, %select_n3A_1478 : vector<16xi1>, vector<16xi32>
    %slice3A_1499 = vector.extract_strided_slice %masked_cumsum3A_1493 {offsets = [15], sizes = [1], strides = [1]} : vector<16xi32> to vector<1xi32>
    %squeeze3A_1500 = vector.extract %slice3A_1499[0] : i32 from vector<1xi32>
    %broadcast_in_dim3A_1501 = vector.broadcast %squeeze3A_1500 : i32 to vector<16xi32>
    %add3A_1502 = arith.addi %add3A_1332, %broadcast_in_dim3A_1501 : vector<16xi32>
    %eq3A_1503 = arith.constant 7 : i32
    %eq3A_1504 = vector.broadcast %eq3A_1503 : i32 to vector<16xi32>
    %eq3A_1505 = arith.cmpi eq, %get3A_1360, %eq3A_1504 : vector<16xi32>
    %jit3A_1506 = arith.constant 1 : i32
    %jit3A_1507 = arith.constant 0 : i32
    %broadcast_in_dim3A_1508 = vector.broadcast %jit3A_1506 : i32 to vector<16xi32>
    %broadcast_in_dim3A_1509 = vector.broadcast %jit3A_1507 : i32 to vector<16xi32>
    %select_n3A_1510 = arith.select %eq3A_1505, %broadcast_in_dim3A_1508, %broadcast_in_dim3A_1509 : vector<16xi1>, vector<16xi32>
    %broadcast_in_dim3A_1511 = arith.constant true
    %broadcast_in_dim3A_1512 = vector.broadcast %broadcast_in_dim3A_1511 : i1 to vector<16xi1>
    %masked_cumsum3A_1513 = tpu.scan <sum>, %select_n3A_1510 masked %broadcast_in_dim3A_1512 : vector<16xi32>, vector<16xi1> -> vector<16xi32>
    %add3A_1514 = arith.addi %add3A_1352, %masked_cumsum3A_1513 : vector<16xi32>
    %sub3A_1515 = arith.constant 1 : i32
    %sub3A_1516 = vector.broadcast %sub3A_1515 : i32 to vector<16xi32>
    %sub3A_1517 = arith.subi %add3A_1514, %sub3A_1516 : vector<16xi32>
    %select_n3A_1518 = arith.select %eq3A_1505, %sub3A_1517, %select_n3A_1498 : vector<16xi1>, vector<16xi32>
    %slice3A_1519 = vector.extract_strided_slice %masked_cumsum3A_1513 {offsets = [15], sizes = [1], strides = [1]} : vector<16xi32> to vector<1xi32>
    %squeeze3A_1520 = vector.extract %slice3A_1519[0] : i32 from vector<1xi32>
    %broadcast_in_dim3A_1521 = vector.broadcast %squeeze3A_1520 : i32 to vector<16xi32>
    %add3A_1522 = arith.addi %add3A_1352, %broadcast_in_dim3A_1521 : vector<16xi32>
    %swap3A_1523 = arith.constant 1 : i32
    %swap3A_1524 = arith.index_cast %swap3A_1523 : i32 to index
    %swap3A_1525 = arith.constant 32 : index
    %swap3A_1526 = tpu.vector_load %arg11[%swap3A_1524, %swap3A_1525] {strides = array<i32>} : memref<2x64xi32, #tpu.memory_space<vmem>>, vector<16xi32>,
    tpu.vector_store %arg11[%swap3A_1524, %swap3A_1525], %select_n3A_1518 {strides = array<i32>} : memref<2x64xi32, #tpu.memory_space<vmem>>, vector<16xi32>,
    %add3A_1527 = arith.constant 112 : i32
    %add3A_1528 = arith.addi %add3A, %add3A_1527 : i32
    %get3A_1529 = arith.index_cast %add3A_1528 : i32 to index
    %get3A_1530 = tpu.vector_load %arg9[%get3A_1529] {strides = array<i32>} : memref<4096xi32, #tpu.memory_space<vmem>>, vector<16xi32>,
    %broadcast_in_dim3A_1531 = arith.constant 0 : i32
    %broadcast_in_dim3A_1532 = vector.broadcast %broadcast_in_dim3A_1531 : i32 to vector<16xi32>
    %eq3A_1533 = arith.constant 0 : i32
    %eq3A_1534 = vector.broadcast %eq3A_1533 : i32 to vector<16xi32>
    %eq3A_1535 = arith.cmpi eq, %get3A_1530, %eq3A_1534 : vector<16xi32>
    %jit3A_1536 = arith.constant 1 : i32
    %jit3A_1537 = arith.constant 0 : i32
    %broadcast_in_dim3A_1538 = vector.broadcast %jit3A_1536 : i32 to vector<16xi32>
    %broadcast_in_dim3A_1539 = vector.broadcast %jit3A_1537 : i32 to vector<16xi32>
    %select_n3A_1540 = arith.select %eq3A_1535, %broadcast_in_dim3A_1538, %broadcast_in_dim3A_1539 : vector<16xi1>, vector<16xi32>
    %broadcast_in_dim3A_1541 = arith.constant true
    %broadcast_in_dim3A_1542 = vector.broadcast %broadcast_in_dim3A_1541 : i1 to vector<16xi1>
    %masked_cumsum3A_1543 = tpu.scan <sum>, %select_n3A_1540 masked %broadcast_in_dim3A_1542 : vector<16xi32>, vector<16xi1> -> vector<16xi32>
    %add3A_1544 = arith.addi %add3A_1382, %masked_cumsum3A_1543 : vector<16xi32>
    %sub3A_1545 = arith.constant 1 : i32
    %sub3A_1546 = vector.broadcast %sub3A_1545 : i32 to vector<16xi32>
    %sub3A_1547 = arith.subi %add3A_1544, %sub3A_1546 : vector<16xi32>
    %select_n3A_1548 = arith.select %eq3A_1535, %sub3A_1547, %broadcast_in_dim3A_1532 : vector<16xi1>, vector<16xi32>
    %slice3A_1549 = vector.extract_strided_slice %masked_cumsum3A_1543 {offsets = [15], sizes = [1], strides = [1]} : vector<16xi32> to vector<1xi32>
    %squeeze3A_1550 = vector.extract %slice3A_1549[0] : i32 from vector<1xi32>
    %broadcast_in_dim3A_1551 = vector.broadcast %squeeze3A_1550 : i32 to vector<16xi32>
    %add3A_1552 = arith.addi %add3A_1382, %broadcast_in_dim3A_1551 : vector<16xi32>
    %eq3A_1553 = arith.constant 1 : i32
    %eq3A_1554 = vector.broadcast %eq3A_1553 : i32 to vector<16xi32>
    %eq3A_1555 = arith.cmpi eq, %get3A_1530, %eq3A_1554 : vector<16xi32>
    %jit3A_1556 = arith.constant 1 : i32
    %jit3A_1557 = arith.constant 0 : i32
    %broadcast_in_dim3A_1558 = vector.broadcast %jit3A_1556 : i32 to vector<16xi32>
    %broadcast_in_dim3A_1559 = vector.broadcast %jit3A_1557 : i32 to vector<16xi32>
    %select_n3A_1560 = arith.select %eq3A_1555, %broadcast_in_dim3A_1558, %broadcast_in_dim3A_1559 : vector<16xi1>, vector<16xi32>
    %broadcast_in_dim3A_1561 = arith.constant true
    %broadcast_in_dim3A_1562 = vector.broadcast %broadcast_in_dim3A_1561 : i1 to vector<16xi1>
    %masked_cumsum3A_1563 = tpu.scan <sum>, %select_n3A_1560 masked %broadcast_in_dim3A_1562 : vector<16xi32>, vector<16xi1> -> vector<16xi32>
    %add3A_1564 = arith.addi %add3A_1402, %masked_cumsum3A_1563 : vector<16xi32>
    %sub3A_1565 = arith.constant 1 : i32
    %sub3A_1566 = vector.broadcast %sub3A_1565 : i32 to vector<16xi32>
    %sub3A_1567 = arith.subi %add3A_1564, %sub3A_1566 : vector<16xi32>
    %select_n3A_1568 = arith.select %eq3A_1555, %sub3A_1567, %select_n3A_1548 : vector<16xi1>, vector<16xi32>
    %slice3A_1569 = vector.extract_strided_slice %masked_cumsum3A_1563 {offsets = [15], sizes = [1], strides = [1]} : vector<16xi32> to vector<1xi32>
    %squeeze3A_1570 = vector.extract %slice3A_1569[0] : i32 from vector<1xi32>
    %broadcast_in_dim3A_1571 = vector.broadcast %squeeze3A_1570 : i32 to vector<16xi32>
    %add3A_1572 = arith.addi %add3A_1402, %broadcast_in_dim3A_1571 : vector<16xi32>
    %eq3A_1573 = arith.constant 2 : i32
    %eq3A_1574 = vector.broadcast %eq3A_1573 : i32 to vector<16xi32>
    %eq3A_1575 = arith.cmpi eq, %get3A_1530, %eq3A_1574 : vector<16xi32>
    %jit3A_1576 = arith.constant 1 : i32
    %jit3A_1577 = arith.constant 0 : i32
    %broadcast_in_dim3A_1578 = vector.broadcast %jit3A_1576 : i32 to vector<16xi32>
    %broadcast_in_dim3A_1579 = vector.broadcast %jit3A_1577 : i32 to vector<16xi32>
    %select_n3A_1580 = arith.select %eq3A_1575, %broadcast_in_dim3A_1578, %broadcast_in_dim3A_1579 : vector<16xi1>, vector<16xi32>
    %broadcast_in_dim3A_1581 = arith.constant true
    %broadcast_in_dim3A_1582 = vector.broadcast %broadcast_in_dim3A_1581 : i1 to vector<16xi1>
    %masked_cumsum3A_1583 = tpu.scan <sum>, %select_n3A_1580 masked %broadcast_in_dim3A_1582 : vector<16xi32>, vector<16xi1> -> vector<16xi32>
    %add3A_1584 = arith.addi %add3A_1422, %masked_cumsum3A_1583 : vector<16xi32>
    %sub3A_1585 = arith.constant 1 : i32
    %sub3A_1586 = vector.broadcast %sub3A_1585 : i32 to vector<16xi32>
    %sub3A_1587 = arith.subi %add3A_1584, %sub3A_1586 : vector<16xi32>
    %select_n3A_1588 = arith.select %eq3A_1575, %sub3A_1587, %select_n3A_1568 : vector<16xi1>, vector<16xi32>
    %slice3A_1589 = vector.extract_strided_slice %masked_cumsum3A_1583 {offsets = [15], sizes = [1], strides = [1]} : vector<16xi32> to vector<1xi32>
    %squeeze3A_1590 = vector.extract %slice3A_1589[0] : i32 from vector<1xi32>
    %broadcast_in_dim3A_1591 = vector.broadcast %squeeze3A_1590 : i32 to vector<16xi32>
    %add3A_1592 = arith.addi %add3A_1422, %broadcast_in_dim3A_1591 : vector<16xi32>
    %eq3A_1593 = arith.constant 3 : i32
    %eq3A_1594 = vector.broadcast %eq3A_1593 : i32 to vector<16xi32>
    %eq3A_1595 = arith.cmpi eq, %get3A_1530, %eq3A_1594 : vector<16xi32>
    %jit3A_1596 = arith.constant 1 : i32
    %jit3A_1597 = arith.constant 0 : i32
    %broadcast_in_dim3A_1598 = vector.broadcast %jit3A_1596 : i32 to vector<16xi32>
    %broadcast_in_dim3A_1599 = vector.broadcast %jit3A_1597 : i32 to vector<16xi32>
    %select_n3A_1600 = arith.select %eq3A_1595, %broadcast_in_dim3A_1598, %broadcast_in_dim3A_1599 : vector<16xi1>, vector<16xi32>
    %broadcast_in_dim3A_1601 = arith.constant true
    %broadcast_in_dim3A_1602 = vector.broadcast %broadcast_in_dim3A_1601 : i1 to vector<16xi1>
    %masked_cumsum3A_1603 = tpu.scan <sum>, %select_n3A_1600 masked %broadcast_in_dim3A_1602 : vector<16xi32>, vector<16xi1> -> vector<16xi32>
    %add3A_1604 = arith.addi %add3A_1442, %masked_cumsum3A_1603 : vector<16xi32>
    %sub3A_1605 = arith.constant 1 : i32
    %sub3A_1606 = vector.broadcast %sub3A_1605 : i32 to vector<16xi32>
    %sub3A_1607 = arith.subi %add3A_1604, %sub3A_1606 : vector<16xi32>
    %select_n3A_1608 = arith.select %eq3A_1595, %sub3A_1607, %select_n3A_1588 : vector<16xi1>, vector<16xi32>
    %slice3A_1609 = vector.extract_strided_slice %masked_cumsum3A_1603 {offsets = [15], sizes = [1], strides = [1]} : vector<16xi32> to vector<1xi32>
    %squeeze3A_1610 = vector.extract %slice3A_1609[0] : i32 from vector<1xi32>
    %broadcast_in_dim3A_1611 = vector.broadcast %squeeze3A_1610 : i32 to vector<16xi32>
    %add3A_1612 = arith.addi %add3A_1442, %broadcast_in_dim3A_1611 : vector<16xi32>
    %eq3A_1613 = arith.constant 4 : i32
    %eq3A_1614 = vector.broadcast %eq3A_1613 : i32 to vector<16xi32>
    %eq3A_1615 = arith.cmpi eq, %get3A_1530, %eq3A_1614 : vector<16xi32>
    %jit3A_1616 = arith.constant 1 : i32
    %jit3A_1617 = arith.constant 0 : i32
    %broadcast_in_dim3A_1618 = vector.broadcast %jit3A_1616 : i32 to vector<16xi32>
    %broadcast_in_dim3A_1619 = vector.broadcast %jit3A_1617 : i32 to vector<16xi32>
    %select_n3A_1620 = arith.select %eq3A_1615, %broadcast_in_dim3A_1618, %broadcast_in_dim3A_1619 : vector<16xi1>, vector<16xi32>
    %broadcast_in_dim3A_1621 = arith.constant true
    %broadcast_in_dim3A_1622 = vector.broadcast %broadcast_in_dim3A_1621 : i1 to vector<16xi1>
    %masked_cumsum3A_1623 = tpu.scan <sum>, %select_n3A_1620 masked %broadcast_in_dim3A_1622 : vector<16xi32>, vector<16xi1> -> vector<16xi32>
    %add3A_1624 = arith.addi %add3A_1462, %masked_cumsum3A_1623 : vector<16xi32>
    %sub3A_1625 = arith.constant 1 : i32
    %sub3A_1626 = vector.broadcast %sub3A_1625 : i32 to vector<16xi32>
    %sub3A_1627 = arith.subi %add3A_1624, %sub3A_1626 : vector<16xi32>
    %select_n3A_1628 = arith.select %eq3A_1615, %sub3A_1627, %select_n3A_1608 : vector<16xi1>, vector<16xi32>
    %slice3A_1629 = vector.extract_strided_slice %masked_cumsum3A_1623 {offsets = [15], sizes = [1], strides = [1]} : vector<16xi32> to vector<1xi32>
    %squeeze3A_1630 = vector.extract %slice3A_1629[0] : i32 from vector<1xi32>
    %broadcast_in_dim3A_1631 = vector.broadcast %squeeze3A_1630 : i32 to vector<16xi32>
    %add3A_1632 = arith.addi %add3A_1462, %broadcast_in_dim3A_1631 : vector<16xi32>
    %eq3A_1633 = arith.constant 5 : i32
    %eq3A_1634 = vector.broadcast %eq3A_1633 : i32 to vector<16xi32>
    %eq3A_1635 = arith.cmpi eq, %get3A_1530, %eq3A_1634 : vector<16xi32>
    %jit3A_1636 = arith.constant 1 : i32
    %jit3A_1637 = arith.constant 0 : i32
    %broadcast_in_dim3A_1638 = vector.broadcast %jit3A_1636 : i32 to vector<16xi32>
    %broadcast_in_dim3A_1639 = vector.broadcast %jit3A_1637 : i32 to vector<16xi32>
    %select_n3A_1640 = arith.select %eq3A_1635, %broadcast_in_dim3A_1638, %broadcast_in_dim3A_1639 : vector<16xi1>, vector<16xi32>
    %broadcast_in_dim3A_1641 = arith.constant true
    %broadcast_in_dim3A_1642 = vector.broadcast %broadcast_in_dim3A_1641 : i1 to vector<16xi1>
    %masked_cumsum3A_1643 = tpu.scan <sum>, %select_n3A_1640 masked %broadcast_in_dim3A_1642 : vector<16xi32>, vector<16xi1> -> vector<16xi32>
    %add3A_1644 = arith.addi %add3A_1482, %masked_cumsum3A_1643 : vector<16xi32>
    %sub3A_1645 = arith.constant 1 : i32
    %sub3A_1646 = vector.broadcast %sub3A_1645 : i32 to vector<16xi32>
    %sub3A_1647 = arith.subi %add3A_1644, %sub3A_1646 : vector<16xi32>
    %select_n3A_1648 = arith.select %eq3A_1635, %sub3A_1647, %select_n3A_1628 : vector<16xi1>, vector<16xi32>
    %slice3A_1649 = vector.extract_strided_slice %masked_cumsum3A_1643 {offsets = [15], sizes = [1], strides = [1]} : vector<16xi32> to vector<1xi32>
    %squeeze3A_1650 = vector.extract %slice3A_1649[0] : i32 from vector<1xi32>
    %broadcast_in_dim3A_1651 = vector.broadcast %squeeze3A_1650 : i32 to vector<16xi32>
    %add3A_1652 = arith.addi %add3A_1482, %broadcast_in_dim3A_1651 : vector<16xi32>
    %eq3A_1653 = arith.constant 6 : i32
    %eq3A_1654 = vector.broadcast %eq3A_1653 : i32 to vector<16xi32>
    %eq3A_1655 = arith.cmpi eq, %get3A_1530, %eq3A_1654 : vector<16xi32>
    %jit3A_1656 = arith.constant 1 : i32
    %jit3A_1657 = arith.constant 0 : i32
    %broadcast_in_dim3A_1658 = vector.broadcast %jit3A_1656 : i32 to vector<16xi32>
    %broadcast_in_dim3A_1659 = vector.broadcast %jit3A_1657 : i32 to vector<16xi32>
    %select_n3A_1660 = arith.select %eq3A_1655, %broadcast_in_dim3A_1658, %broadcast_in_dim3A_1659 : vector<16xi1>, vector<16xi32>
    %broadcast_in_dim3A_1661 = arith.constant true
    %broadcast_in_dim3A_1662 = vector.broadcast %broadcast_in_dim3A_1661 : i1 to vector<16xi1>
    %masked_cumsum3A_1663 = tpu.scan <sum>, %select_n3A_1660 masked %broadcast_in_dim3A_1662 : vector<16xi32>, vector<16xi1> -> vector<16xi32>
    %add3A_1664 = arith.addi %add3A_1502, %masked_cumsum3A_1663 : vector<16xi32>
    %sub3A_1665 = arith.constant 1 : i32
    %sub3A_1666 = vector.broadcast %sub3A_1665 : i32 to vector<16xi32>
    %sub3A_1667 = arith.subi %add3A_1664, %sub3A_1666 : vector<16xi32>
    %select_n3A_1668 = arith.select %eq3A_1655, %sub3A_1667, %select_n3A_1648 : vector<16xi1>, vector<16xi32>
    %slice3A_1669 = vector.extract_strided_slice %masked_cumsum3A_1663 {offsets = [15], sizes = [1], strides = [1]} : vector<16xi32> to vector<1xi32>
    %squeeze3A_1670 = vector.extract %slice3A_1669[0] : i32 from vector<1xi32>
    %broadcast_in_dim3A_1671 = vector.broadcast %squeeze3A_1670 : i32 to vector<16xi32>
    %add3A_1672 = arith.addi %add3A_1502, %broadcast_in_dim3A_1671 : vector<16xi32>
    %eq3A_1673 = arith.constant 7 : i32
    %eq3A_1674 = vector.broadcast %eq3A_1673 : i32 to vector<16xi32>
    %eq3A_1675 = arith.cmpi eq, %get3A_1530, %eq3A_1674 : vector<16xi32>
    %jit3A_1676 = arith.constant 1 : i32
    %jit3A_1677 = arith.constant 0 : i32
    %broadcast_in_dim3A_1678 = vector.broadcast %jit3A_1676 : i32 to vector<16xi32>
    %broadcast_in_dim3A_1679 = vector.broadcast %jit3A_1677 : i32 to vector<16xi32>
    %select_n3A_1680 = arith.select %eq3A_1675, %broadcast_in_dim3A_1678, %broadcast_in_dim3A_1679 : vector<16xi1>, vector<16xi32>
    %broadcast_in_dim3A_1681 = arith.constant true
    %broadcast_in_dim3A_1682 = vector.broadcast %broadcast_in_dim3A_1681 : i1 to vector<16xi1>
    %masked_cumsum3A_1683 = tpu.scan <sum>, %select_n3A_1680 masked %broadcast_in_dim3A_1682 : vector<16xi32>, vector<16xi1> -> vector<16xi32>
    %add3A_1684 = arith.addi %add3A_1522, %masked_cumsum3A_1683 : vector<16xi32>
    %sub3A_1685 = arith.constant 1 : i32
    %sub3A_1686 = vector.broadcast %sub3A_1685 : i32 to vector<16xi32>
    %sub3A_1687 = arith.subi %add3A_1684, %sub3A_1686 : vector<16xi32>
    %select_n3A_1688 = arith.select %eq3A_1675, %sub3A_1687, %select_n3A_1668 : vector<16xi1>, vector<16xi32>
    %slice3A_1689 = vector.extract_strided_slice %masked_cumsum3A_1683 {offsets = [15], sizes = [1], strides = [1]} : vector<16xi32> to vector<1xi32>
    %squeeze3A_1690 = vector.extract %slice3A_1689[0] : i32 from vector<1xi32>
    %broadcast_in_dim3A_1691 = vector.broadcast %squeeze3A_1690 : i32 to vector<16xi32>
    %add3A_1692 = arith.addi %add3A_1522, %broadcast_in_dim3A_1691 : vector<16xi32>
    %swap3A_1693 = arith.constant 1 : i32
    %swap3A_1694 = arith.index_cast %swap3A_1693 : i32 to index
    %swap3A_1695 = arith.constant 48 : index
    %swap3A_1696 = tpu.vector_load %arg11[%swap3A_1694, %swap3A_1695] {strides = array<i32>} : memref<2x64xi32, #tpu.memory_space<vmem>>, vector<16xi32>,
    tpu.vector_store %arg11[%swap3A_1694, %swap3A_1695], %select_n3A_1688 {strides = array<i32>} : memref<2x64xi32, #tpu.memory_space<vmem>>, vector<16xi32>,
    %dma_wait3A = arith.constant 0 : i32
    %dma_wait3A_1697 = arith.constant 0 : i32
    %dma_wait3A_1698 = tpu.memref_slice %arg10[%dma_wait3A, %dma_wait3A_1697] : memref<2x64xf32, #tpu.memory_space<vmem>> -> memref<1x64xf32, #tpu.memory_space<vmem>>
    %dma_wait3A_1699 = tpu.memref_squeeze %dma_wait3A_1698 : memref<1x64xf32, #tpu.memory_space<vmem>> -> memref<64xf32, #tpu.memory_space<vmem>>
    %dma_wait3A_1700 = tpu.memref_slice %arg4[%add3A_4] : memref<4096xf32, #tpu.memory_space<hbm>> -> memref<64xf32, #tpu.memory_space<hbm>>
    %dma_wait3A_1701 = arith.constant 0 : i32
    %dma_wait3A_1702 = tpu.memref_slice %arg10[%dma_wait3A, %dma_wait3A_1701] : memref<2x64xf32, #tpu.memory_space<vmem>> -> memref<1x64xf32, #tpu.memory_space<vmem>>
    %dma_wait3A_1703 = tpu.memref_squeeze %dma_wait3A_1702 : memref<1x64xf32, #tpu.memory_space<vmem>> -> memref<64xf32, #tpu.memory_space<vmem>>
    %dma_wait3A_1704 = tpu.memref_slice %arg4[%add3A_4] : memref<4096xf32, #tpu.memory_space<hbm>> -> memref<64xf32, #tpu.memory_space<hbm>>
    tpu.wait_dma2 semaphore(%arg16 : memref<!tpu.dma_semaphore, #tpu.memory_space<semaphore_mem>>) src(%dma_wait3A_1704 : memref<64xf32, #tpu.memory_space<hbm>>) dst(%dma_wait3A_1703 : memref<64xf32, #tpu.memory_space<vmem>>)
    %dma_wait3A_1705 = arith.constant 1 : i32
    %dma_wait3A_1706 = arith.constant 0 : i32
    %dma_wait3A_1707 = tpu.memref_slice %arg10[%dma_wait3A_1705, %dma_wait3A_1706] : memref<2x64xf32, #tpu.memory_space<vmem>> -> memref<1x64xf32, #tpu.memory_space<vmem>>
    %dma_wait3A_1708 = tpu.memref_squeeze %dma_wait3A_1707 : memref<1x64xf32, #tpu.memory_space<vmem>> -> memref<64xf32, #tpu.memory_space<vmem>>
    %dma_wait3A_1709 = tpu.memref_slice %arg4[%add3A_14] : memref<4096xf32, #tpu.memory_space<hbm>> -> memref<64xf32, #tpu.memory_space<hbm>>
    %dma_wait3A_1710 = arith.constant 0 : i32
    %dma_wait3A_1711 = tpu.memref_slice %arg10[%dma_wait3A_1705, %dma_wait3A_1710] : memref<2x64xf32, #tpu.memory_space<vmem>> -> memref<1x64xf32, #tpu.memory_space<vmem>>
    %dma_wait3A_1712 = tpu.memref_squeeze %dma_wait3A_1711 : memref<1x64xf32, #tpu.memory_space<vmem>> -> memref<64xf32, #tpu.memory_space<vmem>>
    %dma_wait3A_1713 = tpu.memref_slice %arg4[%add3A_14] : memref<4096xf32, #tpu.memory_space<hbm>> -> memref<64xf32, #tpu.memory_space<hbm>>
    tpu.wait_dma2 semaphore(%arg16 : memref<!tpu.dma_semaphore, #tpu.memory_space<semaphore_mem>>) src(%dma_wait3A_1713 : memref<64xf32, #tpu.memory_space<hbm>>) dst(%dma_wait3A_1712 : memref<64xf32, #tpu.memory_space<vmem>>)
    %add3A_1714 = arith.constant 0 : i32
    %add3A_1715 = arith.addi %add3A, %add3A_1714 : i32
    %dma_start3A_1716 = arith.constant 0 : i32
    %dma_start3A_1717 = arith.constant 0 : i32
    %dma_start3A_1718 = tpu.memref_slice %arg11[%dma_start3A_1716, %dma_start3A_1717] : memref<2x64xi32, #tpu.memory_space<vmem>> -> memref<1x64xi32, #tpu.memory_space<vmem>>
    %dma_start3A_1719 = tpu.memref_squeeze %dma_start3A_1718 : memref<1x64xi32, #tpu.memory_space<vmem>> -> memref<64xi32, #tpu.memory_space<vmem>>
    %dma_start3A_1720 = tpu.memref_slice %arg6[%add3A_1715] : memref<4096xi32, #tpu.memory_space<hbm>> -> memref<64xi32, #tpu.memory_space<hbm>>
    %dma_start3A_1721 = tpu.memref_slice %arg6[%add3A_1715] : memref<4096xi32, #tpu.memory_space<hbm>> -> memref<64xi32, #tpu.memory_space<hbm>>
    %dma_start3A_1722 = arith.constant 0 : i32
    %dma_start3A_1723 = tpu.memref_slice %arg11[%dma_start3A_1716, %dma_start3A_1722] : memref<2x64xi32, #tpu.memory_space<vmem>> -> memref<1x64xi32, #tpu.memory_space<vmem>>
    %dma_start3A_1724 = tpu.memref_squeeze %dma_start3A_1723 : memref<1x64xi32, #tpu.memory_space<vmem>> -> memref<64xi32, #tpu.memory_space<vmem>>
    tpu.enqueue_dma source(%dma_start3A_1724 : memref<64xi32, #tpu.memory_space<vmem>>) target(%dma_start3A_1721 : memref<64xi32, #tpu.memory_space<hbm>>) target_semaphore(%arg17 : memref<!tpu.dma_semaphore, #tpu.memory_space<semaphore_mem>>)
    %add3A_1725 = arith.constant 64 : i32
    %add3A_1726 = arith.addi %add3A, %add3A_1725 : i32
    %dma_start3A_1727 = arith.constant 1 : i32
    %dma_start3A_1728 = arith.constant 0 : i32
    %dma_start3A_1729 = tpu.memref_slice %arg11[%dma_start3A_1727, %dma_start3A_1728] : memref<2x64xi32, #tpu.memory_space<vmem>> -> memref<1x64xi32, #tpu.memory_space<vmem>>
    %dma_start3A_1730 = tpu.memref_squeeze %dma_start3A_1729 : memref<1x64xi32, #tpu.memory_space<vmem>> -> memref<64xi32, #tpu.memory_space<vmem>>
    %dma_start3A_1731 = tpu.memref_slice %arg6[%add3A_1726] : memref<4096xi32, #tpu.memory_space<hbm>> -> memref<64xi32, #tpu.memory_space<hbm>>
    %dma_start3A_1732 = tpu.memref_slice %arg6[%add3A_1726] : memref<4096xi32, #tpu.memory_space<hbm>> -> memref<64xi32, #tpu.memory_space<hbm>>
    %dma_start3A_1733 = arith.constant 0 : i32
    %dma_start3A_1734 = tpu.memref_slice %arg11[%dma_start3A_1727, %dma_start3A_1733] : memref<2x64xi32, #tpu.memory_space<vmem>> -> memref<1x64xi32, #tpu.memory_space<vmem>>
    %dma_start3A_1735 = tpu.memref_squeeze %dma_start3A_1734 : memref<1x64xi32, #tpu.memory_space<vmem>> -> memref<64xi32, #tpu.memory_space<vmem>>
    tpu.enqueue_dma source(%dma_start3A_1735 : memref<64xi32, #tpu.memory_space<vmem>>) target(%dma_start3A_1732 : memref<64xi32, #tpu.memory_space<hbm>>) target_semaphore(%arg17 : memref<!tpu.dma_semaphore, #tpu.memory_space<semaphore_mem>>)
    %dma_start3A_1736 = arith.constant 0 : i32
    %dma_start3A_1737 = arith.constant 0 : i32
    %dma_start3A_1738 = arith.constant 0 : i32
    %dma_start3A_1739 = tpu.memref_slice %arg10[%dma_start3A_1736, %dma_start3A_1738] : memref<2x64xf32, #tpu.memory_space<vmem>> -> memref<1x64xf32, #tpu.memory_space<vmem>>
    %dma_start3A_1740 = tpu.memref_squeeze %dma_start3A_1739 : memref<1x64xf32, #tpu.memory_space<vmem>> -> memref<64xf32, #tpu.memory_space<vmem>>
    %dma_start3A_1741 = arith.constant 0 : i32
    %dma_start3A_1742 = tpu.memref_slice %arg11[%dma_start3A_1737, %dma_start3A_1741] : memref<2x64xi32, #tpu.memory_space<vmem>> -> memref<1x64xi32, #tpu.memory_space<vmem>>
    %dma_start3A_1743 = tpu.memref_squeeze %dma_start3A_1742 : memref<1x64xi32, #tpu.memory_space<vmem>> -> memref<64xi32, #tpu.memory_space<vmem>>
    %dma_start3A_1744 = arith.constant 0 : i32
    %dma_start3A_1745 = tpu.memref_slice %arg8[%dma_start3A_1744] : memref<5120xf32, #tpu.memory_space<hbm>> -> memref<5120xf32, #tpu.memory_space<hbm>>
    tpu.enqueue_indirect_dma source(%dma_start3A_1740 : memref<64xf32, #tpu.memory_space<vmem>>) target(%dma_start3A_1745 : memref<5120xf32, #tpu.memory_space<hbm>>) offsets(%dma_start3A_1743 : memref<64xi32, #tpu.memory_space<vmem>>) semaphore(%arg18 : memref<!tpu.dma_semaphore, #tpu.memory_space<semaphore_mem>>)
    %dma_start3A_1746 = arith.constant 1 : i32
    %dma_start3A_1747 = arith.constant 1 : i32
    %dma_start3A_1748 = arith.constant 0 : i32
    %dma_start3A_1749 = tpu.memref_slice %arg10[%dma_start3A_1746, %dma_start3A_1748] : memref<2x64xf32, #tpu.memory_space<vmem>> -> memref<1x64xf32, #tpu.memory_space<vmem>>
    %dma_start3A_1750 = tpu.memref_squeeze %dma_start3A_1749 : memref<1x64xf32, #tpu.memory_space<vmem>> -> memref<64xf32, #tpu.memory_space<vmem>>
    %dma_start3A_1751 = arith.constant 0 : i32
    %dma_start3A_1752 = tpu.memref_slice %arg11[%dma_start3A_1747, %dma_start3A_1751] : memref<2x64xi32, #tpu.memory_space<vmem>> -> memref<1x64xi32, #tpu.memory_space<vmem>>
    %dma_start3A_1753 = tpu.memref_squeeze %dma_start3A_1752 : memref<1x64xi32, #tpu.memory_space<vmem>> -> memref<64xi32, #tpu.memory_space<vmem>>
    %dma_start3A_1754 = arith.constant 0 : i32
    %dma_start3A_1755 = tpu.memref_slice %arg8[%dma_start3A_1754] : memref<5120xf32, #tpu.memory_space<hbm>> -> memref<5120xf32, #tpu.memory_space<hbm>>
    tpu.enqueue_indirect_dma source(%dma_start3A_1750 : memref<64xf32, #tpu.memory_space<vmem>>) target(%dma_start3A_1755 : memref<5120xf32, #tpu.memory_space<hbm>>) offsets(%dma_start3A_1753 : memref<64xi32, #tpu.memory_space<vmem>>) semaphore(%arg18 : memref<!tpu.dma_semaphore, #tpu.memory_space<semaphore_mem>>)
    %mul3A_1756 = arith.constant 128 : i32
    %mul3A_1757 = arith.muli %arg1, %mul3A_1756 : i32
    %dma_start3A_1758 = arith.constant 0 : i32
    %dma_start3A_1759 = tpu.memref_slice %arg2[%mul3A_1757, %dma_start3A_1758] : memref<2048x768xf32, #tpu.memory_space<hbm>> -> memref<64x768xf32, #tpu.memory_space<hbm>>
    %dma_start3A_1760 = arith.constant 0 : i32
    %dma_start3A_1761 = tpu.memref_slice %arg2[%mul3A_1757, %dma_start3A_1760] : memref<2048x768xf32, #tpu.memory_space<hbm>> -> memref<64x768xf32, #tpu.memory_space<hbm>>
    tpu.enqueue_dma source(%dma_start3A_1761 : memref<64x768xf32, #tpu.memory_space<hbm>>) target(%arg13 : memref<64x768xf32, #tpu.memory_space<vmem>>) target_semaphore(%arg15 : memref<!tpu.dma_semaphore, #tpu.memory_space<semaphore_mem>>)
    %add3A_1762 = arith.constant 64 : i32
    %add3A_1763 = arith.addi %mul3A_1757, %add3A_1762 : i32
    %dma_start3A_1764 = arith.constant 0 : i32
    %dma_start3A_1765 = tpu.memref_slice %arg2[%add3A_1763, %dma_start3A_1764] : memref<2048x768xf32, #tpu.memory_space<hbm>> -> memref<64x768xf32, #tpu.memory_space<hbm>>
    %dma_start3A_1766 = arith.constant 0 : i32
    %dma_start3A_1767 = tpu.memref_slice %arg2[%add3A_1763, %dma_start3A_1766] : memref<2048x768xf32, #tpu.memory_space<hbm>> -> memref<64x768xf32, #tpu.memory_space<hbm>>
    tpu.enqueue_dma source(%dma_start3A_1767 : memref<64x768xf32, #tpu.memory_space<hbm>>) target(%arg14 : memref<64x768xf32, #tpu.memory_space<vmem>>) target_semaphore(%arg16 : memref<!tpu.dma_semaphore, #tpu.memory_space<semaphore_mem>>)
    %dma_wait3A_1768 = arith.constant 0 : i32
    %dma_wait3A_1769 = tpu.memref_slice %arg2[%mul3A_1757, %dma_wait3A_1768] : memref<2048x768xf32, #tpu.memory_space<hbm>> -> memref<64x768xf32, #tpu.memory_space<hbm>>
    %dma_wait3A_1770 = arith.constant 0 : i32
    %dma_wait3A_1771 = tpu.memref_slice %arg2[%mul3A_1757, %dma_wait3A_1770] : memref<2048x768xf32, #tpu.memory_space<hbm>> -> memref<64x768xf32, #tpu.memory_space<hbm>>
    tpu.wait_dma2 semaphore(%arg15 : memref<!tpu.dma_semaphore, #tpu.memory_space<semaphore_mem>>) src(%dma_wait3A_1771 : memref<64x768xf32, #tpu.memory_space<hbm>>) dst(%arg13 : memref<64x768xf32, #tpu.memory_space<vmem>>)
    %dma_start3A_1772 = arith.constant 0 : i32
    %dma_start3A_1773 = arith.constant 0 : i32
    %dma_start3A_1774 = tpu.memref_slice %arg11[%dma_start3A_1772, %dma_start3A_1773] : memref<2x64xi32, #tpu.memory_space<vmem>> -> memref<1x64xi32, #tpu.memory_space<vmem>>
    %dma_start3A_1775 = tpu.memref_squeeze %dma_start3A_1774 : memref<1x64xi32, #tpu.memory_space<vmem>> -> memref<64xi32, #tpu.memory_space<vmem>>
    %dma_start3A_1776 = arith.constant 0 : i32
    %dma_start3A_1777 = arith.constant 0 : i32
    %dma_start3A_1778 = tpu.memref_slice %arg5[%dma_start3A_1776, %dma_start3A_1777] : memref<5120x768xf32, #tpu.memory_space<hbm>> -> memref<5120x768xf32, #tpu.memory_space<hbm>>
    tpu.enqueue_indirect_dma source(%arg13 : memref<64x768xf32, #tpu.memory_space<vmem>>) target(%dma_start3A_1778 : memref<5120x768xf32, #tpu.memory_space<hbm>>) offsets(%dma_start3A_1775 : memref<64xi32, #tpu.memory_space<vmem>>) semaphore(%arg19 : memref<!tpu.dma_semaphore, #tpu.memory_space<semaphore_mem>>)
    %dma_wait3A_1779 = arith.constant 0 : i32
    %dma_wait3A_1780 = tpu.memref_slice %arg2[%add3A_1763, %dma_wait3A_1779] : memref<2048x768xf32, #tpu.memory_space<hbm>> -> memref<64x768xf32, #tpu.memory_space<hbm>>
    %dma_wait3A_1781 = arith.constant 0 : i32
    %dma_wait3A_1782 = tpu.memref_slice %arg2[%add3A_1763, %dma_wait3A_1781] : memref<2048x768xf32, #tpu.memory_space<hbm>> -> memref<64x768xf32, #tpu.memory_space<hbm>>
    tpu.wait_dma2 semaphore(%arg16 : memref<!tpu.dma_semaphore, #tpu.memory_space<semaphore_mem>>) src(%dma_wait3A_1782 : memref<64x768xf32, #tpu.memory_space<hbm>>) dst(%arg14 : memref<64x768xf32, #tpu.memory_space<vmem>>)
    %dma_start3A_1783 = arith.constant 1 : i32
    %dma_start3A_1784 = arith.constant 0 : i32
    %dma_start3A_1785 = tpu.memref_slice %arg11[%dma_start3A_1783, %dma_start3A_1784] : memref<2x64xi32, #tpu.memory_space<vmem>> -> memref<1x64xi32, #tpu.memory_space<vmem>>
    %dma_start3A_1786 = tpu.memref_squeeze %dma_start3A_1785 : memref<1x64xi32, #tpu.memory_space<vmem>> -> memref<64xi32, #tpu.memory_space<vmem>>
    %dma_start3A_1787 = arith.constant 0 : i32
    %dma_start3A_1788 = arith.constant 0 : i32
    %dma_start3A_1789 = tpu.memref_slice %arg5[%dma_start3A_1787, %dma_start3A_1788] : memref<5120x768xf32, #tpu.memory_space<hbm>> -> memref<5120x768xf32, #tpu.memory_space<hbm>>
    tpu.enqueue_indirect_dma source(%arg14 : memref<64x768xf32, #tpu.memory_space<vmem>>) target(%dma_start3A_1789 : memref<5120x768xf32, #tpu.memory_space<hbm>>) offsets(%dma_start3A_1786 : memref<64xi32, #tpu.memory_space<vmem>>) semaphore(%arg20 : memref<!tpu.dma_semaphore, #tpu.memory_space<semaphore_mem>>)
    %dma_wait3A_1790 = arith.constant 0 : i32
    %dma_wait3A_1791 = arith.constant 0 : i32
    %dma_wait3A_1792 = tpu.memref_slice %arg11[%dma_wait3A_1790, %dma_wait3A_1791] : memref<2x64xi32, #tpu.memory_space<vmem>> -> memref<1x64xi32, #tpu.memory_space<vmem>>
    %dma_wait3A_1793 = tpu.memref_squeeze %dma_wait3A_1792 : memref<1x64xi32, #tpu.memory_space<vmem>> -> memref<64xi32, #tpu.memory_space<vmem>>
    %dma_wait3A_1794 = tpu.memref_slice %arg6[%add3A_1715] : memref<4096xi32, #tpu.memory_space<hbm>> -> memref<64xi32, #tpu.memory_space<hbm>>
    %dma_wait3A_1795 = tpu.memref_slice %arg6[%add3A_1715] : memref<4096xi32, #tpu.memory_space<hbm>> -> memref<64xi32, #tpu.memory_space<hbm>>
    %dma_wait3A_1796 = arith.constant 0 : i32
    %dma_wait3A_1797 = tpu.memref_slice %arg11[%dma_wait3A_1790, %dma_wait3A_1796] : memref<2x64xi32, #tpu.memory_space<vmem>> -> memref<1x64xi32, #tpu.memory_space<vmem>>
    %dma_wait3A_1798 = tpu.memref_squeeze %dma_wait3A_1797 : memref<1x64xi32, #tpu.memory_space<vmem>> -> memref<64xi32, #tpu.memory_space<vmem>>
    tpu.wait_dma2 semaphore(%arg17 : memref<!tpu.dma_semaphore, #tpu.memory_space<semaphore_mem>>) src(%dma_wait3A_1798 : memref<64xi32, #tpu.memory_space<vmem>>) dst(%dma_wait3A_1795 : memref<64xi32, #tpu.memory_space<hbm>>)
    %dma_wait3A_1799 = arith.constant 1 : i32
    %dma_wait3A_1800 = arith.constant 0 : i32
    %dma_wait3A_1801 = tpu.memref_slice %arg11[%dma_wait3A_1799, %dma_wait3A_1800] : memref<2x64xi32, #tpu.memory_space<vmem>> -> memref<1x64xi32, #tpu.memory_space<vmem>>
    %dma_wait3A_1802 = tpu.memref_squeeze %dma_wait3A_1801 : memref<1x64xi32, #tpu.memory_space<vmem>> -> memref<64xi32, #tpu.memory_space<vmem>>
    %dma_wait3A_1803 = tpu.memref_slice %arg6[%add3A_1726] : memref<4096xi32, #tpu.memory_space<hbm>> -> memref<64xi32, #tpu.memory_space<hbm>>
    %dma_wait3A_1804 = tpu.memref_slice %arg6[%add3A_1726] : memref<4096xi32, #tpu.memory_space<hbm>> -> memref<64xi32, #tpu.memory_space<hbm>>
    %dma_wait3A_1805 = arith.constant 0 : i32
    %dma_wait3A_1806 = tpu.memref_slice %arg11[%dma_wait3A_1799, %dma_wait3A_1805] : memref<2x64xi32, #tpu.memory_space<vmem>> -> memref<1x64xi32, #tpu.memory_space<vmem>>
    %dma_wait3A_1807 = tpu.memref_squeeze %dma_wait3A_1806 : memref<1x64xi32, #tpu.memory_space<vmem>> -> memref<64xi32, #tpu.memory_space<vmem>>
    tpu.wait_dma2 semaphore(%arg17 : memref<!tpu.dma_semaphore, #tpu.memory_space<semaphore_mem>>) src(%dma_wait3A_1807 : memref<64xi32, #tpu.memory_space<vmem>>) dst(%dma_wait3A_1804 : memref<64xi32, #tpu.memory_space<hbm>>)
    %dma_wait3A_1808 = arith.constant 0 : i32
    %dma_wait3A_1809 = arith.constant 0 : i32
    %dma_wait3A_1810 = arith.constant 0 : i32
    %dma_wait3A_1811 = tpu.memref_slice %arg10[%dma_wait3A_1808, %dma_wait3A_1810] : memref<2x64xf32, #tpu.memory_space<vmem>> -> memref<1x64xf32, #tpu.memory_space<vmem>>
    %dma_wait3A_1812 = tpu.memref_squeeze %dma_wait3A_1811 : memref<1x64xf32, #tpu.memory_space<vmem>> -> memref<64xf32, #tpu.memory_space<vmem>>
    %dma_wait3A_1813 = arith.constant 0 : i32
    %dma_wait3A_1814 = tpu.memref_slice %arg11[%dma_wait3A_1809, %dma_wait3A_1813] : memref<2x64xi32, #tpu.memory_space<vmem>> -> memref<1x64xi32, #tpu.memory_space<vmem>>
    %dma_wait3A_1815 = tpu.memref_squeeze %dma_wait3A_1814 : memref<1x64xi32, #tpu.memory_space<vmem>> -> memref<64xi32, #tpu.memory_space<vmem>>
    %dma_wait3A_1816 = arith.constant 0 : i32
    %dma_wait3A_1817 = tpu.memref_slice %arg8[%dma_wait3A_1816] : memref<5120xf32, #tpu.memory_space<hbm>> -> memref<5120xf32, #tpu.memory_space<hbm>>
    tpu.wait_indirect_dma semaphore(%arg18 : memref<!tpu.dma_semaphore, #tpu.memory_space<semaphore_mem>>) src(%dma_wait3A_1812 : memref<64xf32, #tpu.memory_space<vmem>>) dst(%dma_wait3A_1817 : memref<5120xf32, #tpu.memory_space<hbm>>)
    %dma_wait3A_1818 = arith.constant 1 : i32
    %dma_wait3A_1819 = arith.constant 1 : i32
    %dma_wait3A_1820 = arith.constant 0 : i32
    %dma_wait3A_1821 = tpu.memref_slice %arg10[%dma_wait3A_1818, %dma_wait3A_1820] : memref<2x64xf32, #tpu.memory_space<vmem>> -> memref<1x64xf32, #tpu.memory_space<vmem>>
    %dma_wait3A_1822 = tpu.memref_squeeze %dma_wait3A_1821 : memref<1x64xf32, #tpu.memory_space<vmem>> -> memref<64xf32, #tpu.memory_space<vmem>>
    %dma_wait3A_1823 = arith.constant 0 : i32
    %dma_wait3A_1824 = tpu.memref_slice %arg11[%dma_wait3A_1819, %dma_wait3A_1823] : memref<2x64xi32, #tpu.memory_space<vmem>> -> memref<1x64xi32, #tpu.memory_space<vmem>>
    %dma_wait3A_1825 = tpu.memref_squeeze %dma_wait3A_1824 : memref<1x64xi32, #tpu.memory_space<vmem>> -> memref<64xi32, #tpu.memory_space<vmem>>
    %dma_wait3A_1826 = arith.constant 0 : i32
    %dma_wait3A_1827 = tpu.memref_slice %arg8[%dma_wait3A_1826] : memref<5120xf32, #tpu.memory_space<hbm>> -> memref<5120xf32, #tpu.memory_space<hbm>>
    tpu.wait_indirect_dma semaphore(%arg18 : memref<!tpu.dma_semaphore, #tpu.memory_space<semaphore_mem>>) src(%dma_wait3A_1822 : memref<64xf32, #tpu.memory_space<vmem>>) dst(%dma_wait3A_1827 : memref<5120xf32, #tpu.memory_space<hbm>>)
    %dma_wait3A_1828 = arith.constant 0 : i32
    %dma_wait3A_1829 = arith.constant 0 : i32
    %dma_wait3A_1830 = tpu.memref_slice %arg11[%dma_wait3A_1828, %dma_wait3A_1829] : memref<2x64xi32, #tpu.memory_space<vmem>> -> memref<1x64xi32, #tpu.memory_space<vmem>>
    %dma_wait3A_1831 = tpu.memref_squeeze %dma_wait3A_1830 : memref<1x64xi32, #tpu.memory_space<vmem>> -> memref<64xi32, #tpu.memory_space<vmem>>
    %dma_wait3A_1832 = arith.constant 0 : i32
    %dma_wait3A_1833 = arith.constant 0 : i32
    %dma_wait3A_1834 = tpu.memref_slice %arg5[%dma_wait3A_1832, %dma_wait3A_1833] : memref<5120x768xf32, #tpu.memory_space<hbm>> -> memref<5120x768xf32, #tpu.memory_space<hbm>>
    tpu.wait_indirect_dma semaphore(%arg19 : memref<!tpu.dma_semaphore, #tpu.memory_space<semaphore_mem>>) src(%arg13 : memref<64x768xf32, #tpu.memory_space<vmem>>) dst(%dma_wait3A_1834 : memref<5120x768xf32, #tpu.memory_space<hbm>>)
    %dma_wait3A_1835 = arith.constant 1 : i32
    %dma_wait3A_1836 = arith.constant 0 : i32
    %dma_wait3A_1837 = tpu.memref_slice %arg11[%dma_wait3A_1835, %dma_wait3A_1836] : memref<2x64xi32, #tpu.memory_space<vmem>> -> memref<1x64xi32, #tpu.memory_space<vmem>>
    %dma_wait3A_1838 = tpu.memref_squeeze %dma_wait3A_1837 : memref<1x64xi32, #tpu.memory_space<vmem>> -> memref<64xi32, #tpu.memory_space<vmem>>
    %dma_wait3A_1839 = arith.constant 0 : i32
    %dma_wait3A_1840 = arith.constant 0 : i32
    %dma_wait3A_1841 = tpu.memref_slice %arg5[%dma_wait3A_1839, %dma_wait3A_1840] : memref<5120x768xf32, #tpu.memory_space<hbm>> -> memref<5120x768xf32, #tpu.memory_space<hbm>>
    tpu.wait_indirect_dma semaphore(%arg20 : memref<!tpu.dma_semaphore, #tpu.memory_space<semaphore_mem>>) src(%arg14 : memref<64x768xf32, #tpu.memory_space<vmem>>) dst(%dma_wait3A_1841 : memref<5120x768xf32, #tpu.memory_space<hbm>>)
    return
  }
}

#map = affine_map<(d0, d1) -> (0)>
#map1 = affine_map<(d0, d1) -> (0, 0)>
module attributes {stable_mosaic.version = 14 : i64} {
  func.func @_combine_body(%arg0: i32, %arg1: i32, %arg2: memref<4096xi32, #tpu.memory_space<hbm>>, %arg3: memref<5120x768xf32, #tpu.memory_space<hbm>>, %arg4: memref<2048x768xf32, #tpu.memory_space<hbm>>, %arg5: memref<2x32xi32, #tpu.memory_space<vmem>>, %arg6: memref<2x32xi32, #tpu.memory_space<vmem>>, %arg7: memref<32x768xf32, #tpu.memory_space<vmem>>, %arg8: memref<32x768xf32, #tpu.memory_space<vmem>>, %arg9: memref<32x768xf32, #tpu.memory_space<vmem>>, %arg10: memref<!tpu.dma_semaphore, #tpu.memory_space<semaphore_mem>>, %arg11: memref<!tpu.dma_semaphore, #tpu.memory_space<semaphore_mem>>, %arg12: memref<!tpu.dma_semaphore, #tpu.memory_space<semaphore_mem>>, %arg13: memref<!tpu.dma_semaphore, #tpu.memory_space<semaphore_mem>>, %arg14: memref<!tpu.dma_semaphore, #tpu.memory_space<semaphore_mem>>) attributes {dimension_semantics = [#tpu.dimension_semantics<core_parallel>, #tpu.dimension_semantics<subcore_parallel>], iteration_bounds = array<i64: 2, 16>, scalar_prefetch = 0 : i64, scratch_operands = 10 : i64, tpu.core_type = #tpu.core_type<sc_vector_subcore>, window_params = [{transform_indices = #map}, {transform_indices = #map1}, {transform_indices = #map1}]} {
    %mul3A = arith.constant 16 : i32
    %mul3A_0 = arith.muli %arg0, %mul3A : i32
    %add3A = arith.addi %mul3A_0, %arg1 : i32
    %mul3A_1 = arith.constant 64 : i32
    %mul3A_2 = arith.muli %add3A, %mul3A_1 : i32
    %add3A_3 = arith.constant 0 : i32
    %add3A_4 = arith.addi %mul3A_2, %add3A_3 : i32
    %dma_start3A = arith.constant 0 : i32
    %dma_start3A_5 = arith.constant 0 : i32
    %dma_start3A_6 = tpu.memref_slice %arg6[%dma_start3A, %dma_start3A_5] : memref<2x32xi32, #tpu.memory_space<vmem>> -> memref<1x32xi32, #tpu.memory_space<vmem>>
    %dma_start3A_7 = tpu.memref_squeeze %dma_start3A_6 : memref<1x32xi32, #tpu.memory_space<vmem>> -> memref<32xi32, #tpu.memory_space<vmem>>
    %dma_start3A_8 = tpu.memref_slice %arg2[%add3A_4] : memref<4096xi32, #tpu.memory_space<hbm>> -> memref<32xi32, #tpu.memory_space<hbm>>
    %dma_start3A_9 = arith.constant 0 : i32
    %dma_start3A_10 = tpu.memref_slice %arg6[%dma_start3A, %dma_start3A_9] : memref<2x32xi32, #tpu.memory_space<vmem>> -> memref<1x32xi32, #tpu.memory_space<vmem>>
    %dma_start3A_11 = tpu.memref_squeeze %dma_start3A_10 : memref<1x32xi32, #tpu.memory_space<vmem>> -> memref<32xi32, #tpu.memory_space<vmem>>
    %dma_start3A_12 = tpu.memref_slice %arg2[%add3A_4] : memref<4096xi32, #tpu.memory_space<hbm>> -> memref<32xi32, #tpu.memory_space<hbm>>
    tpu.enqueue_dma source(%dma_start3A_12 : memref<32xi32, #tpu.memory_space<hbm>>) target(%dma_start3A_11 : memref<32xi32, #tpu.memory_space<vmem>>) target_semaphore(%arg10 : memref<!tpu.dma_semaphore, #tpu.memory_space<semaphore_mem>>)
    %add3A_13 = arith.constant 2048 : i32
    %add3A_14 = arith.addi %add3A_13, %add3A_4 : i32
    %dma_start3A_15 = arith.constant 1 : i32
    %dma_start3A_16 = arith.constant 0 : i32
    %dma_start3A_17 = tpu.memref_slice %arg6[%dma_start3A_15, %dma_start3A_16] : memref<2x32xi32, #tpu.memory_space<vmem>> -> memref<1x32xi32, #tpu.memory_space<vmem>>
    %dma_start3A_18 = tpu.memref_squeeze %dma_start3A_17 : memref<1x32xi32, #tpu.memory_space<vmem>> -> memref<32xi32, #tpu.memory_space<vmem>>
    %dma_start3A_19 = tpu.memref_slice %arg2[%add3A_14] : memref<4096xi32, #tpu.memory_space<hbm>> -> memref<32xi32, #tpu.memory_space<hbm>>
    %dma_start3A_20 = arith.constant 0 : i32
    %dma_start3A_21 = tpu.memref_slice %arg6[%dma_start3A_15, %dma_start3A_20] : memref<2x32xi32, #tpu.memory_space<vmem>> -> memref<1x32xi32, #tpu.memory_space<vmem>>
    %dma_start3A_22 = tpu.memref_squeeze %dma_start3A_21 : memref<1x32xi32, #tpu.memory_space<vmem>> -> memref<32xi32, #tpu.memory_space<vmem>>
    %dma_start3A_23 = tpu.memref_slice %arg2[%add3A_14] : memref<4096xi32, #tpu.memory_space<hbm>> -> memref<32xi32, #tpu.memory_space<hbm>>
    tpu.enqueue_dma source(%dma_start3A_23 : memref<32xi32, #tpu.memory_space<hbm>>) target(%dma_start3A_22 : memref<32xi32, #tpu.memory_space<vmem>>) target_semaphore(%arg11 : memref<!tpu.dma_semaphore, #tpu.memory_space<semaphore_mem>>)
    %dma_wait3A = arith.constant 0 : i32
    %dma_wait3A_24 = arith.constant 0 : i32
    %dma_wait3A_25 = tpu.memref_slice %arg6[%dma_wait3A, %dma_wait3A_24] : memref<2x32xi32, #tpu.memory_space<vmem>> -> memref<1x32xi32, #tpu.memory_space<vmem>>
    %dma_wait3A_26 = tpu.memref_squeeze %dma_wait3A_25 : memref<1x32xi32, #tpu.memory_space<vmem>> -> memref<32xi32, #tpu.memory_space<vmem>>
    %dma_wait3A_27 = tpu.memref_slice %arg2[%add3A_4] : memref<4096xi32, #tpu.memory_space<hbm>> -> memref<32xi32, #tpu.memory_space<hbm>>
    %dma_wait3A_28 = arith.constant 0 : i32
    %dma_wait3A_29 = tpu.memref_slice %arg6[%dma_wait3A, %dma_wait3A_28] : memref<2x32xi32, #tpu.memory_space<vmem>> -> memref<1x32xi32, #tpu.memory_space<vmem>>
    %dma_wait3A_30 = tpu.memref_squeeze %dma_wait3A_29 : memref<1x32xi32, #tpu.memory_space<vmem>> -> memref<32xi32, #tpu.memory_space<vmem>>
    %dma_wait3A_31 = tpu.memref_slice %arg2[%add3A_4] : memref<4096xi32, #tpu.memory_space<hbm>> -> memref<32xi32, #tpu.memory_space<hbm>>
    tpu.wait_dma2 semaphore(%arg10 : memref<!tpu.dma_semaphore, #tpu.memory_space<semaphore_mem>>) src(%dma_wait3A_31 : memref<32xi32, #tpu.memory_space<hbm>>) dst(%dma_wait3A_30 : memref<32xi32, #tpu.memory_space<vmem>>)
    %dma_wait3A_32 = arith.constant 1 : i32
    %dma_wait3A_33 = arith.constant 0 : i32
    %dma_wait3A_34 = tpu.memref_slice %arg6[%dma_wait3A_32, %dma_wait3A_33] : memref<2x32xi32, #tpu.memory_space<vmem>> -> memref<1x32xi32, #tpu.memory_space<vmem>>
    %dma_wait3A_35 = tpu.memref_squeeze %dma_wait3A_34 : memref<1x32xi32, #tpu.memory_space<vmem>> -> memref<32xi32, #tpu.memory_space<vmem>>
    %dma_wait3A_36 = tpu.memref_slice %arg2[%add3A_14] : memref<4096xi32, #tpu.memory_space<hbm>> -> memref<32xi32, #tpu.memory_space<hbm>>
    %dma_wait3A_37 = arith.constant 0 : i32
    %dma_wait3A_38 = tpu.memref_slice %arg6[%dma_wait3A_32, %dma_wait3A_37] : memref<2x32xi32, #tpu.memory_space<vmem>> -> memref<1x32xi32, #tpu.memory_space<vmem>>
    %dma_wait3A_39 = tpu.memref_squeeze %dma_wait3A_38 : memref<1x32xi32, #tpu.memory_space<vmem>> -> memref<32xi32, #tpu.memory_space<vmem>>
    %dma_wait3A_40 = tpu.memref_slice %arg2[%add3A_14] : memref<4096xi32, #tpu.memory_space<hbm>> -> memref<32xi32, #tpu.memory_space<hbm>>
    tpu.wait_dma2 semaphore(%arg11 : memref<!tpu.dma_semaphore, #tpu.memory_space<semaphore_mem>>) src(%dma_wait3A_40 : memref<32xi32, #tpu.memory_space<hbm>>) dst(%dma_wait3A_39 : memref<32xi32, #tpu.memory_space<vmem>>)
    %get3A = arith.constant 0 : i32
    %get3A_41 = arith.index_cast %get3A : i32 to index
    %get3A_42 = arith.constant 0 : index
    %get3A_43 = tpu.vector_load %arg6[%get3A_41, %get3A_42] {strides = array<i32>} : memref<2x32xi32, #tpu.memory_space<vmem>>, vector<16xi32>,
    %min3A = arith.constant 5119 : i32
    %min3A_44 = vector.broadcast %min3A : i32 to vector<16xi32>
    %min3A_45 = arith.minsi %get3A_43, %min3A_44 : vector<16xi32>
    %swap3A = arith.constant 0 : i32
    %swap3A_46 = arith.index_cast %swap3A : i32 to index
    %swap3A_47 = arith.constant 0 : index
    %swap3A_48 = tpu.vector_load %arg5[%swap3A_46, %swap3A_47] {strides = array<i32>} : memref<2x32xi32, #tpu.memory_space<vmem>>, vector<16xi32>,
    tpu.vector_store %arg5[%swap3A_46, %swap3A_47], %min3A_45 {strides = array<i32>} : memref<2x32xi32, #tpu.memory_space<vmem>>, vector<16xi32>,
    %get3A_49 = arith.constant 0 : i32
    %get3A_50 = arith.index_cast %get3A_49 : i32 to index
    %get3A_51 = arith.constant 16 : index
    %get3A_52 = tpu.vector_load %arg6[%get3A_50, %get3A_51] {strides = array<i32>} : memref<2x32xi32, #tpu.memory_space<vmem>>, vector<16xi32>,
    %min3A_53 = arith.constant 5119 : i32
    %min3A_54 = vector.broadcast %min3A_53 : i32 to vector<16xi32>
    %min3A_55 = arith.minsi %get3A_52, %min3A_54 : vector<16xi32>
    %swap3A_56 = arith.constant 0 : i32
    %swap3A_57 = arith.index_cast %swap3A_56 : i32 to index
    %swap3A_58 = arith.constant 16 : index
    %swap3A_59 = tpu.vector_load %arg5[%swap3A_57, %swap3A_58] {strides = array<i32>} : memref<2x32xi32, #tpu.memory_space<vmem>>, vector<16xi32>,
    tpu.vector_store %arg5[%swap3A_57, %swap3A_58], %min3A_55 {strides = array<i32>} : memref<2x32xi32, #tpu.memory_space<vmem>>, vector<16xi32>,
    %get3A_60 = arith.constant 1 : i32
    %get3A_61 = arith.index_cast %get3A_60 : i32 to index
    %get3A_62 = arith.constant 0 : index
    %get3A_63 = tpu.vector_load %arg6[%get3A_61, %get3A_62] {strides = array<i32>} : memref<2x32xi32, #tpu.memory_space<vmem>>, vector<16xi32>,
    %min3A_64 = arith.constant 5119 : i32
    %min3A_65 = vector.broadcast %min3A_64 : i32 to vector<16xi32>
    %min3A_66 = arith.minsi %get3A_63, %min3A_65 : vector<16xi32>
    %swap3A_67 = arith.constant 1 : i32
    %swap3A_68 = arith.index_cast %swap3A_67 : i32 to index
    %swap3A_69 = arith.constant 0 : index
    %swap3A_70 = tpu.vector_load %arg5[%swap3A_68, %swap3A_69] {strides = array<i32>} : memref<2x32xi32, #tpu.memory_space<vmem>>, vector<16xi32>,
    tpu.vector_store %arg5[%swap3A_68, %swap3A_69], %min3A_66 {strides = array<i32>} : memref<2x32xi32, #tpu.memory_space<vmem>>, vector<16xi32>,
    %get3A_71 = arith.constant 1 : i32
    %get3A_72 = arith.index_cast %get3A_71 : i32 to index
    %get3A_73 = arith.constant 16 : index
    %get3A_74 = tpu.vector_load %arg6[%get3A_72, %get3A_73] {strides = array<i32>} : memref<2x32xi32, #tpu.memory_space<vmem>>, vector<16xi32>,
    %min3A_75 = arith.constant 5119 : i32
    %min3A_76 = vector.broadcast %min3A_75 : i32 to vector<16xi32>
    %min3A_77 = arith.minsi %get3A_74, %min3A_76 : vector<16xi32>
    %swap3A_78 = arith.constant 1 : i32
    %swap3A_79 = arith.index_cast %swap3A_78 : i32 to index
    %swap3A_80 = arith.constant 16 : index
    %swap3A_81 = tpu.vector_load %arg5[%swap3A_79, %swap3A_80] {strides = array<i32>} : memref<2x32xi32, #tpu.memory_space<vmem>>, vector<16xi32>,
    tpu.vector_store %arg5[%swap3A_79, %swap3A_80], %min3A_77 {strides = array<i32>} : memref<2x32xi32, #tpu.memory_space<vmem>>, vector<16xi32>,
    %dma_start3A_82 = arith.constant 0 : i32
    %dma_start3A_83 = arith.constant 0 : i32
    %dma_start3A_84 = tpu.memref_slice %arg5[%dma_start3A_82, %dma_start3A_83] : memref<2x32xi32, #tpu.memory_space<vmem>> -> memref<1x32xi32, #tpu.memory_space<vmem>>
    %dma_start3A_85 = tpu.memref_squeeze %dma_start3A_84 : memref<1x32xi32, #tpu.memory_space<vmem>> -> memref<32xi32, #tpu.memory_space<vmem>>
    %dma_start3A_86 = arith.constant 0 : i32
    %dma_start3A_87 = arith.constant 0 : i32
    %dma_start3A_88 = tpu.memref_slice %arg3[%dma_start3A_86, %dma_start3A_87] : memref<5120x768xf32, #tpu.memory_space<hbm>> -> memref<5120x768xf32, #tpu.memory_space<hbm>>
    tpu.enqueue_indirect_dma source(%dma_start3A_88 : memref<5120x768xf32, #tpu.memory_space<hbm>>) target(%arg7 : memref<32x768xf32, #tpu.memory_space<vmem>>) offsets(%dma_start3A_85 : memref<32xi32, #tpu.memory_space<vmem>>) semaphore(%arg12 : memref<!tpu.dma_semaphore, #tpu.memory_space<semaphore_mem>>)
    %dma_start3A_89 = arith.constant 1 : i32
    %dma_start3A_90 = arith.constant 0 : i32
    %dma_start3A_91 = tpu.memref_slice %arg5[%dma_start3A_89, %dma_start3A_90] : memref<2x32xi32, #tpu.memory_space<vmem>> -> memref<1x32xi32, #tpu.memory_space<vmem>>
    %dma_start3A_92 = tpu.memref_squeeze %dma_start3A_91 : memref<1x32xi32, #tpu.memory_space<vmem>> -> memref<32xi32, #tpu.memory_space<vmem>>
    %dma_start3A_93 = arith.constant 0 : i32
    %dma_start3A_94 = arith.constant 0 : i32
    %dma_start3A_95 = tpu.memref_slice %arg3[%dma_start3A_93, %dma_start3A_94] : memref<5120x768xf32, #tpu.memory_space<hbm>> -> memref<5120x768xf32, #tpu.memory_space<hbm>>
    tpu.enqueue_indirect_dma source(%dma_start3A_95 : memref<5120x768xf32, #tpu.memory_space<hbm>>) target(%arg8 : memref<32x768xf32, #tpu.memory_space<vmem>>) offsets(%dma_start3A_92 : memref<32xi32, #tpu.memory_space<vmem>>) semaphore(%arg13 : memref<!tpu.dma_semaphore, #tpu.memory_space<semaphore_mem>>)
    %dma_wait3A_96 = arith.constant 0 : i32
    %dma_wait3A_97 = arith.constant 0 : i32
    %dma_wait3A_98 = tpu.memref_slice %arg5[%dma_wait3A_96, %dma_wait3A_97] : memref<2x32xi32, #tpu.memory_space<vmem>> -> memref<1x32xi32, #tpu.memory_space<vmem>>
    %dma_wait3A_99 = tpu.memref_squeeze %dma_wait3A_98 : memref<1x32xi32, #tpu.memory_space<vmem>> -> memref<32xi32, #tpu.memory_space<vmem>>
    %dma_wait3A_100 = arith.constant 0 : i32
    %dma_wait3A_101 = arith.constant 0 : i32
    %dma_wait3A_102 = tpu.memref_slice %arg3[%dma_wait3A_100, %dma_wait3A_101] : memref<5120x768xf32, #tpu.memory_space<hbm>> -> memref<5120x768xf32, #tpu.memory_space<hbm>>
    tpu.wait_indirect_dma semaphore(%arg12 : memref<!tpu.dma_semaphore, #tpu.memory_space<semaphore_mem>>) src(%dma_wait3A_102 : memref<5120x768xf32, #tpu.memory_space<hbm>>) dst(%arg7 : memref<32x768xf32, #tpu.memory_space<vmem>>)
    %dma_wait3A_103 = arith.constant 1 : i32
    %dma_wait3A_104 = arith.constant 0 : i32
    %dma_wait3A_105 = tpu.memref_slice %arg5[%dma_wait3A_103, %dma_wait3A_104] : memref<2x32xi32, #tpu.memory_space<vmem>> -> memref<1x32xi32, #tpu.memory_space<vmem>>
    %dma_wait3A_106 = tpu.memref_squeeze %dma_wait3A_105 : memref<1x32xi32, #tpu.memory_space<vmem>> -> memref<32xi32, #tpu.memory_space<vmem>>
    %dma_wait3A_107 = arith.constant 0 : i32
    %dma_wait3A_108 = arith.constant 0 : i32
    %dma_wait3A_109 = tpu.memref_slice %arg3[%dma_wait3A_107, %dma_wait3A_108] : memref<5120x768xf32, #tpu.memory_space<hbm>> -> memref<5120x768xf32, #tpu.memory_space<hbm>>
    tpu.wait_indirect_dma semaphore(%arg13 : memref<!tpu.dma_semaphore, #tpu.memory_space<semaphore_mem>>) src(%dma_wait3A_109 : memref<5120x768xf32, #tpu.memory_space<hbm>>) dst(%arg8 : memref<32x768xf32, #tpu.memory_space<vmem>>)
    %scan3A = arith.constant 0 : i32
    %scan3A_110 = arith.constant 0 : i32
    %scan3A_111 = arith.constant 32 : i32
    %scan3A_112 = arith.addi %scan3A_110, %scan3A_111 : i32
    %scan3A_113 = arith.constant 1 : i32
    %scan3A_114 = scf.for %scan3A_237 = %scan3A_110 to %scan3A_112 step %scan3A_113 iter_args(%scan3A_238 = %scan3A) -> (i32)  : i32 {
      %get3A_239 = arith.index_cast %scan3A_237 : i32 to index
      %get3A_240 = arith.constant 0 : index
      %get3A_241 = tpu.vector_load %arg7[%get3A_239, %get3A_240] {strides = array<i32>} : memref<32x768xf32, #tpu.memory_space<vmem>>, vector<16xf32>,
      %get3A_242 = arith.index_cast %scan3A_237 : i32 to index
      %get3A_243 = arith.constant 0 : index
      %get3A_244 = tpu.vector_load %arg8[%get3A_242, %get3A_243] {strides = array<i32>} : memref<32x768xf32, #tpu.memory_space<vmem>>, vector<16xf32>,
      %add3A_245 = arith.addf %get3A_241, %get3A_244 : vector<16xf32>
      %swap3A_246 = arith.index_cast %scan3A_237 : i32 to index
      %swap3A_247 = arith.constant 0 : index
      %swap3A_248 = tpu.vector_load %arg9[%swap3A_246, %swap3A_247] {strides = array<i32>} : memref<32x768xf32, #tpu.memory_space<vmem>>, vector<16xf32>,
      tpu.vector_store %arg9[%swap3A_246, %swap3A_247], %add3A_245 {strides = array<i32>} : memref<32x768xf32, #tpu.memory_space<vmem>>, vector<16xf32>,
      %get3A_249 = arith.index_cast %scan3A_237 : i32 to index
      %get3A_250 = arith.constant 16 : index
      %get3A_251 = tpu.vector_load %arg7[%get3A_249, %get3A_250] {strides = array<i32>} : memref<32x768xf32, #tpu.memory_space<vmem>>, vector<16xf32>,
      %get3A_252 = arith.index_cast %scan3A_237 : i32 to index
      %get3A_253 = arith.constant 16 : index
      %get3A_254 = tpu.vector_load %arg8[%get3A_252, %get3A_253] {strides = array<i32>} : memref<32x768xf32, #tpu.memory_space<vmem>>, vector<16xf32>,
      %add3A_255 = arith.addf %get3A_251, %get3A_254 : vector<16xf32>
      %swap3A_256 = arith.index_cast %scan3A_237 : i32 to index
      %swap3A_257 = arith.constant 16 : index
      %swap3A_258 = tpu.vector_load %arg9[%swap3A_256, %swap3A_257] {strides = array<i32>} : memref<32x768xf32, #tpu.memory_space<vmem>>, vector<16xf32>,
      tpu.vector_store %arg9[%swap3A_256, %swap3A_257], %add3A_255 {strides = array<i32>} : memref<32x768xf32, #tpu.memory_space<vmem>>, vector<16xf32>,
      %get3A_259 = arith.index_cast %scan3A_237 : i32 to index
      %get3A_260 = arith.constant 32 : index
      %get3A_261 = tpu.vector_load %arg7[%get3A_259, %get3A_260] {strides = array<i32>} : memref<32x768xf32, #tpu.memory_space<vmem>>, vector<16xf32>,
      %get3A_262 = arith.index_cast %scan3A_237 : i32 to index
      %get3A_263 = arith.constant 32 : index
      %get3A_264 = tpu.vector_load %arg8[%get3A_262, %get3A_263] {strides = array<i32>} : memref<32x768xf32, #tpu.memory_space<vmem>>, vector<16xf32>,
      %add3A_265 = arith.addf %get3A_261, %get3A_264 : vector<16xf32>
      %swap3A_266 = arith.index_cast %scan3A_237 : i32 to index
      %swap3A_267 = arith.constant 32 : index
      %swap3A_268 = tpu.vector_load %arg9[%swap3A_266, %swap3A_267] {strides = array<i32>} : memref<32x768xf32, #tpu.memory_space<vmem>>, vector<16xf32>,
      tpu.vector_store %arg9[%swap3A_266, %swap3A_267], %add3A_265 {strides = array<i32>} : memref<32x768xf32, #tpu.memory_space<vmem>>, vector<16xf32>,
      %get3A_269 = arith.index_cast %scan3A_237 : i32 to index
      %get3A_270 = arith.constant 48 : index
      %get3A_271 = tpu.vector_load %arg7[%get3A_269, %get3A_270] {strides = array<i32>} : memref<32x768xf32, #tpu.memory_space<vmem>>, vector<16xf32>,
      %get3A_272 = arith.index_cast %scan3A_237 : i32 to index
      %get3A_273 = arith.constant 48 : index
      %get3A_274 = tpu.vector_load %arg8[%get3A_272, %get3A_273] {strides = array<i32>} : memref<32x768xf32, #tpu.memory_space<vmem>>, vector<16xf32>,
      %add3A_275 = arith.addf %get3A_271, %get3A_274 : vector<16xf32>
      %swap3A_276 = arith.index_cast %scan3A_237 : i32 to index
      %swap3A_277 = arith.constant 48 : index
      %swap3A_278 = tpu.vector_load %arg9[%swap3A_276, %swap3A_277] {strides = array<i32>} : memref<32x768xf32, #tpu.memory_space<vmem>>, vector<16xf32>,
      tpu.vector_store %arg9[%swap3A_276, %swap3A_277], %add3A_275 {strides = array<i32>} : memref<32x768xf32, #tpu.memory_space<vmem>>, vector<16xf32>,
      %get3A_279 = arith.index_cast %scan3A_237 : i32 to index
      %get3A_280 = arith.constant 64 : index
      %get3A_281 = tpu.vector_load %arg7[%get3A_279, %get3A_280] {strides = array<i32>} : memref<32x768xf32, #tpu.memory_space<vmem>>, vector<16xf32>,
      %get3A_282 = arith.index_cast %scan3A_237 : i32 to index
      %get3A_283 = arith.constant 64 : index
      %get3A_284 = tpu.vector_load %arg8[%get3A_282, %get3A_283] {strides = array<i32>} : memref<32x768xf32, #tpu.memory_space<vmem>>, vector<16xf32>,
      %add3A_285 = arith.addf %get3A_281, %get3A_284 : vector<16xf32>
      %swap3A_286 = arith.index_cast %scan3A_237 : i32 to index
      %swap3A_287 = arith.constant 64 : index
      %swap3A_288 = tpu.vector_load %arg9[%swap3A_286, %swap3A_287] {strides = array<i32>} : memref<32x768xf32, #tpu.memory_space<vmem>>, vector<16xf32>,
      tpu.vector_store %arg9[%swap3A_286, %swap3A_287], %add3A_285 {strides = array<i32>} : memref<32x768xf32, #tpu.memory_space<vmem>>, vector<16xf32>,
      %get3A_289 = arith.index_cast %scan3A_237 : i32 to index
      %get3A_290 = arith.constant 80 : index
      %get3A_291 = tpu.vector_load %arg7[%get3A_289, %get3A_290] {strides = array<i32>} : memref<32x768xf32, #tpu.memory_space<vmem>>, vector<16xf32>,
      %get3A_292 = arith.index_cast %scan3A_237 : i32 to index
      %get3A_293 = arith.constant 80 : index
      %get3A_294 = tpu.vector_load %arg8[%get3A_292, %get3A_293] {strides = array<i32>} : memref<32x768xf32, #tpu.memory_space<vmem>>, vector<16xf32>,
      %add3A_295 = arith.addf %get3A_291, %get3A_294 : vector<16xf32>
      %swap3A_296 = arith.index_cast %scan3A_237 : i32 to index
      %swap3A_297 = arith.constant 80 : index
      %swap3A_298 = tpu.vector_load %arg9[%swap3A_296, %swap3A_297] {strides = array<i32>} : memref<32x768xf32, #tpu.memory_space<vmem>>, vector<16xf32>,
      tpu.vector_store %arg9[%swap3A_296, %swap3A_297], %add3A_295 {strides = array<i32>} : memref<32x768xf32, #tpu.memory_space<vmem>>, vector<16xf32>,
      %get3A_299 = arith.index_cast %scan3A_237 : i32 to index
      %get3A_300 = arith.constant 96 : index
      %get3A_301 = tpu.vector_load %arg7[%get3A_299, %get3A_300] {strides = array<i32>} : memref<32x768xf32, #tpu.memory_space<vmem>>, vector<16xf32>,
      %get3A_302 = arith.index_cast %scan3A_237 : i32 to index
      %get3A_303 = arith.constant 96 : index
      %get3A_304 = tpu.vector_load %arg8[%get3A_302, %get3A_303] {strides = array<i32>} : memref<32x768xf32, #tpu.memory_space<vmem>>, vector<16xf32>,
      %add3A_305 = arith.addf %get3A_301, %get3A_304 : vector<16xf32>
      %swap3A_306 = arith.index_cast %scan3A_237 : i32 to index
      %swap3A_307 = arith.constant 96 : index
      %swap3A_308 = tpu.vector_load %arg9[%swap3A_306, %swap3A_307] {strides = array<i32>} : memref<32x768xf32, #tpu.memory_space<vmem>>, vector<16xf32>,
      tpu.vector_store %arg9[%swap3A_306, %swap3A_307], %add3A_305 {strides = array<i32>} : memref<32x768xf32, #tpu.memory_space<vmem>>, vector<16xf32>,
      %get3A_309 = arith.index_cast %scan3A_237 : i32 to index
      %get3A_310 = arith.constant 112 : index
      %get3A_311 = tpu.vector_load %arg7[%get3A_309, %get3A_310] {strides = array<i32>} : memref<32x768xf32, #tpu.memory_space<vmem>>, vector<16xf32>,
      %get3A_312 = arith.index_cast %scan3A_237 : i32 to index
      %get3A_313 = arith.constant 112 : index
      %get3A_314 = tpu.vector_load %arg8[%get3A_312, %get3A_313] {strides = array<i32>} : memref<32x768xf32, #tpu.memory_space<vmem>>, vector<16xf32>,
      %add3A_315 = arith.addf %get3A_311, %get3A_314 : vector<16xf32>
      %swap3A_316 = arith.index_cast %scan3A_237 : i32 to index
      %swap3A_317 = arith.constant 112 : index
      %swap3A_318 = tpu.vector_load %arg9[%swap3A_316, %swap3A_317] {strides = array<i32>} : memref<32x768xf32, #tpu.memory_space<vmem>>, vector<16xf32>,
      tpu.vector_store %arg9[%swap3A_316, %swap3A_317], %add3A_315 {strides = array<i32>} : memref<32x768xf32, #tpu.memory_space<vmem>>, vector<16xf32>,
      %get3A_319 = arith.index_cast %scan3A_237 : i32 to index
      %get3A_320 = arith.constant 128 : index
      %get3A_321 = tpu.vector_load %arg7[%get3A_319, %get3A_320] {strides = array<i32>} : memref<32x768xf32, #tpu.memory_space<vmem>>, vector<16xf32>,
      %get3A_322 = arith.index_cast %scan3A_237 : i32 to index
      %get3A_323 = arith.constant 128 : index
      %get3A_324 = tpu.vector_load %arg8[%get3A_322, %get3A_323] {strides = array<i32>} : memref<32x768xf32, #tpu.memory_space<vmem>>, vector<16xf32>,
      %add3A_325 = arith.addf %get3A_321, %get3A_324 : vector<16xf32>
      %swap3A_326 = arith.index_cast %scan3A_237 : i32 to index
      %swap3A_327 = arith.constant 128 : index
      %swap3A_328 = tpu.vector_load %arg9[%swap3A_326, %swap3A_327] {strides = array<i32>} : memref<32x768xf32, #tpu.memory_space<vmem>>, vector<16xf32>,
      tpu.vector_store %arg9[%swap3A_326, %swap3A_327], %add3A_325 {strides = array<i32>} : memref<32x768xf32, #tpu.memory_space<vmem>>, vector<16xf32>,
      %get3A_329 = arith.index_cast %scan3A_237 : i32 to index
      %get3A_330 = arith.constant 144 : index
      %get3A_331 = tpu.vector_load %arg7[%get3A_329, %get3A_330] {strides = array<i32>} : memref<32x768xf32, #tpu.memory_space<vmem>>, vector<16xf32>,
      %get3A_332 = arith.index_cast %scan3A_237 : i32 to index
      %get3A_333 = arith.constant 144 : index
      %get3A_334 = tpu.vector_load %arg8[%get3A_332, %get3A_333] {strides = array<i32>} : memref<32x768xf32, #tpu.memory_space<vmem>>, vector<16xf32>,
      %add3A_335 = arith.addf %get3A_331, %get3A_334 : vector<16xf32>
      %swap3A_336 = arith.index_cast %scan3A_237 : i32 to index
      %swap3A_337 = arith.constant 144 : index
      %swap3A_338 = tpu.vector_load %arg9[%swap3A_336, %swap3A_337] {strides = array<i32>} : memref<32x768xf32, #tpu.memory_space<vmem>>, vector<16xf32>,
      tpu.vector_store %arg9[%swap3A_336, %swap3A_337], %add3A_335 {strides = array<i32>} : memref<32x768xf32, #tpu.memory_space<vmem>>, vector<16xf32>,
      %get3A_339 = arith.index_cast %scan3A_237 : i32 to index
      %get3A_340 = arith.constant 160 : index
      %get3A_341 = tpu.vector_load %arg7[%get3A_339, %get3A_340] {strides = array<i32>} : memref<32x768xf32, #tpu.memory_space<vmem>>, vector<16xf32>,
      %get3A_342 = arith.index_cast %scan3A_237 : i32 to index
      %get3A_343 = arith.constant 160 : index
      %get3A_344 = tpu.vector_load %arg8[%get3A_342, %get3A_343] {strides = array<i32>} : memref<32x768xf32, #tpu.memory_space<vmem>>, vector<16xf32>,
      %add3A_345 = arith.addf %get3A_341, %get3A_344 : vector<16xf32>
      %swap3A_346 = arith.index_cast %scan3A_237 : i32 to index
      %swap3A_347 = arith.constant 160 : index
      %swap3A_348 = tpu.vector_load %arg9[%swap3A_346, %swap3A_347] {strides = array<i32>} : memref<32x768xf32, #tpu.memory_space<vmem>>, vector<16xf32>,
      tpu.vector_store %arg9[%swap3A_346, %swap3A_347], %add3A_345 {strides = array<i32>} : memref<32x768xf32, #tpu.memory_space<vmem>>, vector<16xf32>,
      %get3A_349 = arith.index_cast %scan3A_237 : i32 to index
      %get3A_350 = arith.constant 176 : index
      %get3A_351 = tpu.vector_load %arg7[%get3A_349, %get3A_350] {strides = array<i32>} : memref<32x768xf32, #tpu.memory_space<vmem>>, vector<16xf32>,
      %get3A_352 = arith.index_cast %scan3A_237 : i32 to index
      %get3A_353 = arith.constant 176 : index
      %get3A_354 = tpu.vector_load %arg8[%get3A_352, %get3A_353] {strides = array<i32>} : memref<32x768xf32, #tpu.memory_space<vmem>>, vector<16xf32>,
      %add3A_355 = arith.addf %get3A_351, %get3A_354 : vector<16xf32>
      %swap3A_356 = arith.index_cast %scan3A_237 : i32 to index
      %swap3A_357 = arith.constant 176 : index
      %swap3A_358 = tpu.vector_load %arg9[%swap3A_356, %swap3A_357] {strides = array<i32>} : memref<32x768xf32, #tpu.memory_space<vmem>>, vector<16xf32>,
      tpu.vector_store %arg9[%swap3A_356, %swap3A_357], %add3A_355 {strides = array<i32>} : memref<32x768xf32, #tpu.memory_space<vmem>>, vector<16xf32>,
      %get3A_359 = arith.index_cast %scan3A_237 : i32 to index
      %get3A_360 = arith.constant 192 : index
      %get3A_361 = tpu.vector_load %arg7[%get3A_359, %get3A_360] {strides = array<i32>} : memref<32x768xf32, #tpu.memory_space<vmem>>, vector<16xf32>,
      %get3A_362 = arith.index_cast %scan3A_237 : i32 to index
      %get3A_363 = arith.constant 192 : index
      %get3A_364 = tpu.vector_load %arg8[%get3A_362, %get3A_363] {strides = array<i32>} : memref<32x768xf32, #tpu.memory_space<vmem>>, vector<16xf32>,
      %add3A_365 = arith.addf %get3A_361, %get3A_364 : vector<16xf32>
      %swap3A_366 = arith.index_cast %scan3A_237 : i32 to index
      %swap3A_367 = arith.constant 192 : index
      %swap3A_368 = tpu.vector_load %arg9[%swap3A_366, %swap3A_367] {strides = array<i32>} : memref<32x768xf32, #tpu.memory_space<vmem>>, vector<16xf32>,
      tpu.vector_store %arg9[%swap3A_366, %swap3A_367], %add3A_365 {strides = array<i32>} : memref<32x768xf32, #tpu.memory_space<vmem>>, vector<16xf32>,
      %get3A_369 = arith.index_cast %scan3A_237 : i32 to index
      %get3A_370 = arith.constant 208 : index
      %get3A_371 = tpu.vector_load %arg7[%get3A_369, %get3A_370] {strides = array<i32>} : memref<32x768xf32, #tpu.memory_space<vmem>>, vector<16xf32>,
      %get3A_372 = arith.index_cast %scan3A_237 : i32 to index
      %get3A_373 = arith.constant 208 : index
      %get3A_374 = tpu.vector_load %arg8[%get3A_372, %get3A_373] {strides = array<i32>} : memref<32x768xf32, #tpu.memory_space<vmem>>, vector<16xf32>,
      %add3A_375 = arith.addf %get3A_371, %get3A_374 : vector<16xf32>
      %swap3A_376 = arith.index_cast %scan3A_237 : i32 to index
      %swap3A_377 = arith.constant 208 : index
      %swap3A_378 = tpu.vector_load %arg9[%swap3A_376, %swap3A_377] {strides = array<i32>} : memref<32x768xf32, #tpu.memory_space<vmem>>, vector<16xf32>,
      tpu.vector_store %arg9[%swap3A_376, %swap3A_377], %add3A_375 {strides = array<i32>} : memref<32x768xf32, #tpu.memory_space<vmem>>, vector<16xf32>,
      %get3A_379 = arith.index_cast %scan3A_237 : i32 to index
      %get3A_380 = arith.constant 224 : index
      %get3A_381 = tpu.vector_load %arg7[%get3A_379, %get3A_380] {strides = array<i32>} : memref<32x768xf32, #tpu.memory_space<vmem>>, vector<16xf32>,
      %get3A_382 = arith.index_cast %scan3A_237 : i32 to index
      %get3A_383 = arith.constant 224 : index
      %get3A_384 = tpu.vector_load %arg8[%get3A_382, %get3A_383] {strides = array<i32>} : memref<32x768xf32, #tpu.memory_space<vmem>>, vector<16xf32>,
      %add3A_385 = arith.addf %get3A_381, %get3A_384 : vector<16xf32>
      %swap3A_386 = arith.index_cast %scan3A_237 : i32 to index
      %swap3A_387 = arith.constant 224 : index
      %swap3A_388 = tpu.vector_load %arg9[%swap3A_386, %swap3A_387] {strides = array<i32>} : memref<32x768xf32, #tpu.memory_space<vmem>>, vector<16xf32>,
      tpu.vector_store %arg9[%swap3A_386, %swap3A_387], %add3A_385 {strides = array<i32>} : memref<32x768xf32, #tpu.memory_space<vmem>>, vector<16xf32>,
      %get3A_389 = arith.index_cast %scan3A_237 : i32 to index
      %get3A_390 = arith.constant 240 : index
      %get3A_391 = tpu.vector_load %arg7[%get3A_389, %get3A_390] {strides = array<i32>} : memref<32x768xf32, #tpu.memory_space<vmem>>, vector<16xf32>,
      %get3A_392 = arith.index_cast %scan3A_237 : i32 to index
      %get3A_393 = arith.constant 240 : index
      %get3A_394 = tpu.vector_load %arg8[%get3A_392, %get3A_393] {strides = array<i32>} : memref<32x768xf32, #tpu.memory_space<vmem>>, vector<16xf32>,
      %add3A_395 = arith.addf %get3A_391, %get3A_394 : vector<16xf32>
      %swap3A_396 = arith.index_cast %scan3A_237 : i32 to index
      %swap3A_397 = arith.constant 240 : index
      %swap3A_398 = tpu.vector_load %arg9[%swap3A_396, %swap3A_397] {strides = array<i32>} : memref<32x768xf32, #tpu.memory_space<vmem>>, vector<16xf32>,
      tpu.vector_store %arg9[%swap3A_396, %swap3A_397], %add3A_395 {strides = array<i32>} : memref<32x768xf32, #tpu.memory_space<vmem>>, vector<16xf32>,
      %get3A_399 = arith.index_cast %scan3A_237 : i32 to index
      %get3A_400 = arith.constant 256 : index
      %get3A_401 = tpu.vector_load %arg7[%get3A_399, %get3A_400] {strides = array<i32>} : memref<32x768xf32, #tpu.memory_space<vmem>>, vector<16xf32>,
      %get3A_402 = arith.index_cast %scan3A_237 : i32 to index
      %get3A_403 = arith.constant 256 : index
      %get3A_404 = tpu.vector_load %arg8[%get3A_402, %get3A_403] {strides = array<i32>} : memref<32x768xf32, #tpu.memory_space<vmem>>, vector<16xf32>,
      %add3A_405 = arith.addf %get3A_401, %get3A_404 : vector<16xf32>
      %swap3A_406 = arith.index_cast %scan3A_237 : i32 to index
      %swap3A_407 = arith.constant 256 : index
      %swap3A_408 = tpu.vector_load %arg9[%swap3A_406, %swap3A_407] {strides = array<i32>} : memref<32x768xf32, #tpu.memory_space<vmem>>, vector<16xf32>,
      tpu.vector_store %arg9[%swap3A_406, %swap3A_407], %add3A_405 {strides = array<i32>} : memref<32x768xf32, #tpu.memory_space<vmem>>, vector<16xf32>,
      %get3A_409 = arith.index_cast %scan3A_237 : i32 to index
      %get3A_410 = arith.constant 272 : index
      %get3A_411 = tpu.vector_load %arg7[%get3A_409, %get3A_410] {strides = array<i32>} : memref<32x768xf32, #tpu.memory_space<vmem>>, vector<16xf32>,
      %get3A_412 = arith.index_cast %scan3A_237 : i32 to index
      %get3A_413 = arith.constant 272 : index
      %get3A_414 = tpu.vector_load %arg8[%get3A_412, %get3A_413] {strides = array<i32>} : memref<32x768xf32, #tpu.memory_space<vmem>>, vector<16xf32>,
      %add3A_415 = arith.addf %get3A_411, %get3A_414 : vector<16xf32>
      %swap3A_416 = arith.index_cast %scan3A_237 : i32 to index
      %swap3A_417 = arith.constant 272 : index
      %swap3A_418 = tpu.vector_load %arg9[%swap3A_416, %swap3A_417] {strides = array<i32>} : memref<32x768xf32, #tpu.memory_space<vmem>>, vector<16xf32>,
      tpu.vector_store %arg9[%swap3A_416, %swap3A_417], %add3A_415 {strides = array<i32>} : memref<32x768xf32, #tpu.memory_space<vmem>>, vector<16xf32>,
      %get3A_419 = arith.index_cast %scan3A_237 : i32 to index
      %get3A_420 = arith.constant 288 : index
      %get3A_421 = tpu.vector_load %arg7[%get3A_419, %get3A_420] {strides = array<i32>} : memref<32x768xf32, #tpu.memory_space<vmem>>, vector<16xf32>,
      %get3A_422 = arith.index_cast %scan3A_237 : i32 to index
      %get3A_423 = arith.constant 288 : index
      %get3A_424 = tpu.vector_load %arg8[%get3A_422, %get3A_423] {strides = array<i32>} : memref<32x768xf32, #tpu.memory_space<vmem>>, vector<16xf32>,
      %add3A_425 = arith.addf %get3A_421, %get3A_424 : vector<16xf32>
      %swap3A_426 = arith.index_cast %scan3A_237 : i32 to index
      %swap3A_427 = arith.constant 288 : index
      %swap3A_428 = tpu.vector_load %arg9[%swap3A_426, %swap3A_427] {strides = array<i32>} : memref<32x768xf32, #tpu.memory_space<vmem>>, vector<16xf32>,
      tpu.vector_store %arg9[%swap3A_426, %swap3A_427], %add3A_425 {strides = array<i32>} : memref<32x768xf32, #tpu.memory_space<vmem>>, vector<16xf32>,
      %get3A_429 = arith.index_cast %scan3A_237 : i32 to index
      %get3A_430 = arith.constant 304 : index
      %get3A_431 = tpu.vector_load %arg7[%get3A_429, %get3A_430] {strides = array<i32>} : memref<32x768xf32, #tpu.memory_space<vmem>>, vector<16xf32>,
      %get3A_432 = arith.index_cast %scan3A_237 : i32 to index
      %get3A_433 = arith.constant 304 : index
      %get3A_434 = tpu.vector_load %arg8[%get3A_432, %get3A_433] {strides = array<i32>} : memref<32x768xf32, #tpu.memory_space<vmem>>, vector<16xf32>,
      %add3A_435 = arith.addf %get3A_431, %get3A_434 : vector<16xf32>
      %swap3A_436 = arith.index_cast %scan3A_237 : i32 to index
      %swap3A_437 = arith.constant 304 : index
      %swap3A_438 = tpu.vector_load %arg9[%swap3A_436, %swap3A_437] {strides = array<i32>} : memref<32x768xf32, #tpu.memory_space<vmem>>, vector<16xf32>,
      tpu.vector_store %arg9[%swap3A_436, %swap3A_437], %add3A_435 {strides = array<i32>} : memref<32x768xf32, #tpu.memory_space<vmem>>, vector<16xf32>,
      %get3A_439 = arith.index_cast %scan3A_237 : i32 to index
      %get3A_440 = arith.constant 320 : index
      %get3A_441 = tpu.vector_load %arg7[%get3A_439, %get3A_440] {strides = array<i32>} : memref<32x768xf32, #tpu.memory_space<vmem>>, vector<16xf32>,
      %get3A_442 = arith.index_cast %scan3A_237 : i32 to index
      %get3A_443 = arith.constant 320 : index
      %get3A_444 = tpu.vector_load %arg8[%get3A_442, %get3A_443] {strides = array<i32>} : memref<32x768xf32, #tpu.memory_space<vmem>>, vector<16xf32>,
      %add3A_445 = arith.addf %get3A_441, %get3A_444 : vector<16xf32>
      %swap3A_446 = arith.index_cast %scan3A_237 : i32 to index
      %swap3A_447 = arith.constant 320 : index
      %swap3A_448 = tpu.vector_load %arg9[%swap3A_446, %swap3A_447] {strides = array<i32>} : memref<32x768xf32, #tpu.memory_space<vmem>>, vector<16xf32>,
      tpu.vector_store %arg9[%swap3A_446, %swap3A_447], %add3A_445 {strides = array<i32>} : memref<32x768xf32, #tpu.memory_space<vmem>>, vector<16xf32>,
      %get3A_449 = arith.index_cast %scan3A_237 : i32 to index
      %get3A_450 = arith.constant 336 : index
      %get3A_451 = tpu.vector_load %arg7[%get3A_449, %get3A_450] {strides = array<i32>} : memref<32x768xf32, #tpu.memory_space<vmem>>, vector<16xf32>,
      %get3A_452 = arith.index_cast %scan3A_237 : i32 to index
      %get3A_453 = arith.constant 336 : index
      %get3A_454 = tpu.vector_load %arg8[%get3A_452, %get3A_453] {strides = array<i32>} : memref<32x768xf32, #tpu.memory_space<vmem>>, vector<16xf32>,
      %add3A_455 = arith.addf %get3A_451, %get3A_454 : vector<16xf32>
      %swap3A_456 = arith.index_cast %scan3A_237 : i32 to index
      %swap3A_457 = arith.constant 336 : index
      %swap3A_458 = tpu.vector_load %arg9[%swap3A_456, %swap3A_457] {strides = array<i32>} : memref<32x768xf32, #tpu.memory_space<vmem>>, vector<16xf32>,
      tpu.vector_store %arg9[%swap3A_456, %swap3A_457], %add3A_455 {strides = array<i32>} : memref<32x768xf32, #tpu.memory_space<vmem>>, vector<16xf32>,
      %get3A_459 = arith.index_cast %scan3A_237 : i32 to index
      %get3A_460 = arith.constant 352 : index
      %get3A_461 = tpu.vector_load %arg7[%get3A_459, %get3A_460] {strides = array<i32>} : memref<32x768xf32, #tpu.memory_space<vmem>>, vector<16xf32>,
      %get3A_462 = arith.index_cast %scan3A_237 : i32 to index
      %get3A_463 = arith.constant 352 : index
      %get3A_464 = tpu.vector_load %arg8[%get3A_462, %get3A_463] {strides = array<i32>} : memref<32x768xf32, #tpu.memory_space<vmem>>, vector<16xf32>,
      %add3A_465 = arith.addf %get3A_461, %get3A_464 : vector<16xf32>
      %swap3A_466 = arith.index_cast %scan3A_237 : i32 to index
      %swap3A_467 = arith.constant 352 : index
      %swap3A_468 = tpu.vector_load %arg9[%swap3A_466, %swap3A_467] {strides = array<i32>} : memref<32x768xf32, #tpu.memory_space<vmem>>, vector<16xf32>,
      tpu.vector_store %arg9[%swap3A_466, %swap3A_467], %add3A_465 {strides = array<i32>} : memref<32x768xf32, #tpu.memory_space<vmem>>, vector<16xf32>,
      %get3A_469 = arith.index_cast %scan3A_237 : i32 to index
      %get3A_470 = arith.constant 368 : index
      %get3A_471 = tpu.vector_load %arg7[%get3A_469, %get3A_470] {strides = array<i32>} : memref<32x768xf32, #tpu.memory_space<vmem>>, vector<16xf32>,
      %get3A_472 = arith.index_cast %scan3A_237 : i32 to index
      %get3A_473 = arith.constant 368 : index
      %get3A_474 = tpu.vector_load %arg8[%get3A_472, %get3A_473] {strides = array<i32>} : memref<32x768xf32, #tpu.memory_space<vmem>>, vector<16xf32>,
      %add3A_475 = arith.addf %get3A_471, %get3A_474 : vector<16xf32>
      %swap3A_476 = arith.index_cast %scan3A_237 : i32 to index
      %swap3A_477 = arith.constant 368 : index
      %swap3A_478 = tpu.vector_load %arg9[%swap3A_476, %swap3A_477] {strides = array<i32>} : memref<32x768xf32, #tpu.memory_space<vmem>>, vector<16xf32>,
      tpu.vector_store %arg9[%swap3A_476, %swap3A_477], %add3A_475 {strides = array<i32>} : memref<32x768xf32, #tpu.memory_space<vmem>>, vector<16xf32>,
      %get3A_479 = arith.index_cast %scan3A_237 : i32 to index
      %get3A_480 = arith.constant 384 : index
      %get3A_481 = tpu.vector_load %arg7[%get3A_479, %get3A_480] {strides = array<i32>} : memref<32x768xf32, #tpu.memory_space<vmem>>, vector<16xf32>,
      %get3A_482 = arith.index_cast %scan3A_237 : i32 to index
      %get3A_483 = arith.constant 384 : index
      %get3A_484 = tpu.vector_load %arg8[%get3A_482, %get3A_483] {strides = array<i32>} : memref<32x768xf32, #tpu.memory_space<vmem>>, vector<16xf32>,
      %add3A_485 = arith.addf %get3A_481, %get3A_484 : vector<16xf32>
      %swap3A_486 = arith.index_cast %scan3A_237 : i32 to index
      %swap3A_487 = arith.constant 384 : index
      %swap3A_488 = tpu.vector_load %arg9[%swap3A_486, %swap3A_487] {strides = array<i32>} : memref<32x768xf32, #tpu.memory_space<vmem>>, vector<16xf32>,
      tpu.vector_store %arg9[%swap3A_486, %swap3A_487], %add3A_485 {strides = array<i32>} : memref<32x768xf32, #tpu.memory_space<vmem>>, vector<16xf32>,
      %get3A_489 = arith.index_cast %scan3A_237 : i32 to index
      %get3A_490 = arith.constant 400 : index
      %get3A_491 = tpu.vector_load %arg7[%get3A_489, %get3A_490] {strides = array<i32>} : memref<32x768xf32, #tpu.memory_space<vmem>>, vector<16xf32>,
      %get3A_492 = arith.index_cast %scan3A_237 : i32 to index
      %get3A_493 = arith.constant 400 : index
      %get3A_494 = tpu.vector_load %arg8[%get3A_492, %get3A_493] {strides = array<i32>} : memref<32x768xf32, #tpu.memory_space<vmem>>, vector<16xf32>,
      %add3A_495 = arith.addf %get3A_491, %get3A_494 : vector<16xf32>
      %swap3A_496 = arith.index_cast %scan3A_237 : i32 to index
      %swap3A_497 = arith.constant 400 : index
      %swap3A_498 = tpu.vector_load %arg9[%swap3A_496, %swap3A_497] {strides = array<i32>} : memref<32x768xf32, #tpu.memory_space<vmem>>, vector<16xf32>,
      tpu.vector_store %arg9[%swap3A_496, %swap3A_497], %add3A_495 {strides = array<i32>} : memref<32x768xf32, #tpu.memory_space<vmem>>, vector<16xf32>,
      %get3A_499 = arith.index_cast %scan3A_237 : i32 to index
      %get3A_500 = arith.constant 416 : index
      %get3A_501 = tpu.vector_load %arg7[%get3A_499, %get3A_500] {strides = array<i32>} : memref<32x768xf32, #tpu.memory_space<vmem>>, vector<16xf32>,
      %get3A_502 = arith.index_cast %scan3A_237 : i32 to index
      %get3A_503 = arith.constant 416 : index
      %get3A_504 = tpu.vector_load %arg8[%get3A_502, %get3A_503] {strides = array<i32>} : memref<32x768xf32, #tpu.memory_space<vmem>>, vector<16xf32>,
      %add3A_505 = arith.addf %get3A_501, %get3A_504 : vector<16xf32>
      %swap3A_506 = arith.index_cast %scan3A_237 : i32 to index
      %swap3A_507 = arith.constant 416 : index
      %swap3A_508 = tpu.vector_load %arg9[%swap3A_506, %swap3A_507] {strides = array<i32>} : memref<32x768xf32, #tpu.memory_space<vmem>>, vector<16xf32>,
      tpu.vector_store %arg9[%swap3A_506, %swap3A_507], %add3A_505 {strides = array<i32>} : memref<32x768xf32, #tpu.memory_space<vmem>>, vector<16xf32>,
      %get3A_509 = arith.index_cast %scan3A_237 : i32 to index
      %get3A_510 = arith.constant 432 : index
      %get3A_511 = tpu.vector_load %arg7[%get3A_509, %get3A_510] {strides = array<i32>} : memref<32x768xf32, #tpu.memory_space<vmem>>, vector<16xf32>,
      %get3A_512 = arith.index_cast %scan3A_237 : i32 to index
      %get3A_513 = arith.constant 432 : index
      %get3A_514 = tpu.vector_load %arg8[%get3A_512, %get3A_513] {strides = array<i32>} : memref<32x768xf32, #tpu.memory_space<vmem>>, vector<16xf32>,
      %add3A_515 = arith.addf %get3A_511, %get3A_514 : vector<16xf32>
      %swap3A_516 = arith.index_cast %scan3A_237 : i32 to index
      %swap3A_517 = arith.constant 432 : index
      %swap3A_518 = tpu.vector_load %arg9[%swap3A_516, %swap3A_517] {strides = array<i32>} : memref<32x768xf32, #tpu.memory_space<vmem>>, vector<16xf32>,
      tpu.vector_store %arg9[%swap3A_516, %swap3A_517], %add3A_515 {strides = array<i32>} : memref<32x768xf32, #tpu.memory_space<vmem>>, vector<16xf32>,
      %get3A_519 = arith.index_cast %scan3A_237 : i32 to index
      %get3A_520 = arith.constant 448 : index
      %get3A_521 = tpu.vector_load %arg7[%get3A_519, %get3A_520] {strides = array<i32>} : memref<32x768xf32, #tpu.memory_space<vmem>>, vector<16xf32>,
      %get3A_522 = arith.index_cast %scan3A_237 : i32 to index
      %get3A_523 = arith.constant 448 : index
      %get3A_524 = tpu.vector_load %arg8[%get3A_522, %get3A_523] {strides = array<i32>} : memref<32x768xf32, #tpu.memory_space<vmem>>, vector<16xf32>,
      %add3A_525 = arith.addf %get3A_521, %get3A_524 : vector<16xf32>
      %swap3A_526 = arith.index_cast %scan3A_237 : i32 to index
      %swap3A_527 = arith.constant 448 : index
      %swap3A_528 = tpu.vector_load %arg9[%swap3A_526, %swap3A_527] {strides = array<i32>} : memref<32x768xf32, #tpu.memory_space<vmem>>, vector<16xf32>,
      tpu.vector_store %arg9[%swap3A_526, %swap3A_527], %add3A_525 {strides = array<i32>} : memref<32x768xf32, #tpu.memory_space<vmem>>, vector<16xf32>,
      %get3A_529 = arith.index_cast %scan3A_237 : i32 to index
      %get3A_530 = arith.constant 464 : index
      %get3A_531 = tpu.vector_load %arg7[%get3A_529, %get3A_530] {strides = array<i32>} : memref<32x768xf32, #tpu.memory_space<vmem>>, vector<16xf32>,
      %get3A_532 = arith.index_cast %scan3A_237 : i32 to index
      %get3A_533 = arith.constant 464 : index
      %get3A_534 = tpu.vector_load %arg8[%get3A_532, %get3A_533] {strides = array<i32>} : memref<32x768xf32, #tpu.memory_space<vmem>>, vector<16xf32>,
      %add3A_535 = arith.addf %get3A_531, %get3A_534 : vector<16xf32>
      %swap3A_536 = arith.index_cast %scan3A_237 : i32 to index
      %swap3A_537 = arith.constant 464 : index
      %swap3A_538 = tpu.vector_load %arg9[%swap3A_536, %swap3A_537] {strides = array<i32>} : memref<32x768xf32, #tpu.memory_space<vmem>>, vector<16xf32>,
      tpu.vector_store %arg9[%swap3A_536, %swap3A_537], %add3A_535 {strides = array<i32>} : memref<32x768xf32, #tpu.memory_space<vmem>>, vector<16xf32>,
      %get3A_539 = arith.index_cast %scan3A_237 : i32 to index
      %get3A_540 = arith.constant 480 : index
      %get3A_541 = tpu.vector_load %arg7[%get3A_539, %get3A_540] {strides = array<i32>} : memref<32x768xf32, #tpu.memory_space<vmem>>, vector<16xf32>,
      %get3A_542 = arith.index_cast %scan3A_237 : i32 to index
      %get3A_543 = arith.constant 480 : index
      %get3A_544 = tpu.vector_load %arg8[%get3A_542, %get3A_543] {strides = array<i32>} : memref<32x768xf32, #tpu.memory_space<vmem>>, vector<16xf32>,
      %add3A_545 = arith.addf %get3A_541, %get3A_544 : vector<16xf32>
      %swap3A_546 = arith.index_cast %scan3A_237 : i32 to index
      %swap3A_547 = arith.constant 480 : index
      %swap3A_548 = tpu.vector_load %arg9[%swap3A_546, %swap3A_547] {strides = array<i32>} : memref<32x768xf32, #tpu.memory_space<vmem>>, vector<16xf32>,
      tpu.vector_store %arg9[%swap3A_546, %swap3A_547], %add3A_545 {strides = array<i32>} : memref<32x768xf32, #tpu.memory_space<vmem>>, vector<16xf32>,
      %get3A_549 = arith.index_cast %scan3A_237 : i32 to index
      %get3A_550 = arith.constant 496 : index
      %get3A_551 = tpu.vector_load %arg7[%get3A_549, %get3A_550] {strides = array<i32>} : memref<32x768xf32, #tpu.memory_space<vmem>>, vector<16xf32>,
      %get3A_552 = arith.index_cast %scan3A_237 : i32 to index
      %get3A_553 = arith.constant 496 : index
      %get3A_554 = tpu.vector_load %arg8[%get3A_552, %get3A_553] {strides = array<i32>} : memref<32x768xf32, #tpu.memory_space<vmem>>, vector<16xf32>,
      %add3A_555 = arith.addf %get3A_551, %get3A_554 : vector<16xf32>
      %swap3A_556 = arith.index_cast %scan3A_237 : i32 to index
      %swap3A_557 = arith.constant 496 : index
      %swap3A_558 = tpu.vector_load %arg9[%swap3A_556, %swap3A_557] {strides = array<i32>} : memref<32x768xf32, #tpu.memory_space<vmem>>, vector<16xf32>,
      tpu.vector_store %arg9[%swap3A_556, %swap3A_557], %add3A_555 {strides = array<i32>} : memref<32x768xf32, #tpu.memory_space<vmem>>, vector<16xf32>,
      %get3A_559 = arith.index_cast %scan3A_237 : i32 to index
      %get3A_560 = arith.constant 512 : index
      %get3A_561 = tpu.vector_load %arg7[%get3A_559, %get3A_560] {strides = array<i32>} : memref<32x768xf32, #tpu.memory_space<vmem>>, vector<16xf32>,
      %get3A_562 = arith.index_cast %scan3A_237 : i32 to index
      %get3A_563 = arith.constant 512 : index
      %get3A_564 = tpu.vector_load %arg8[%get3A_562, %get3A_563] {strides = array<i32>} : memref<32x768xf32, #tpu.memory_space<vmem>>, vector<16xf32>,
      %add3A_565 = arith.addf %get3A_561, %get3A_564 : vector<16xf32>
      %swap3A_566 = arith.index_cast %scan3A_237 : i32 to index
      %swap3A_567 = arith.constant 512 : index
      %swap3A_568 = tpu.vector_load %arg9[%swap3A_566, %swap3A_567] {strides = array<i32>} : memref<32x768xf32, #tpu.memory_space<vmem>>, vector<16xf32>,
      tpu.vector_store %arg9[%swap3A_566, %swap3A_567], %add3A_565 {strides = array<i32>} : memref<32x768xf32, #tpu.memory_space<vmem>>, vector<16xf32>,
      %get3A_569 = arith.index_cast %scan3A_237 : i32 to index
      %get3A_570 = arith.constant 528 : index
      %get3A_571 = tpu.vector_load %arg7[%get3A_569, %get3A_570] {strides = array<i32>} : memref<32x768xf32, #tpu.memory_space<vmem>>, vector<16xf32>,
      %get3A_572 = arith.index_cast %scan3A_237 : i32 to index
      %get3A_573 = arith.constant 528 : index
      %get3A_574 = tpu.vector_load %arg8[%get3A_572, %get3A_573] {strides = array<i32>} : memref<32x768xf32, #tpu.memory_space<vmem>>, vector<16xf32>,
      %add3A_575 = arith.addf %get3A_571, %get3A_574 : vector<16xf32>
      %swap3A_576 = arith.index_cast %scan3A_237 : i32 to index
      %swap3A_577 = arith.constant 528 : index
      %swap3A_578 = tpu.vector_load %arg9[%swap3A_576, %swap3A_577] {strides = array<i32>} : memref<32x768xf32, #tpu.memory_space<vmem>>, vector<16xf32>,
      tpu.vector_store %arg9[%swap3A_576, %swap3A_577], %add3A_575 {strides = array<i32>} : memref<32x768xf32, #tpu.memory_space<vmem>>, vector<16xf32>,
      %get3A_579 = arith.index_cast %scan3A_237 : i32 to index
      %get3A_580 = arith.constant 544 : index
      %get3A_581 = tpu.vector_load %arg7[%get3A_579, %get3A_580] {strides = array<i32>} : memref<32x768xf32, #tpu.memory_space<vmem>>, vector<16xf32>,
      %get3A_582 = arith.index_cast %scan3A_237 : i32 to index
      %get3A_583 = arith.constant 544 : index
      %get3A_584 = tpu.vector_load %arg8[%get3A_582, %get3A_583] {strides = array<i32>} : memref<32x768xf32, #tpu.memory_space<vmem>>, vector<16xf32>,
      %add3A_585 = arith.addf %get3A_581, %get3A_584 : vector<16xf32>
      %swap3A_586 = arith.index_cast %scan3A_237 : i32 to index
      %swap3A_587 = arith.constant 544 : index
      %swap3A_588 = tpu.vector_load %arg9[%swap3A_586, %swap3A_587] {strides = array<i32>} : memref<32x768xf32, #tpu.memory_space<vmem>>, vector<16xf32>,
      tpu.vector_store %arg9[%swap3A_586, %swap3A_587], %add3A_585 {strides = array<i32>} : memref<32x768xf32, #tpu.memory_space<vmem>>, vector<16xf32>,
      %get3A_589 = arith.index_cast %scan3A_237 : i32 to index
      %get3A_590 = arith.constant 560 : index
      %get3A_591 = tpu.vector_load %arg7[%get3A_589, %get3A_590] {strides = array<i32>} : memref<32x768xf32, #tpu.memory_space<vmem>>, vector<16xf32>,
      %get3A_592 = arith.index_cast %scan3A_237 : i32 to index
      %get3A_593 = arith.constant 560 : index
      %get3A_594 = tpu.vector_load %arg8[%get3A_592, %get3A_593] {strides = array<i32>} : memref<32x768xf32, #tpu.memory_space<vmem>>, vector<16xf32>,
      %add3A_595 = arith.addf %get3A_591, %get3A_594 : vector<16xf32>
      %swap3A_596 = arith.index_cast %scan3A_237 : i32 to index
      %swap3A_597 = arith.constant 560 : index
      %swap3A_598 = tpu.vector_load %arg9[%swap3A_596, %swap3A_597] {strides = array<i32>} : memref<32x768xf32, #tpu.memory_space<vmem>>, vector<16xf32>,
      tpu.vector_store %arg9[%swap3A_596, %swap3A_597], %add3A_595 {strides = array<i32>} : memref<32x768xf32, #tpu.memory_space<vmem>>, vector<16xf32>,
      %get3A_599 = arith.index_cast %scan3A_237 : i32 to index
      %get3A_600 = arith.constant 576 : index
      %get3A_601 = tpu.vector_load %arg7[%get3A_599, %get3A_600] {strides = array<i32>} : memref<32x768xf32, #tpu.memory_space<vmem>>, vector<16xf32>,
      %get3A_602 = arith.index_cast %scan3A_237 : i32 to index
      %get3A_603 = arith.constant 576 : index
      %get3A_604 = tpu.vector_load %arg8[%get3A_602, %get3A_603] {strides = array<i32>} : memref<32x768xf32, #tpu.memory_space<vmem>>, vector<16xf32>,
      %add3A_605 = arith.addf %get3A_601, %get3A_604 : vector<16xf32>
      %swap3A_606 = arith.index_cast %scan3A_237 : i32 to index
      %swap3A_607 = arith.constant 576 : index
      %swap3A_608 = tpu.vector_load %arg9[%swap3A_606, %swap3A_607] {strides = array<i32>} : memref<32x768xf32, #tpu.memory_space<vmem>>, vector<16xf32>,
      tpu.vector_store %arg9[%swap3A_606, %swap3A_607], %add3A_605 {strides = array<i32>} : memref<32x768xf32, #tpu.memory_space<vmem>>, vector<16xf32>,
      %get3A_609 = arith.index_cast %scan3A_237 : i32 to index
      %get3A_610 = arith.constant 592 : index
      %get3A_611 = tpu.vector_load %arg7[%get3A_609, %get3A_610] {strides = array<i32>} : memref<32x768xf32, #tpu.memory_space<vmem>>, vector<16xf32>,
      %get3A_612 = arith.index_cast %scan3A_237 : i32 to index
      %get3A_613 = arith.constant 592 : index
      %get3A_614 = tpu.vector_load %arg8[%get3A_612, %get3A_613] {strides = array<i32>} : memref<32x768xf32, #tpu.memory_space<vmem>>, vector<16xf32>,
      %add3A_615 = arith.addf %get3A_611, %get3A_614 : vector<16xf32>
      %swap3A_616 = arith.index_cast %scan3A_237 : i32 to index
      %swap3A_617 = arith.constant 592 : index
      %swap3A_618 = tpu.vector_load %arg9[%swap3A_616, %swap3A_617] {strides = array<i32>} : memref<32x768xf32, #tpu.memory_space<vmem>>, vector<16xf32>,
      tpu.vector_store %arg9[%swap3A_616, %swap3A_617], %add3A_615 {strides = array<i32>} : memref<32x768xf32, #tpu.memory_space<vmem>>, vector<16xf32>,
      %get3A_619 = arith.index_cast %scan3A_237 : i32 to index
      %get3A_620 = arith.constant 608 : index
      %get3A_621 = tpu.vector_load %arg7[%get3A_619, %get3A_620] {strides = array<i32>} : memref<32x768xf32, #tpu.memory_space<vmem>>, vector<16xf32>,
      %get3A_622 = arith.index_cast %scan3A_237 : i32 to index
      %get3A_623 = arith.constant 608 : index
      %get3A_624 = tpu.vector_load %arg8[%get3A_622, %get3A_623] {strides = array<i32>} : memref<32x768xf32, #tpu.memory_space<vmem>>, vector<16xf32>,
      %add3A_625 = arith.addf %get3A_621, %get3A_624 : vector<16xf32>
      %swap3A_626 = arith.index_cast %scan3A_237 : i32 to index
      %swap3A_627 = arith.constant 608 : index
      %swap3A_628 = tpu.vector_load %arg9[%swap3A_626, %swap3A_627] {strides = array<i32>} : memref<32x768xf32, #tpu.memory_space<vmem>>, vector<16xf32>,
      tpu.vector_store %arg9[%swap3A_626, %swap3A_627], %add3A_625 {strides = array<i32>} : memref<32x768xf32, #tpu.memory_space<vmem>>, vector<16xf32>,
      %get3A_629 = arith.index_cast %scan3A_237 : i32 to index
      %get3A_630 = arith.constant 624 : index
      %get3A_631 = tpu.vector_load %arg7[%get3A_629, %get3A_630] {strides = array<i32>} : memref<32x768xf32, #tpu.memory_space<vmem>>, vector<16xf32>,
      %get3A_632 = arith.index_cast %scan3A_237 : i32 to index
      %get3A_633 = arith.constant 624 : index
      %get3A_634 = tpu.vector_load %arg8[%get3A_632, %get3A_633] {strides = array<i32>} : memref<32x768xf32, #tpu.memory_space<vmem>>, vector<16xf32>,
      %add3A_635 = arith.addf %get3A_631, %get3A_634 : vector<16xf32>
      %swap3A_636 = arith.index_cast %scan3A_237 : i32 to index
      %swap3A_637 = arith.constant 624 : index
      %swap3A_638 = tpu.vector_load %arg9[%swap3A_636, %swap3A_637] {strides = array<i32>} : memref<32x768xf32, #tpu.memory_space<vmem>>, vector<16xf32>,
      tpu.vector_store %arg9[%swap3A_636, %swap3A_637], %add3A_635 {strides = array<i32>} : memref<32x768xf32, #tpu.memory_space<vmem>>, vector<16xf32>,
      %get3A_639 = arith.index_cast %scan3A_237 : i32 to index
      %get3A_640 = arith.constant 640 : index
      %get3A_641 = tpu.vector_load %arg7[%get3A_639, %get3A_640] {strides = array<i32>} : memref<32x768xf32, #tpu.memory_space<vmem>>, vector<16xf32>,
      %get3A_642 = arith.index_cast %scan3A_237 : i32 to index
      %get3A_643 = arith.constant 640 : index
      %get3A_644 = tpu.vector_load %arg8[%get3A_642, %get3A_643] {strides = array<i32>} : memref<32x768xf32, #tpu.memory_space<vmem>>, vector<16xf32>,
      %add3A_645 = arith.addf %get3A_641, %get3A_644 : vector<16xf32>
      %swap3A_646 = arith.index_cast %scan3A_237 : i32 to index
      %swap3A_647 = arith.constant 640 : index
      %swap3A_648 = tpu.vector_load %arg9[%swap3A_646, %swap3A_647] {strides = array<i32>} : memref<32x768xf32, #tpu.memory_space<vmem>>, vector<16xf32>,
      tpu.vector_store %arg9[%swap3A_646, %swap3A_647], %add3A_645 {strides = array<i32>} : memref<32x768xf32, #tpu.memory_space<vmem>>, vector<16xf32>,
      %get3A_649 = arith.index_cast %scan3A_237 : i32 to index
      %get3A_650 = arith.constant 656 : index
      %get3A_651 = tpu.vector_load %arg7[%get3A_649, %get3A_650] {strides = array<i32>} : memref<32x768xf32, #tpu.memory_space<vmem>>, vector<16xf32>,
      %get3A_652 = arith.index_cast %scan3A_237 : i32 to index
      %get3A_653 = arith.constant 656 : index
      %get3A_654 = tpu.vector_load %arg8[%get3A_652, %get3A_653] {strides = array<i32>} : memref<32x768xf32, #tpu.memory_space<vmem>>, vector<16xf32>,
      %add3A_655 = arith.addf %get3A_651, %get3A_654 : vector<16xf32>
      %swap3A_656 = arith.index_cast %scan3A_237 : i32 to index
      %swap3A_657 = arith.constant 656 : index
      %swap3A_658 = tpu.vector_load %arg9[%swap3A_656, %swap3A_657] {strides = array<i32>} : memref<32x768xf32, #tpu.memory_space<vmem>>, vector<16xf32>,
      tpu.vector_store %arg9[%swap3A_656, %swap3A_657], %add3A_655 {strides = array<i32>} : memref<32x768xf32, #tpu.memory_space<vmem>>, vector<16xf32>,
      %get3A_659 = arith.index_cast %scan3A_237 : i32 to index
      %get3A_660 = arith.constant 672 : index
      %get3A_661 = tpu.vector_load %arg7[%get3A_659, %get3A_660] {strides = array<i32>} : memref<32x768xf32, #tpu.memory_space<vmem>>, vector<16xf32>,
      %get3A_662 = arith.index_cast %scan3A_237 : i32 to index
      %get3A_663 = arith.constant 672 : index
      %get3A_664 = tpu.vector_load %arg8[%get3A_662, %get3A_663] {strides = array<i32>} : memref<32x768xf32, #tpu.memory_space<vmem>>, vector<16xf32>,
      %add3A_665 = arith.addf %get3A_661, %get3A_664 : vector<16xf32>
      %swap3A_666 = arith.index_cast %scan3A_237 : i32 to index
      %swap3A_667 = arith.constant 672 : index
      %swap3A_668 = tpu.vector_load %arg9[%swap3A_666, %swap3A_667] {strides = array<i32>} : memref<32x768xf32, #tpu.memory_space<vmem>>, vector<16xf32>,
      tpu.vector_store %arg9[%swap3A_666, %swap3A_667], %add3A_665 {strides = array<i32>} : memref<32x768xf32, #tpu.memory_space<vmem>>, vector<16xf32>,
      %get3A_669 = arith.index_cast %scan3A_237 : i32 to index
      %get3A_670 = arith.constant 688 : index
      %get3A_671 = tpu.vector_load %arg7[%get3A_669, %get3A_670] {strides = array<i32>} : memref<32x768xf32, #tpu.memory_space<vmem>>, vector<16xf32>,
      %get3A_672 = arith.index_cast %scan3A_237 : i32 to index
      %get3A_673 = arith.constant 688 : index
      %get3A_674 = tpu.vector_load %arg8[%get3A_672, %get3A_673] {strides = array<i32>} : memref<32x768xf32, #tpu.memory_space<vmem>>, vector<16xf32>,
      %add3A_675 = arith.addf %get3A_671, %get3A_674 : vector<16xf32>
      %swap3A_676 = arith.index_cast %scan3A_237 : i32 to index
      %swap3A_677 = arith.constant 688 : index
      %swap3A_678 = tpu.vector_load %arg9[%swap3A_676, %swap3A_677] {strides = array<i32>} : memref<32x768xf32, #tpu.memory_space<vmem>>, vector<16xf32>,
      tpu.vector_store %arg9[%swap3A_676, %swap3A_677], %add3A_675 {strides = array<i32>} : memref<32x768xf32, #tpu.memory_space<vmem>>, vector<16xf32>,
      %get3A_679 = arith.index_cast %scan3A_237 : i32 to index
      %get3A_680 = arith.constant 704 : index
      %get3A_681 = tpu.vector_load %arg7[%get3A_679, %get3A_680] {strides = array<i32>} : memref<32x768xf32, #tpu.memory_space<vmem>>, vector<16xf32>,
      %get3A_682 = arith.index_cast %scan3A_237 : i32 to index
      %get3A_683 = arith.constant 704 : index
      %get3A_684 = tpu.vector_load %arg8[%get3A_682, %get3A_683] {strides = array<i32>} : memref<32x768xf32, #tpu.memory_space<vmem>>, vector<16xf32>,
      %add3A_685 = arith.addf %get3A_681, %get3A_684 : vector<16xf32>
      %swap3A_686 = arith.index_cast %scan3A_237 : i32 to index
      %swap3A_687 = arith.constant 704 : index
      %swap3A_688 = tpu.vector_load %arg9[%swap3A_686, %swap3A_687] {strides = array<i32>} : memref<32x768xf32, #tpu.memory_space<vmem>>, vector<16xf32>,
      tpu.vector_store %arg9[%swap3A_686, %swap3A_687], %add3A_685 {strides = array<i32>} : memref<32x768xf32, #tpu.memory_space<vmem>>, vector<16xf32>,
      %get3A_689 = arith.index_cast %scan3A_237 : i32 to index
      %get3A_690 = arith.constant 720 : index
      %get3A_691 = tpu.vector_load %arg7[%get3A_689, %get3A_690] {strides = array<i32>} : memref<32x768xf32, #tpu.memory_space<vmem>>, vector<16xf32>,
      %get3A_692 = arith.index_cast %scan3A_237 : i32 to index
      %get3A_693 = arith.constant 720 : index
      %get3A_694 = tpu.vector_load %arg8[%get3A_692, %get3A_693] {strides = array<i32>} : memref<32x768xf32, #tpu.memory_space<vmem>>, vector<16xf32>,
      %add3A_695 = arith.addf %get3A_691, %get3A_694 : vector<16xf32>
      %swap3A_696 = arith.index_cast %scan3A_237 : i32 to index
      %swap3A_697 = arith.constant 720 : index
      %swap3A_698 = tpu.vector_load %arg9[%swap3A_696, %swap3A_697] {strides = array<i32>} : memref<32x768xf32, #tpu.memory_space<vmem>>, vector<16xf32>,
      tpu.vector_store %arg9[%swap3A_696, %swap3A_697], %add3A_695 {strides = array<i32>} : memref<32x768xf32, #tpu.memory_space<vmem>>, vector<16xf32>,
      %get3A_699 = arith.index_cast %scan3A_237 : i32 to index
      %get3A_700 = arith.constant 736 : index
      %get3A_701 = tpu.vector_load %arg7[%get3A_699, %get3A_700] {strides = array<i32>} : memref<32x768xf32, #tpu.memory_space<vmem>>, vector<16xf32>,
      %get3A_702 = arith.index_cast %scan3A_237 : i32 to index
      %get3A_703 = arith.constant 736 : index
      %get3A_704 = tpu.vector_load %arg8[%get3A_702, %get3A_703] {strides = array<i32>} : memref<32x768xf32, #tpu.memory_space<vmem>>, vector<16xf32>,
      %add3A_705 = arith.addf %get3A_701, %get3A_704 : vector<16xf32>
      %swap3A_706 = arith.index_cast %scan3A_237 : i32 to index
      %swap3A_707 = arith.constant 736 : index
      %swap3A_708 = tpu.vector_load %arg9[%swap3A_706, %swap3A_707] {strides = array<i32>} : memref<32x768xf32, #tpu.memory_space<vmem>>, vector<16xf32>,
      tpu.vector_store %arg9[%swap3A_706, %swap3A_707], %add3A_705 {strides = array<i32>} : memref<32x768xf32, #tpu.memory_space<vmem>>, vector<16xf32>,
      %get3A_709 = arith.index_cast %scan3A_237 : i32 to index
      %get3A_710 = arith.constant 752 : index
      %get3A_711 = tpu.vector_load %arg7[%get3A_709, %get3A_710] {strides = array<i32>} : memref<32x768xf32, #tpu.memory_space<vmem>>, vector<16xf32>,
      %get3A_712 = arith.index_cast %scan3A_237 : i32 to index
      %get3A_713 = arith.constant 752 : index
      %get3A_714 = tpu.vector_load %arg8[%get3A_712, %get3A_713] {strides = array<i32>} : memref<32x768xf32, #tpu.memory_space<vmem>>, vector<16xf32>,
      %add3A_715 = arith.addf %get3A_711, %get3A_714 : vector<16xf32>
      %swap3A_716 = arith.index_cast %scan3A_237 : i32 to index
      %swap3A_717 = arith.constant 752 : index
      %swap3A_718 = tpu.vector_load %arg9[%swap3A_716, %swap3A_717] {strides = array<i32>} : memref<32x768xf32, #tpu.memory_space<vmem>>, vector<16xf32>,
      tpu.vector_store %arg9[%swap3A_716, %swap3A_717], %add3A_715 {strides = array<i32>} : memref<32x768xf32, #tpu.memory_space<vmem>>, vector<16xf32>,
      %scan3A_719 = arith.constant 0 : i32
      scf.yield %scan3A_719 : i32
    }
    %scan3A_115 = arith.constant 32 : i32
    "tpu.region"() ({
      %run_scoped3A = tpu.sem_alloc : memref<!tpu.dma_semaphore, #tpu.memory_space<semaphore_mem>>
      %dma_start3A_237 = arith.constant 0 : i32
      %dma_start3A_238 = tpu.memref_slice %arg4[%add3A_4, %dma_start3A_237] : memref<2048x768xf32, #tpu.memory_space<hbm>> -> memref<32x768xf32, #tpu.memory_space<hbm>>
      %dma_start3A_239 = arith.constant 0 : i32
      %dma_start3A_240 = tpu.memref_slice %arg4[%add3A_4, %dma_start3A_239] : memref<2048x768xf32, #tpu.memory_space<hbm>> -> memref<32x768xf32, #tpu.memory_space<hbm>>
      tpu.enqueue_dma source(%arg9 : memref<32x768xf32, #tpu.memory_space<vmem>>) target(%dma_start3A_240 : memref<32x768xf32, #tpu.memory_space<hbm>>) target_semaphore(%run_scoped3A : memref<!tpu.dma_semaphore, #tpu.memory_space<semaphore_mem>>)
      %dma_wait3A_241 = arith.constant 0 : i32
      %dma_wait3A_242 = tpu.memref_slice %arg4[%add3A_4, %dma_wait3A_241] : memref<2048x768xf32, #tpu.memory_space<hbm>> -> memref<32x768xf32, #tpu.memory_space<hbm>>
      %dma_wait3A_243 = arith.constant 0 : i32
      %dma_wait3A_244 = tpu.memref_slice %arg4[%add3A_4, %dma_wait3A_243] : memref<2048x768xf32, #tpu.memory_space<hbm>> -> memref<32x768xf32, #tpu.memory_space<hbm>>
      tpu.wait_dma2 semaphore(%run_scoped3A : memref<!tpu.dma_semaphore, #tpu.memory_space<semaphore_mem>>) src(%arg9 : memref<32x768xf32, #tpu.memory_space<vmem>>) dst(%dma_wait3A_244 : memref<32x768xf32, #tpu.memory_space<hbm>>)
      tpu.yield
    }) : () -> ()
    %mul3A_116 = arith.constant 64 : i32
    %mul3A_117 = arith.muli %add3A, %mul3A_116 : i32
    %add3A_118 = arith.constant 32 : i32
    %add3A_119 = arith.addi %mul3A_117, %add3A_118 : i32
    %dma_start3A_120 = arith.constant 0 : i32
    %dma_start3A_121 = arith.constant 0 : i32
    %dma_start3A_122 = tpu.memref_slice %arg6[%dma_start3A_120, %dma_start3A_121] : memref<2x32xi32, #tpu.memory_space<vmem>> -> memref<1x32xi32, #tpu.memory_space<vmem>>
    %dma_start3A_123 = tpu.memref_squeeze %dma_start3A_122 : memref<1x32xi32, #tpu.memory_space<vmem>> -> memref<32xi32, #tpu.memory_space<vmem>>
    %dma_start3A_124 = tpu.memref_slice %arg2[%add3A_119] : memref<4096xi32, #tpu.memory_space<hbm>> -> memref<32xi32, #tpu.memory_space<hbm>>
    %dma_start3A_125 = arith.constant 0 : i32
    %dma_start3A_126 = tpu.memref_slice %arg6[%dma_start3A_120, %dma_start3A_125] : memref<2x32xi32, #tpu.memory_space<vmem>> -> memref<1x32xi32, #tpu.memory_space<vmem>>
    %dma_start3A_127 = tpu.memref_squeeze %dma_start3A_126 : memref<1x32xi32, #tpu.memory_space<vmem>> -> memref<32xi32, #tpu.memory_space<vmem>>
    %dma_start3A_128 = tpu.memref_slice %arg2[%add3A_119] : memref<4096xi32, #tpu.memory_space<hbm>> -> memref<32xi32, #tpu.memory_space<hbm>>
    tpu.enqueue_dma source(%dma_start3A_128 : memref<32xi32, #tpu.memory_space<hbm>>) target(%dma_start3A_127 : memref<32xi32, #tpu.memory_space<vmem>>) target_semaphore(%arg10 : memref<!tpu.dma_semaphore, #tpu.memory_space<semaphore_mem>>)
    %add3A_129 = arith.constant 2048 : i32
    %add3A_130 = arith.addi %add3A_129, %add3A_119 : i32
    %dma_start3A_131 = arith.constant 1 : i32
    %dma_start3A_132 = arith.constant 0 : i32
    %dma_start3A_133 = tpu.memref_slice %arg6[%dma_start3A_131, %dma_start3A_132] : memref<2x32xi32, #tpu.memory_space<vmem>> -> memref<1x32xi32, #tpu.memory_space<vmem>>
    %dma_start3A_134 = tpu.memref_squeeze %dma_start3A_133 : memref<1x32xi32, #tpu.memory_space<vmem>> -> memref<32xi32, #tpu.memory_space<vmem>>
    %dma_start3A_135 = tpu.memref_slice %arg2[%add3A_130] : memref<4096xi32, #tpu.memory_space<hbm>> -> memref<32xi32, #tpu.memory_space<hbm>>
    %dma_start3A_136 = arith.constant 0 : i32
    %dma_start3A_137 = tpu.memref_slice %arg6[%dma_start3A_131, %dma_start3A_136] : memref<2x32xi32, #tpu.memory_space<vmem>> -> memref<1x32xi32, #tpu.memory_space<vmem>>
    %dma_start3A_138 = tpu.memref_squeeze %dma_start3A_137 : memref<1x32xi32, #tpu.memory_space<vmem>> -> memref<32xi32, #tpu.memory_space<vmem>>
    %dma_start3A_139 = tpu.memref_slice %arg2[%add3A_130] : memref<4096xi32, #tpu.memory_space<hbm>> -> memref<32xi32, #tpu.memory_space<hbm>>
    tpu.enqueue_dma source(%dma_start3A_139 : memref<32xi32, #tpu.memory_space<hbm>>) target(%dma_start3A_138 : memref<32xi32, #tpu.memory_space<vmem>>) target_semaphore(%arg11 : memref<!tpu.dma_semaphore, #tpu.memory_space<semaphore_mem>>)
    %dma_wait3A_140 = arith.constant 0 : i32
    %dma_wait3A_141 = arith.constant 0 : i32
    %dma_wait3A_142 = tpu.memref_slice %arg6[%dma_wait3A_140, %dma_wait3A_141] : memref<2x32xi32, #tpu.memory_space<vmem>> -> memref<1x32xi32, #tpu.memory_space<vmem>>
    %dma_wait3A_143 = tpu.memref_squeeze %dma_wait3A_142 : memref<1x32xi32, #tpu.memory_space<vmem>> -> memref<32xi32, #tpu.memory_space<vmem>>
    %dma_wait3A_144 = tpu.memref_slice %arg2[%add3A_119] : memref<4096xi32, #tpu.memory_space<hbm>> -> memref<32xi32, #tpu.memory_space<hbm>>
    %dma_wait3A_145 = arith.constant 0 : i32
    %dma_wait3A_146 = tpu.memref_slice %arg6[%dma_wait3A_140, %dma_wait3A_145] : memref<2x32xi32, #tpu.memory_space<vmem>> -> memref<1x32xi32, #tpu.memory_space<vmem>>
    %dma_wait3A_147 = tpu.memref_squeeze %dma_wait3A_146 : memref<1x32xi32, #tpu.memory_space<vmem>> -> memref<32xi32, #tpu.memory_space<vmem>>
    %dma_wait3A_148 = tpu.memref_slice %arg2[%add3A_119] : memref<4096xi32, #tpu.memory_space<hbm>> -> memref<32xi32, #tpu.memory_space<hbm>>
    tpu.wait_dma2 semaphore(%arg10 : memref<!tpu.dma_semaphore, #tpu.memory_space<semaphore_mem>>) src(%dma_wait3A_148 : memref<32xi32, #tpu.memory_space<hbm>>) dst(%dma_wait3A_147 : memref<32xi32, #tpu.memory_space<vmem>>)
    %dma_wait3A_149 = arith.constant 1 : i32
    %dma_wait3A_150 = arith.constant 0 : i32
    %dma_wait3A_151 = tpu.memref_slice %arg6[%dma_wait3A_149, %dma_wait3A_150] : memref<2x32xi32, #tpu.memory_space<vmem>> -> memref<1x32xi32, #tpu.memory_space<vmem>>
    %dma_wait3A_152 = tpu.memref_squeeze %dma_wait3A_151 : memref<1x32xi32, #tpu.memory_space<vmem>> -> memref<32xi32, #tpu.memory_space<vmem>>
    %dma_wait3A_153 = tpu.memref_slice %arg2[%add3A_130] : memref<4096xi32, #tpu.memory_space<hbm>> -> memref<32xi32, #tpu.memory_space<hbm>>
    %dma_wait3A_154 = arith.constant 0 : i32
    %dma_wait3A_155 = tpu.memref_slice %arg6[%dma_wait3A_149, %dma_wait3A_154] : memref<2x32xi32, #tpu.memory_space<vmem>> -> memref<1x32xi32, #tpu.memory_space<vmem>>
    %dma_wait3A_156 = tpu.memref_squeeze %dma_wait3A_155 : memref<1x32xi32, #tpu.memory_space<vmem>> -> memref<32xi32, #tpu.memory_space<vmem>>
    %dma_wait3A_157 = tpu.memref_slice %arg2[%add3A_130] : memref<4096xi32, #tpu.memory_space<hbm>> -> memref<32xi32, #tpu.memory_space<hbm>>
    tpu.wait_dma2 semaphore(%arg11 : memref<!tpu.dma_semaphore, #tpu.memory_space<semaphore_mem>>) src(%dma_wait3A_157 : memref<32xi32, #tpu.memory_space<hbm>>) dst(%dma_wait3A_156 : memref<32xi32, #tpu.memory_space<vmem>>)
    %get3A_158 = arith.constant 0 : i32
    %get3A_159 = arith.index_cast %get3A_158 : i32 to index
    %get3A_160 = arith.constant 0 : index
    %get3A_161 = tpu.vector_load %arg6[%get3A_159, %get3A_160] {strides = array<i32>} : memref<2x32xi32, #tpu.memory_space<vmem>>, vector<16xi32>,
    %min3A_162 = arith.constant 5119 : i32
    %min3A_163 = vector.broadcast %min3A_162 : i32 to vector<16xi32>
    %min3A_164 = arith.minsi %get3A_161, %min3A_163 : vector<16xi32>
    %swap3A_165 = arith.constant 0 : i32
    %swap3A_166 = arith.index_cast %swap3A_165 : i32 to index
    %swap3A_167 = arith.constant 0 : index
    %swap3A_168 = tpu.vector_load %arg5[%swap3A_166, %swap3A_167] {strides = array<i32>} : memref<2x32xi32, #tpu.memory_space<vmem>>, vector<16xi32>,
    tpu.vector_store %arg5[%swap3A_166, %swap3A_167], %min3A_164 {strides = array<i32>} : memref<2x32xi32, #tpu.memory_space<vmem>>, vector<16xi32>,
    %get3A_169 = arith.constant 0 : i32
    %get3A_170 = arith.index_cast %get3A_169 : i32 to index
    %get3A_171 = arith.constant 16 : index
    %get3A_172 = tpu.vector_load %arg6[%get3A_170, %get3A_171] {strides = array<i32>} : memref<2x32xi32, #tpu.memory_space<vmem>>, vector<16xi32>,
    %min3A_173 = arith.constant 5119 : i32
    %min3A_174 = vector.broadcast %min3A_173 : i32 to vector<16xi32>
    %min3A_175 = arith.minsi %get3A_172, %min3A_174 : vector<16xi32>
    %swap3A_176 = arith.constant 0 : i32
    %swap3A_177 = arith.index_cast %swap3A_176 : i32 to index
    %swap3A_178 = arith.constant 16 : index
    %swap3A_179 = tpu.vector_load %arg5[%swap3A_177, %swap3A_178] {strides = array<i32>} : memref<2x32xi32, #tpu.memory_space<vmem>>, vector<16xi32>,
    tpu.vector_store %arg5[%swap3A_177, %swap3A_178], %min3A_175 {strides = array<i32>} : memref<2x32xi32, #tpu.memory_space<vmem>>, vector<16xi32>,
    %get3A_180 = arith.constant 1 : i32
    %get3A_181 = arith.index_cast %get3A_180 : i32 to index
    %get3A_182 = arith.constant 0 : index
    %get3A_183 = tpu.vector_load %arg6[%get3A_181, %get3A_182] {strides = array<i32>} : memref<2x32xi32, #tpu.memory_space<vmem>>, vector<16xi32>,
    %min3A_184 = arith.constant 5119 : i32
    %min3A_185 = vector.broadcast %min3A_184 : i32 to vector<16xi32>
    %min3A_186 = arith.minsi %get3A_183, %min3A_185 : vector<16xi32>
    %swap3A_187 = arith.constant 1 : i32
    %swap3A_188 = arith.index_cast %swap3A_187 : i32 to index
    %swap3A_189 = arith.constant 0 : index
    %swap3A_190 = tpu.vector_load %arg5[%swap3A_188, %swap3A_189] {strides = array<i32>} : memref<2x32xi32, #tpu.memory_space<vmem>>, vector<16xi32>,
    tpu.vector_store %arg5[%swap3A_188, %swap3A_189], %min3A_186 {strides = array<i32>} : memref<2x32xi32, #tpu.memory_space<vmem>>, vector<16xi32>,
    %get3A_191 = arith.constant 1 : i32
    %get3A_192 = arith.index_cast %get3A_191 : i32 to index
    %get3A_193 = arith.constant 16 : index
    %get3A_194 = tpu.vector_load %arg6[%get3A_192, %get3A_193] {strides = array<i32>} : memref<2x32xi32, #tpu.memory_space<vmem>>, vector<16xi32>,
    %min3A_195 = arith.constant 5119 : i32
    %min3A_196 = vector.broadcast %min3A_195 : i32 to vector<16xi32>
    %min3A_197 = arith.minsi %get3A_194, %min3A_196 : vector<16xi32>
    %swap3A_198 = arith.constant 1 : i32
    %swap3A_199 = arith.index_cast %swap3A_198 : i32 to index
    %swap3A_200 = arith.constant 16 : index
    %swap3A_201 = tpu.vector_load %arg5[%swap3A_199, %swap3A_200] {strides = array<i32>} : memref<2x32xi32, #tpu.memory_space<vmem>>, vector<16xi32>,
    tpu.vector_store %arg5[%swap3A_199, %swap3A_200], %min3A_197 {strides = array<i32>} : memref<2x32xi32, #tpu.memory_space<vmem>>, vector<16xi32>,
    %dma_start3A_202 = arith.constant 0 : i32
    %dma_start3A_203 = arith.constant 0 : i32
    %dma_start3A_204 = tpu.memref_slice %arg5[%dma_start3A_202, %dma_start3A_203] : memref<2x32xi32, #tpu.memory_space<vmem>> -> memref<1x32xi32, #tpu.memory_space<vmem>>
    %dma_start3A_205 = tpu.memref_squeeze %dma_start3A_204 : memref<1x32xi32, #tpu.memory_space<vmem>> -> memref<32xi32, #tpu.memory_space<vmem>>
    %dma_start3A_206 = arith.constant 0 : i32
    %dma_start3A_207 = arith.constant 0 : i32
    %dma_start3A_208 = tpu.memref_slice %arg3[%dma_start3A_206, %dma_start3A_207] : memref<5120x768xf32, #tpu.memory_space<hbm>> -> memref<5120x768xf32, #tpu.memory_space<hbm>>
    tpu.enqueue_indirect_dma source(%dma_start3A_208 : memref<5120x768xf32, #tpu.memory_space<hbm>>) target(%arg7 : memref<32x768xf32, #tpu.memory_space<vmem>>) offsets(%dma_start3A_205 : memref<32xi32, #tpu.memory_space<vmem>>) semaphore(%arg12 : memref<!tpu.dma_semaphore, #tpu.memory_space<semaphore_mem>>)
    %dma_start3A_209 = arith.constant 1 : i32
    %dma_start3A_210 = arith.constant 0 : i32
    %dma_start3A_211 = tpu.memref_slice %arg5[%dma_start3A_209, %dma_start3A_210] : memref<2x32xi32, #tpu.memory_space<vmem>> -> memref<1x32xi32, #tpu.memory_space<vmem>>
    %dma_start3A_212 = tpu.memref_squeeze %dma_start3A_211 : memref<1x32xi32, #tpu.memory_space<vmem>> -> memref<32xi32, #tpu.memory_space<vmem>>
    %dma_start3A_213 = arith.constant 0 : i32
    %dma_start3A_214 = arith.constant 0 : i32
    %dma_start3A_215 = tpu.memref_slice %arg3[%dma_start3A_213, %dma_start3A_214] : memref<5120x768xf32, #tpu.memory_space<hbm>> -> memref<5120x768xf32, #tpu.memory_space<hbm>>
    tpu.enqueue_indirect_dma source(%dma_start3A_215 : memref<5120x768xf32, #tpu.memory_space<hbm>>) target(%arg8 : memref<32x768xf32, #tpu.memory_space<vmem>>) offsets(%dma_start3A_212 : memref<32xi32, #tpu.memory_space<vmem>>) semaphore(%arg13 : memref<!tpu.dma_semaphore, #tpu.memory_space<semaphore_mem>>)
    %dma_wait3A_216 = arith.constant 0 : i32
    %dma_wait3A_217 = arith.constant 0 : i32
    %dma_wait3A_218 = tpu.memref_slice %arg5[%dma_wait3A_216, %dma_wait3A_217] : memref<2x32xi32, #tpu.memory_space<vmem>> -> memref<1x32xi32, #tpu.memory_space<vmem>>
    %dma_wait3A_219 = tpu.memref_squeeze %dma_wait3A_218 : memref<1x32xi32, #tpu.memory_space<vmem>> -> memref<32xi32, #tpu.memory_space<vmem>>
    %dma_wait3A_220 = arith.constant 0 : i32
    %dma_wait3A_221 = arith.constant 0 : i32
    %dma_wait3A_222 = tpu.memref_slice %arg3[%dma_wait3A_220, %dma_wait3A_221] : memref<5120x768xf32, #tpu.memory_space<hbm>> -> memref<5120x768xf32, #tpu.memory_space<hbm>>
    tpu.wait_indirect_dma semaphore(%arg12 : memref<!tpu.dma_semaphore, #tpu.memory_space<semaphore_mem>>) src(%dma_wait3A_222 : memref<5120x768xf32, #tpu.memory_space<hbm>>) dst(%arg7 : memref<32x768xf32, #tpu.memory_space<vmem>>)
    %dma_wait3A_223 = arith.constant 1 : i32
    %dma_wait3A_224 = arith.constant 0 : i32
    %dma_wait3A_225 = tpu.memref_slice %arg5[%dma_wait3A_223, %dma_wait3A_224] : memref<2x32xi32, #tpu.memory_space<vmem>> -> memref<1x32xi32, #tpu.memory_space<vmem>>
    %dma_wait3A_226 = tpu.memref_squeeze %dma_wait3A_225 : memref<1x32xi32, #tpu.memory_space<vmem>> -> memref<32xi32, #tpu.memory_space<vmem>>
    %dma_wait3A_227 = arith.constant 0 : i32
    %dma_wait3A_228 = arith.constant 0 : i32
    %dma_wait3A_229 = tpu.memref_slice %arg3[%dma_wait3A_227, %dma_wait3A_228] : memref<5120x768xf32, #tpu.memory_space<hbm>> -> memref<5120x768xf32, #tpu.memory_space<hbm>>
    tpu.wait_indirect_dma semaphore(%arg13 : memref<!tpu.dma_semaphore, #tpu.memory_space<semaphore_mem>>) src(%dma_wait3A_229 : memref<5120x768xf32, #tpu.memory_space<hbm>>) dst(%arg8 : memref<32x768xf32, #tpu.memory_space<vmem>>)
    %scan3A_230 = arith.constant 0 : i32
    %scan3A_231 = arith.constant 0 : i32
    %scan3A_232 = arith.constant 32 : i32
    %scan3A_233 = arith.addi %scan3A_231, %scan3A_232 : i32
    %scan3A_234 = arith.constant 1 : i32
    %scan3A_235 = scf.for %scan3A_237 = %scan3A_231 to %scan3A_233 step %scan3A_234 iter_args(%scan3A_238 = %scan3A_230) -> (i32)  : i32 {
      %get3A_239 = arith.index_cast %scan3A_237 : i32 to index
      %get3A_240 = arith.constant 0 : index
      %get3A_241 = tpu.vector_load %arg7[%get3A_239, %get3A_240] {strides = array<i32>} : memref<32x768xf32, #tpu.memory_space<vmem>>, vector<16xf32>,
      %get3A_242 = arith.index_cast %scan3A_237 : i32 to index
      %get3A_243 = arith.constant 0 : index
      %get3A_244 = tpu.vector_load %arg8[%get3A_242, %get3A_243] {strides = array<i32>} : memref<32x768xf32, #tpu.memory_space<vmem>>, vector<16xf32>,
      %add3A_245 = arith.addf %get3A_241, %get3A_244 : vector<16xf32>
      %swap3A_246 = arith.index_cast %scan3A_237 : i32 to index
      %swap3A_247 = arith.constant 0 : index
      %swap3A_248 = tpu.vector_load %arg9[%swap3A_246, %swap3A_247] {strides = array<i32>} : memref<32x768xf32, #tpu.memory_space<vmem>>, vector<16xf32>,
      tpu.vector_store %arg9[%swap3A_246, %swap3A_247], %add3A_245 {strides = array<i32>} : memref<32x768xf32, #tpu.memory_space<vmem>>, vector<16xf32>,
      %get3A_249 = arith.index_cast %scan3A_237 : i32 to index
      %get3A_250 = arith.constant 16 : index
      %get3A_251 = tpu.vector_load %arg7[%get3A_249, %get3A_250] {strides = array<i32>} : memref<32x768xf32, #tpu.memory_space<vmem>>, vector<16xf32>,
      %get3A_252 = arith.index_cast %scan3A_237 : i32 to index
      %get3A_253 = arith.constant 16 : index
      %get3A_254 = tpu.vector_load %arg8[%get3A_252, %get3A_253] {strides = array<i32>} : memref<32x768xf32, #tpu.memory_space<vmem>>, vector<16xf32>,
      %add3A_255 = arith.addf %get3A_251, %get3A_254 : vector<16xf32>
      %swap3A_256 = arith.index_cast %scan3A_237 : i32 to index
      %swap3A_257 = arith.constant 16 : index
      %swap3A_258 = tpu.vector_load %arg9[%swap3A_256, %swap3A_257] {strides = array<i32>} : memref<32x768xf32, #tpu.memory_space<vmem>>, vector<16xf32>,
      tpu.vector_store %arg9[%swap3A_256, %swap3A_257], %add3A_255 {strides = array<i32>} : memref<32x768xf32, #tpu.memory_space<vmem>>, vector<16xf32>,
      %get3A_259 = arith.index_cast %scan3A_237 : i32 to index
      %get3A_260 = arith.constant 32 : index
      %get3A_261 = tpu.vector_load %arg7[%get3A_259, %get3A_260] {strides = array<i32>} : memref<32x768xf32, #tpu.memory_space<vmem>>, vector<16xf32>,
      %get3A_262 = arith.index_cast %scan3A_237 : i32 to index
      %get3A_263 = arith.constant 32 : index
      %get3A_264 = tpu.vector_load %arg8[%get3A_262, %get3A_263] {strides = array<i32>} : memref<32x768xf32, #tpu.memory_space<vmem>>, vector<16xf32>,
      %add3A_265 = arith.addf %get3A_261, %get3A_264 : vector<16xf32>
      %swap3A_266 = arith.index_cast %scan3A_237 : i32 to index
      %swap3A_267 = arith.constant 32 : index
      %swap3A_268 = tpu.vector_load %arg9[%swap3A_266, %swap3A_267] {strides = array<i32>} : memref<32x768xf32, #tpu.memory_space<vmem>>, vector<16xf32>,
      tpu.vector_store %arg9[%swap3A_266, %swap3A_267], %add3A_265 {strides = array<i32>} : memref<32x768xf32, #tpu.memory_space<vmem>>, vector<16xf32>,
      %get3A_269 = arith.index_cast %scan3A_237 : i32 to index
      %get3A_270 = arith.constant 48 : index
      %get3A_271 = tpu.vector_load %arg7[%get3A_269, %get3A_270] {strides = array<i32>} : memref<32x768xf32, #tpu.memory_space<vmem>>, vector<16xf32>,
      %get3A_272 = arith.index_cast %scan3A_237 : i32 to index
      %get3A_273 = arith.constant 48 : index
      %get3A_274 = tpu.vector_load %arg8[%get3A_272, %get3A_273] {strides = array<i32>} : memref<32x768xf32, #tpu.memory_space<vmem>>, vector<16xf32>,
      %add3A_275 = arith.addf %get3A_271, %get3A_274 : vector<16xf32>
      %swap3A_276 = arith.index_cast %scan3A_237 : i32 to index
      %swap3A_277 = arith.constant 48 : index
      %swap3A_278 = tpu.vector_load %arg9[%swap3A_276, %swap3A_277] {strides = array<i32>} : memref<32x768xf32, #tpu.memory_space<vmem>>, vector<16xf32>,
      tpu.vector_store %arg9[%swap3A_276, %swap3A_277], %add3A_275 {strides = array<i32>} : memref<32x768xf32, #tpu.memory_space<vmem>>, vector<16xf32>,
      %get3A_279 = arith.index_cast %scan3A_237 : i32 to index
      %get3A_280 = arith.constant 64 : index
      %get3A_281 = tpu.vector_load %arg7[%get3A_279, %get3A_280] {strides = array<i32>} : memref<32x768xf32, #tpu.memory_space<vmem>>, vector<16xf32>,
      %get3A_282 = arith.index_cast %scan3A_237 : i32 to index
      %get3A_283 = arith.constant 64 : index
      %get3A_284 = tpu.vector_load %arg8[%get3A_282, %get3A_283] {strides = array<i32>} : memref<32x768xf32, #tpu.memory_space<vmem>>, vector<16xf32>,
      %add3A_285 = arith.addf %get3A_281, %get3A_284 : vector<16xf32>
      %swap3A_286 = arith.index_cast %scan3A_237 : i32 to index
      %swap3A_287 = arith.constant 64 : index
      %swap3A_288 = tpu.vector_load %arg9[%swap3A_286, %swap3A_287] {strides = array<i32>} : memref<32x768xf32, #tpu.memory_space<vmem>>, vector<16xf32>,
      tpu.vector_store %arg9[%swap3A_286, %swap3A_287], %add3A_285 {strides = array<i32>} : memref<32x768xf32, #tpu.memory_space<vmem>>, vector<16xf32>,
      %get3A_289 = arith.index_cast %scan3A_237 : i32 to index
      %get3A_290 = arith.constant 80 : index
      %get3A_291 = tpu.vector_load %arg7[%get3A_289, %get3A_290] {strides = array<i32>} : memref<32x768xf32, #tpu.memory_space<vmem>>, vector<16xf32>,
      %get3A_292 = arith.index_cast %scan3A_237 : i32 to index
      %get3A_293 = arith.constant 80 : index
      %get3A_294 = tpu.vector_load %arg8[%get3A_292, %get3A_293] {strides = array<i32>} : memref<32x768xf32, #tpu.memory_space<vmem>>, vector<16xf32>,
      %add3A_295 = arith.addf %get3A_291, %get3A_294 : vector<16xf32>
      %swap3A_296 = arith.index_cast %scan3A_237 : i32 to index
      %swap3A_297 = arith.constant 80 : index
      %swap3A_298 = tpu.vector_load %arg9[%swap3A_296, %swap3A_297] {strides = array<i32>} : memref<32x768xf32, #tpu.memory_space<vmem>>, vector<16xf32>,
      tpu.vector_store %arg9[%swap3A_296, %swap3A_297], %add3A_295 {strides = array<i32>} : memref<32x768xf32, #tpu.memory_space<vmem>>, vector<16xf32>,
      %get3A_299 = arith.index_cast %scan3A_237 : i32 to index
      %get3A_300 = arith.constant 96 : index
      %get3A_301 = tpu.vector_load %arg7[%get3A_299, %get3A_300] {strides = array<i32>} : memref<32x768xf32, #tpu.memory_space<vmem>>, vector<16xf32>,
      %get3A_302 = arith.index_cast %scan3A_237 : i32 to index
      %get3A_303 = arith.constant 96 : index
      %get3A_304 = tpu.vector_load %arg8[%get3A_302, %get3A_303] {strides = array<i32>} : memref<32x768xf32, #tpu.memory_space<vmem>>, vector<16xf32>,
      %add3A_305 = arith.addf %get3A_301, %get3A_304 : vector<16xf32>
      %swap3A_306 = arith.index_cast %scan3A_237 : i32 to index
      %swap3A_307 = arith.constant 96 : index
      %swap3A_308 = tpu.vector_load %arg9[%swap3A_306, %swap3A_307] {strides = array<i32>} : memref<32x768xf32, #tpu.memory_space<vmem>>, vector<16xf32>,
      tpu.vector_store %arg9[%swap3A_306, %swap3A_307], %add3A_305 {strides = array<i32>} : memref<32x768xf32, #tpu.memory_space<vmem>>, vector<16xf32>,
      %get3A_309 = arith.index_cast %scan3A_237 : i32 to index
      %get3A_310 = arith.constant 112 : index
      %get3A_311 = tpu.vector_load %arg7[%get3A_309, %get3A_310] {strides = array<i32>} : memref<32x768xf32, #tpu.memory_space<vmem>>, vector<16xf32>,
      %get3A_312 = arith.index_cast %scan3A_237 : i32 to index
      %get3A_313 = arith.constant 112 : index
      %get3A_314 = tpu.vector_load %arg8[%get3A_312, %get3A_313] {strides = array<i32>} : memref<32x768xf32, #tpu.memory_space<vmem>>, vector<16xf32>,
      %add3A_315 = arith.addf %get3A_311, %get3A_314 : vector<16xf32>
      %swap3A_316 = arith.index_cast %scan3A_237 : i32 to index
      %swap3A_317 = arith.constant 112 : index
      %swap3A_318 = tpu.vector_load %arg9[%swap3A_316, %swap3A_317] {strides = array<i32>} : memref<32x768xf32, #tpu.memory_space<vmem>>, vector<16xf32>,
      tpu.vector_store %arg9[%swap3A_316, %swap3A_317], %add3A_315 {strides = array<i32>} : memref<32x768xf32, #tpu.memory_space<vmem>>, vector<16xf32>,
      %get3A_319 = arith.index_cast %scan3A_237 : i32 to index
      %get3A_320 = arith.constant 128 : index
      %get3A_321 = tpu.vector_load %arg7[%get3A_319, %get3A_320] {strides = array<i32>} : memref<32x768xf32, #tpu.memory_space<vmem>>, vector<16xf32>,
      %get3A_322 = arith.index_cast %scan3A_237 : i32 to index
      %get3A_323 = arith.constant 128 : index
      %get3A_324 = tpu.vector_load %arg8[%get3A_322, %get3A_323] {strides = array<i32>} : memref<32x768xf32, #tpu.memory_space<vmem>>, vector<16xf32>,
      %add3A_325 = arith.addf %get3A_321, %get3A_324 : vector<16xf32>
      %swap3A_326 = arith.index_cast %scan3A_237 : i32 to index
      %swap3A_327 = arith.constant 128 : index
      %swap3A_328 = tpu.vector_load %arg9[%swap3A_326, %swap3A_327] {strides = array<i32>} : memref<32x768xf32, #tpu.memory_space<vmem>>, vector<16xf32>,
      tpu.vector_store %arg9[%swap3A_326, %swap3A_327], %add3A_325 {strides = array<i32>} : memref<32x768xf32, #tpu.memory_space<vmem>>, vector<16xf32>,
      %get3A_329 = arith.index_cast %scan3A_237 : i32 to index
      %get3A_330 = arith.constant 144 : index
      %get3A_331 = tpu.vector_load %arg7[%get3A_329, %get3A_330] {strides = array<i32>} : memref<32x768xf32, #tpu.memory_space<vmem>>, vector<16xf32>,
      %get3A_332 = arith.index_cast %scan3A_237 : i32 to index
      %get3A_333 = arith.constant 144 : index
      %get3A_334 = tpu.vector_load %arg8[%get3A_332, %get3A_333] {strides = array<i32>} : memref<32x768xf32, #tpu.memory_space<vmem>>, vector<16xf32>,
      %add3A_335 = arith.addf %get3A_331, %get3A_334 : vector<16xf32>
      %swap3A_336 = arith.index_cast %scan3A_237 : i32 to index
      %swap3A_337 = arith.constant 144 : index
      %swap3A_338 = tpu.vector_load %arg9[%swap3A_336, %swap3A_337] {strides = array<i32>} : memref<32x768xf32, #tpu.memory_space<vmem>>, vector<16xf32>,
      tpu.vector_store %arg9[%swap3A_336, %swap3A_337], %add3A_335 {strides = array<i32>} : memref<32x768xf32, #tpu.memory_space<vmem>>, vector<16xf32>,
      %get3A_339 = arith.index_cast %scan3A_237 : i32 to index
      %get3A_340 = arith.constant 160 : index
      %get3A_341 = tpu.vector_load %arg7[%get3A_339, %get3A_340] {strides = array<i32>} : memref<32x768xf32, #tpu.memory_space<vmem>>, vector<16xf32>,
      %get3A_342 = arith.index_cast %scan3A_237 : i32 to index
      %get3A_343 = arith.constant 160 : index
      %get3A_344 = tpu.vector_load %arg8[%get3A_342, %get3A_343] {strides = array<i32>} : memref<32x768xf32, #tpu.memory_space<vmem>>, vector<16xf32>,
      %add3A_345 = arith.addf %get3A_341, %get3A_344 : vector<16xf32>
      %swap3A_346 = arith.index_cast %scan3A_237 : i32 to index
      %swap3A_347 = arith.constant 160 : index
      %swap3A_348 = tpu.vector_load %arg9[%swap3A_346, %swap3A_347] {strides = array<i32>} : memref<32x768xf32, #tpu.memory_space<vmem>>, vector<16xf32>,
      tpu.vector_store %arg9[%swap3A_346, %swap3A_347], %add3A_345 {strides = array<i32>} : memref<32x768xf32, #tpu.memory_space<vmem>>, vector<16xf32>,
      %get3A_349 = arith.index_cast %scan3A_237 : i32 to index
      %get3A_350 = arith.constant 176 : index
      %get3A_351 = tpu.vector_load %arg7[%get3A_349, %get3A_350] {strides = array<i32>} : memref<32x768xf32, #tpu.memory_space<vmem>>, vector<16xf32>,
      %get3A_352 = arith.index_cast %scan3A_237 : i32 to index
      %get3A_353 = arith.constant 176 : index
      %get3A_354 = tpu.vector_load %arg8[%get3A_352, %get3A_353] {strides = array<i32>} : memref<32x768xf32, #tpu.memory_space<vmem>>, vector<16xf32>,
      %add3A_355 = arith.addf %get3A_351, %get3A_354 : vector<16xf32>
      %swap3A_356 = arith.index_cast %scan3A_237 : i32 to index
      %swap3A_357 = arith.constant 176 : index
      %swap3A_358 = tpu.vector_load %arg9[%swap3A_356, %swap3A_357] {strides = array<i32>} : memref<32x768xf32, #tpu.memory_space<vmem>>, vector<16xf32>,
      tpu.vector_store %arg9[%swap3A_356, %swap3A_357], %add3A_355 {strides = array<i32>} : memref<32x768xf32, #tpu.memory_space<vmem>>, vector<16xf32>,
      %get3A_359 = arith.index_cast %scan3A_237 : i32 to index
      %get3A_360 = arith.constant 192 : index
      %get3A_361 = tpu.vector_load %arg7[%get3A_359, %get3A_360] {strides = array<i32>} : memref<32x768xf32, #tpu.memory_space<vmem>>, vector<16xf32>,
      %get3A_362 = arith.index_cast %scan3A_237 : i32 to index
      %get3A_363 = arith.constant 192 : index
      %get3A_364 = tpu.vector_load %arg8[%get3A_362, %get3A_363] {strides = array<i32>} : memref<32x768xf32, #tpu.memory_space<vmem>>, vector<16xf32>,
      %add3A_365 = arith.addf %get3A_361, %get3A_364 : vector<16xf32>
      %swap3A_366 = arith.index_cast %scan3A_237 : i32 to index
      %swap3A_367 = arith.constant 192 : index
      %swap3A_368 = tpu.vector_load %arg9[%swap3A_366, %swap3A_367] {strides = array<i32>} : memref<32x768xf32, #tpu.memory_space<vmem>>, vector<16xf32>,
      tpu.vector_store %arg9[%swap3A_366, %swap3A_367], %add3A_365 {strides = array<i32>} : memref<32x768xf32, #tpu.memory_space<vmem>>, vector<16xf32>,
      %get3A_369 = arith.index_cast %scan3A_237 : i32 to index
      %get3A_370 = arith.constant 208 : index
      %get3A_371 = tpu.vector_load %arg7[%get3A_369, %get3A_370] {strides = array<i32>} : memref<32x768xf32, #tpu.memory_space<vmem>>, vector<16xf32>,
      %get3A_372 = arith.index_cast %scan3A_237 : i32 to index
      %get3A_373 = arith.constant 208 : index
      %get3A_374 = tpu.vector_load %arg8[%get3A_372, %get3A_373] {strides = array<i32>} : memref<32x768xf32, #tpu.memory_space<vmem>>, vector<16xf32>,
      %add3A_375 = arith.addf %get3A_371, %get3A_374 : vector<16xf32>
      %swap3A_376 = arith.index_cast %scan3A_237 : i32 to index
      %swap3A_377 = arith.constant 208 : index
      %swap3A_378 = tpu.vector_load %arg9[%swap3A_376, %swap3A_377] {strides = array<i32>} : memref<32x768xf32, #tpu.memory_space<vmem>>, vector<16xf32>,
      tpu.vector_store %arg9[%swap3A_376, %swap3A_377], %add3A_375 {strides = array<i32>} : memref<32x768xf32, #tpu.memory_space<vmem>>, vector<16xf32>,
      %get3A_379 = arith.index_cast %scan3A_237 : i32 to index
      %get3A_380 = arith.constant 224 : index
      %get3A_381 = tpu.vector_load %arg7[%get3A_379, %get3A_380] {strides = array<i32>} : memref<32x768xf32, #tpu.memory_space<vmem>>, vector<16xf32>,
      %get3A_382 = arith.index_cast %scan3A_237 : i32 to index
      %get3A_383 = arith.constant 224 : index
      %get3A_384 = tpu.vector_load %arg8[%get3A_382, %get3A_383] {strides = array<i32>} : memref<32x768xf32, #tpu.memory_space<vmem>>, vector<16xf32>,
      %add3A_385 = arith.addf %get3A_381, %get3A_384 : vector<16xf32>
      %swap3A_386 = arith.index_cast %scan3A_237 : i32 to index
      %swap3A_387 = arith.constant 224 : index
      %swap3A_388 = tpu.vector_load %arg9[%swap3A_386, %swap3A_387] {strides = array<i32>} : memref<32x768xf32, #tpu.memory_space<vmem>>, vector<16xf32>,
      tpu.vector_store %arg9[%swap3A_386, %swap3A_387], %add3A_385 {strides = array<i32>} : memref<32x768xf32, #tpu.memory_space<vmem>>, vector<16xf32>,
      %get3A_389 = arith.index_cast %scan3A_237 : i32 to index
      %get3A_390 = arith.constant 240 : index
      %get3A_391 = tpu.vector_load %arg7[%get3A_389, %get3A_390] {strides = array<i32>} : memref<32x768xf32, #tpu.memory_space<vmem>>, vector<16xf32>,
      %get3A_392 = arith.index_cast %scan3A_237 : i32 to index
      %get3A_393 = arith.constant 240 : index
      %get3A_394 = tpu.vector_load %arg8[%get3A_392, %get3A_393] {strides = array<i32>} : memref<32x768xf32, #tpu.memory_space<vmem>>, vector<16xf32>,
      %add3A_395 = arith.addf %get3A_391, %get3A_394 : vector<16xf32>
      %swap3A_396 = arith.index_cast %scan3A_237 : i32 to index
      %swap3A_397 = arith.constant 240 : index
      %swap3A_398 = tpu.vector_load %arg9[%swap3A_396, %swap3A_397] {strides = array<i32>} : memref<32x768xf32, #tpu.memory_space<vmem>>, vector<16xf32>,
      tpu.vector_store %arg9[%swap3A_396, %swap3A_397], %add3A_395 {strides = array<i32>} : memref<32x768xf32, #tpu.memory_space<vmem>>, vector<16xf32>,
      %get3A_399 = arith.index_cast %scan3A_237 : i32 to index
      %get3A_400 = arith.constant 256 : index
      %get3A_401 = tpu.vector_load %arg7[%get3A_399, %get3A_400] {strides = array<i32>} : memref<32x768xf32, #tpu.memory_space<vmem>>, vector<16xf32>,
      %get3A_402 = arith.index_cast %scan3A_237 : i32 to index
      %get3A_403 = arith.constant 256 : index
      %get3A_404 = tpu.vector_load %arg8[%get3A_402, %get3A_403] {strides = array<i32>} : memref<32x768xf32, #tpu.memory_space<vmem>>, vector<16xf32>,
      %add3A_405 = arith.addf %get3A_401, %get3A_404 : vector<16xf32>
      %swap3A_406 = arith.index_cast %scan3A_237 : i32 to index
      %swap3A_407 = arith.constant 256 : index
      %swap3A_408 = tpu.vector_load %arg9[%swap3A_406, %swap3A_407] {strides = array<i32>} : memref<32x768xf32, #tpu.memory_space<vmem>>, vector<16xf32>,
      tpu.vector_store %arg9[%swap3A_406, %swap3A_407], %add3A_405 {strides = array<i32>} : memref<32x768xf32, #tpu.memory_space<vmem>>, vector<16xf32>,
      %get3A_409 = arith.index_cast %scan3A_237 : i32 to index
      %get3A_410 = arith.constant 272 : index
      %get3A_411 = tpu.vector_load %arg7[%get3A_409, %get3A_410] {strides = array<i32>} : memref<32x768xf32, #tpu.memory_space<vmem>>, vector<16xf32>,
      %get3A_412 = arith.index_cast %scan3A_237 : i32 to index
      %get3A_413 = arith.constant 272 : index
      %get3A_414 = tpu.vector_load %arg8[%get3A_412, %get3A_413] {strides = array<i32>} : memref<32x768xf32, #tpu.memory_space<vmem>>, vector<16xf32>,
      %add3A_415 = arith.addf %get3A_411, %get3A_414 : vector<16xf32>
      %swap3A_416 = arith.index_cast %scan3A_237 : i32 to index
      %swap3A_417 = arith.constant 272 : index
      %swap3A_418 = tpu.vector_load %arg9[%swap3A_416, %swap3A_417] {strides = array<i32>} : memref<32x768xf32, #tpu.memory_space<vmem>>, vector<16xf32>,
      tpu.vector_store %arg9[%swap3A_416, %swap3A_417], %add3A_415 {strides = array<i32>} : memref<32x768xf32, #tpu.memory_space<vmem>>, vector<16xf32>,
      %get3A_419 = arith.index_cast %scan3A_237 : i32 to index
      %get3A_420 = arith.constant 288 : index
      %get3A_421 = tpu.vector_load %arg7[%get3A_419, %get3A_420] {strides = array<i32>} : memref<32x768xf32, #tpu.memory_space<vmem>>, vector<16xf32>,
      %get3A_422 = arith.index_cast %scan3A_237 : i32 to index
      %get3A_423 = arith.constant 288 : index
      %get3A_424 = tpu.vector_load %arg8[%get3A_422, %get3A_423] {strides = array<i32>} : memref<32x768xf32, #tpu.memory_space<vmem>>, vector<16xf32>,
      %add3A_425 = arith.addf %get3A_421, %get3A_424 : vector<16xf32>
      %swap3A_426 = arith.index_cast %scan3A_237 : i32 to index
      %swap3A_427 = arith.constant 288 : index
      %swap3A_428 = tpu.vector_load %arg9[%swap3A_426, %swap3A_427] {strides = array<i32>} : memref<32x768xf32, #tpu.memory_space<vmem>>, vector<16xf32>,
      tpu.vector_store %arg9[%swap3A_426, %swap3A_427], %add3A_425 {strides = array<i32>} : memref<32x768xf32, #tpu.memory_space<vmem>>, vector<16xf32>,
      %get3A_429 = arith.index_cast %scan3A_237 : i32 to index
      %get3A_430 = arith.constant 304 : index
      %get3A_431 = tpu.vector_load %arg7[%get3A_429, %get3A_430] {strides = array<i32>} : memref<32x768xf32, #tpu.memory_space<vmem>>, vector<16xf32>,
      %get3A_432 = arith.index_cast %scan3A_237 : i32 to index
      %get3A_433 = arith.constant 304 : index
      %get3A_434 = tpu.vector_load %arg8[%get3A_432, %get3A_433] {strides = array<i32>} : memref<32x768xf32, #tpu.memory_space<vmem>>, vector<16xf32>,
      %add3A_435 = arith.addf %get3A_431, %get3A_434 : vector<16xf32>
      %swap3A_436 = arith.index_cast %scan3A_237 : i32 to index
      %swap3A_437 = arith.constant 304 : index
      %swap3A_438 = tpu.vector_load %arg9[%swap3A_436, %swap3A_437] {strides = array<i32>} : memref<32x768xf32, #tpu.memory_space<vmem>>, vector<16xf32>,
      tpu.vector_store %arg9[%swap3A_436, %swap3A_437], %add3A_435 {strides = array<i32>} : memref<32x768xf32, #tpu.memory_space<vmem>>, vector<16xf32>,
      %get3A_439 = arith.index_cast %scan3A_237 : i32 to index
      %get3A_440 = arith.constant 320 : index
      %get3A_441 = tpu.vector_load %arg7[%get3A_439, %get3A_440] {strides = array<i32>} : memref<32x768xf32, #tpu.memory_space<vmem>>, vector<16xf32>,
      %get3A_442 = arith.index_cast %scan3A_237 : i32 to index
      %get3A_443 = arith.constant 320 : index
      %get3A_444 = tpu.vector_load %arg8[%get3A_442, %get3A_443] {strides = array<i32>} : memref<32x768xf32, #tpu.memory_space<vmem>>, vector<16xf32>,
      %add3A_445 = arith.addf %get3A_441, %get3A_444 : vector<16xf32>
      %swap3A_446 = arith.index_cast %scan3A_237 : i32 to index
      %swap3A_447 = arith.constant 320 : index
      %swap3A_448 = tpu.vector_load %arg9[%swap3A_446, %swap3A_447] {strides = array<i32>} : memref<32x768xf32, #tpu.memory_space<vmem>>, vector<16xf32>,
      tpu.vector_store %arg9[%swap3A_446, %swap3A_447], %add3A_445 {strides = array<i32>} : memref<32x768xf32, #tpu.memory_space<vmem>>, vector<16xf32>,
      %get3A_449 = arith.index_cast %scan3A_237 : i32 to index
      %get3A_450 = arith.constant 336 : index
      %get3A_451 = tpu.vector_load %arg7[%get3A_449, %get3A_450] {strides = array<i32>} : memref<32x768xf32, #tpu.memory_space<vmem>>, vector<16xf32>,
      %get3A_452 = arith.index_cast %scan3A_237 : i32 to index
      %get3A_453 = arith.constant 336 : index
      %get3A_454 = tpu.vector_load %arg8[%get3A_452, %get3A_453] {strides = array<i32>} : memref<32x768xf32, #tpu.memory_space<vmem>>, vector<16xf32>,
      %add3A_455 = arith.addf %get3A_451, %get3A_454 : vector<16xf32>
      %swap3A_456 = arith.index_cast %scan3A_237 : i32 to index
      %swap3A_457 = arith.constant 336 : index
      %swap3A_458 = tpu.vector_load %arg9[%swap3A_456, %swap3A_457] {strides = array<i32>} : memref<32x768xf32, #tpu.memory_space<vmem>>, vector<16xf32>,
      tpu.vector_store %arg9[%swap3A_456, %swap3A_457], %add3A_455 {strides = array<i32>} : memref<32x768xf32, #tpu.memory_space<vmem>>, vector<16xf32>,
      %get3A_459 = arith.index_cast %scan3A_237 : i32 to index
      %get3A_460 = arith.constant 352 : index
      %get3A_461 = tpu.vector_load %arg7[%get3A_459, %get3A_460] {strides = array<i32>} : memref<32x768xf32, #tpu.memory_space<vmem>>, vector<16xf32>,
      %get3A_462 = arith.index_cast %scan3A_237 : i32 to index
      %get3A_463 = arith.constant 352 : index
      %get3A_464 = tpu.vector_load %arg8[%get3A_462, %get3A_463] {strides = array<i32>} : memref<32x768xf32, #tpu.memory_space<vmem>>, vector<16xf32>,
      %add3A_465 = arith.addf %get3A_461, %get3A_464 : vector<16xf32>
      %swap3A_466 = arith.index_cast %scan3A_237 : i32 to index
      %swap3A_467 = arith.constant 352 : index
      %swap3A_468 = tpu.vector_load %arg9[%swap3A_466, %swap3A_467] {strides = array<i32>} : memref<32x768xf32, #tpu.memory_space<vmem>>, vector<16xf32>,
      tpu.vector_store %arg9[%swap3A_466, %swap3A_467], %add3A_465 {strides = array<i32>} : memref<32x768xf32, #tpu.memory_space<vmem>>, vector<16xf32>,
      %get3A_469 = arith.index_cast %scan3A_237 : i32 to index
      %get3A_470 = arith.constant 368 : index
      %get3A_471 = tpu.vector_load %arg7[%get3A_469, %get3A_470] {strides = array<i32>} : memref<32x768xf32, #tpu.memory_space<vmem>>, vector<16xf32>,
      %get3A_472 = arith.index_cast %scan3A_237 : i32 to index
      %get3A_473 = arith.constant 368 : index
      %get3A_474 = tpu.vector_load %arg8[%get3A_472, %get3A_473] {strides = array<i32>} : memref<32x768xf32, #tpu.memory_space<vmem>>, vector<16xf32>,
      %add3A_475 = arith.addf %get3A_471, %get3A_474 : vector<16xf32>
      %swap3A_476 = arith.index_cast %scan3A_237 : i32 to index
      %swap3A_477 = arith.constant 368 : index
      %swap3A_478 = tpu.vector_load %arg9[%swap3A_476, %swap3A_477] {strides = array<i32>} : memref<32x768xf32, #tpu.memory_space<vmem>>, vector<16xf32>,
      tpu.vector_store %arg9[%swap3A_476, %swap3A_477], %add3A_475 {strides = array<i32>} : memref<32x768xf32, #tpu.memory_space<vmem>>, vector<16xf32>,
      %get3A_479 = arith.index_cast %scan3A_237 : i32 to index
      %get3A_480 = arith.constant 384 : index
      %get3A_481 = tpu.vector_load %arg7[%get3A_479, %get3A_480] {strides = array<i32>} : memref<32x768xf32, #tpu.memory_space<vmem>>, vector<16xf32>,
      %get3A_482 = arith.index_cast %scan3A_237 : i32 to index
      %get3A_483 = arith.constant 384 : index
      %get3A_484 = tpu.vector_load %arg8[%get3A_482, %get3A_483] {strides = array<i32>} : memref<32x768xf32, #tpu.memory_space<vmem>>, vector<16xf32>,
      %add3A_485 = arith.addf %get3A_481, %get3A_484 : vector<16xf32>
      %swap3A_486 = arith.index_cast %scan3A_237 : i32 to index
      %swap3A_487 = arith.constant 384 : index
      %swap3A_488 = tpu.vector_load %arg9[%swap3A_486, %swap3A_487] {strides = array<i32>} : memref<32x768xf32, #tpu.memory_space<vmem>>, vector<16xf32>,
      tpu.vector_store %arg9[%swap3A_486, %swap3A_487], %add3A_485 {strides = array<i32>} : memref<32x768xf32, #tpu.memory_space<vmem>>, vector<16xf32>,
      %get3A_489 = arith.index_cast %scan3A_237 : i32 to index
      %get3A_490 = arith.constant 400 : index
      %get3A_491 = tpu.vector_load %arg7[%get3A_489, %get3A_490] {strides = array<i32>} : memref<32x768xf32, #tpu.memory_space<vmem>>, vector<16xf32>,
      %get3A_492 = arith.index_cast %scan3A_237 : i32 to index
      %get3A_493 = arith.constant 400 : index
      %get3A_494 = tpu.vector_load %arg8[%get3A_492, %get3A_493] {strides = array<i32>} : memref<32x768xf32, #tpu.memory_space<vmem>>, vector<16xf32>,
      %add3A_495 = arith.addf %get3A_491, %get3A_494 : vector<16xf32>
      %swap3A_496 = arith.index_cast %scan3A_237 : i32 to index
      %swap3A_497 = arith.constant 400 : index
      %swap3A_498 = tpu.vector_load %arg9[%swap3A_496, %swap3A_497] {strides = array<i32>} : memref<32x768xf32, #tpu.memory_space<vmem>>, vector<16xf32>,
      tpu.vector_store %arg9[%swap3A_496, %swap3A_497], %add3A_495 {strides = array<i32>} : memref<32x768xf32, #tpu.memory_space<vmem>>, vector<16xf32>,
      %get3A_499 = arith.index_cast %scan3A_237 : i32 to index
      %get3A_500 = arith.constant 416 : index
      %get3A_501 = tpu.vector_load %arg7[%get3A_499, %get3A_500] {strides = array<i32>} : memref<32x768xf32, #tpu.memory_space<vmem>>, vector<16xf32>,
      %get3A_502 = arith.index_cast %scan3A_237 : i32 to index
      %get3A_503 = arith.constant 416 : index
      %get3A_504 = tpu.vector_load %arg8[%get3A_502, %get3A_503] {strides = array<i32>} : memref<32x768xf32, #tpu.memory_space<vmem>>, vector<16xf32>,
      %add3A_505 = arith.addf %get3A_501, %get3A_504 : vector<16xf32>
      %swap3A_506 = arith.index_cast %scan3A_237 : i32 to index
      %swap3A_507 = arith.constant 416 : index
      %swap3A_508 = tpu.vector_load %arg9[%swap3A_506, %swap3A_507] {strides = array<i32>} : memref<32x768xf32, #tpu.memory_space<vmem>>, vector<16xf32>,
      tpu.vector_store %arg9[%swap3A_506, %swap3A_507], %add3A_505 {strides = array<i32>} : memref<32x768xf32, #tpu.memory_space<vmem>>, vector<16xf32>,
      %get3A_509 = arith.index_cast %scan3A_237 : i32 to index
      %get3A_510 = arith.constant 432 : index
      %get3A_511 = tpu.vector_load %arg7[%get3A_509, %get3A_510] {strides = array<i32>} : memref<32x768xf32, #tpu.memory_space<vmem>>, vector<16xf32>,
      %get3A_512 = arith.index_cast %scan3A_237 : i32 to index
      %get3A_513 = arith.constant 432 : index
      %get3A_514 = tpu.vector_load %arg8[%get3A_512, %get3A_513] {strides = array<i32>} : memref<32x768xf32, #tpu.memory_space<vmem>>, vector<16xf32>,
      %add3A_515 = arith.addf %get3A_511, %get3A_514 : vector<16xf32>
      %swap3A_516 = arith.index_cast %scan3A_237 : i32 to index
      %swap3A_517 = arith.constant 432 : index
      %swap3A_518 = tpu.vector_load %arg9[%swap3A_516, %swap3A_517] {strides = array<i32>} : memref<32x768xf32, #tpu.memory_space<vmem>>, vector<16xf32>,
      tpu.vector_store %arg9[%swap3A_516, %swap3A_517], %add3A_515 {strides = array<i32>} : memref<32x768xf32, #tpu.memory_space<vmem>>, vector<16xf32>,
      %get3A_519 = arith.index_cast %scan3A_237 : i32 to index
      %get3A_520 = arith.constant 448 : index
      %get3A_521 = tpu.vector_load %arg7[%get3A_519, %get3A_520] {strides = array<i32>} : memref<32x768xf32, #tpu.memory_space<vmem>>, vector<16xf32>,
      %get3A_522 = arith.index_cast %scan3A_237 : i32 to index
      %get3A_523 = arith.constant 448 : index
      %get3A_524 = tpu.vector_load %arg8[%get3A_522, %get3A_523] {strides = array<i32>} : memref<32x768xf32, #tpu.memory_space<vmem>>, vector<16xf32>,
      %add3A_525 = arith.addf %get3A_521, %get3A_524 : vector<16xf32>
      %swap3A_526 = arith.index_cast %scan3A_237 : i32 to index
      %swap3A_527 = arith.constant 448 : index
      %swap3A_528 = tpu.vector_load %arg9[%swap3A_526, %swap3A_527] {strides = array<i32>} : memref<32x768xf32, #tpu.memory_space<vmem>>, vector<16xf32>,
      tpu.vector_store %arg9[%swap3A_526, %swap3A_527], %add3A_525 {strides = array<i32>} : memref<32x768xf32, #tpu.memory_space<vmem>>, vector<16xf32>,
      %get3A_529 = arith.index_cast %scan3A_237 : i32 to index
      %get3A_530 = arith.constant 464 : index
      %get3A_531 = tpu.vector_load %arg7[%get3A_529, %get3A_530] {strides = array<i32>} : memref<32x768xf32, #tpu.memory_space<vmem>>, vector<16xf32>,
      %get3A_532 = arith.index_cast %scan3A_237 : i32 to index
      %get3A_533 = arith.constant 464 : index
      %get3A_534 = tpu.vector_load %arg8[%get3A_532, %get3A_533] {strides = array<i32>} : memref<32x768xf32, #tpu.memory_space<vmem>>, vector<16xf32>,
      %add3A_535 = arith.addf %get3A_531, %get3A_534 : vector<16xf32>
      %swap3A_536 = arith.index_cast %scan3A_237 : i32 to index
      %swap3A_537 = arith.constant 464 : index
      %swap3A_538 = tpu.vector_load %arg9[%swap3A_536, %swap3A_537] {strides = array<i32>} : memref<32x768xf32, #tpu.memory_space<vmem>>, vector<16xf32>,
      tpu.vector_store %arg9[%swap3A_536, %swap3A_537], %add3A_535 {strides = array<i32>} : memref<32x768xf32, #tpu.memory_space<vmem>>, vector<16xf32>,
      %get3A_539 = arith.index_cast %scan3A_237 : i32 to index
      %get3A_540 = arith.constant 480 : index
      %get3A_541 = tpu.vector_load %arg7[%get3A_539, %get3A_540] {strides = array<i32>} : memref<32x768xf32, #tpu.memory_space<vmem>>, vector<16xf32>,
      %get3A_542 = arith.index_cast %scan3A_237 : i32 to index
      %get3A_543 = arith.constant 480 : index
      %get3A_544 = tpu.vector_load %arg8[%get3A_542, %get3A_543] {strides = array<i32>} : memref<32x768xf32, #tpu.memory_space<vmem>>, vector<16xf32>,
      %add3A_545 = arith.addf %get3A_541, %get3A_544 : vector<16xf32>
      %swap3A_546 = arith.index_cast %scan3A_237 : i32 to index
      %swap3A_547 = arith.constant 480 : index
      %swap3A_548 = tpu.vector_load %arg9[%swap3A_546, %swap3A_547] {strides = array<i32>} : memref<32x768xf32, #tpu.memory_space<vmem>>, vector<16xf32>,
      tpu.vector_store %arg9[%swap3A_546, %swap3A_547], %add3A_545 {strides = array<i32>} : memref<32x768xf32, #tpu.memory_space<vmem>>, vector<16xf32>,
      %get3A_549 = arith.index_cast %scan3A_237 : i32 to index
      %get3A_550 = arith.constant 496 : index
      %get3A_551 = tpu.vector_load %arg7[%get3A_549, %get3A_550] {strides = array<i32>} : memref<32x768xf32, #tpu.memory_space<vmem>>, vector<16xf32>,
      %get3A_552 = arith.index_cast %scan3A_237 : i32 to index
      %get3A_553 = arith.constant 496 : index
      %get3A_554 = tpu.vector_load %arg8[%get3A_552, %get3A_553] {strides = array<i32>} : memref<32x768xf32, #tpu.memory_space<vmem>>, vector<16xf32>,
      %add3A_555 = arith.addf %get3A_551, %get3A_554 : vector<16xf32>
      %swap3A_556 = arith.index_cast %scan3A_237 : i32 to index
      %swap3A_557 = arith.constant 496 : index
      %swap3A_558 = tpu.vector_load %arg9[%swap3A_556, %swap3A_557] {strides = array<i32>} : memref<32x768xf32, #tpu.memory_space<vmem>>, vector<16xf32>,
      tpu.vector_store %arg9[%swap3A_556, %swap3A_557], %add3A_555 {strides = array<i32>} : memref<32x768xf32, #tpu.memory_space<vmem>>, vector<16xf32>,
      %get3A_559 = arith.index_cast %scan3A_237 : i32 to index
      %get3A_560 = arith.constant 512 : index
      %get3A_561 = tpu.vector_load %arg7[%get3A_559, %get3A_560] {strides = array<i32>} : memref<32x768xf32, #tpu.memory_space<vmem>>, vector<16xf32>,
      %get3A_562 = arith.index_cast %scan3A_237 : i32 to index
      %get3A_563 = arith.constant 512 : index
      %get3A_564 = tpu.vector_load %arg8[%get3A_562, %get3A_563] {strides = array<i32>} : memref<32x768xf32, #tpu.memory_space<vmem>>, vector<16xf32>,
      %add3A_565 = arith.addf %get3A_561, %get3A_564 : vector<16xf32>
      %swap3A_566 = arith.index_cast %scan3A_237 : i32 to index
      %swap3A_567 = arith.constant 512 : index
      %swap3A_568 = tpu.vector_load %arg9[%swap3A_566, %swap3A_567] {strides = array<i32>} : memref<32x768xf32, #tpu.memory_space<vmem>>, vector<16xf32>,
      tpu.vector_store %arg9[%swap3A_566, %swap3A_567], %add3A_565 {strides = array<i32>} : memref<32x768xf32, #tpu.memory_space<vmem>>, vector<16xf32>,
      %get3A_569 = arith.index_cast %scan3A_237 : i32 to index
      %get3A_570 = arith.constant 528 : index
      %get3A_571 = tpu.vector_load %arg7[%get3A_569, %get3A_570] {strides = array<i32>} : memref<32x768xf32, #tpu.memory_space<vmem>>, vector<16xf32>,
      %get3A_572 = arith.index_cast %scan3A_237 : i32 to index
      %get3A_573 = arith.constant 528 : index
      %get3A_574 = tpu.vector_load %arg8[%get3A_572, %get3A_573] {strides = array<i32>} : memref<32x768xf32, #tpu.memory_space<vmem>>, vector<16xf32>,
      %add3A_575 = arith.addf %get3A_571, %get3A_574 : vector<16xf32>
      %swap3A_576 = arith.index_cast %scan3A_237 : i32 to index
      %swap3A_577 = arith.constant 528 : index
      %swap3A_578 = tpu.vector_load %arg9[%swap3A_576, %swap3A_577] {strides = array<i32>} : memref<32x768xf32, #tpu.memory_space<vmem>>, vector<16xf32>,
      tpu.vector_store %arg9[%swap3A_576, %swap3A_577], %add3A_575 {strides = array<i32>} : memref<32x768xf32, #tpu.memory_space<vmem>>, vector<16xf32>,
      %get3A_579 = arith.index_cast %scan3A_237 : i32 to index
      %get3A_580 = arith.constant 544 : index
      %get3A_581 = tpu.vector_load %arg7[%get3A_579, %get3A_580] {strides = array<i32>} : memref<32x768xf32, #tpu.memory_space<vmem>>, vector<16xf32>,
      %get3A_582 = arith.index_cast %scan3A_237 : i32 to index
      %get3A_583 = arith.constant 544 : index
      %get3A_584 = tpu.vector_load %arg8[%get3A_582, %get3A_583] {strides = array<i32>} : memref<32x768xf32, #tpu.memory_space<vmem>>, vector<16xf32>,
      %add3A_585 = arith.addf %get3A_581, %get3A_584 : vector<16xf32>
      %swap3A_586 = arith.index_cast %scan3A_237 : i32 to index
      %swap3A_587 = arith.constant 544 : index
      %swap3A_588 = tpu.vector_load %arg9[%swap3A_586, %swap3A_587] {strides = array<i32>} : memref<32x768xf32, #tpu.memory_space<vmem>>, vector<16xf32>,
      tpu.vector_store %arg9[%swap3A_586, %swap3A_587], %add3A_585 {strides = array<i32>} : memref<32x768xf32, #tpu.memory_space<vmem>>, vector<16xf32>,
      %get3A_589 = arith.index_cast %scan3A_237 : i32 to index
      %get3A_590 = arith.constant 560 : index
      %get3A_591 = tpu.vector_load %arg7[%get3A_589, %get3A_590] {strides = array<i32>} : memref<32x768xf32, #tpu.memory_space<vmem>>, vector<16xf32>,
      %get3A_592 = arith.index_cast %scan3A_237 : i32 to index
      %get3A_593 = arith.constant 560 : index
      %get3A_594 = tpu.vector_load %arg8[%get3A_592, %get3A_593] {strides = array<i32>} : memref<32x768xf32, #tpu.memory_space<vmem>>, vector<16xf32>,
      %add3A_595 = arith.addf %get3A_591, %get3A_594 : vector<16xf32>
      %swap3A_596 = arith.index_cast %scan3A_237 : i32 to index
      %swap3A_597 = arith.constant 560 : index
      %swap3A_598 = tpu.vector_load %arg9[%swap3A_596, %swap3A_597] {strides = array<i32>} : memref<32x768xf32, #tpu.memory_space<vmem>>, vector<16xf32>,
      tpu.vector_store %arg9[%swap3A_596, %swap3A_597], %add3A_595 {strides = array<i32>} : memref<32x768xf32, #tpu.memory_space<vmem>>, vector<16xf32>,
      %get3A_599 = arith.index_cast %scan3A_237 : i32 to index
      %get3A_600 = arith.constant 576 : index
      %get3A_601 = tpu.vector_load %arg7[%get3A_599, %get3A_600] {strides = array<i32>} : memref<32x768xf32, #tpu.memory_space<vmem>>, vector<16xf32>,
      %get3A_602 = arith.index_cast %scan3A_237 : i32 to index
      %get3A_603 = arith.constant 576 : index
      %get3A_604 = tpu.vector_load %arg8[%get3A_602, %get3A_603] {strides = array<i32>} : memref<32x768xf32, #tpu.memory_space<vmem>>, vector<16xf32>,
      %add3A_605 = arith.addf %get3A_601, %get3A_604 : vector<16xf32>
      %swap3A_606 = arith.index_cast %scan3A_237 : i32 to index
      %swap3A_607 = arith.constant 576 : index
      %swap3A_608 = tpu.vector_load %arg9[%swap3A_606, %swap3A_607] {strides = array<i32>} : memref<32x768xf32, #tpu.memory_space<vmem>>, vector<16xf32>,
      tpu.vector_store %arg9[%swap3A_606, %swap3A_607], %add3A_605 {strides = array<i32>} : memref<32x768xf32, #tpu.memory_space<vmem>>, vector<16xf32>,
      %get3A_609 = arith.index_cast %scan3A_237 : i32 to index
      %get3A_610 = arith.constant 592 : index
      %get3A_611 = tpu.vector_load %arg7[%get3A_609, %get3A_610] {strides = array<i32>} : memref<32x768xf32, #tpu.memory_space<vmem>>, vector<16xf32>,
      %get3A_612 = arith.index_cast %scan3A_237 : i32 to index
      %get3A_613 = arith.constant 592 : index
      %get3A_614 = tpu.vector_load %arg8[%get3A_612, %get3A_613] {strides = array<i32>} : memref<32x768xf32, #tpu.memory_space<vmem>>, vector<16xf32>,
      %add3A_615 = arith.addf %get3A_611, %get3A_614 : vector<16xf32>
      %swap3A_616 = arith.index_cast %scan3A_237 : i32 to index
      %swap3A_617 = arith.constant 592 : index
      %swap3A_618 = tpu.vector_load %arg9[%swap3A_616, %swap3A_617] {strides = array<i32>} : memref<32x768xf32, #tpu.memory_space<vmem>>, vector<16xf32>,
      tpu.vector_store %arg9[%swap3A_616, %swap3A_617], %add3A_615 {strides = array<i32>} : memref<32x768xf32, #tpu.memory_space<vmem>>, vector<16xf32>,
      %get3A_619 = arith.index_cast %scan3A_237 : i32 to index
      %get3A_620 = arith.constant 608 : index
      %get3A_621 = tpu.vector_load %arg7[%get3A_619, %get3A_620] {strides = array<i32>} : memref<32x768xf32, #tpu.memory_space<vmem>>, vector<16xf32>,
      %get3A_622 = arith.index_cast %scan3A_237 : i32 to index
      %get3A_623 = arith.constant 608 : index
      %get3A_624 = tpu.vector_load %arg8[%get3A_622, %get3A_623] {strides = array<i32>} : memref<32x768xf32, #tpu.memory_space<vmem>>, vector<16xf32>,
      %add3A_625 = arith.addf %get3A_621, %get3A_624 : vector<16xf32>
      %swap3A_626 = arith.index_cast %scan3A_237 : i32 to index
      %swap3A_627 = arith.constant 608 : index
      %swap3A_628 = tpu.vector_load %arg9[%swap3A_626, %swap3A_627] {strides = array<i32>} : memref<32x768xf32, #tpu.memory_space<vmem>>, vector<16xf32>,
      tpu.vector_store %arg9[%swap3A_626, %swap3A_627], %add3A_625 {strides = array<i32>} : memref<32x768xf32, #tpu.memory_space<vmem>>, vector<16xf32>,
      %get3A_629 = arith.index_cast %scan3A_237 : i32 to index
      %get3A_630 = arith.constant 624 : index
      %get3A_631 = tpu.vector_load %arg7[%get3A_629, %get3A_630] {strides = array<i32>} : memref<32x768xf32, #tpu.memory_space<vmem>>, vector<16xf32>,
      %get3A_632 = arith.index_cast %scan3A_237 : i32 to index
      %get3A_633 = arith.constant 624 : index
      %get3A_634 = tpu.vector_load %arg8[%get3A_632, %get3A_633] {strides = array<i32>} : memref<32x768xf32, #tpu.memory_space<vmem>>, vector<16xf32>,
      %add3A_635 = arith.addf %get3A_631, %get3A_634 : vector<16xf32>
      %swap3A_636 = arith.index_cast %scan3A_237 : i32 to index
      %swap3A_637 = arith.constant 624 : index
      %swap3A_638 = tpu.vector_load %arg9[%swap3A_636, %swap3A_637] {strides = array<i32>} : memref<32x768xf32, #tpu.memory_space<vmem>>, vector<16xf32>,
      tpu.vector_store %arg9[%swap3A_636, %swap3A_637], %add3A_635 {strides = array<i32>} : memref<32x768xf32, #tpu.memory_space<vmem>>, vector<16xf32>,
      %get3A_639 = arith.index_cast %scan3A_237 : i32 to index
      %get3A_640 = arith.constant 640 : index
      %get3A_641 = tpu.vector_load %arg7[%get3A_639, %get3A_640] {strides = array<i32>} : memref<32x768xf32, #tpu.memory_space<vmem>>, vector<16xf32>,
      %get3A_642 = arith.index_cast %scan3A_237 : i32 to index
      %get3A_643 = arith.constant 640 : index
      %get3A_644 = tpu.vector_load %arg8[%get3A_642, %get3A_643] {strides = array<i32>} : memref<32x768xf32, #tpu.memory_space<vmem>>, vector<16xf32>,
      %add3A_645 = arith.addf %get3A_641, %get3A_644 : vector<16xf32>
      %swap3A_646 = arith.index_cast %scan3A_237 : i32 to index
      %swap3A_647 = arith.constant 640 : index
      %swap3A_648 = tpu.vector_load %arg9[%swap3A_646, %swap3A_647] {strides = array<i32>} : memref<32x768xf32, #tpu.memory_space<vmem>>, vector<16xf32>,
      tpu.vector_store %arg9[%swap3A_646, %swap3A_647], %add3A_645 {strides = array<i32>} : memref<32x768xf32, #tpu.memory_space<vmem>>, vector<16xf32>,
      %get3A_649 = arith.index_cast %scan3A_237 : i32 to index
      %get3A_650 = arith.constant 656 : index
      %get3A_651 = tpu.vector_load %arg7[%get3A_649, %get3A_650] {strides = array<i32>} : memref<32x768xf32, #tpu.memory_space<vmem>>, vector<16xf32>,
      %get3A_652 = arith.index_cast %scan3A_237 : i32 to index
      %get3A_653 = arith.constant 656 : index
      %get3A_654 = tpu.vector_load %arg8[%get3A_652, %get3A_653] {strides = array<i32>} : memref<32x768xf32, #tpu.memory_space<vmem>>, vector<16xf32>,
      %add3A_655 = arith.addf %get3A_651, %get3A_654 : vector<16xf32>
      %swap3A_656 = arith.index_cast %scan3A_237 : i32 to index
      %swap3A_657 = arith.constant 656 : index
      %swap3A_658 = tpu.vector_load %arg9[%swap3A_656, %swap3A_657] {strides = array<i32>} : memref<32x768xf32, #tpu.memory_space<vmem>>, vector<16xf32>,
      tpu.vector_store %arg9[%swap3A_656, %swap3A_657], %add3A_655 {strides = array<i32>} : memref<32x768xf32, #tpu.memory_space<vmem>>, vector<16xf32>,
      %get3A_659 = arith.index_cast %scan3A_237 : i32 to index
      %get3A_660 = arith.constant 672 : index
      %get3A_661 = tpu.vector_load %arg7[%get3A_659, %get3A_660] {strides = array<i32>} : memref<32x768xf32, #tpu.memory_space<vmem>>, vector<16xf32>,
      %get3A_662 = arith.index_cast %scan3A_237 : i32 to index
      %get3A_663 = arith.constant 672 : index
      %get3A_664 = tpu.vector_load %arg8[%get3A_662, %get3A_663] {strides = array<i32>} : memref<32x768xf32, #tpu.memory_space<vmem>>, vector<16xf32>,
      %add3A_665 = arith.addf %get3A_661, %get3A_664 : vector<16xf32>
      %swap3A_666 = arith.index_cast %scan3A_237 : i32 to index
      %swap3A_667 = arith.constant 672 : index
      %swap3A_668 = tpu.vector_load %arg9[%swap3A_666, %swap3A_667] {strides = array<i32>} : memref<32x768xf32, #tpu.memory_space<vmem>>, vector<16xf32>,
      tpu.vector_store %arg9[%swap3A_666, %swap3A_667], %add3A_665 {strides = array<i32>} : memref<32x768xf32, #tpu.memory_space<vmem>>, vector<16xf32>,
      %get3A_669 = arith.index_cast %scan3A_237 : i32 to index
      %get3A_670 = arith.constant 688 : index
      %get3A_671 = tpu.vector_load %arg7[%get3A_669, %get3A_670] {strides = array<i32>} : memref<32x768xf32, #tpu.memory_space<vmem>>, vector<16xf32>,
      %get3A_672 = arith.index_cast %scan3A_237 : i32 to index
      %get3A_673 = arith.constant 688 : index
      %get3A_674 = tpu.vector_load %arg8[%get3A_672, %get3A_673] {strides = array<i32>} : memref<32x768xf32, #tpu.memory_space<vmem>>, vector<16xf32>,
      %add3A_675 = arith.addf %get3A_671, %get3A_674 : vector<16xf32>
      %swap3A_676 = arith.index_cast %scan3A_237 : i32 to index
      %swap3A_677 = arith.constant 688 : index
      %swap3A_678 = tpu.vector_load %arg9[%swap3A_676, %swap3A_677] {strides = array<i32>} : memref<32x768xf32, #tpu.memory_space<vmem>>, vector<16xf32>,
      tpu.vector_store %arg9[%swap3A_676, %swap3A_677], %add3A_675 {strides = array<i32>} : memref<32x768xf32, #tpu.memory_space<vmem>>, vector<16xf32>,
      %get3A_679 = arith.index_cast %scan3A_237 : i32 to index
      %get3A_680 = arith.constant 704 : index
      %get3A_681 = tpu.vector_load %arg7[%get3A_679, %get3A_680] {strides = array<i32>} : memref<32x768xf32, #tpu.memory_space<vmem>>, vector<16xf32>,
      %get3A_682 = arith.index_cast %scan3A_237 : i32 to index
      %get3A_683 = arith.constant 704 : index
      %get3A_684 = tpu.vector_load %arg8[%get3A_682, %get3A_683] {strides = array<i32>} : memref<32x768xf32, #tpu.memory_space<vmem>>, vector<16xf32>,
      %add3A_685 = arith.addf %get3A_681, %get3A_684 : vector<16xf32>
      %swap3A_686 = arith.index_cast %scan3A_237 : i32 to index
      %swap3A_687 = arith.constant 704 : index
      %swap3A_688 = tpu.vector_load %arg9[%swap3A_686, %swap3A_687] {strides = array<i32>} : memref<32x768xf32, #tpu.memory_space<vmem>>, vector<16xf32>,
      tpu.vector_store %arg9[%swap3A_686, %swap3A_687], %add3A_685 {strides = array<i32>} : memref<32x768xf32, #tpu.memory_space<vmem>>, vector<16xf32>,
      %get3A_689 = arith.index_cast %scan3A_237 : i32 to index
      %get3A_690 = arith.constant 720 : index
      %get3A_691 = tpu.vector_load %arg7[%get3A_689, %get3A_690] {strides = array<i32>} : memref<32x768xf32, #tpu.memory_space<vmem>>, vector<16xf32>,
      %get3A_692 = arith.index_cast %scan3A_237 : i32 to index
      %get3A_693 = arith.constant 720 : index
      %get3A_694 = tpu.vector_load %arg8[%get3A_692, %get3A_693] {strides = array<i32>} : memref<32x768xf32, #tpu.memory_space<vmem>>, vector<16xf32>,
      %add3A_695 = arith.addf %get3A_691, %get3A_694 : vector<16xf32>
      %swap3A_696 = arith.index_cast %scan3A_237 : i32 to index
      %swap3A_697 = arith.constant 720 : index
      %swap3A_698 = tpu.vector_load %arg9[%swap3A_696, %swap3A_697] {strides = array<i32>} : memref<32x768xf32, #tpu.memory_space<vmem>>, vector<16xf32>,
      tpu.vector_store %arg9[%swap3A_696, %swap3A_697], %add3A_695 {strides = array<i32>} : memref<32x768xf32, #tpu.memory_space<vmem>>, vector<16xf32>,
      %get3A_699 = arith.index_cast %scan3A_237 : i32 to index
      %get3A_700 = arith.constant 736 : index
      %get3A_701 = tpu.vector_load %arg7[%get3A_699, %get3A_700] {strides = array<i32>} : memref<32x768xf32, #tpu.memory_space<vmem>>, vector<16xf32>,
      %get3A_702 = arith.index_cast %scan3A_237 : i32 to index
      %get3A_703 = arith.constant 736 : index
      %get3A_704 = tpu.vector_load %arg8[%get3A_702, %get3A_703] {strides = array<i32>} : memref<32x768xf32, #tpu.memory_space<vmem>>, vector<16xf32>,
      %add3A_705 = arith.addf %get3A_701, %get3A_704 : vector<16xf32>
      %swap3A_706 = arith.index_cast %scan3A_237 : i32 to index
      %swap3A_707 = arith.constant 736 : index
      %swap3A_708 = tpu.vector_load %arg9[%swap3A_706, %swap3A_707] {strides = array<i32>} : memref<32x768xf32, #tpu.memory_space<vmem>>, vector<16xf32>,
      tpu.vector_store %arg9[%swap3A_706, %swap3A_707], %add3A_705 {strides = array<i32>} : memref<32x768xf32, #tpu.memory_space<vmem>>, vector<16xf32>,
      %get3A_709 = arith.index_cast %scan3A_237 : i32 to index
      %get3A_710 = arith.constant 752 : index
      %get3A_711 = tpu.vector_load %arg7[%get3A_709, %get3A_710] {strides = array<i32>} : memref<32x768xf32, #tpu.memory_space<vmem>>, vector<16xf32>,
      %get3A_712 = arith.index_cast %scan3A_237 : i32 to index
      %get3A_713 = arith.constant 752 : index
      %get3A_714 = tpu.vector_load %arg8[%get3A_712, %get3A_713] {strides = array<i32>} : memref<32x768xf32, #tpu.memory_space<vmem>>, vector<16xf32>,
      %add3A_715 = arith.addf %get3A_711, %get3A_714 : vector<16xf32>
      %swap3A_716 = arith.index_cast %scan3A_237 : i32 to index
      %swap3A_717 = arith.constant 752 : index
      %swap3A_718 = tpu.vector_load %arg9[%swap3A_716, %swap3A_717] {strides = array<i32>} : memref<32x768xf32, #tpu.memory_space<vmem>>, vector<16xf32>,
      tpu.vector_store %arg9[%swap3A_716, %swap3A_717], %add3A_715 {strides = array<i32>} : memref<32x768xf32, #tpu.memory_space<vmem>>, vector<16xf32>,
      %scan3A_719 = arith.constant 0 : i32
      scf.yield %scan3A_719 : i32
    }
    %scan3A_236 = arith.constant 32 : i32
    "tpu.region"() ({
      %run_scoped3A = tpu.sem_alloc : memref<!tpu.dma_semaphore, #tpu.memory_space<semaphore_mem>>
      %dma_start3A_237 = arith.constant 0 : i32
      %dma_start3A_238 = tpu.memref_slice %arg4[%add3A_119, %dma_start3A_237] : memref<2048x768xf32, #tpu.memory_space<hbm>> -> memref<32x768xf32, #tpu.memory_space<hbm>>
      %dma_start3A_239 = arith.constant 0 : i32
      %dma_start3A_240 = tpu.memref_slice %arg4[%add3A_119, %dma_start3A_239] : memref<2048x768xf32, #tpu.memory_space<hbm>> -> memref<32x768xf32, #tpu.memory_space<hbm>>
      tpu.enqueue_dma source(%arg9 : memref<32x768xf32, #tpu.memory_space<vmem>>) target(%dma_start3A_240 : memref<32x768xf32, #tpu.memory_space<hbm>>) target_semaphore(%run_scoped3A : memref<!tpu.dma_semaphore, #tpu.memory_space<semaphore_mem>>)
      %dma_wait3A_241 = arith.constant 0 : i32
      %dma_wait3A_242 = tpu.memref_slice %arg4[%add3A_119, %dma_wait3A_241] : memref<2048x768xf32, #tpu.memory_space<hbm>> -> memref<32x768xf32, #tpu.memory_space<hbm>>
      %dma_wait3A_243 = arith.constant 0 : i32
      %dma_wait3A_244 = tpu.memref_slice %arg4[%add3A_119, %dma_wait3A_243] : memref<2048x768xf32, #tpu.memory_space<hbm>> -> memref<32x768xf32, #tpu.memory_space<hbm>>
      tpu.wait_dma2 semaphore(%run_scoped3A : memref<!tpu.dma_semaphore, #tpu.memory_space<semaphore_mem>>) src(%arg9 : memref<32x768xf32, #tpu.memory_space<vmem>>) dst(%dma_wait3A_244 : memref<32x768xf32, #tpu.memory_space<hbm>>)
      tpu.yield
    }) : () -> ()
    return
  }
}

module attributes {stable_mosaic.version = 14 : i64} {
  func.func @_gate_body(%arg0: i32, %arg1: memref<512x768xf32, #tpu.memory_space<vmem>>, %arg2: memref<768x128xf32, #tpu.memory_space<vmem>>, %arg3: memref<512x128xi32, #tpu.memory_space<vmem>>, %arg4: memref<512x128xf32, #tpu.memory_space<vmem>>) attributes {dimension_semantics = [#tpu.dimension_semantics<arbitrary>], iteration_bounds = array<i64: 4>, scalar_prefetch = 0 : i64, scratch_operands = 0 : i64, tpu.core_type = #tpu.core_type<tc>, window_params = [{transform_indices = @transform_0, window_bounds = array<i64: 512, 768>}, {pipeline_mode = #tpu.pipeline_mode<synchronous>, transform_indices = @transform_1, window_bounds = array<i64: 768, 128>}, {transform_indices = @transform_2, window_bounds = array<i64: 512, 128>}, {transform_indices = @transform_3, window_bounds = array<i64: 512, 128>}]} {
    %get3A = arith.constant 0 : index
    %get3A_0 = arith.constant 0 : index
    %get3A_1 = vector.load %arg1[%get3A, %get3A_0] : memref<512x768xf32, #tpu.memory_space<vmem>>, vector<512x768xf32>
    %get3A_2 = arith.constant 0 : index
    %get3A_3 = arith.constant 0 : index
    %get3A_4 = vector.load %arg2[%get3A_2, %get3A_3] : memref<768x128xf32, #tpu.memory_space<vmem>>, vector<768x128xf32>
    %dot_general3A = arith.constant dense<0.000000e+00> : vector<512x128xf32>
    %dot_general3A_5 = tpu.matmul %get3A_1, %get3A_4, %dot_general3A {dimension_numbers = #tpu.dot_dimension_numbers<[1], [0], [0], [1], [0, 0, 1, 1], [], []>, transpose_lhs_hint = false} : vector<512x768xf32>, vector<768x128xf32>, vector<512x128xf32> -> vector<512x128xf32>
    %iota3A = tpu.iota {dimensions = array<i32: 1>} : vector<512x128xi32>
    %lt3A = arith.constant 8 : i32
    %lt3A_6 = vector.broadcast %lt3A : i32 to vector<512x128xi32>
    %lt3A_7 = arith.cmpi slt, %iota3A, %lt3A_6 : vector<512x128xi32>
    %jit3A = arith.constant 0xFF800000 : f32
    %broadcast_in_dim3A = vector.broadcast %jit3A : f32 to vector<512x128xf32>
    %select_n3A = arith.select %lt3A_7, %dot_general3A_5, %broadcast_in_dim3A : vector<512x128xi1>, vector<512x128xf32>
    %reduce_max3A = arith.constant dense<0xFF800000> : vector<512xf32>
    %reduce_max3A_8 = vector.multi_reduction <maximumf>, %select_n3A, %reduce_max3A [1] : vector<512x128xf32> to vector<512xf32>
    %broadcast_in_dim3A_9 = vector.shape_cast %reduce_max3A_8 : vector<512xf32> to vector<512x1xf32>
    %eq3A = vector.broadcast %broadcast_in_dim3A_9 : vector<512x1xf32> to vector<512x128xf32>
    %eq3A_10 = arith.cmpf oeq, %select_n3A, %eq3A : vector<512x128xf32>
    %jit3A_11 = arith.constant 8 : i32
    %broadcast_in_dim3A_12 = vector.broadcast %jit3A_11 : i32 to vector<512x128xi32>
    %select_n3A_13 = arith.select %eq3A_10, %iota3A, %broadcast_in_dim3A_12 : vector<512x128xi1>, vector<512x128xi32>
    %reduce_min3A = arith.constant dense<2147483647> : vector<512xi32>
    %reduce_min3A_14 = vector.multi_reduction <minsi>, %select_n3A_13, %reduce_min3A [1] : vector<512x128xi32> to vector<512xi32>
    %broadcast_in_dim3A_15 = vector.shape_cast %reduce_min3A_14 : vector<512xi32> to vector<512x1xi32>
    %eq3A_16 = vector.broadcast %broadcast_in_dim3A_15 : vector<512x1xi32> to vector<512x128xi32>
    %eq3A_17 = arith.cmpi eq, %iota3A, %eq3A_16 : vector<512x128xi32>
    %jit3A_18 = arith.constant 0xFF800000 : f32
    %broadcast_in_dim3A_19 = vector.broadcast %jit3A_18 : f32 to vector<512x128xf32>
    %select_n3A_20 = arith.select %eq3A_17, %broadcast_in_dim3A_19, %select_n3A : vector<512x128xi1>, vector<512x128xf32>
    %reduce_max3A_21 = arith.constant dense<0xFF800000> : vector<512xf32>
    %reduce_max3A_22 = vector.multi_reduction <maximumf>, %select_n3A_20, %reduce_max3A_21 [1] : vector<512x128xf32> to vector<512xf32>
    %broadcast_in_dim3A_23 = vector.shape_cast %reduce_max3A_22 : vector<512xf32> to vector<512x1xf32>
    %eq3A_24 = vector.broadcast %broadcast_in_dim3A_23 : vector<512x1xf32> to vector<512x128xf32>
    %eq3A_25 = arith.cmpf oeq, %select_n3A_20, %eq3A_24 : vector<512x128xf32>
    %jit3A_26 = arith.constant 8 : i32
    %broadcast_in_dim3A_27 = vector.broadcast %jit3A_26 : i32 to vector<512x128xi32>
    %select_n3A_28 = arith.select %eq3A_25, %iota3A, %broadcast_in_dim3A_27 : vector<512x128xi1>, vector<512x128xi32>
    %reduce_min3A_29 = arith.constant dense<2147483647> : vector<512xi32>
    %reduce_min3A_30 = vector.multi_reduction <minsi>, %select_n3A_28, %reduce_min3A_29 [1] : vector<512x128xi32> to vector<512xi32>
    %broadcast_in_dim3A_31 = vector.shape_cast %reduce_min3A_30 : vector<512xi32> to vector<512x1xi32>
    %sub3A = arith.subf %broadcast_in_dim3A_23, %broadcast_in_dim3A_9 : vector<512x1xf32>
    %exp3A = math.exp %sub3A : vector<512x1xf32>
    %add3A = arith.constant 1.000000e+00 : f32
    %add3A_32 = vector.broadcast %add3A : f32 to vector<512x1xf32>
    %add3A_33 = arith.addf %add3A_32, %exp3A : vector<512x1xf32>
    %div3A = arith.constant 1.000000e+00 : f32
    %div3A_34 = vector.broadcast %div3A : f32 to vector<512x1xf32>
    %div3A_35 = arith.divf %div3A_34, %add3A_33 : vector<512x1xf32>
    %sub3A_36 = arith.constant 1.000000e+00 : f32
    %sub3A_37 = vector.broadcast %sub3A_36 : f32 to vector<512x1xf32>
    %sub3A_38 = arith.subf %sub3A_37, %div3A_35 : vector<512x1xf32>
    %eq3A_39 = arith.constant 0 : i32
    %eq3A_40 = vector.broadcast %eq3A_39 : i32 to vector<512x128xi32>
    %eq3A_41 = arith.cmpi eq, %iota3A, %eq3A_40 : vector<512x128xi32>
    %eq3A_42 = arith.constant 1 : i32
    %eq3A_43 = vector.broadcast %eq3A_42 : i32 to vector<512x128xi32>
    %eq3A_44 = arith.cmpi eq, %iota3A, %eq3A_43 : vector<512x128xi32>
    %jit3A_45 = arith.constant 0 : i32
    %broadcast_in_dim3A_46 = vector.shape_cast %broadcast_in_dim3A_31 : vector<512x1xi32> to vector<512x1xi32>
    %broadcast_in_dim3A_47 = vector.broadcast %broadcast_in_dim3A_46 : vector<512x1xi32> to vector<512x128xi32>
    %broadcast_in_dim3A_48 = vector.broadcast %jit3A_45 : i32 to vector<512x128xi32>
    %select_n3A_49 = arith.select %eq3A_44, %broadcast_in_dim3A_47, %broadcast_in_dim3A_48 : vector<512x128xi1>, vector<512x128xi32>
    %broadcast_in_dim3A_50 = vector.shape_cast %broadcast_in_dim3A_15 : vector<512x1xi32> to vector<512x1xi32>
    %broadcast_in_dim3A_51 = vector.broadcast %broadcast_in_dim3A_50 : vector<512x1xi32> to vector<512x128xi32>
    %select_n3A_52 = arith.select %eq3A_41, %broadcast_in_dim3A_51, %select_n3A_49 : vector<512x128xi1>, vector<512x128xi32>
    %swap3A = arith.constant 0 : index
    %swap3A_53 = arith.constant 0 : index
    %swap3A_54 = vector.load %arg3[%swap3A, %swap3A_53] : memref<512x128xi32, #tpu.memory_space<vmem>>, vector<512x128xi32>
    tpu.vector_store %arg3[%swap3A, %swap3A_53], %select_n3A_52 {strides = array<i32>} : memref<512x128xi32, #tpu.memory_space<vmem>>, vector<512x128xi32>,
    %eq3A_55 = arith.constant 0 : i32
    %eq3A_56 = vector.broadcast %eq3A_55 : i32 to vector<512x128xi32>
    %eq3A_57 = arith.cmpi eq, %iota3A, %eq3A_56 : vector<512x128xi32>
    %eq3A_58 = arith.constant 1 : i32
    %eq3A_59 = vector.broadcast %eq3A_58 : i32 to vector<512x128xi32>
    %eq3A_60 = arith.cmpi eq, %iota3A, %eq3A_59 : vector<512x128xi32>
    %jit3A_61 = arith.constant 0.000000e+00 : f32
    %broadcast_in_dim3A_62 = vector.shape_cast %sub3A_38 : vector<512x1xf32> to vector<512x1xf32>
    %broadcast_in_dim3A_63 = vector.broadcast %broadcast_in_dim3A_62 : vector<512x1xf32> to vector<512x128xf32>
    %broadcast_in_dim3A_64 = vector.broadcast %jit3A_61 : f32 to vector<512x128xf32>
    %select_n3A_65 = arith.select %eq3A_60, %broadcast_in_dim3A_63, %broadcast_in_dim3A_64 : vector<512x128xi1>, vector<512x128xf32>
    %broadcast_in_dim3A_66 = vector.shape_cast %div3A_35 : vector<512x1xf32> to vector<512x1xf32>
    %broadcast_in_dim3A_67 = vector.broadcast %broadcast_in_dim3A_66 : vector<512x1xf32> to vector<512x128xf32>
    %select_n3A_68 = arith.select %eq3A_57, %broadcast_in_dim3A_67, %select_n3A_65 : vector<512x128xi1>, vector<512x128xf32>
    %swap3A_69 = arith.constant 0 : index
    %swap3A_70 = arith.constant 0 : index
    %swap3A_71 = vector.load %arg4[%swap3A_69, %swap3A_70] : memref<512x128xf32, #tpu.memory_space<vmem>>, vector<512x128xf32>
    tpu.vector_store %arg4[%swap3A_69, %swap3A_70], %select_n3A_68 {strides = array<i32>} : memref<512x128xf32, #tpu.memory_space<vmem>>, vector<512x128xf32>,
    return
  }
  func.func @transform_0(%arg0: i32) -> (i32, i32) {
    %c0_i32 = arith.constant 0 : i32
    %c0_i32_0 = arith.constant 0 : i32
    return %arg0, %c0_i32 : i32, i32
  }
  func.func @transform_1(%arg0: i32) -> (i32, i32) {
    %c0_i32 = arith.constant 0 : i32
    %c0_i32_0 = arith.constant 0 : i32
    %c0_i32_1 = arith.constant 0 : i32
    return %c0_i32, %c0_i32_0 : i32, i32
  }
  func.func @transform_2(%arg0: i32) -> (i32, i32) {
    %c0_i32 = arith.constant 0 : i32
    %c0_i32_0 = arith.constant 0 : i32
    return %arg0, %c0_i32 : i32, i32
  }
  func.func @transform_3(%arg0: i32) -> (i32, i32) {
    %c0_i32 = arith.constant 0 : i32
    %c0_i32_0 = arith.constant 0 : i32
    return %arg0, %c0_i32 : i32, i32
  }
}

module attributes {stable_mosaic.version = 14 : i64} {
  func.func @_gmm_body(%arg0: i32, %arg1: memref<48xi32, #tpu.memory_space<smem>>, %arg2: memref<128x768xf32, #tpu.memory_space<vmem>>, %arg3: memref<1x768x768xbf16, #tpu.memory_space<vmem>>, %arg4: memref<128x1xf32, #tpu.memory_space<vmem>>, %arg5: memref<128x768xf32, #tpu.memory_space<vmem>>) attributes {dimension_semantics = [#tpu.dimension_semantics<arbitrary>], iteration_bounds = array<i64: 40>, scalar_prefetch = 1 : i64, scratch_operands = 0 : i64, tpu.core_type = #tpu.core_type<tc>, window_params = [{transform_indices = @transform_0, window_bounds = array<i64: 128, 768>}, {transform_indices = @transform_1, window_bounds = array<i64: 1, 768, 768>}, {transform_indices = @transform_2, window_bounds = array<i64: 128, 1>}, {transform_indices = @transform_3, window_bounds = array<i64: 128, 768>}]} {
    %get3A = arith.constant 0 : index
    %get3A_0 = arith.constant 0 : index
    %get3A_1 = vector.load %arg2[%get3A, %get3A_0] : memref<128x768xf32, #tpu.memory_space<vmem>>, vector<128x768xf32>
    %convert_element_type3A = arith.truncf %get3A_1 : vector<128x768xf32> to vector<128x768xbf16>
    %get3A_2 = arith.constant 0 : index
    %get3A_3 = arith.constant 0 : index
    %get3A_4 = arith.constant 0 : index
    %get3A_5 = vector.load %arg3[%get3A_2, %get3A_3, %get3A_4] : memref<1x768x768xbf16, #tpu.memory_space<vmem>>, vector<1x768x768xbf16>
    %get3A_6 = vector.shape_cast %get3A_5 : vector<1x768x768xbf16> to vector<768x768xbf16>
    %dot_general3A = arith.constant dense<0.000000e+00> : vector<128x768xf32>
    %dot_general3A_7 = tpu.matmul %convert_element_type3A, %get3A_6, %dot_general3A {dimension_numbers = #tpu.dot_dimension_numbers<[1], [0], [0], [1], [0, 0, 1, 1], [], []>, transpose_lhs_hint = false} : vector<128x768xbf16>, vector<768x768xbf16>, vector<128x768xf32> -> vector<128x768xf32>
    %get3A_8 = arith.constant 0 : index
    %get3A_9 = arith.constant 0 : index
    %get3A_10 = vector.load %arg4[%get3A_8, %get3A_9] : memref<128x1xf32, #tpu.memory_space<vmem>>, vector<128x1xf32>
    %mul3A = vector.broadcast %get3A_10 : vector<128x1xf32> to vector<128x768xf32>
    %mul3A_11 = arith.mulf %dot_general3A_7, %mul3A : vector<128x768xf32>
    %swap3A = arith.constant 0 : index
    %swap3A_12 = arith.constant 0 : index
    %swap3A_13 = vector.load %arg5[%swap3A, %swap3A_12] : memref<128x768xf32, #tpu.memory_space<vmem>>, vector<128x768xf32>
    tpu.vector_store %arg5[%swap3A, %swap3A_12], %mul3A_11 {strides = array<i32>} : memref<128x768xf32, #tpu.memory_space<vmem>>, vector<128x768xf32>,
    return
  }
  func.func @transform_0(%arg0: i32, %arg1: memref<48xi32, #tpu.memory_space<smem>>) -> (i32, i32) {
    %c0_i32 = arith.constant 0 : i32
    %c0_i32_0 = arith.constant 0 : i32
    return %arg0, %c0_i32 : i32, i32
  }
  func.func @transform_1(%arg0: i32, %arg1: memref<48xi32, #tpu.memory_space<smem>>) -> (i32, i32, i32) {
    %get3A = arith.index_cast %arg0 : i32 to index
    %get3A_0 = memref.load %arg1[%get3A] : memref<48xi32, #tpu.memory_space<smem>>
    %c0_i32 = arith.constant 0 : i32
    %c0_i32_1 = arith.constant 0 : i32
    %c0_i32_2 = arith.constant 0 : i32
    return %get3A_0, %c0_i32, %c0_i32_1 : i32, i32, i32
  }
  func.func @transform_2(%arg0: i32, %arg1: memref<48xi32, #tpu.memory_space<smem>>) -> (i32, i32) {
    %c0_i32 = arith.constant 0 : i32
    %c0_i32_0 = arith.constant 0 : i32
    return %arg0, %c0_i32 : i32, i32
  }
  func.func @transform_3(%arg0: i32, %arg1: memref<48xi32, #tpu.memory_space<smem>>) -> (i32, i32) {
    %c0_i32 = arith.constant 0 : i32
    %c0_i32_0 = arith.constant 0 : i32
    return %arg0, %c0_i32 : i32, i32
  }
}

</mosaic_0001>

<sc_bundles>
// kernel: _pipeline.6.cloned.1.call-start
scs
__scs_entry_jumppad:
0x0: {  	(pc) =	sbr.rel $0x88, $3  }
0x1: {  	(tag) =	ssettag $0x0;
	lr =	simm.s32 $0x1  }
0x2: {  	[smem:$0x3F9E] =	sst lr;
	_ =	strace $0xD0000000  }
0x3: {  	_ = 	snop  }
0x4: {  	_ = 	snop  }
0x5: {  	_ = 	snop  }
0x6: {  	_ = 	snop  }
0x7: {  	_ = 	snop  }
__scs_overlays_trampoline_lowered:
0x8: {  	[smem:$0x3FAD] =	sst s0  }
0x9: {  	[smem:$0x3FAE] =	sst s1  }
0xa: {  	[smem:$0x3FAF] =	sst s2  }
0xb: {  	[smem:$0x3FB0] =	sst s3  }
0xc: {  	[smem:$0x3FB1] =	sst s4  }
0xd: {  	[smem:$0x3FB2] =	sst s5  }
0xe: {  	[smem:$0x3FB3] =	sst s6  }
0xf: {  	[smem:$0x3FB4] =	sst s7  }
0x10: {  	[smem:$0x3FB5] =	sst s8  }
0x11: {  	[smem:$0x3FB6] =	sst s9;
	s0 =	simm.s32 @!p0 $0x0  }
0x12: {  	s1 =	sld [smem:$0x3F9C];
	s0 =	simm.s32 @p0 $0x1  }
0x13: {  	[smem:$0x3FB7] =	sst s0;
	s0 =	simm.s32 @!p1 $0x0  }
0x14: {  	s2 =	sld [smem:$0x3F9B];
	s0 =	simm.s32 @p1 $0x1  }
0x15: {  	[smem:$0x3FB8] =	sst s0;
	s0 =	simm.s32 @!p2 $0x0  }
0x16: {  	s3 =	sld [smem:$0x3FDB];
	s0 =	simm.s32 @p2 $0x1  }
0x17: {  	s4 =	simm.s32 $0x1BF5;
	[smem:$0x3FBA] =	sst s0  }
0x18: {  	s0 =	sld [smem:$0x3F9D];
	_ =	swait.ge [sflag:s4], $0x0  }
0x19: {  	s7 =	sld [smem:$0x3F9E]  }
0x1a: {  	s8 =	sadd.s32 $0xFFFFE003, lr  }
0x1b: {  	s9 =	sadd.s32 $0xFFFFFEF7, lr;
	s5 =	simm.s32 $0xFFFFFFFF;
	p2 =	slt.u32 s8, $0xFFFFF086  }
0x1c: {  	p1 =	slt.u32 s9, $0xF7A;
	s5 =	simm.s32 @!p2 $0x0  }
0x1d: {  	s5 =	simm.s32 @p1 $0x1;
	p0 =	seq.s32 s7, s2  }
0x1e: {  	s7 =	smul.u32 @!p0 $0xF7A, s2;
	p2 =	seq.s32 @!p0 s5, $0x0  }
0x1f: {  	s9 =	smul.u32 $0xF7A, s1;
	s8 =	simm.s32 @!p0 $0x1BF5;
	p2 =	por !p2, p0  }
0x20: {  	[sflag:s8] =	ssyncset.s32 @!p0 $0xFFFFF086;
	s6 =	sadd.s32 @!p0 s3, s7;
	s7 =	simm.s32 @!p0 $0x108  }
0x21: {  	s3 =	sadd.s32 s3, s9;
	s6 =	sadd.s32 @!p0 $0x88, s6;
	s7 =	simm.s32 @p2 $0x1082  }
0x22: {  	[simem:s7], [sflag:s8] =	dma.local @!p0 [hbm:s6], $0xF7A  }
0x23: {  	s9 =	sor.u32 $0xD0000000, s2;
	s6 =	simm.s32 $0x108;
	_ =	swait.ge @!p0 [sflag:s8], $0x0  }
0x24: {  	s3 =	sadd.s32 $0x88, s3;
	s6 =	simm.s32 @!p1 $0x1082;
	[sflag:s4] =	ssyncset.s32 $0xFFFFF086  }
0x25: {  	[simem:s6], [sflag:s4] =	dma.local [hbm:s3], $0xF7A  }
0x26: {  	[smem:$0x3F9E] =	sst s1;
	(tag) =	ssettag s2;
	_ =	strace s9  }
0x27: {  	s1 =	sld [smem:$0x3FAE]  }
0x28: {  	s2 =	sld [smem:$0x3FAF]  }
0x29: {  	s4 =	sld [smem:$0x3FB1]  }
0x2a: {  	p0 =	seq.s32 s5, $0x0;
	s5 =	sld [smem:$0x3FB2]  }
0x2b: {  	s6 =	sld [smem:$0x3FB3]  }
0x2c: {  	s7 =	sld [smem:$0x3FB4]  }
0x2d: {  	s3 =	simm.s32 $0x108;
	s8 =	sld [smem:$0x3FB5]  }
0x2e: {  	s3 =	simm.s32 @!p0 $0x1082;
	s9 =	sld [smem:$0x3FB6]  }
0x2f: {  	lr =	sadd.s32 s0, s3;
	s0 =	sld [smem:$0x3FAD]  }
0x30: {  	s3 =	sld [smem:$0x3FB0]  }
0x31: {  	[smem:$0x3FB9] =	sst s10  }
0x32: {  	s10 =	sld [smem:$0x3FB7];
	_ =	sdelay $0x3  }
0x33: {  	p0 =	seq.s32 s10, $0x1;
	s10 =	sld [smem:$0x3FB9];
	_ =	sdelay $0x3  }
0x34: {  	[smem:$0x3FB9] =	sst s10  }
0x35: {  	s10 =	sld [smem:$0x3FB8];
	_ =	sdelay $0x3  }
0x36: {  	p1 =	seq.s32 s10, $0x1;
	s10 =	sld [smem:$0x3FB9];
	_ =	sdelay $0x3  }
0x37: {  	[smem:$0x3FB9] =	sst s10  }
0x38: {  	s10 =	sld [smem:$0x3FBA]  }
0x39: {  	_ = 	snop;
	(pc) =	sbr.ind lr, $3  }
0x3a: {  	_ = 	snop  }
0x3b: {  	_ = 	snop  }
0x3c: {  	p2 =	seq.s32 s10, $0x1;
	s10 =	sld [smem:$0x3FB9]  }
0x3d: {  	_ =	shalt  }
0x3e: {  	_ =	shalt  }
0x3f: {  	_ =	shalt  }
0x40: {  	_ =	shalt  }
0x41: {  	_ =	shalt  }
0x42: {  	_ =	shalt  }
0x43: {  	_ =	shalt  }
0x44: {  	_ =	shalt  }
0x45: {  	_ =	shalt  }
0x46: {  	_ =	shalt  }
0x47: {  	_ =	shalt  }
0x48: {  	_ =	shalt  }
0x49: {  	_ =	shalt  }
0x4a: {  	_ =	shalt  }
0x4b: {  	_ =	shalt  }
0x4c: {  	_ =	shalt  }
0x4d: {  	_ =	shalt  }
0x4e: {  	_ =	shalt  }
0x4f: {  	_ =	shalt  }
0x50: {  	_ =	shalt  }
0x51: {  	_ =	shalt  }
0x52: {  	_ =	shalt  }
0x53: {  	_ =	shalt  }
0x54: {  	_ =	shalt  }
0x55: {  	_ =	shalt  }
0x56: {  	_ =	shalt  }
0x57: {  	_ =	shalt  }
0x58: {  	_ =	shalt  }
0x59: {  	_ =	shalt  }
0x5a: {  	_ =	shalt  }
0x5b: {  	_ =	shalt  }
0x5c: {  	_ =	shalt  }
0x5d: {  	_ =	shalt  }
0x5e: {  	_ =	shalt  }
0x5f: {  	_ =	shalt  }
0x60: {  	_ =	shalt  }
0x61: {  	_ =	shalt  }
0x62: {  	_ =	shalt  }
0x63: {  	_ =	shalt  }
0x64: {  	_ =	shalt  }
0x65: {  	_ =	shalt  }
0x66: {  	_ =	shalt  }
0x67: {  	_ =	shalt  }
0x68: {  	_ =	shalt  }
0x69: {  	_ =	shalt  }
0x6a: {  	_ =	shalt  }
0x6b: {  	_ =	shalt  }
0x6c: {  	_ =	shalt  }
0x6d: {  	_ =	shalt  }
0x6e: {  	_ =	shalt  }
0x6f: {  	_ =	shalt  }
0x70: {  	_ =	shalt  }
0x71: {  	_ =	shalt  }
0x72: {  	_ =	shalt  }
0x73: {  	_ =	shalt  }
0x74: {  	_ =	shalt  }
0x75: {  	_ =	shalt  }
0x76: {  	_ =	shalt  }
0x77: {  	_ =	shalt  }
0x78: {  	_ =	shalt  }
0x79: {  	_ =	shalt  }
0x7a: {  	_ =	shalt  }
0x7b: {  	_ =	shalt  }
0x7c: {  	_ =	shalt  }
0x7d: {  	_ =	shalt  }
0x7e: {  	_ =	shalt  }
0x7f: {  	_ =	shalt  }
0x80: {  	_ =	shalt  }
0x81: {  	_ =	shalt  }
0x82: {  	_ =	shalt  }
0x83: {  	_ =	shalt  }
0x84: {  	_ =	shalt  }
0x85: {  	_ =	shalt  }
0x86: {  	_ =	shalt  }
0x87: {  	_ =	shalt  }
.Lfunc_end0:
.L_simem_size_0:
called_computation_lowered:
.L_overlay_start_0:
0x88: {  	s2 =	sld [smem:$0x3FD9]  }
0x89: {  	s3 =	sld [smem:$0x3FFE];
	_ =	sdelay $0x1  }
0x8a: {  	s1 =	srdreg.scid  }
0x8b: {  	s0 =	sand.u32 $0x1, s1  }
0x8c: {  	s17 =	sshll.u32 s0, $0xA;
	s2 =	sadd.s32 s3, s2  }
0x8d: {  	s2 =	sadd.s32 s2, s17  }
0x8e: {  	[smem:$0x3FC5] =	sst s2  }
0x8f: {  	_ = 	snop  }
0x90: {  	s2 =	sld [smem:$0x3FC9]  }
0x91: {  	s18 =	sld [smem:$0x3FD0];
	(tm) =	ssettm $0x1  }
0x92: {  	s4 =	sld [smem:$0x3FFB];
	_ =	sdelay $0x3  }
0x93: {  	_ =	strace s4  }
0x94: {  	s4 =	sld [smem:$0x3FFC];
	_ =	sdelay $0x3  }
0x95: {  	_ =	strace s4  }
0x96: {  	s4 =	sld [smem:$0x3FFD];
	_ =	sdelay $0x3  }
0x97: {  	_ =	strace s4  }
0x98: {  	_ =	strace $0x8FFFFFFF  }
0x99: {  	s19 =	sld [smem:$0x3FDB];
	_ =	sdelay $0x1  }
0x9a: {  	s5 =	simm.s32 $_scs_section_size  }
0x9b: {  	s6 =	simm.s32 $_size__tile_overlayer_lowered;
	s7 =	simm.s32 $_tile_overlayer_lowered  }
0x9c: {  	s22 =	simm.s32 $0x1BFF;
	s21 =	sshll.u32 s7, $0x1;
	s4 =	sadd.s32 s5, s19  }
0x9d: {  	s8 =	simm.s32 $0x0;
	s20 =	sshll.u32 s6, $0x1;
	s6 =	sadd.s32 s21, s4  }
0x9e: {  	[timem:s8], [sflag:s22] =	dma.local [hbm:s6], s20  }
0x9f: {  	_ =	swait.ge [sflag:s22], s20  }
0xa0: {  	s5 =	ssub.s32 $0x0, s20;
	[sflag:s22] =	ssyncset.done $0x0  }
0xa1: {  	[sflag:s22] =	ssyncadd.s32 s5;
	_ =	sdelay $0x1  }
0xa2: {  	s23 =	simm.s32 $0x1B8B  }
0xa3: {  	_ =	swait.ge [sflag:s23], $0x1  }
0xa4: {  	[sflag:s23] =	ssyncset.done $0x0  }
0xa5: {  	s25 =	simm.s32 $0x1B8E;
	s24 =	sld [smem:$0x3FFE];
	[sflag:s23] =	ssyncadd.s32 $0xFFFFFFFF  }
0xa6: {  	s26 =	simm.s32 $execute0_lowered;
	[smem:$0x3FD2] =	sst s25  }
0xa7: {  	s6 =	sshll.u32 s26, $0x1;
	_ =	strace $0x80000046;
	[dreg:$0x1] =	wrdreg $0xFFFFFFFF  }
0xa8: {  	s28 =	simm.s32 $_size_execute0_lowered;
	s4 =	sadd.s32 s4, s6;
	[dreg:$0x0] =	wrdreg $0x0  }
0xa9: {  	s6 =	sshll.u32 s28, $0x1;
	[dreg:$0x2] =	wrdreg s4  }
0xaa: {  	[dreg:$0x3] =	wrdreg s6  }
0xab: {  	[dreg:$0x4] =	wrdreg $0xC0  }
0xac: {  	_ =	task [dreg:s8], $0x5FFFF  }
0xad: {  	[dreg:$0x1] =	wrdreg $0xFFFFFFFF  }
0xae: {  	[dreg:$0x0] =	wrdreg $0x60  }
0xaf: {  	[dreg:$0x2] =	wrdreg s2  }
0xb0: {  	[dreg:$0x3] =	wrdreg s24  }
0xb1: {  	[dreg:$0x4] =	wrdreg s18  }
0xb2: {  	[dreg:$0x5] =	wrdreg $0x9  }
0xb3: {  	_ =	task.clear_ibuf [dreg:s8], $0x6FFFF;
	_ =	strace $0x90000046  }
0xb4: {  	s29 =	simm.s32 $0x9;
	_ =	strace $0x80000048  }
0xb5: {  	_ =	swait.ge [sflag:s29], $0x1  }
0xb6: {  	[sflag:s29] =	ssyncadd.s32 $0xFFFFFFFF  }
0xb7: {  	_ =	strace $0x90000048  }
0xb8: {  	_ =	sfence  }
0xb9: {  	s30 =	sld [smem:$0x0];
	_ =	sdelay $0x2  }
0xba: {  	s31 =	sshll.u32 s1, $0xD;
	s1 =	sshrl.u32 s1, $0x2  }
0xbb: {  	s3 =	sand.u32 $0x4000, s31;
	s1 =	sadd.s32 s1, s30  }
0xbc: {  	s0 =	sor.u32 s3, s0;
	s1 =	sshll.u32 s1, $0x11  }
0xbd: {  	s0 =	sor.u32 s1, s0  }
0xbe: {  	s0 =	sadd.s32 $0x8F2B, s0  }
0xbf: {  	[sflag:s0] =	ssyncadd.remote.s32 $0x1  }
0xc0: {  	_ =	sfence.sel $0xFFFF  }
0xc1: {  	[dreg:$0x0] =	wrdreg $0xFFFFFFFF;
	(pc) =	sbr.abs _section_cstart, $3  }
0xc2: {  	[dreg:$0x1] =	wrdreg $0xFFFFFFFF  }
0xc3: {  	_ =	task.clear_ibuf [dreg:s8], $0x2FFFF;
	_ =	strace $0x9FFFFFFF  }
0xc4: {  	(tm) =	ssettm $0x7FFFFFFF  }
0xc5: {  	_ =	shalt  }
tec
execute0_lowered:
.L_overlay_start_1:
0x0: {  	(tag) =	ssettag $0x1  }
0x1: {  	s0 =	rddreg [dreg:$0x0]  }
0x2: {  	s1 =	rddreg [dreg:$0x1]  }
0x3: {  	s2 =	simm.s32 $0x0;
	s4 =	srdreg.scid;
	s12 =	stileid.u32  }
0x4: {  	s19 =	simm.s32 $0x1000;
	s20 =	simm.s32 $0x4;
	s30 =	simm.s32 $0x0  }
0x5: {  	[smem:$0x7FF] =	sst s2;
	s3 =	sadd.s32 $0x2000, s1;
	s22 =	sadd.s32 $0x2200, s1  }
0x6: {  	s5 =	sadd.s32 $0x2600, s1;
	s4 =	sand.u32 $0x1, s4;
	s6 =	sadd.s32 $0x7A600, s1  }
0x7: {  	s8 =	sshll.u32 s12, $0x7;
	s9 =	sadd.s32 $0x2400, s1;
	s11 =	smul.u32 $0x18000, s12  }
0x8: {  	s26 =	smul.u32 $0x3000, s12;
	s14 =	sadd.s32 $0x2700, s1;
	s15 =	sadd.s32 $0x2800, s1  }
0x9: {  	s1 =	simm.s32 $0x1080;
	_ =	strace $0x80000047;
	[dreg:$0x4] =	wrdreg s3  }
0xa: {  	s7 =	sshll.u32 s4, $0xB;
	[dreg:$0x5] =	wrdreg s9;
	s23 =	ssub.s32 $0x2, s4  }
0xb: {  	s4 =	sor.u32 s12, s4;
	s3 =	simm.s32 $0x1100;
	s7 =	sor.u32 s8, s7  }
0xc: {  	s24 =	sshrl.u32 s23, $0x1;
	s11 =	sshrl.u32 s11, $0x3;
	s16 =	sadd.s32 s0, s26  }
.Ltmp0:
0xd: {  	p0 =	sne.s32 s4, $0x0;
	s10 =	sshrl.u32 s7, $0x3;
	(pc) =	sbr.rel .LBB2_1-.Ltmp0, $4  }
0xe: {  	v6 =	vlaneseq.u32;
	v0 =	vimm.s32 $0x0;
	vm0 =	vmxor vm0, vm0;
	s8 =	ssub.s32 s23, s24;
	s31 =	sadd.s32 s0, s11;
	s28 =	sadd.s32 s22, s10  }
0xf: {  	vm1 =	vmmov $0xffff;
	v3 =	vmul.u32 $0x80, v6;
	v5 =	vshrl.u32 v6, $0x3;
	s25 =	sor.u32 $0x8, s10;
	s12 =	sadd.s32 s6, s10;
	s29 =	smax.u32 s8, $0x1  }
0x10: {  	v4 =	vand.u32 $0x7, v6;
	v6 =	vor.u32 $0x8, v6;
	v5 =	vmul.u32 $0x8, v5;
	s8 =	simm.s32 $0x1;
	s13 =	sadd.s32 s22, s25;
	s22 =	simm.s32 $0x2  }
0x11: {  	v1 =	vor.u32 $0x1, v3;
	v2 =	vor.u32 $0x801, v3;
	v3 =	vor.u32 $0x1001, v3;
	s11 =	smov.u32 s13;
	s13 =	sadd.s32 s6, s25;
	s6 =	sadd.s32 $0x1800, s31  }
.LBB2_5:
0x12: {  	v7 =	vld [tilespmem:s7+$0x0];
	_ =	sdelay $0x4  }
0x13: {  	vm9 =	veq.s32 v7, $0x0  }
0x14: {  	vm8 =	veq.s32 v7, $0x1;
	v8 =	vsel vm9, $0x1, v0  }
0x15: {  	vm7 =	veq.s32 v7, $0x2;
	(xrf0) =	vadd.scan.msk.s32 $0xffff, v8;
	v8 =	vsel vm8, $0x1, v0  }
0x16: {  	vm6 =	veq.s32 v7, $0x3;
	(xrf0) =	vadd.scan.msk.s32 $0xffff, v8;
	v8 =	vsel vm7, $0x1, v0  }
0x17: {  	vm4 =	veq.s32 v7, $0x4;
	(xrf0) =	vadd.scan.msk.s32 $0xffff, v8;
	v8 =	vsel vm6, $0x1, v0  }
0x18: {  	vm2 =	veq.s32 v7, $0x5;
	(xrf0) =	vadd.scan.msk.s32 $0xffff, v8;
	v8 =	vsel vm4, $0x1, v0  }
0x19: {  	vm3 =	veq.s32 v7, $0x6;
	(xrf0) =	vadd.scan.msk.s32 $0xffff, v8;
	v8 =	vsel vm2, $0x1, v0  }
0x1a: {  	v9 =	vadd.s32 $0xFFFFFFFF, v9;
	vm5 =	veq.s32 v7, $0x7;
	(xrf0) =	vadd.scan.msk.s32 $0xffff, v8;
	v8 =	vsel vm3, $0x1, v0  }
0x1b: {  	v10 =	vbroadcast v9, $0xF;
	v7, _, _ =	vpop (xrf0);
	(xrf0) =	vadd.scan.msk.s32 $0xffff, v8;
	v8 =	vsel vm5, $0x1, v0  }
0x1c: {  	s26 =	sadd.s32 s31, s26;
	v11, _, _ =	vpop (xrf0);
	(xrf0) =	vadd.scan.msk.s32 $0xffff, v8  }
0x1d: {  	s24 =	sadd.s32 s24, s0;
	v8 =	vadd.s32 v7, v10;
	v38 =	vadd.s32 s26, v11;
	v12, _, _ =	vpop (xrf0)  }
0x1e: {  	s9 =	sadd.s32 s9, s21;
	v8 =	vnsel vm9, $0x0, v8;
	v10 =	vadd.s32 $0xFFFFFFFF, v38;
	v13 =	vadd.s32 s24, v12;
	v14, _, _ =	vpop (xrf0)  }
0x1f: {  	s21 =	sadd.s32 s25, s1;
	v8 =	vsel vm8, v10, v8;
	v39 =	vadd.s32 $0xFFFFFFFF, v13;
	v40 =	vadd.s32 s9, v14;
	v15, _, _ =	vpop (xrf0)  }
0x20: {  	s25 =	sadd.s32 s10, s4;
	v8 =	vsel vm7, v39, v8;
	v41 =	vadd.s32 $0xFFFFFFFF, v40;
	v42 =	vadd.s32 s21, v15;
	v16, _, _ =	vpop (xrf0)  }
0x21: {  	s31 =	sadd.s32 s23, s17;
	v8 =	vsel vm6, v41, v8;
	v43 =	vadd.s32 $0xFFFFFFFF, v42;
	v44 =	vadd.s32 s25, v16;
	v17, _, _ =	vpop (xrf0)  }
0x22: {  	s8 =	sadd.s32 s18, s8;
	v8 =	vsel vm4, v43, v8;
	v45 =	vadd.s32 $0xFFFFFFFF, v44;
	v46 =	vadd.s32 s31, v17;
	v18, _, _ =	vpop (xrf0)  }
0x23: {  	v8 =	vsel vm2, v45, v8;
	v47 =	vadd.s32 $0xFFFFFFFF, v46;
	v48 =	vadd.s32 s8, v18  }
0x24: {  	v8 =	vsel vm3, v47, v8;
	v49 =	vadd.s32 $0xFFFFFFFF, v48  }
0x25: {  	v8 =	vsel vm5, v49, v8  }
0x26: {  	[tilespmem:$0x1100] =	vst v8  }
0x27: {  	v8 =	vld [tilespmem:s7+$0x10];
	_ =	sdelay $0x3  }
0x28: {  	v7 =	vadd.s32 v7, v9  }
0x29: {  	v50 =	vbroadcast v11, $0xF;
	v28 =	vbroadcast v7, $0xF;
	vm7 =	veq.s32 v8, $0x0  }
0x2a: {  	v51 =	vbroadcast v12, $0xF;
	vm2 =	veq.s32 v8, $0x1;
	v53 =	vsel vm7, $0x1, v0  }
0x2b: {  	v10 =	vadd.s32 s26, v50;
	vm3 =	veq.s32 v8, $0x2;
	v54 =	vsel vm2, $0x1, v0;
	(xrf0) =	vadd.scan.msk.s32 $0xffff, v53  }
0x2c: {  	v52 =	vbroadcast v14, $0xF;
	vm4 =	veq.s32 v8, $0x3;
	v55 =	vsel vm3, $0x1, v0;
	(xrf0) =	vadd.scan.msk.s32 $0xffff, v54  }
0x2d: {  	v11 =	vadd.s32 s24, v51;
	vm12 =	veq.s32 v8, $0x4;
	v57 =	vsel vm4, $0x1, v0;
	(xrf0) =	vadd.scan.msk.s32 $0xffff, v55  }
0x2e: {  	v56 =	vbroadcast v15, $0xF;
	vm13 =	veq.s32 v8, $0x5;
	v59 =	vsel vm12, $0x1, v0;
	(xrf0) =	vadd.scan.msk.s32 $0xffff, v57  }
0x2f: {  	v58 =	vbroadcast v16, $0xF;
	vm14 =	veq.s32 v8, $0x6;
	v61 =	vsel vm13, $0x1, v0;
	(xrf0) =	vadd.scan.msk.s32 $0xffff, v59  }
0x30: {  	v60 =	vbroadcast v17, $0xF;
	vm15 =	veq.s32 v8, $0x7;
	v62 =	vsel vm14, $0x1, v0;
	(xrf0) =	vadd.scan.msk.s32 $0xffff, v61  }
0x31: {  	v12 =	vadd.s32 s9, v52;
	v8 =	vbroadcast v18, $0xF;
	v29 =	vsel vm15, $0x1, v0;
	v63, _, _ =	vpop (xrf0);
	(xrf0) =	vadd.scan.msk.s32 $0xffff, v62  }
0x32: {  	v14 =	vadd.s32 s21, v56;
	v15 =	vadd.s32 s25, v58;
	v16 =	vadd.s32 s31, v60;
	v30, _, _ =	vpop (xrf0);
	(xrf0) =	vadd.scan.msk.s32 $0xffff, v29  }
0x33: {  	v8 =	vadd.s32 s8, v8;
	v31 =	vadd.s32 v63, v28;
	v32 =	vadd.s32 v10, v30;
	v19, _, _ =	vpop (xrf0)  }
0x34: {  	v9 =	vnsel vm7, $0x0, v31;
	v17 =	vadd.s32 $0xFFFFFFFF, v32;
	v20 =	vadd.s32 v11, v19;
	v21, _, _ =	vpop (xrf0)  }
0x35: {  	v9 =	vsel vm2, v17, v9;
	v33 =	vadd.s32 $0xFFFFFFFF, v20;
	v34 =	vadd.s32 v12, v21;
	v22, _, _ =	vpop (xrf0)  }
0x36: {  	v9 =	vsel vm3, v33, v9;
	v35 =	vadd.s32 $0xFFFFFFFF, v34;
	v36 =	vadd.s32 v14, v22;
	v23, _, _ =	vpop (xrf0)  }
0x37: {  	v9 =	vsel vm4, v35, v9;
	v37 =	vadd.s32 $0xFFFFFFFF, v36;
	v38 =	vadd.s32 v15, v23;
	v24, _, _ =	vpop (xrf0)  }
0x38: {  	v9 =	vsel vm12, v37, v9;
	v39 =	vadd.s32 $0xFFFFFFFF, v38;
	v40 =	vadd.s32 v16, v24;
	v25, _, _ =	vpop (xrf0)  }
0x39: {  	v9 =	vsel vm13, v39, v9;
	v41 =	vadd.s32 $0xFFFFFFFF, v40;
	v42 =	vadd.s32 v8, v25  }
0x3a: {  	v9 =	vsel vm14, v41, v9;
	v43 =	vadd.s32 $0xFFFFFFFF, v42  }
0x3b: {  	v9 =	vsel vm15, v43, v9  }
0x3c: {  	[tilespmem:$0x1110] =	vst v9  }
0x3d: {  	v9 =	vld [tilespmem:s7+$0x20];
	_ =	sdelay $0x4  }
0x3e: {  	vm11 =	veq.s32 v9, $0x0  }
0x3f: {  	v44 =	vsel vm11, $0x1, v0  }
0x40: {  	(xrf0) =	vadd.scan.msk.s32 $0xffff, v44  }
0x41: {  	v7 =	vadd.s32 v63, v7;
	v45 =	vbroadcast v30, $0xF  }
0x42: {  	v48 =	vbroadcast v7, $0xF;
	v46 =	vbroadcast v19, $0xF;
	vm4 =	veq.s32 v9, $0x1  }
0x43: {  	v10 =	vadd.s32 v10, v45;
	vm2 =	veq.s32 v9, $0x2;
	v47 =	vsel vm4, $0x1, v0  }
0x44: {  	v50 =	vbroadcast v21, $0xF;
	vm3 =	veq.s32 v9, $0x3;
	v49 =	vsel vm2, $0x1, v0;
	(xrf0) =	vadd.scan.msk.s32 $0xffff, v47  }
0x45: {  	v11 =	vadd.s32 v11, v46;
	vm12 =	veq.s32 v9, $0x4;
	v52 =	vsel vm3, $0x1, v0;
	(xrf0) =	vadd.scan.msk.s32 $0xffff, v49  }
0x46: {  	v55 =	vbroadcast v22, $0xF;
	vm13 =	veq.s32 v9, $0x5;
	v53 =	vsel vm12, $0x1, v0;
	v51, _, _ =	vpop (xrf0);
	(xrf0) =	vadd.scan.msk.s32 $0xffff, v52  }
0x47: {  	v58 =	vbroadcast v24, $0xF;
	vm14 =	veq.s32 v9, $0x6;
	v54 =	vsel vm13, $0x1, v0;
	(xrf0) =	vadd.scan.msk.s32 $0xffff, v53  }
0x48: {  	v60 =	vbroadcast v25, $0xF;
	vm15 =	veq.s32 v9, $0x7;
	v56 =	vsel vm14, $0x1, v0;
	(xrf0) =	vadd.scan.msk.s32 $0xffff, v54  }
0x49: {  	v57 =	vbroadcast v23, $0xF;
	v12 =	vadd.s32 v12, v50;
	v59 =	vsel vm15, $0x1, v0;
	(xrf0) =	vadd.scan.msk.s32 $0xffff, v56  }
0x4a: {  	v14 =	vadd.s32 v14, v55;
	v13 =	vadd.s32 v16, v58;
	v8 =	vadd.s32 v8, v60;
	v61, _, _ =	vpop (xrf0);
	(xrf0) =	vadd.scan.msk.s32 $0xffff, v59  }
0x4b: {  	v9 =	vadd.s32 v15, v57;
	v17 =	vadd.s32 v51, v48;
	v62 =	vadd.s32 v10, v61;
	v63, _, _ =	vpop (xrf0)  }
0x4c: {  	v17 =	vnsel vm11, $0x0, v17;
	v15 =	vadd.s32 $0xFFFFFFFF, v62;
	v28 =	vadd.s32 v11, v63;
	v29, _, _ =	vpop (xrf0)  }
0x4d: {  	v15 =	vsel vm4, v15, v17;
	v30 =	vadd.s32 $0xFFFFFFFF, v28;
	v31 =	vadd.s32 v12, v29;
	v32, _, _ =	vpop (xrf0)  }
0x4e: {  	v15 =	vsel vm2, v30, v15;
	v33 =	vadd.s32 $0xFFFFFFFF, v31;
	v34 =	vadd.s32 v14, v32;
	v35, _, _ =	vpop (xrf0)  }
0x4f: {  	v15 =	vsel vm3, v33, v15;
	v36 =	vadd.s32 $0xFFFFFFFF, v34;
	v37 =	vadd.s32 v9, v35;
	v38, _, _ =	vpop (xrf0)  }
0x50: {  	v15 =	vsel vm12, v36, v15;
	v39 =	vadd.s32 $0xFFFFFFFF, v37;
	v40 =	vadd.s32 v13, v38;
	v41, _, _ =	vpop (xrf0)  }
0x51: {  	v15 =	vsel vm13, v39, v15;
	v42 =	vadd.s32 $0xFFFFFFFF, v40;
	v43 =	vadd.s32 v8, v41  }
0x52: {  	v15 =	vsel vm14, v42, v15;
	v44 =	vadd.s32 $0xFFFFFFFF, v43  }
0x53: {  	v15 =	vsel vm15, v44, v15  }
0x54: {  	[tilespmem:$0x1120] =	vst v15  }
0x55: {  	v15 =	vld [tilespmem:s7+$0x30];
	_ =	sdelay $0x4  }
0x56: {  	vm11 =	veq.s32 v15, $0x0  }
0x57: {  	v45 =	vsel vm11, $0x1, v0  }
0x58: {  	v7 =	vadd.s32 v51, v7;
	v46 =	vbroadcast v61, $0xF;
	(xrf0) =	vadd.scan.msk.s32 $0xffff, v45  }
0x59: {  	v48 =	vbroadcast v7, $0xF;
	v16 =	vbroadcast v63, $0xF;
	vm4 =	veq.s32 v15, $0x1  }
0x5a: {  	v10 =	vadd.s32 v10, v46;
	vm2 =	veq.s32 v15, $0x2;
	v47 =	vsel vm4, $0x1, v0  }
0x5b: {  	v11 =	vadd.s32 v11, v16;
	vm3 =	veq.s32 v15, $0x3;
	v49 =	vsel vm2, $0x1, v0;
	(xrf0) =	vadd.scan.msk.s32 $0xffff, v47  }
0x5c: {  	v50 =	vbroadcast v29, $0xF;
	vm12 =	veq.s32 v15, $0x4;
	v52 =	vsel vm3, $0x1, v0;
	(xrf0) =	vadd.scan.msk.s32 $0xffff, v49  }
0x5d: {  	v55 =	vbroadcast v32, $0xF;
	vm13 =	veq.s32 v15, $0x5;
	v53 =	vsel vm12, $0x1, v0;
	(xrf0) =	vadd.scan.msk.s32 $0xffff, v52  }
0x5e: {  	v57 =	vbroadcast v35, $0xF;
	vm14 =	veq.s32 v15, $0x6;
	v54 =	vsel vm13, $0x1, v0;
	v51, _, _ =	vpop (xrf0);
	(xrf0) =	vadd.scan.msk.s32 $0xffff, v53  }
0x5f: {  	v58 =	vbroadcast v38, $0xF;
	vm15 =	veq.s32 v15, $0x7;
	v56 =	vsel vm14, $0x1, v0;
	(xrf0) =	vadd.scan.msk.s32 $0xffff, v54  }
0x60: {  	v12 =	vadd.s32 v12, v50;
	v60 =	vbroadcast v41, $0xF;
	v59 =	vsel vm15, $0x1, v0;
	(xrf0) =	vadd.scan.msk.s32 $0xffff, v56  }
0x61: {  	v14 =	vadd.s32 v14, v55;
	v9 =	vadd.s32 v9, v57;
	v13 =	vadd.s32 v13, v58;
	v61, _, _ =	vpop (xrf0);
	(xrf0) =	vadd.scan.msk.s32 $0xffff, v59  }
0x62: {  	v8 =	vadd.s32 v8, v60;
	v17 =	vadd.s32 v51, v48;
	v62 =	vadd.s32 v10, v61;
	v63, _, _ =	vpop (xrf0)  }
0x63: {  	v17 =	vnsel vm11, $0x0, v17;
	v15 =	vadd.s32 $0xFFFFFFFF, v62;
	v28 =	vadd.s32 v11, v63;
	v29, _, _ =	vpop (xrf0)  }
0x64: {  	v15 =	vsel vm4, v15, v17;
	v30 =	vadd.s32 $0xFFFFFFFF, v28;
	v31 =	vadd.s32 v12, v29;
	v32, _, _ =	vpop (xrf0)  }
0x65: {  	v15 =	vsel vm2, v30, v15;
	v33 =	vadd.s32 $0xFFFFFFFF, v31;
	v34 =	vadd.s32 v14, v32;
	v35, _, _ =	vpop (xrf0)  }
0x66: {  	v15 =	vsel vm3, v33, v15;
	v36 =	vadd.s32 $0xFFFFFFFF, v34;
	v37 =	vadd.s32 v9, v35;
	v38, _, _ =	vpop (xrf0)  }
0x67: {  	v15 =	vsel vm12, v36, v15;
	v39 =	vadd.s32 $0xFFFFFFFF, v37;
	v40 =	vadd.s32 v13, v38;
	v41, _, _ =	vpop (xrf0)  }
0x68: {  	v15 =	vsel vm13, v39, v15;
	v42 =	vadd.s32 $0xFFFFFFFF, v40;
	v43 =	vadd.s32 v8, v41  }
0x69: {  	v15 =	vsel vm14, v42, v15;
	v44 =	vadd.s32 $0xFFFFFFFF, v43  }
0x6a: {  	v15 =	vsel vm15, v44, v15  }
0x6b: {  	[tilespmem:$0x1130] =	vst v15  }
0x6c: {  	v15 =	vld [tilespmem:s7+$0x40];
	_ =	sdelay $0x4  }
0x6d: {  	vm11 =	veq.s32 v15, $0x0  }
0x6e: {  	v7 =	vadd.s32 v51, v7;
	v46 =	vbroadcast v61, $0xF;
	v45 =	vsel vm11, $0x1, v0  }
0x6f: {  	v48 =	vbroadcast v7, $0xF;
	v16 =	vbroadcast v63, $0xF;
	vm4 =	veq.s32 v15, $0x1;
	(xrf0) =	vadd.scan.msk.s32 $0xffff, v45  }
0x70: {  	v10 =	vadd.s32 v10, v46;
	vm2 =	veq.s32 v15, $0x2;
	v47 =	vsel vm4, $0x1, v0  }
0x71: {  	v50 =	vbroadcast v29, $0xF;
	vm3 =	veq.s32 v15, $0x3;
	v49 =	vsel vm2, $0x1, v0;
	(xrf0) =	vadd.scan.msk.s32 $0xffff, v47  }
0x72: {  	v11 =	vadd.s32 v11, v16;
	vm12 =	veq.s32 v15, $0x4;
	v52 =	vsel vm3, $0x1, v0;
	(xrf0) =	vadd.scan.msk.s32 $0xffff, v49  }
0x73: {  	v55 =	vbroadcast v32, $0xF;
	vm13 =	veq.s32 v15, $0x5;
	v53 =	vsel vm12, $0x1, v0;
	(xrf0) =	vadd.scan.msk.s32 $0xffff, v52  }
0x74: {  	v57 =	vbroadcast v35, $0xF;
	vm14 =	veq.s32 v15, $0x6;
	v54 =	vsel vm13, $0x1, v0;
	(xrf0) =	vadd.scan.msk.s32 $0xffff, v53  }
0x75: {  	v58 =	vbroadcast v38, $0xF;
	vm15 =	veq.s32 v15, $0x7;
	v56 =	vsel vm14, $0x1, v0;
	v51, _, _ =	vpop (xrf0);
	(xrf0) =	vadd.scan.msk.s32 $0xffff, v54  }
0x76: {  	v12 =	vadd.s32 v12, v50;
	v60 =	vbroadcast v41, $0xF;
	v59 =	vsel vm15, $0x1, v0;
	(xrf0) =	vadd.scan.msk.s32 $0xffff, v56  }
0x77: {  	v14 =	vadd.s32 v14, v55;
	v9 =	vadd.s32 v9, v57;
	v13 =	vadd.s32 v13, v58;
	v61, _, _ =	vpop (xrf0);
	(xrf0) =	vadd.scan.msk.s32 $0xffff, v59  }
0x78: {  	v8 =	vadd.s32 v8, v60;
	v17 =	vadd.s32 v51, v48;
	v62 =	vadd.s32 v10, v61;
	v63, _, _ =	vpop (xrf0)  }
0x79: {  	v17 =	vnsel vm11, $0x0, v17;
	v15 =	vadd.s32 $0xFFFFFFFF, v62;
	v28 =	vadd.s32 v11, v63;
	v29, _, _ =	vpop (xrf0)  }
0x7a: {  	v15 =	vsel vm4, v15, v17;
	v30 =	vadd.s32 $0xFFFFFFFF, v28;
	v31 =	vadd.s32 v12, v29;
	v32, _, _ =	vpop (xrf0)  }
0x7b: {  	v15 =	vsel vm2, v30, v15;
	v33 =	vadd.s32 $0xFFFFFFFF, v31;
	v34 =	vadd.s32 v14, v32;
	v35, _, _ =	vpop (xrf0)  }
0x7c: {  	v15 =	vsel vm3, v33, v15;
	v36 =	vadd.s32 $0xFFFFFFFF, v34;
	v37 =	vadd.s32 v9, v35;
	v38, _, _ =	vpop (xrf0)  }
0x7d: {  	v15 =	vsel vm12, v36, v15;
	v39 =	vadd.s32 $0xFFFFFFFF, v37;
	v40 =	vadd.s32 v13, v38;
	v41, _, _ =	vpop (xrf0)  }
0x7e: {  	v15 =	vsel vm13, v39, v15;
	v42 =	vadd.s32 $0xFFFFFFFF, v40;
	v43 =	vadd.s32 v8, v41  }
0x7f: {  	v15 =	vsel vm14, v42, v15;
	v44 =	vadd.s32 $0xFFFFFFFF, v43  }
0x80: {  	v15 =	vsel vm15, v44, v15  }
0x81: {  	[tilespmem:$0x1180] =	vst v15  }
0x82: {  	v15 =	vld [tilespmem:s7+$0x50];
	_ =	sdelay $0x3  }
0x83: {  	v7 =	vadd.s32 v51, v7  }
0x84: {  	v46 =	vbroadcast v61, $0xF;
	v48 =	vbroadcast v7, $0xF;
	vm11 =	veq.s32 v15, $0x0  }
0x85: {  	v16 =	vbroadcast v63, $0xF;
	vm4 =	veq.s32 v15, $0x1;
	v45 =	vsel vm11, $0x1, v0  }
0x86: {  	v10 =	vadd.s32 v10, v46;
	vm2 =	veq.s32 v15, $0x2;
	v47 =	vsel vm4, $0x1, v0;
	(xrf0) =	vadd.scan.msk.s32 $0xffff, v45  }
0x87: {  	v50 =	vbroadcast v29, $0xF;
	vm3 =	veq.s32 v15, $0x3;
	v49 =	vsel vm2, $0x1, v0;
	(xrf0) =	vadd.scan.msk.s32 $0xffff, v47  }
0x88: {  	v11 =	vadd.s32 v11, v16;
	vm12 =	veq.s32 v15, $0x4;
	v52 =	vsel vm3, $0x1, v0;
	(xrf0) =	vadd.scan.msk.s32 $0xffff, v49  }
0x89: {  	v55 =	vbroadcast v32, $0xF;
	vm13 =	veq.s32 v15, $0x5;
	v53 =	vsel vm12, $0x1, v0;
	(xrf0) =	vadd.scan.msk.s32 $0xffff, v52  }
0x8a: {  	v57 =	vbroadcast v35, $0xF;
	vm14 =	veq.s32 v15, $0x6;
	v54 =	vsel vm13, $0x1, v0;
	(xrf0) =	vadd.scan.msk.s32 $0xffff, v53  }
0x8b: {  	v58 =	vbroadcast v38, $0xF;
	vm15 =	veq.s32 v15, $0x7;
	v56 =	vsel vm14, $0x1, v0;
	(xrf0) =	vadd.scan.msk.s32 $0xffff, v54  }
0x8c: {  	v12 =	vadd.s32 v12, v50;
	v60 =	vbroadcast v41, $0xF;
	v59 =	vsel vm15, $0x1, v0;
	v51, _, _ =	vpop (xrf0);
	(xrf0) =	vadd.scan.msk.s32 $0xffff, v56  }
0x8d: {  	v14 =	vadd.s32 v14, v55;
	v9 =	vadd.s32 v9, v57;
	v13 =	vadd.s32 v13, v58;
	v61, _, _ =	vpop (xrf0);
	(xrf0) =	vadd.scan.msk.s32 $0xffff, v59  }
0x8e: {  	v8 =	vadd.s32 v8, v60;
	v17 =	vadd.s32 v51, v48;
	v62 =	vadd.s32 v10, v61;
	v63, _, _ =	vpop (xrf0)  }
0x8f: {  	v17 =	vnsel vm11, $0x0, v17;
	v15 =	vadd.s32 $0xFFFFFFFF, v62;
	v28 =	vadd.s32 v11, v63;
	v29, _, _ =	vpop (xrf0)  }
0x90: {  	v15 =	vsel vm4, v15, v17;
	v30 =	vadd.s32 $0xFFFFFFFF, v28;
	v31 =	vadd.s32 v12, v29;
	v32, _, _ =	vpop (xrf0)  }
0x91: {  	v15 =	vsel vm2, v30, v15;
	v33 =	vadd.s32 $0xFFFFFFFF, v31;
	v34 =	vadd.s32 v14, v32;
	v35, _, _ =	vpop (xrf0)  }
0x92: {  	v15 =	vsel vm3, v33, v15;
	v36 =	vadd.s32 $0xFFFFFFFF, v34;
	v37 =	vadd.s32 v9, v35;
	v38, _, _ =	vpop (xrf0)  }
0x93: {  	v15 =	vsel vm12, v36, v15;
	v39 =	vadd.s32 $0xFFFFFFFF, v37;
	v40 =	vadd.s32 v13, v38;
	v41, _, _ =	vpop (xrf0)  }
0x94: {  	v15 =	vsel vm13, v39, v15;
	v42 =	vadd.s32 $0xFFFFFFFF, v40;
	v43 =	vadd.s32 v8, v41  }
0x95: {  	v15 =	vsel vm14, v42, v15;
	v44 =	vadd.s32 $0xFFFFFFFF, v43  }
0x96: {  	v15 =	vsel vm15, v44, v15  }
0x97: {  	[tilespmem:$0x1190] =	vst v15  }
0x98: {  	v15 =	vld [tilespmem:s7+$0x60];
	_ =	sdelay $0x4  }
0x99: {  	vm11 =	veq.s32 v15, $0x0  }
0x9a: {  	v45 =	vsel vm11, $0x1, v0  }
0x9b: {  	(xrf0) =	vadd.scan.msk.s32 $0xffff, v45  }
0x9c: {  	v7 =	vadd.s32 v51, v7;
	v46 =	vbroadcast v61, $0xF  }
0x9d: {  	v48 =	vbroadcast v7, $0xF;
	v16 =	vbroadcast v63, $0xF;
	vm4 =	veq.s32 v15, $0x1  }
0x9e: {  	v10 =	vadd.s32 v10, v46;
	vm2 =	veq.s32 v15, $0x2;
	v47 =	vsel vm4, $0x1, v0  }
0x9f: {  	v50 =	vbroadcast v29, $0xF;
	vm3 =	veq.s32 v15, $0x3;
	v49 =	vsel vm2, $0x1, v0;
	(xrf0) =	vadd.scan.msk.s32 $0xffff, v47  }
0xa0: {  	v11 =	vadd.s32 v11, v16;
	vm12 =	veq.s32 v15, $0x4;
	v52 =	vsel vm3, $0x1, v0;
	(xrf0) =	vadd.scan.msk.s32 $0xffff, v49  }
0xa1: {  	v55 =	vbroadcast v32, $0xF;
	vm13 =	veq.s32 v15, $0x5;
	v53 =	vsel vm12, $0x1, v0;
	v51, _, _ =	vpop (xrf0);
	(xrf0) =	vadd.scan.msk.s32 $0xffff, v52  }
0xa2: {  	v57 =	vbroadcast v35, $0xF;
	vm14 =	veq.s32 v15, $0x6;
	v54 =	vsel vm13, $0x1, v0;
	(xrf0) =	vadd.scan.msk.s32 $0xffff, v53  }
0xa3: {  	v58 =	vbroadcast v38, $0xF;
	vm15 =	veq.s32 v15, $0x7;
	v56 =	vsel vm14, $0x1, v0;
	(xrf0) =	vadd.scan.msk.s32 $0xffff, v54  }
0xa4: {  	v12 =	vadd.s32 v12, v50;
	v60 =	vbroadcast v41, $0xF;
	v59 =	vsel vm15, $0x1, v0;
	(xrf0) =	vadd.scan.msk.s32 $0xffff, v56  }
0xa5: {  	v14 =	vadd.s32 v14, v55;
	v9 =	vadd.s32 v9, v57;
	v13 =	vadd.s32 v13, v58;
	v61, _, _ =	vpop (xrf0);
	(xrf0) =	vadd.scan.msk.s32 $0xffff, v59  }
0xa6: {  	v8 =	vadd.s32 v8, v60;
	v17 =	vadd.s32 v51, v48;
	v62, _, _ =	vpop (xrf0);
	v63 =	vadd.s32 $0xFFFFFFFF, v61  }
0xa7: {  	v17 =	vnsel vm11, $0x0, v17;
	v25 =	vadd.s32 v10, v63;
	v16 =	vadd.s32 $0xFFFFFFFF, v62;
	v26, _, _ =	vpop (xrf0)  }
0xa8: {  	v17 =	vsel vm4, v25, v17;
	v27 =	vadd.s32 v11, v16;
	v20 =	vadd.s32 $0xFFFFFFFF, v26;
	v28, _, _ =	vpop (xrf0)  }
0xa9: {  	v17 =	vsel vm2, v27, v17;
	v29 =	vadd.s32 v12, v20;
	v21 =	vadd.s32 $0xFFFFFFFF, v28;
	v30, _, _ =	vpop (xrf0)  }
0xaa: {  	v17 =	vsel vm3, v29, v17;
	v31 =	vadd.s32 v14, v21;
	v22 =	vadd.s32 $0xFFFFFFFF, v30;
	v32, _, _ =	vpop (xrf0)  }
0xab: {  	v17 =	vsel vm12, v31, v17;
	v33 =	vadd.s32 v9, v22;
	v23 =	vadd.s32 $0xFFFFFFFF, v32;
	v34, _, _ =	vpop (xrf0)  }
0xac: {  	v17 =	vsel vm13, v33, v17;
	v35 =	vadd.s32 v13, v23;
	v24 =	vadd.s32 $0xFFFFFFFF, v34  }
0xad: {  	v17 =	vsel vm14, v35, v17;
	v36 =	vadd.s32 v8, v24  }
0xae: {  	v17 =	vsel vm15, v36, v17  }
0xaf: {  	[tilespmem:$0x11A0] =	vst v17  }
0xb0: {  	v17 =	vld [tilespmem:s7+$0x70];
	_ =	sdelay $0x4  }
0xb1: {  	vm3 =	veq.s32 v17, $0x0  }
0xb2: {  	v37 =	vsel vm3, $0x1, v0  }
0xb3: {  	(xrf0) =	vadd.scan.msk.s32 $0xffff, v37;
	_ =	sdelay $0x2  }
0xb4: {  	vm8 =	veq.s32 v17, $0x1  }
0xb5: {  	v7 =	vadd.s32 v51, v7;
	vm12 =	veq.s32 v17, $0x2;
	v38 =	vsel vm8, $0x1, v0  }
0xb6: {  	v7 =	vbroadcast v7, $0xF;
	v39 =	vsel vm12, $0x1, v0;
	(xrf0) =	vadd.scan.msk.s32 $0xffff, v38  }
0xb7: {  	v15 =	vbroadcast v63, $0xF;
	vm13 =	veq.s32 v17, $0x3;
	(xrf0) =	vadd.scan.msk.s32 $0xffff, v39;
	v40, _, _ =	vpop (xrf0)  }
0xb8: {  	vm2 =	veq.s32 v17, $0x4;
	v41 =	vsel vm13, $0x1, v0;
	v7 =	vadd.s32 v40, v7  }
0xb9: {  	v42 =	vsel vm2, $0x1, v0;
	(xrf0) =	vadd.scan.msk.s32 $0xffff, v41;
	v7 =	vnsel vm3, $0x0, v7;
	vm3 =	veq.s32 v17, $0x5  }
0xba: {  	v16 =	vbroadcast v16, $0xF;
	vm14 =	veq.s32 v17, $0x6;
	(xrf0) =	vadd.scan.msk.s32 $0xffff, v42;
	v43 =	vsel vm3, $0x1, v0  }
0xbb: {  	v46 =	vbroadcast v20, $0xF;
	vm15 =	veq.s32 v17, $0x7;
	v45 =	vsel vm14, $0x1, v0;
	(xrf0) =	vadd.scan.msk.s32 $0xffff, v43  }
0xbc: {  	v52 =	vbroadcast v21, $0xF;
	v47 =	vsel vm15, $0x1, v0;
	v44, _, _ =	vpop (xrf0);
	(xrf0) =	vadd.scan.msk.s32 $0xffff, v45  }
0xbd: {  	v10 =	vadd.s32 v10, v15;
	v48 =	vadd.s32 v11, v16;
	v51 =	vadd.s32 v12, v46;
	v49, _, _ =	vpop (xrf0);
	(xrf0) =	vadd.scan.msk.s32 $0xffff, v47  }
0xbe: {  	v54 =	vbroadcast v22, $0xF;
	v56 =	vadd.s32 v14, v52;
	v10 =	vadd.s32 v44, v10  }
0xbf: {  	v57 =	vbroadcast v23, $0xF;
	v7 =	vsel vm8, v10, v7;
	v50, _, _ =	vpop (xrf0);
	v10 =	vadd.s32 v49, v48  }
0xc0: {  	v9 =	vadd.s32 v9, v54;
	v7 =	vsel vm12, v10, v7;
	v53 =	vadd.s32 v50, v51;
	v55, _, _ =	vpop (xrf0)  }
0xc1: {  	v59 =	vbroadcast v24, $0xF;
	v7 =	vsel vm13, v53, v7;
	v10 =	vadd.s32 v55, v56;
	v58, _, _ =	vpop (xrf0)  }
0xc2: {  	v61 =	vadd.s32 v13, v57;
	v7 =	vsel vm2, v10, v7;
	v60, _, _ =	vpop (xrf0);
	v9 =	vadd.s32 v58, v9  }
0xc3: {  	v8 =	vadd.s32 v8, v59;
	v7 =	vsel vm3, v9, v7;
	v62 =	vadd.s32 v60, v61;
	v63, _, _ =	vpop (xrf0)  }
0xc4: {  	v7 =	vsel vm14, v62, v7;
	v8 =	vadd.s32 v63, v8  }
0xc5: {  	v7 =	vsel vm15, v8, v7  }
0xc6: {  	[tilespmem:$0x11B0] =	vst v7  }
0xc7: {  	_ =	swait.ge [sflag:s22], $0x40  }
0xc8: {  	[sflag:s22] =	ssyncset.done $0x0  }
0xc9: {  	[sflag:s22] =	ssyncadd.s32 $0xFFFFFFC0  }
0xca: {  	_ =	swait.ge [sflag:s22], $0x40  }
0xcb: {  	[sflag:s22] =	ssyncset.done $0x0  }
0xcc: {  	[sflag:s22] =	ssyncadd.s32 $0xFFFFFFC0  }
0xcd: {  	[hbm4b:s12+s2] =	stream.linear.scatter [tilespmem:s3], [sflag:$0x3], $0x40, $0x38;
	[tilespmem:$0x19280] =	vst v63  }
0xce: {  	s8 =	simm.s32 $0x1180  }
0xcf: {  	[hbm4b:s13+s2] =	stream.linear.scatter [tilespmem:s8], [sflag:$0x3], $0x40, $0x38;
	[tilespmem:$0x19280] =	vst v63  }
0xd0: {  	s10 =	simm.s32 $0x40;
	s9 =	rddreg [dreg:$0x2]  }
0xd1: {  	[hbm4b:s9+s10] =	stream.indirect.scatter [tilespmem:s19], [sflag:$0x4], $0x1, s3, s10, $0xb8;
	[tilespmem:$0x19280] =	vst v63  }
0xd2: {  	s1 =	simm.s32 $0x1080  }
0xd3: {  	[hbm4b:s9+s10] =	stream.indirect.scatter [tilespmem:s1], [sflag:$0x4], $0x1, s8, s10, $0xb8;
	[tilespmem:$0x19280] =	vst v63  }
0xd4: {  	s17 =	simm.s32 $0x1280  }
0xd5: {  	[tilespmem:s17], [sflag:$0x1] =	stream.linear.gather [hbm4b:s16+s2], $0xC000, $0x38;
	[tilespmem:$0x19280] =	vst v63  }
0xd6: {  	s4 =	simm.s32 $0xD280;
	s8 =	simm.s32 $0x1  }
0xd7: {  	[tilespmem:s4], [sflag:$0x2] =	stream.linear.gather [hbm4b:s6+s2], $0xC000, $0x38;
	[tilespmem:$0x19280] =	vst v63  }
0xd8: {  	_ =	swait.ge [sflag:s8], $0xC000  }
0xd9: {  	[sflag:s8] =	ssyncset.done $0x0  }
0xda: {  	[sflag:s8] =	ssyncadd.s32 $0xFFFF4000  }
0xdb: {  	v7 =	vld [tilespmem:$0x1100];
	_ =	sdelay $0x4  }
0xdc: {  	v8 =	vshrl.u32 v7, $0x3  }
0xdd: {  	v8 =	vmul.u32 $0x30, v8  }
0xde: {  	v7 =	vand.u32 $0x7, v7  }
0xdf: {  	v7 =	vor.u32 v7, v8  }
0xe0: {  	v8 =	vperm.xlane v7, v4;
	_ =	sdelay $0x1  }
0xe1: {  	v8 =	vadd.s32 v5, v8;
	_ =	sdelay $0x3  }
0xe2: {  	v7 =	vperm.xlane v7, v6  }
0xe3: {  	[hbm4b:s5+s2] =	stream.indirect_vreg.scatter [tilespmem:s17], [sflag:$0x5], $0x80, v8, vm1, $0xb8;
	[tilespmem:$0x19280] =	vst v63  }
0xe4: {  	s18 =	simm.s32 $0x1A80;
	v7 =	vadd.s32 v5, v7  }
0xe5: {  	[hbm4b:s14+s2] =	stream.indirect_vreg.scatter [tilespmem:s18], [sflag:$0x5], $0x80, v8, vm1, $0xb8;
	[tilespmem:$0x19280] =	vst v63  }
0xe6: {  	s21 =	simm.s32 $0x2280  }
0xe7: {  	[hbm4b:s15+s2] =	stream.indirect_vreg.scatter [tilespmem:s21], [sflag:$0x5], $0x80, v8, vm1, $0xb8;
	[tilespmem:$0x19280] =	vst v63  }
0xe8: {  	s23 =	simm.s32 $0x2A80  }
0xe9: {  	[hbm4b:s5+s2] =	stream.indirect_vreg.scatter [tilespmem:s23], [sflag:$0x5], $0x80, v7, vm1, $0xb8;
	[tilespmem:$0x19280] =	vst v63  }
0xea: {  	s24 =	simm.s32 $0x3280  }
0xeb: {  	[hbm4b:s14+s2] =	stream.indirect_vreg.scatter [tilespmem:s24], [sflag:$0x5], $0x80, v7, vm1, $0xb8;
	[tilespmem:$0x19280] =	vst v63  }
0xec: {  	s25 =	simm.s32 $0x3A80  }
0xed: {  	[hbm4b:s15+s2] =	stream.indirect_vreg.scatter [tilespmem:s25], [sflag:$0x5], $0x80, v7, vm1, $0xb8;
	[tilespmem:$0x19280] =	vst v63  }
0xee: {  	v7 =	vld [tilespmem:$0x1110];
	_ =	sdelay $0x4  }
0xef: {  	v8 =	vshrl.u32 v7, $0x3  }
0xf0: {  	v8 =	vmul.u32 $0x30, v8  }
0xf1: {  	v7 =	vand.u32 $0x7, v7  }
0xf2: {  	v7 =	vor.u32 v7, v8  }
0xf3: {  	v8 =	vperm.xlane v7, v4;
	_ =	sdelay $0x1  }
0xf4: {  	v8 =	vadd.s32 v5, v8;
	_ =	sdelay $0x3  }
0xf5: {  	s26 =	simm.s32 $0x4280;
	v7 =	vperm.xlane v7, v6  }
0xf6: {  	[hbm4b:s5+s2] =	stream.indirect_vreg.scatter [tilespmem:s26], [sflag:$0x5], $0x80, v8, vm1, $0xb8;
	[tilespmem:$0x19280] =	vst v63  }
0xf7: {  	s31 =	simm.s32 $0x4A80;
	v7 =	vadd.s32 v5, v7  }
0xf8: {  	[hbm4b:s14+s2] =	stream.indirect_vreg.scatter [tilespmem:s31], [sflag:$0x5], $0x80, v8, vm1, $0xb8;
	[tilespmem:$0x19280] =	vst v63  }
0xf9: {  	s9 =	simm.s32 $0x5280  }
0xfa: {  	[hbm4b:s15+s2] =	stream.indirect_vreg.scatter [tilespmem:s9], [sflag:$0x5], $0x80, v8, vm1, $0xb8;
	[tilespmem:$0x19280] =	vst v63  }
0xfb: {  	s10 =	simm.s32 $0x5A80  }
0xfc: {  	[hbm4b:s5+s2] =	stream.indirect_vreg.scatter [tilespmem:s10], [sflag:$0x5], $0x80, v7, vm1, $0xb8;
	[tilespmem:$0x19280] =	vst v63  }
0xfd: {  	s17 =	simm.s32 $0x6280  }
0xfe: {  	[hbm4b:s14+s2] =	stream.indirect_vreg.scatter [tilespmem:s17], [sflag:$0x5], $0x80, v7, vm1, $0xb8;
	[tilespmem:$0x19280] =	vst v63  }
0xff: {  	s18 =	simm.s32 $0x6A80  }
0x100: {  	[hbm4b:s15+s2] =	stream.indirect_vreg.scatter [tilespmem:s18], [sflag:$0x5], $0x80, v7, vm1, $0xb8;
	[tilespmem:$0x19280] =	vst v63  }
0x101: {  	v7 =	vld [tilespmem:$0x1120];
	_ =	sdelay $0x4  }
0x102: {  	v8 =	vshrl.u32 v7, $0x3  }
0x103: {  	v8 =	vmul.u32 $0x30, v8  }
0x104: {  	v7 =	vand.u32 $0x7, v7  }
0x105: {  	v7 =	vor.u32 v7, v8  }
0x106: {  	v8 =	vperm.xlane v7, v4;
	_ =	sdelay $0x1  }
0x107: {  	v8 =	vadd.s32 v5, v8;
	_ =	sdelay $0x3  }
0x108: {  	s21 =	simm.s32 $0x7280;
	v7 =	vperm.xlane v7, v6  }
0x109: {  	[hbm4b:s5+s2] =	stream.indirect_vreg.scatter [tilespmem:s21], [sflag:$0x5], $0x80, v8, vm1, $0xb8;
	[tilespmem:$0x19280] =	vst v63  }
0x10a: {  	s23 =	simm.s32 $0x7A80;
	v7 =	vadd.s32 v5, v7  }
0x10b: {  	[hbm4b:s14+s2] =	stream.indirect_vreg.scatter [tilespmem:s23], [sflag:$0x5], $0x80, v8, vm1, $0xb8;
	[tilespmem:$0x19280] =	vst v63  }
0x10c: {  	s24 =	simm.s32 $0x8280  }
0x10d: {  	[hbm4b:s15+s2] =	stream.indirect_vreg.scatter [tilespmem:s24], [sflag:$0x5], $0x80, v8, vm1, $0xb8;
	[tilespmem:$0x19280] =	vst v63  }
0x10e: {  	s25 =	simm.s32 $0x8A80  }
0x10f: {  	[hbm4b:s5+s2] =	stream.indirect_vreg.scatter [tilespmem:s25], [sflag:$0x5], $0x80, v7, vm1, $0xb8;
	[tilespmem:$0x19280] =	vst v63  }
0x110: {  	s26 =	simm.s32 $0x9280  }
0x111: {  	[hbm4b:s14+s2] =	stream.indirect_vreg.scatter [tilespmem:s26], [sflag:$0x5], $0x80, v7, vm1, $0xb8;
	[tilespmem:$0x19280] =	vst v63  }
0x112: {  	s31 =	simm.s32 $0x9A80  }
0x113: {  	[hbm4b:s15+s2] =	stream.indirect_vreg.scatter [tilespmem:s31], [sflag:$0x5], $0x80, v7, vm1, $0xb8;
	[tilespmem:$0x19280] =	vst v63  }
0x114: {  	v7 =	vld [tilespmem:$0x1130];
	_ =	sdelay $0x4  }
0x115: {  	v8 =	vshrl.u32 v7, $0x3  }
0x116: {  	v8 =	vmul.u32 $0x30, v8  }
0x117: {  	v7 =	vand.u32 $0x7, v7  }
0x118: {  	v7 =	vor.u32 v7, v8  }
0x119: {  	v8 =	vperm.xlane v7, v4;
	_ =	sdelay $0x1  }
0x11a: {  	v8 =	vadd.s32 v5, v8;
	_ =	sdelay $0x3  }
0x11b: {  	s9 =	simm.s32 $0xA280;
	v7 =	vperm.xlane v7, v6  }
0x11c: {  	[hbm4b:s5+s2] =	stream.indirect_vreg.scatter [tilespmem:s9], [sflag:$0x5], $0x80, v8, vm1, $0xb8;
	[tilespmem:$0x19280] =	vst v63  }
0x11d: {  	s10 =	simm.s32 $0xAA80;
	v7 =	vadd.s32 v5, v7  }
0x11e: {  	[hbm4b:s14+s2] =	stream.indirect_vreg.scatter [tilespmem:s10], [sflag:$0x5], $0x80, v8, vm1, $0xb8;
	[tilespmem:$0x19280] =	vst v63  }
0x11f: {  	s17 =	simm.s32 $0xB280  }
0x120: {  	[hbm4b:s15+s2] =	stream.indirect_vreg.scatter [tilespmem:s17], [sflag:$0x5], $0x80, v8, vm1, $0xb8;
	[tilespmem:$0x19280] =	vst v63  }
0x121: {  	s18 =	simm.s32 $0xBA80  }
0x122: {  	[hbm4b:s5+s2] =	stream.indirect_vreg.scatter [tilespmem:s18], [sflag:$0x5], $0x80, v7, vm1, $0xb8;
	[tilespmem:$0x19280] =	vst v63  }
0x123: {  	s21 =	simm.s32 $0xC280  }
0x124: {  	[hbm4b:s14+s2] =	stream.indirect_vreg.scatter [tilespmem:s21], [sflag:$0x5], $0x80, v7, vm1, $0xb8;
	[tilespmem:$0x19280] =	vst v63  }
0x125: {  	s23 =	simm.s32 $0xCA80  }
0x126: {  	[hbm4b:s15+s2] =	stream.indirect_vreg.scatter [tilespmem:s23], [sflag:$0x5], $0x80, v7, vm1, $0xb8;
	[tilespmem:$0x19280] =	vst v63  }
0x127: {  	_ =	swait.ge [sflag:s22], $0xC000  }
0x128: {  	[sflag:s22] =	ssyncset.done $0x0  }
0x129: {  	[sflag:s22] =	ssyncadd.s32 $0xFFFF4000  }
0x12a: {  	v7 =	vld [tilespmem:$0x1180];
	_ =	sdelay $0x4  }
0x12b: {  	v8 =	vshrl.u32 v7, $0x3  }
0x12c: {  	v8 =	vmul.u32 $0x30, v8  }
0x12d: {  	v7 =	vand.u32 $0x7, v7  }
0x12e: {  	v7 =	vor.u32 v7, v8  }
0x12f: {  	v8 =	vperm.xlane v7, v4;
	_ =	sdelay $0x1  }
0x130: {  	v8 =	vadd.s32 v5, v8;
	_ =	sdelay $0x3  }
0x131: {  	v7 =	vperm.xlane v7, v6  }
0x132: {  	[hbm4b:s5+s2] =	stream.indirect_vreg.scatter [tilespmem:s4], [sflag:$0x6], $0x80, v8, vm1, $0xb8;
	[tilespmem:$0x19280] =	vst v63  }
0x133: {  	s24 =	simm.s32 $0xDA80;
	v7 =	vadd.s32 v5, v7  }
0x134: {  	[hbm4b:s14+s2] =	stream.indirect_vreg.scatter [tilespmem:s24], [sflag:$0x6], $0x80, v8, vm1, $0xb8;
	[tilespmem:$0x19280] =	vst v63  }
0x135: {  	s25 =	simm.s32 $0xE280  }
0x136: {  	[hbm4b:s15+s2] =	stream.indirect_vreg.scatter [tilespmem:s25], [sflag:$0x6], $0x80, v8, vm1, $0xb8;
	[tilespmem:$0x19280] =	vst v63  }
0x137: {  	s26 =	simm.s32 $0xEA80  }
0x138: {  	[hbm4b:s5+s2] =	stream.indirect_vreg.scatter [tilespmem:s26], [sflag:$0x6], $0x80, v7, vm1, $0xb8;
	[tilespmem:$0x19280] =	vst v63  }
0x139: {  	s31 =	simm.s32 $0xF280  }
0x13a: {  	[hbm4b:s14+s2] =	stream.indirect_vreg.scatter [tilespmem:s31], [sflag:$0x6], $0x80, v7, vm1, $0xb8;
	[tilespmem:$0x19280] =	vst v63  }
0x13b: {  	s4 =	simm.s32 $0xFA80  }
0x13c: {  	[hbm4b:s15+s2] =	stream.indirect_vreg.scatter [tilespmem:s4], [sflag:$0x6], $0x80, v7, vm1, $0xb8;
	[tilespmem:$0x19280] =	vst v63  }
0x13d: {  	v7 =	vld [tilespmem:$0x1190];
	_ =	sdelay $0x4  }
0x13e: {  	v8 =	vshrl.u32 v7, $0x3  }
0x13f: {  	v8 =	vmul.u32 $0x30, v8  }
0x140: {  	v7 =	vand.u32 $0x7, v7  }
0x141: {  	v7 =	vor.u32 v7, v8  }
0x142: {  	v8 =	vperm.xlane v7, v4;
	_ =	sdelay $0x1  }
0x143: {  	v8 =	vadd.s32 v5, v8;
	_ =	sdelay $0x3  }
0x144: {  	s9 =	simm.s32 $0x10280;
	v7 =	vperm.xlane v7, v6  }
0x145: {  	[hbm4b:s5+s2] =	stream.indirect_vreg.scatter [tilespmem:s9], [sflag:$0x6], $0x80, v8, vm1, $0xb8;
	[tilespmem:$0x19280] =	vst v63  }
0x146: {  	s10 =	simm.s32 $0x10A80;
	v7 =	vadd.s32 v5, v7  }
0x147: {  	[hbm4b:s14+s2] =	stream.indirect_vreg.scatter [tilespmem:s10], [sflag:$0x6], $0x80, v8, vm1, $0xb8;
	[tilespmem:$0x19280] =	vst v63  }
0x148: {  	s17 =	simm.s32 $0x11280  }
0x149: {  	[hbm4b:s15+s2] =	stream.indirect_vreg.scatter [tilespmem:s17], [sflag:$0x6], $0x80, v8, vm1, $0xb8;
	[tilespmem:$0x19280] =	vst v63  }
0x14a: {  	s18 =	simm.s32 $0x11A80  }
0x14b: {  	[hbm4b:s5+s2] =	stream.indirect_vreg.scatter [tilespmem:s18], [sflag:$0x6], $0x80, v7, vm1, $0xb8;
	[tilespmem:$0x19280] =	vst v63  }
0x14c: {  	s21 =	simm.s32 $0x12280  }
0x14d: {  	[hbm4b:s14+s2] =	stream.indirect_vreg.scatter [tilespmem:s21], [sflag:$0x6], $0x80, v7, vm1, $0xb8;
	[tilespmem:$0x19280] =	vst v63  }
0x14e: {  	s23 =	simm.s32 $0x12A80  }
0x14f: {  	[hbm4b:s15+s2] =	stream.indirect_vreg.scatter [tilespmem:s23], [sflag:$0x6], $0x80, v7, vm1, $0xb8;
	[tilespmem:$0x19280] =	vst v63  }
0x150: {  	v7 =	vld [tilespmem:$0x11A0];
	_ =	sdelay $0x4  }
0x151: {  	v8 =	vshrl.u32 v7, $0x3  }
0x152: {  	v8 =	vmul.u32 $0x30, v8  }
0x153: {  	v7 =	vand.u32 $0x7, v7  }
0x154: {  	v7 =	vor.u32 v7, v8  }
0x155: {  	v8 =	vperm.xlane v7, v4;
	_ =	sdelay $0x1  }
0x156: {  	v8 =	vadd.s32 v5, v8;
	_ =	sdelay $0x3  }
0x157: {  	s24 =	simm.s32 $0x13280;
	v7 =	vperm.xlane v7, v6  }
0x158: {  	[hbm4b:s5+s2] =	stream.indirect_vreg.scatter [tilespmem:s24], [sflag:$0x6], $0x80, v8, vm1, $0xb8;
	[tilespmem:$0x19280] =	vst v63  }
0x159: {  	s25 =	simm.s32 $0x13A80;
	v7 =	vadd.s32 v5, v7  }
0x15a: {  	[hbm4b:s14+s2] =	stream.indirect_vreg.scatter [tilespmem:s25], [sflag:$0x6], $0x80, v8, vm1, $0xb8;
	[tilespmem:$0x19280] =	vst v63  }
0x15b: {  	s26 =	simm.s32 $0x14280  }
0x15c: {  	[hbm4b:s15+s2] =	stream.indirect_vreg.scatter [tilespmem:s26], [sflag:$0x6], $0x80, v8, vm1, $0xb8;
	[tilespmem:$0x19280] =	vst v63  }
0x15d: {  	s31 =	simm.s32 $0x14A80  }
0x15e: {  	[hbm4b:s5+s2] =	stream.indirect_vreg.scatter [tilespmem:s31], [sflag:$0x6], $0x80, v7, vm1, $0xb8;
	[tilespmem:$0x19280] =	vst v63  }
0x15f: {  	s4 =	simm.s32 $0x15280  }
0x160: {  	[hbm4b:s14+s2] =	stream.indirect_vreg.scatter [tilespmem:s4], [sflag:$0x6], $0x80, v7, vm1, $0xb8;
	[tilespmem:$0x19280] =	vst v63  }
0x161: {  	s9 =	simm.s32 $0x15A80  }
0x162: {  	[hbm4b:s15+s2] =	stream.indirect_vreg.scatter [tilespmem:s9], [sflag:$0x6], $0x80, v7, vm1, $0xb8;
	[tilespmem:$0x19280] =	vst v63  }
0x163: {  	v7 =	vld [tilespmem:$0x11B0];
	_ =	sdelay $0x4  }
0x164: {  	v8 =	vshrl.u32 v7, $0x3  }
0x165: {  	v8 =	vmul.u32 $0x30, v8  }
0x166: {  	v7 =	vand.u32 $0x7, v7  }
0x167: {  	v7 =	vor.u32 v7, v8  }
0x168: {  	v8 =	vperm.xlane v7, v4;
	_ =	sdelay $0x1  }
0x169: {  	v8 =	vadd.s32 v5, v8;
	_ =	sdelay $0x3  }
0x16a: {  	s10 =	simm.s32 $0x16280;
	v7 =	vperm.xlane v7, v6  }
0x16b: {  	[hbm4b:s5+s2] =	stream.indirect_vreg.scatter [tilespmem:s10], [sflag:$0x6], $0x80, v8, vm1, $0xb8;
	[tilespmem:$0x19280] =	vst v63  }
0x16c: {  	s17 =	simm.s32 $0x16A80;
	v7 =	vadd.s32 v5, v7  }
0x16d: {  	[hbm4b:s14+s2] =	stream.indirect_vreg.scatter [tilespmem:s17], [sflag:$0x6], $0x80, v8, vm1, $0xb8;
	[tilespmem:$0x19280] =	vst v63  }
0x16e: {  	s18 =	simm.s32 $0x17280  }
0x16f: {  	[hbm4b:s15+s2] =	stream.indirect_vreg.scatter [tilespmem:s18], [sflag:$0x6], $0x80, v8, vm1, $0xb8;
	[tilespmem:$0x19280] =	vst v63  }
0x170: {  	s21 =	simm.s32 $0x17A80  }
0x171: {  	[hbm4b:s5+s2] =	stream.indirect_vreg.scatter [tilespmem:s21], [sflag:$0x6], $0x80, v7, vm1, $0xb8;
	[tilespmem:$0x19280] =	vst v63  }
0x172: {  	s23 =	simm.s32 $0x18280  }
0x173: {  	[hbm4b:s14+s2] =	stream.indirect_vreg.scatter [tilespmem:s23], [sflag:$0x6], $0x80, v7, vm1, $0xb8;
	[tilespmem:$0x19280] =	vst v63  }
0x174: {  	s24 =	simm.s32 $0x18A80;
	s25 =	simm.s32 $0x3  }
0x175: {  	[hbm4b:s15+s2] =	stream.indirect_vreg.scatter [tilespmem:s24], [sflag:$0x6], $0x80, v7, vm1, $0xb8;
	[tilespmem:$0x19280] =	vst v63  }
0x176: {  	_ =	swait.ge [sflag:s25], $0x40  }
0x177: {  	[sflag:s25] =	ssyncset.done $0x0  }
0x178: {  	[sflag:s25] =	ssyncadd.s32 $0xFFFFFFC0  }
0x179: {  	_ =	swait.ge [sflag:s25], $0x40  }
0x17a: {  	[sflag:s25] =	ssyncset.done $0x0  }
0x17b: {  	[sflag:s25] =	ssyncadd.s32 $0xFFFFFFC0  }
0x17c: {  	_ =	swait.ge [sflag:s20], $0x40  }
0x17d: {  	[sflag:s20] =	ssyncset.done $0x0  }
0x17e: {  	[sflag:s20] =	ssyncadd.s32 $0xFFFFFFC0  }
0x17f: {  	_ =	swait.ge [sflag:s20], $0x40  }
0x180: {  	[sflag:s20] =	ssyncset.done $0x0  }
0x181: {  	s30 =	sadd.s32 $0x1, s30;
	s26 =	simm.s32 $0x5;
	[sflag:s20] =	ssyncadd.s32 $0xFFFFFFC0  }
0x182: {  	p1 =	sne.s32 s30, s29;
	_ =	swait.ge [sflag:s26], $0xC000  }
.Ltmp1:
0x183: {  	[sflag:s26] =	ssyncset.done $0x0;
	(pc) =	sbr.rel @!p1 .LBB2_6-.Ltmp1, $4  }
0x184: {  	s31 =	simm.s32 $0x6;
	[sflag:s26] =	ssyncadd.s32 $0xFFFF4000  }
0x185: {  	_ =	swait.ge [sflag:s31], $0xC000  }
0x186: {  	[sflag:s31] =	ssyncset.done $0x0  }
0x187: {  	[sflag:s31] =	ssyncadd.s32 $0xFFFF4000  }
.LBB2_1:
0x188: {  	s0 =	rddreg [dreg:$0x4]  }
0x189: {  	[tilespmem:s2], [sflag:$0x1] =	stream.linear.gather [hbm4b:s0+s2], $0x1000, $0x38;
	[tilespmem:$0x19280] =	vst v63  }
0x18a: {  	_ = 	snop  }
0x18b: {  	[tilespmem:s19], [sflag:$0x2] =	stream.linear.gather [hbm4b:s28+s2], $0x40, $0x38;
	[tilespmem:$0x19280] =	vst v63  }
0x18c: {  	_ = 	snop  }
0x18d: {  	[tilespmem:s1], [sflag:$0x2] =	stream.linear.gather [hbm4b:s11+s2], $0x40, $0x38;
	[tilespmem:$0x19280] =	vst v63  }
0x18e: {  	_ =	swait.ge [sflag:s8], $0x1000  }
0x18f: {  	[sflag:s8] =	ssyncset.done $0x0  }
0x190: {  	[sflag:s8] =	ssyncadd.s32 $0xFFFFF000  }
0x191: {  	v7 =	vld [tilespmem:s2+$0x0]  }
0x192: {  	vm5 =	vmmov vm0  }
0x193: {  	v14 =	vimm.s32 $0x0;
	v12 =	vimm.s32 $0x0;
	v10 =	vimm.s32 $0x0  }
0x194: {  	v32 =	vimm.s32 $0x0;
	v31 =	vimm.s32 $0x0;
	v29 =	vimm.s32 $0x0  }
0x195: {  	v27 =	vimm.s32 $0x0;
	v25 =	vimm.s32 $0x0;
	v23 =	vimm.s32 $0x0  }
0x196: {  	v19 =	vimm.s32 $0x0;
	vm2 =	veq.s32 v7, $0x0;
	vm3 =	veq.s32 v7, $0x1  }
0x197: {  	p1 =	sgt.u32 s7, $0x0;
	vm4 =	veq.s32 v7, $0x7;
	vm6 =	veq.s32 v7, $0x2;
	vm7 =	veq.s32 v7, $0x3  }
0x198: {  	vm15 =	veq.s32 v7, $0x4;
	vm8 =	veq.s32 v7, $0x5;
	vm5 =	vmmov @p1 vm4  }
0x199: {  	v34 =	vsel vm2, $0x1, v0;
	vm2 =	veq.s32 v7, $0x6;
	v33 =	vsel vm3, $0x1, v0  }
0x19a: {  	v30 =	vsel vm6, $0x1, v0;
	v28 =	vsel vm7, $0x1, v0;
	v26 =	vsel vm15, $0x1, v0  }
0x19b: {  	v24 =	vsel vm8, $0x1, v0;
	v8 =	vsel vm5, $0x1, v0;
	v20 =	vsel vm2, $0x1, v0  }
0x19c: {  	v9 =	vpsel !p1, $0x0, v33;
	v22 =	vpsel !p1, $0x0, v30;
	v21 =	vpsel !p1, $0x0, v28  }
0x19d: {  	v18 =	vpsel !p1, $0x0, v26;
	v17 =	vpsel !p1, $0x0, v24;
	v7 =	vadd.s32 v8, v0  }
0x19e: {  	s1 =	simm.s32 $0x10;
	v8 =	vpsel !p1, $0x0, v34;
	v11 =	vadd.s32 v0, v9;
	v16 =	vpsel !p1, $0x0, v20  }
0x19f: {  	s4 =	simm.s32 $0x10;
	s0 =	simm.s32 $0x20;
	v15 =	vld [tilespmem:s1+$0x0];
	v9 =	vimm.s32 $0x0;
	v13 =	vadd.s32 v0, v8;
	v8 =	vimm.s32 $0x0  }
.LBB2_2:
0x1a0: {  	v14 =	vadd.s32 v14, v22  }
0x1a1: {  	p1 =	sne.s32 s0, $0xFF0;
	v12 =	vadd.s32 v12, v21;
	v10 =	vadd.s32 v10, v18;
	v32 =	vadd.s32 v34, v32  }
0x1a2: {  	v9 =	vadd.s32 v9, v17;
	v8 =	vadd.s32 v8, v16;
	v31 =	vadd.s32 v33, v31  }
0x1a3: {  	v29 =	vadd.s32 v30, v29;
	v27 =	vadd.s32 v28, v27;
	v25 =	vadd.s32 v26, v25  }
0x1a4: {  	v23 =	vadd.s32 v24, v23;
	v19 =	vadd.s32 v20, v19;
	vm7 =	vmmov vm0  }
0x1a5: {  	p2 =	slt.u32 s1, s7;
	s1 =	smov.u32 s0;
	vm2 =	veq.s32 v15, $0x0;
	vm3 =	veq.s32 v15, $0x1;
	vm4 =	veq.s32 v15, $0x7  }
0x1a6: {  	vm5 =	veq.s32 v15, $0x2;
	vm6 =	veq.s32 v15, $0x3;
	vm7 =	vmmov @p2 vm4  }
0x1a7: {  	vm8 =	veq.s32 v15, $0x5;
	vm4 =	veq.s32 v15, $0x4;
	v16 =	vsel vm7, $0x1, v0  }
0x1a8: {  	v34 =	vsel vm2, $0x1, v0;
	vm2 =	veq.s32 v15, $0x6;
	v7 =	vadd.s32 v16, v7  }
.Ltmp2:
0x1a9: {  	v33 =	vsel vm3, $0x1, v0;
	v30 =	vsel vm5, $0x1, v0;
	v28 =	vsel vm6, $0x1, v0;
	(pc) =	sbr.rel @p1 .LBB2_2-.Ltmp2, $4  }
0x1aa: {  	v24 =	vsel vm8, $0x1, v0;
	v26 =	vsel vm4, $0x1, v0;
	v20 =	vsel vm2, $0x1, v0  }
0x1ab: {  	v35 =	vpsel !p2, $0x0, v33;
	v22 =	vpsel !p2, $0x0, v30;
	v16 =	vpsel !p2, $0x0, v34  }
0x1ac: {  	s4 =	sadd.s32 $0x10, s4;
	v21 =	vpsel !p2, $0x0, v28;
	v17 =	vpsel !p2, $0x0, v24;
	v18 =	vpsel !p2, $0x0, v26  }
0x1ad: {  	s0 =	sadd.s32 $0x10, s0;
	v11 =	vadd.s32 v11, v35;
	v13 =	vadd.s32 v13, v16;
	v16 =	vpsel !p2, $0x0, v20;
	v15 =	vld [tilespmem:s4+$0x0]  }
0x1ae: {  	_ =	sdelay $0x3  }
0x1af: {  	vm2 =	veq.s32 v15, $0x0  }
0x1b0: {  	v32 =	vadd.s32 v34, v32;
	v47 =	vsel vm2, $0x1, v0  }
0x1b1: {  	v32 =	vadd.s32 v47, v32  }
0x1b2: {  	(xrf0) =	vadd.scan.msk.s32 $0xffff, v32;
	_ =	sdelay $0x3  }
0x1b3: {  	vm2 =	veq.s32 v15, $0x1  }
0x1b4: {  	v31 =	vadd.s32 v33, v31;
	v48 =	vsel vm2, $0x1, v0  }
0x1b5: {  	v31 =	vadd.s32 v48, v31;
	v49, _, _ =	vpop (xrf0)  }
0x1b6: {  	(xrf0) =	vadd.scan.msk.s32 $0xffff, v31;
	(v2sf) =	vpush v49, $0xF;
	_ =	sdelay $0x3  }
0x1b7: {  	vm2 =	veq.s32 v15, $0x2  }
0x1b8: {  	v29 =	vadd.s32 v30, v29;
	v50 =	vsel vm2, $0x1, v0  }
0x1b9: {  	v29 =	vadd.s32 v50, v29;
	v31, _, _ =	vpop (xrf0)  }
0x1ba: {  	(xrf0) =	vadd.scan.msk.s32 $0xffff, v29;
	(v2sf) =	vpush v31, $0xF;
	_ =	sdelay $0x3  }
0x1bb: {  	vm2 =	veq.s32 v15, $0x3  }
0x1bc: {  	v27 =	vadd.s32 v28, v27;
	v51 =	vsel vm2, $0x1, v0  }
0x1bd: {  	v27 =	vadd.s32 v51, v27;
	v29, _, _ =	vpop (xrf0)  }
0x1be: {  	(xrf0) =	vadd.scan.msk.s32 $0xffff, v27;
	(v2sf) =	vpush v29, $0xF  }
0x1bf: {  	s0 =	spop (v2sf)  }
0x1c0: {  	s0 =	sadd.s32 $0x7F, s0  }
0x1c1: {  	s4 =	sand.u32 $0x7F, s0  }
0x1c2: {  	vm2 =	veq.s32 v15, $0x4;
	s8 =	sshra.s32 s0, $0x1F;
	p1 =	slt.s32 s0, $0x1;
	p2 =	sne.s32 s4, $0x0  }
0x1c3: {  	v25 =	vadd.s32 v26, v25;
	v52 =	vsel vm2, $0x1, v0;
	s21 =	sshrl.u32 s8, $0x19;
	p1 =	por !p1, !p2  }
0x1c4: {  	v25 =	vadd.s32 v52, v25;
	v27, _, _ =	vpop (xrf0);
	s4 =	simm.s32 $0x1;
	s0 =	sadd.s32 s21, s0;
	p1 =	por !p1, !p1  }
0x1c5: {  	(xrf0) =	vadd.scan.msk.s32 $0xffff, v25;
	(v2sf) =	vpush v27, $0xF;
	s0 =	sshrl.u32 s0, $0x7;
	s4 =	simm.s32 @!p1 $0x0  }
0x1c6: {  	s23 =	spop (v2sf);
	s0 =	ssub.s32 s0, s4  }
0x1c7: {  	s24 =	sadd.s32 $0x7F, s23;
	s31 =	sshll.u32 s0, $0x7  }
0x1c8: {  	s0 =	sand.u32 $0x7F, s24;
	s25 =	sadd.s32 s31, s24  }
0x1c9: {  	vm2 =	veq.s32 v15, $0x5;
	p3 =	sne.s32 s0, $0x0;
	s26 =	sshra.s32 s25, $0x1F;
	p2 =	slt.s32 s25, $0x1  }
0x1ca: {  	v23 =	vadd.s32 v24, v23;
	v53 =	vsel vm2, $0x1, v0;
	s8 =	sshrl.u32 s26, $0x19;
	p1 =	por !p2, !p3  }
0x1cb: {  	v23 =	vadd.s32 v53, v23;
	v25, _, _ =	vpop (xrf0);
	s4 =	simm.s32 $0x1;
	s0 =	sadd.s32 s8, s25;
	p1 =	por !p1, !p1  }
0x1cc: {  	vm2 =	veq.s32 v15, $0x6;
	(xrf0) =	vadd.scan.msk.s32 $0xffff, v23;
	(v2sf) =	vpush v25, $0xF;
	s0 =	sshrl.u32 s0, $0x7;
	s4 =	simm.s32 @!p1 $0x0  }
0x1cd: {  	v19 =	vadd.s32 v20, v19;
	v54 =	vsel vm2, $0x1, v0;
	s9 =	spop (v2sf);
	s0 =	ssub.s32 s0, s4  }
0x1ce: {  	v19 =	vadd.s32 v54, v19;
	s10 =	sadd.s32 $0x7F, s9;
	p1 =	slt.u32 s1, s7;
	s0 =	sshll.u32 s0, $0x7  }
0x1cf: {  	(xrf0) =	vadd.scan.msk.s32 $0xffff, v19;
	s4 =	sand.u32 $0x7F, s10;
	v55 =	vpsel !p1, $0x0, v47;
	s17 =	sadd.s32 s0, s10  }
0x1d0: {  	v14 =	vadd.s32 v14, v22;
	v56 =	vpsel !p1, $0x0, v48;
	p3 =	sne.s32 s4, $0x0;
	v13 =	vadd.s32 v13, v55;
	s18 =	sshra.s32 s17, $0x1F;
	p4 =	slt.s32 s17, $0x1  }
0x1d1: {  	v12 =	vadd.s32 v12, v21;
	v57 =	vpsel !p1, $0x0, v50;
	v11 =	vadd.s32 v11, v56;
	(xrf0) =	vadd.scan.msk.s32 $0xffff, v13;
	s21 =	sshrl.u32 s18, $0x19;
	p2 =	por !p4, !p3  }
0x1d2: {  	v10 =	vadd.s32 v10, v18;
	v58, _, _ =	vpop (xrf0);
	v59 =	vpsel !p1, $0x0, v51;
	s4 =	simm.s32 $0x1;
	v14 =	vadd.s32 v14, v57;
	(xrf0) =	vadd.scan.msk.s32 $0xffff, v11;
	s1 =	sadd.s32 s21, s17;
	p2 =	por !p2, !p2  }
0x1d3: {  	(v2sf) =	vpush v58, $0xF;
	v60 =	vpsel !p1, $0x0, v52;
	v11 =	vadd.s32 v12, v59;
	(xrf0) =	vadd.scan.msk.s32 $0xffff, v14;
	s1 =	sshrl.u32 s1, $0x7;
	s4 =	simm.s32 @!p2 $0x0  }
0x1d4: {  	vm3 =	vmmov vm0;
	s23 =	spop (v2sf);
	v10 =	vadd.s32 v10, v60;
	(xrf0) =	vadd.scan.msk.s32 $0xffff, v11;
	s1 =	ssub.s32 s1, s4  }
0x1d5: {  	v8 =	vadd.s32 v8, v16;
	vm2 =	veq.s32 v15, $0x7;
	v62, _, _ =	vpop (xrf0);
	s24 =	sadd.s32 $0x7F, s23;
	(xrf0) =	vadd.scan.msk.s32 $0xffff, v10;
	v10 =	vpsel !p1, $0x0, v54;
	s21 =	sshll.u32 s1, $0x7  }
0x1d6: {  	(v2sf) =	vpush v62, $0xF;
	vm3 =	vmmov @p1 vm2;
	v61 =	vpsel !p1, $0x0, v53;
	s1 =	sand.u32 $0x7F, s24;
	s25 =	sadd.s32 s21, s24  }
0x1d7: {  	v63 =	vsel vm3, $0x1, v0;
	v11 =	vadd.s32 v9, v17;
	v8 =	vadd.s32 v8, v10;
	v9, _, _ =	vpop (xrf0);
	p6 =	sne.s32 s1, $0x0;
	s26 =	sshra.s32 s25, $0x1F;
	p5 =	slt.s32 s25, $0x1  }
0x1d8: {  	v7 =	vadd.s32 v63, v7;
	v11 =	vadd.s32 v11, v61;
	v10, _, _ =	vpop (xrf0);
	s8 =	sshrl.u32 s26, $0x19;
	p4 =	por !p5, !p6  }
0x1d9: {  	s4 =	simm.s32 $0x1;
	(xrf0) =	vadd.scan.msk.s32 $0xffff, v11;
	(v2sf) =	vpush v10, $0xF;
	v10, _, _ =	vpop (xrf0);
	s1 =	sadd.s32 s8, s25;
	p1 =	por !p4, !p4  }
0x1da: {  	(xrf0) =	vadd.scan.msk.s32 $0xffff, v8;
	(v2sf) =	vpush v10, $0xF;
	v8, _, _ =	vpop (xrf0);
	s1 =	sshrl.u32 s1, $0x7;
	s4 =	simm.s32 @!p1 $0x0  }
0x1db: {  	s9 =	spop (v2sf);
	(xrf0) =	vadd.scan.msk.s32 $0xffff, v7;
	(v2sf) =	vpush v8, $0xF;
	v7, _, _ =	vpop (xrf0);
	s1 =	ssub.s32 s1, s4  }
0x1dc: {  	s10 =	sadd.s32 $0x7F, s9;
	(v2sf) =	vpush v7, $0xF;
	s1 =	sshll.u32 s1, $0x7  }
0x1dd: {  	s4 =	sand.u32 $0x7F, s10;
	s8 =	sadd.s32 s1, s10  }
0x1de: {  	p6 =	sne.s32 s4, $0x0;
	s9 =	sshra.s32 s8, $0x1F;
	p5 =	slt.s32 s8, $0x1  }
0x1df: {  	v7, _, _ =	vpop (xrf0);
	s17 =	sshrl.u32 s9, $0x19;
	p1 =	por !p5, !p6  }
0x1e0: {  	(v2sf) =	vpush v7, $0xF;
	v8, _, _ =	vpop (xrf0);
	s4 =	sadd.s32 s17, s8;
	p1 =	por !p1, !p1;
	s8 =	simm.s32 $0x1  }
0x1e1: {  	(v2sf) =	vpush v8, $0xF;
	v7, _, _ =	vpop (xrf0);
	s4 =	sshrl.u32 s4, $0x7;
	s8 =	simm.s32 @!p1 $0x0  }
0x1e2: {  	s18 =	spop (v2sf);
	(v2sf) =	vpush v7, $0xF;
	s4 =	ssub.s32 s4, s8  }
0x1e3: {  	s23 =	sadd.s32 $0x7F, s18;
	s4 =	sshll.u32 s4, $0x7  }
0x1e4: {  	s8 =	sand.u32 $0x7F, s23;
	s9 =	sadd.s32 s4, s23  }
0x1e5: {  	p4 =	sne.s32 s8, $0x0;
	s10 =	sshra.s32 s9, $0x1F;
	p3 =	slt.s32 s9, $0x1  }
0x1e6: {  	s25 =	spop (v2sf);
	s24 =	sshrl.u32 s10, $0x19;
	p1 =	por !p3, !p4  }
0x1e7: {  	s8 =	sadd.s32 s24, s9;
	p1 =	por !p1, !p1;
	s9 =	simm.s32 $0x1  }
0x1e8: {  	s26 =	spop (v2sf);
	s8 =	sshrl.u32 s8, $0x7;
	s9 =	simm.s32 @!p1 $0x0  }
0x1e9: {  	s24 =	spop (v2sf);
	s8 =	ssub.s32 s8, s9  }
0x1ea: {  	s18 =	sadd.s32 $0x7F, s25;
	s9 =	spop (v2sf);
	s17 =	sshll.u32 s8, $0x7  }
0x1eb: {  	s8 =	sand.u32 $0x7F, s18;
	s25 =	spop (v2sf);
	s10 =	sadd.s32 s17, s18  }
0x1ec: {  	p6 =	sne.s32 s8, $0x0;
	s18 =	sshra.s32 s10, $0x1F;
	p5 =	slt.s32 s10, $0x1  }
.Ltmp3:
0x1ed: {  	s23 =	sshrl.u32 s18, $0x19;
	p1 =	por !p5, !p6;
	(pc) =	sbr.rel @p0 .LBB2_5-.Ltmp3, $4  }
0x1ee: {  	s18 =	simm.s32 $0x1;
	s8 =	sadd.s32 s23, s10;
	p1 =	por !p1, !p1  }
0x1ef: {  	s10 =	spop (v2sf);
	s8 =	sshrl.u32 s8, $0x7;
	s18 =	simm.s32 @!p1 $0x0  }
0x1f0: {  	s23 =	spop (v2sf);
	s8 =	ssub.s32 s8, s18  }
0x1f1: {  	s18 =	spop (v2sf);
	s8 =	sshll.u32 s8, $0x7  }
0x1f2: {  	v7 =	vmov s31  }
0x1f3: {  	v8 =	vmov s0;
	vm2 =	vlt.s32 v7, v1  }
0x1f4: {  	v11 =	vmov s21;
	v10 =	vsel vm2, $0x1, v0;
	vm2 =	vlt.s32 v8, v1  }
0x1f5: {  	v13 =	vmov s1;
	v12 =	vsel vm2, $0x1, v0;
	vm2 =	vlt.s32 v11, v1  }
0x1f6: {  	v15 =	vmov s4;
	v14 =	vsel vm2, $0x1, v0;
	vm2 =	vlt.s32 v13, v1  }
0x1f7: {  	v17 =	vmov s17;
	v16 =	vsel vm2, $0x1, v0;
	vm2 =	vlt.s32 v15, v1  }
0x1f8: {  	v19 =	vmov s8;
	v18 =	vsel vm2, $0x1, v0;
	vm2 =	vlt.s32 v17, v1  }
0x1f9: {  	v10 =	vadd.s32 v10, v12;
	v54 =	vsel vm2, $0x1, v0;
	vm2 =	vlt.s32 v19, v1  }
0x1fa: {  	v10 =	vadd.s32 v14, v10;
	v55 =	vsel vm2, $0x1, v0;
	vm2 =	vlt.s32 v7, v2  }
0x1fb: {  	v10 =	vadd.s32 v16, v10;
	v56 =	vsel vm2, $0x1, v0;
	vm2 =	vlt.s32 v8, v2  }
0x1fc: {  	v10 =	vadd.s32 v18, v10;
	v57 =	vsel vm2, $0x1, v0;
	vm2 =	vlt.s32 v11, v2  }
0x1fd: {  	v10 =	vadd.s32 v54, v10;
	v58 =	vsel vm2, $0x1, v0;
	vm2 =	vlt.s32 v13, v2  }
0x1fe: {  	v10 =	vadd.s32 v55, v10;
	v59 =	vsel vm2, $0x1, v0;
	vm2 =	vlt.s32 v15, v2  }
0x1ff: {  	v16 =	vadd.s32 v56, v57;
	v60 =	vsel vm2, $0x1, v0;
	vm2 =	vlt.s32 v17, v2  }
0x200: {  	v12 =	vadd.s32 v58, v16;
	v61 =	vsel vm2, $0x1, v0;
	vm2 =	vlt.s32 v19, v2  }
0x201: {  	v12 =	vadd.s32 v59, v12;
	v62 =	vsel vm2, $0x1, v0;
	vm2 =	vlt.s32 v7, v3  }
0x202: {  	v7 =	vadd.s32 v60, v12;
	v63 =	vsel vm2, $0x1, v0;
	vm2 =	vlt.s32 v8, v3  }
0x203: {  	v7 =	vadd.s32 v61, v7;
	v8 =	vsel vm2, $0x1, v0;
	vm2 =	vlt.s32 v11, v3  }
0x204: {  	v8 =	vadd.s32 v63, v8;
	v11 =	vsel vm2, $0x1, v0;
	vm2 =	vlt.s32 v13, v3  }
0x205: {  	v8 =	vadd.s32 v11, v8;
	v11 =	vsel vm2, $0x1, v0;
	vm2 =	vlt.s32 v15, v3  }
0x206: {  	v8 =	vadd.s32 v11, v8;
	v11 =	vsel vm2, $0x1, v0;
	vm2 =	vlt.s32 v17, v3  }
0x207: {  	v8 =	vadd.s32 v11, v8;
	v11 =	vsel vm2, $0x1, v0;
	vm2 =	vlt.s32 v19, v3  }
0x208: {  	s19 =	smov.u32 s29;
	s29 =	smov.u32 s6;
	s6 =	smov.u32 s16;
	[tilespmem:$0x1200] =	vst v10;
	v7 =	vadd.s32 v62, v7;
	v8 =	vadd.s32 v11, v8;
	v10 =	vsel vm2, $0x1, v0  }
0x209: {  	s16 =	smov.u32 s13;
	s13 =	smov.u32 s12;
	s12 =	smov.u32 s11;
	[tilespmem:$0x1210] =	vst v7;
	v7 =	vadd.s32 v10, v8  }
0x20a: {  	s11 =	smov.u32 s28;
	s28 =	rddreg [dreg:$0x5];
	s3 =	simm.s32 $0x1200;
	[tilespmem:$0x1220] =	vst v7  }
0x20b: {  	[hbm4b:s28+s2] =	stream.linear.scatter [tilespmem:s3], [sflag:$0x7], $0x80, $0x38;
	[tilespmem:$0x19280] =	vst v63  }
.Ltmp4:
0x20c: {  	s28 =	smov.u32 s11;
	(pc) =	sbr.rel .LBB2_5-.Ltmp4, $4  }
0x20d: {  	s11 =	smov.u32 s12;
	s12 =	smov.u32 s13;
	s3 =	simm.s32 $0x7  }
0x20e: {  	s13 =	smov.u32 s16;
	s16 =	smov.u32 s6;
	_ =	swait.ge [sflag:s3], $0x80  }
0x20f: {  	s6 =	smov.u32 s29;
	s29 =	smov.u32 s19;
	[sflag:s3] =	ssyncset.done $0x0  }
0x210: {  	s19 =	simm.s32 $0x1000;
	[sflag:s3] =	ssyncadd.s32 $0xFFFFFF80;
	s3 =	simm.s32 $0x1100  }
.LBB2_6:
0x211: {  	_ =	sfence.sel $0x180000  }
0x212: {  	[bflag:$0x0] =	sbarrier.arrive $0xFFFF  }
0x213: {  	_ =	strace $0x90000047  }
0x214: {  	s0 =	stileid.u32;
	[bflag:$0x2] =	sbarrier.arrive $0xFFFF  }
0x215: {  	p0 =	sne.s32 s0, $0x0;
	s0 =	rddreg [dreg:$0x3]  }
0x216: {  	s0 =	sadd.s32 @!p0 $0x100000, s0  }
0x217: {  	[sflag:s0] =	ssyncadd.tile.s32 @!p0 $0x1;
	_ =	shalt  }
.Lfunc_end2:
_tile_overlayer_lowered:
.L_overlay_start_2:
0x218: {  	(tag) =	ssettag $0x2  }
0x219: {  	s0 =	rddreg [dreg:$0x0];
	s2 =	stileid.u32  }
0x21a: {  	s1 =	rddreg [dreg:$0x1];
	p0 =	sne.s32 s2, $0x0  }
0x21b: {  	s3 =	rddreg [dreg:$0x2];
	[bflag:$0x3] =	sbarrier.arrive $0xFFFF;
	s2 =	simm.s32 @!p0 $0x1C07  }
0x21c: {  	[timem:s3], [sflag:s2] =	dma.local @!p0 [hbm:s0], s1  }
0x21d: {  	s0 =	simm.s32 @!p0 $0x7  }
0x21e: {  	_ =	swait.ge @!p0 [sflag:s0], s1  }
0x21f: {  	s1 =	ssub.s32 @!p0 $0x0, s1;
	[sflag:s0] =	ssyncset.done @!p0 $0x0  }
0x220: {  	[sflag:s0] =	ssyncadd.s32 @!p0 s1  }
0x221: {  	[bflag:$0x3] =	sbarrier.arrive $0xFFFF  }
0x222: {  	_ =	shalt  }

// kernel: _pipeline.9.cloned.1.call-start
scs
__scs_entry_jumppad:
0x0: {  	(pc) =	sbr.rel $0x88, $3  }
0x1: {  	(tag) =	ssettag $0x0;
	lr =	simm.s32 $0x1  }
0x2: {  	[smem:$0x3F9E] =	sst lr;
	_ =	strace $0xD0000000  }
0x3: {  	_ = 	snop  }
0x4: {  	_ = 	snop  }
0x5: {  	_ = 	snop  }
0x6: {  	_ = 	snop  }
0x7: {  	_ = 	snop  }
__scs_overlays_trampoline_lowered:
0x8: {  	[smem:$0x3FAD] =	sst s0  }
0x9: {  	[smem:$0x3FAE] =	sst s1  }
0xa: {  	[smem:$0x3FAF] =	sst s2  }
0xb: {  	[smem:$0x3FB0] =	sst s3  }
0xc: {  	[smem:$0x3FB1] =	sst s4  }
0xd: {  	[smem:$0x3FB2] =	sst s5  }
0xe: {  	[smem:$0x3FB3] =	sst s6  }
0xf: {  	[smem:$0x3FB4] =	sst s7  }
0x10: {  	[smem:$0x3FB5] =	sst s8  }
0x11: {  	[smem:$0x3FB6] =	sst s9;
	s0 =	simm.s32 @!p0 $0x0  }
0x12: {  	s1 =	sld [smem:$0x3F9C];
	s0 =	simm.s32 @p0 $0x1  }
0x13: {  	[smem:$0x3FB7] =	sst s0;
	s0 =	simm.s32 @!p1 $0x0  }
0x14: {  	s2 =	sld [smem:$0x3F9B];
	s0 =	simm.s32 @p1 $0x1  }
0x15: {  	[smem:$0x3FB8] =	sst s0;
	s0 =	simm.s32 @!p2 $0x0  }
0x16: {  	s3 =	sld [smem:$0x3FDB];
	s0 =	simm.s32 @p2 $0x1  }
0x17: {  	s4 =	simm.s32 $0x1BF5;
	[smem:$0x3FBA] =	sst s0  }
0x18: {  	s0 =	sld [smem:$0x3F9D];
	_ =	swait.ge [sflag:s4], $0x0  }
0x19: {  	s7 =	sld [smem:$0x3F9E]  }
0x1a: {  	s8 =	sadd.s32 $0xFFFFE003, lr  }
0x1b: {  	s9 =	sadd.s32 $0xFFFFFEF7, lr;
	s5 =	simm.s32 $0xFFFFFFFF;
	p2 =	slt.u32 s8, $0xFFFFF086  }
0x1c: {  	p1 =	slt.u32 s9, $0xF7A;
	s5 =	simm.s32 @!p2 $0x0  }
0x1d: {  	s5 =	simm.s32 @p1 $0x1;
	p0 =	seq.s32 s7, s2  }
0x1e: {  	s7 =	smul.u32 @!p0 $0xF7A, s2;
	p2 =	seq.s32 @!p0 s5, $0x0  }
0x1f: {  	s9 =	smul.u32 $0xF7A, s1;
	s8 =	simm.s32 @!p0 $0x1BF5;
	p2 =	por !p2, p0  }
0x20: {  	[sflag:s8] =	ssyncset.s32 @!p0 $0xFFFFF086;
	s6 =	sadd.s32 @!p0 s3, s7;
	s7 =	simm.s32 @!p0 $0x108  }
0x21: {  	s3 =	sadd.s32 s3, s9;
	s6 =	sadd.s32 @!p0 $0x88, s6;
	s7 =	simm.s32 @p2 $0x1082  }
0x22: {  	[simem:s7], [sflag:s8] =	dma.local @!p0 [hbm:s6], $0xF7A  }
0x23: {  	s9 =	sor.u32 $0xD0000000, s2;
	s6 =	simm.s32 $0x108;
	_ =	swait.ge @!p0 [sflag:s8], $0x0  }
0x24: {  	s3 =	sadd.s32 $0x88, s3;
	s6 =	simm.s32 @!p1 $0x1082;
	[sflag:s4] =	ssyncset.s32 $0xFFFFF086  }
0x25: {  	[simem:s6], [sflag:s4] =	dma.local [hbm:s3], $0xF7A  }
0x26: {  	[smem:$0x3F9E] =	sst s1;
	(tag) =	ssettag s2;
	_ =	strace s9  }
0x27: {  	s1 =	sld [smem:$0x3FAE]  }
0x28: {  	s2 =	sld [smem:$0x3FAF]  }
0x29: {  	s4 =	sld [smem:$0x3FB1]  }
0x2a: {  	p0 =	seq.s32 s5, $0x0;
	s5 =	sld [smem:$0x3FB2]  }
0x2b: {  	s6 =	sld [smem:$0x3FB3]  }
0x2c: {  	s7 =	sld [smem:$0x3FB4]  }
0x2d: {  	s3 =	simm.s32 $0x108;
	s8 =	sld [smem:$0x3FB5]  }
0x2e: {  	s3 =	simm.s32 @!p0 $0x1082;
	s9 =	sld [smem:$0x3FB6]  }
0x2f: {  	lr =	sadd.s32 s0, s3;
	s0 =	sld [smem:$0x3FAD]  }
0x30: {  	s3 =	sld [smem:$0x3FB0]  }
0x31: {  	[smem:$0x3FB9] =	sst s10  }
0x32: {  	s10 =	sld [smem:$0x3FB7];
	_ =	sdelay $0x3  }
0x33: {  	p0 =	seq.s32 s10, $0x1;
	s10 =	sld [smem:$0x3FB9];
	_ =	sdelay $0x3  }
0x34: {  	[smem:$0x3FB9] =	sst s10  }
0x35: {  	s10 =	sld [smem:$0x3FB8];
	_ =	sdelay $0x3  }
0x36: {  	p1 =	seq.s32 s10, $0x1;
	s10 =	sld [smem:$0x3FB9];
	_ =	sdelay $0x3  }
0x37: {  	[smem:$0x3FB9] =	sst s10  }
0x38: {  	s10 =	sld [smem:$0x3FBA]  }
0x39: {  	_ = 	snop;
	(pc) =	sbr.ind lr, $3  }
0x3a: {  	_ = 	snop  }
0x3b: {  	_ = 	snop  }
0x3c: {  	p2 =	seq.s32 s10, $0x1;
	s10 =	sld [smem:$0x3FB9]  }
0x3d: {  	_ =	shalt  }
0x3e: {  	_ =	shalt  }
0x3f: {  	_ =	shalt  }
0x40: {  	_ =	shalt  }
0x41: {  	_ =	shalt  }
0x42: {  	_ =	shalt  }
0x43: {  	_ =	shalt  }
0x44: {  	_ =	shalt  }
0x45: {  	_ =	shalt  }
0x46: {  	_ =	shalt  }
0x47: {  	_ =	shalt  }
0x48: {  	_ =	shalt  }
0x49: {  	_ =	shalt  }
0x4a: {  	_ =	shalt  }
0x4b: {  	_ =	shalt  }
0x4c: {  	_ =	shalt  }
0x4d: {  	_ =	shalt  }
0x4e: {  	_ =	shalt  }
0x4f: {  	_ =	shalt  }
0x50: {  	_ =	shalt  }
0x51: {  	_ =	shalt  }
0x52: {  	_ =	shalt  }
0x53: {  	_ =	shalt  }
0x54: {  	_ =	shalt  }
0x55: {  	_ =	shalt  }
0x56: {  	_ =	shalt  }
0x57: {  	_ =	shalt  }
0x58: {  	_ =	shalt  }
0x59: {  	_ =	shalt  }
0x5a: {  	_ =	shalt  }
0x5b: {  	_ =	shalt  }
0x5c: {  	_ =	shalt  }
0x5d: {  	_ =	shalt  }
0x5e: {  	_ =	shalt  }
0x5f: {  	_ =	shalt  }
0x60: {  	_ =	shalt  }
0x61: {  	_ =	shalt  }
0x62: {  	_ =	shalt  }
0x63: {  	_ =	shalt  }
0x64: {  	_ =	shalt  }
0x65: {  	_ =	shalt  }
0x66: {  	_ =	shalt  }
0x67: {  	_ =	shalt  }
0x68: {  	_ =	shalt  }
0x69: {  	_ =	shalt  }
0x6a: {  	_ =	shalt  }
0x6b: {  	_ =	shalt  }
0x6c: {  	_ =	shalt  }
0x6d: {  	_ =	shalt  }
0x6e: {  	_ =	shalt  }
0x6f: {  	_ =	shalt  }
0x70: {  	_ =	shalt  }
0x71: {  	_ =	shalt  }
0x72: {  	_ =	shalt  }
0x73: {  	_ =	shalt  }
0x74: {  	_ =	shalt  }
0x75: {  	_ =	shalt  }
0x76: {  	_ =	shalt  }
0x77: {  	_ =	shalt  }
0x78: {  	_ =	shalt  }
0x79: {  	_ =	shalt  }
0x7a: {  	_ =	shalt  }
0x7b: {  	_ =	shalt  }
0x7c: {  	_ =	shalt  }
0x7d: {  	_ =	shalt  }
0x7e: {  	_ =	shalt  }
0x7f: {  	_ =	shalt  }
0x80: {  	_ =	shalt  }
0x81: {  	_ =	shalt  }
0x82: {  	_ =	shalt  }
0x83: {  	_ =	shalt  }
0x84: {  	_ =	shalt  }
0x85: {  	_ =	shalt  }
0x86: {  	_ =	shalt  }
0x87: {  	_ =	shalt  }
.Lfunc_end0:
.L_simem_size_0:
called_computation.1_lowered:
.L_overlay_start_0:
0x88: {  	s2 =	sld [smem:$0x3FD9]  }
0x89: {  	s3 =	sld [smem:$0x3FFE];
	_ =	sdelay $0x1  }
0x8a: {  	s1 =	srdreg.scid  }
0x8b: {  	s0 =	sand.u32 $0x1, s1  }
0x8c: {  	s17 =	sshll.u32 s0, $0xA;
	s2 =	sadd.s32 s3, s2  }
0x8d: {  	s2 =	sadd.s32 s2, s17  }
0x8e: {  	[smem:$0x3FC5] =	sst s2  }
0x8f: {  	_ = 	snop  }
0x90: {  	s2 =	sld [smem:$0x3FD0];
	(tm) =	ssettm $0x1  }
0x91: {  	s18 =	sld [smem:$0x3FFB];
	_ =	sdelay $0x3  }
0x92: {  	_ =	strace s18  }
0x93: {  	s3 =	sld [smem:$0x3FFC];
	_ =	sdelay $0x3  }
0x94: {  	_ =	strace s3  }
0x95: {  	s3 =	sld [smem:$0x3FFD];
	_ =	sdelay $0x3  }
0x96: {  	_ =	strace s3  }
0x97: {  	_ =	strace $0x8FFFFFFF  }
0x98: {  	s19 =	sld [smem:$0x3FDB];
	_ =	sdelay $0x1  }
0x99: {  	s4 =	simm.s32 $_scs_section_size  }
0x9a: {  	s5 =	simm.s32 $_size__tile_overlayer_lowered;
	s6 =	simm.s32 $_tile_overlayer_lowered  }
0x9b: {  	s22 =	simm.s32 $0x1BFF;
	s21 =	sshll.u32 s6, $0x1;
	s3 =	sadd.s32 s4, s19  }
0x9c: {  	s7 =	simm.s32 $0x0;
	s20 =	sshll.u32 s5, $0x1;
	s5 =	sadd.s32 s21, s3  }
0x9d: {  	[timem:s7], [sflag:s22] =	dma.local [hbm:s5], s20  }
0x9e: {  	_ =	swait.ge [sflag:s22], s20  }
0x9f: {  	s4 =	ssub.s32 $0x0, s20;
	[sflag:s22] =	ssyncset.done $0x0  }
0xa0: {  	[sflag:s22] =	ssyncadd.s32 s4;
	_ =	sdelay $0x1  }
0xa1: {  	s23 =	simm.s32 $0x1B8B  }
0xa2: {  	_ =	swait.ge [sflag:s23], $0x1  }
0xa3: {  	[sflag:s23] =	ssyncset.done $0x0  }
0xa4: {  	s25 =	simm.s32 $0x1B8E;
	s24 =	sld [smem:$0x3FFE];
	[sflag:s23] =	ssyncadd.s32 $0xFFFFFFFF  }
0xa5: {  	s26 =	simm.s32 $execute0_lowered;
	[smem:$0x3FD2] =	sst s25  }
0xa6: {  	s5 =	sshll.u32 s26, $0x1;
	_ =	strace $0x80000049;
	[dreg:$0x1] =	wrdreg $0xFFFFFFFF  }
0xa7: {  	s28 =	simm.s32 $_size_execute0_lowered;
	s3 =	sadd.s32 s3, s5;
	[dreg:$0x0] =	wrdreg $0x0  }
0xa8: {  	s5 =	sshll.u32 s28, $0x1;
	[dreg:$0x2] =	wrdreg s3  }
0xa9: {  	[dreg:$0x3] =	wrdreg s5  }
0xaa: {  	[dreg:$0x4] =	wrdreg $0xC0  }
0xab: {  	_ =	task [dreg:s7], $0x5FFFF  }
0xac: {  	[dreg:$0x1] =	wrdreg $0xFFFFFFFF  }
0xad: {  	[dreg:$0x0] =	wrdreg $0x60  }
0xae: {  	[dreg:$0x2] =	wrdreg s24  }
0xaf: {  	[dreg:$0x3] =	wrdreg s2  }
0xb0: {  	[dreg:$0x4] =	wrdreg $0x9  }
0xb1: {  	_ =	task.clear_ibuf [dreg:s7], $0x5FFFF;
	_ =	strace $0x90000049  }
0xb2: {  	s29 =	simm.s32 $0x9;
	_ =	strace $0x8000004B  }
0xb3: {  	_ =	swait.ge [sflag:s29], $0x1  }
0xb4: {  	[sflag:s29] =	ssyncadd.s32 $0xFFFFFFFF  }
0xb5: {  	_ =	strace $0x9000004B  }
0xb6: {  	_ =	sfence  }
0xb7: {  	s30 =	sld [smem:$0x0];
	_ =	sdelay $0x2  }
0xb8: {  	s31 =	sshll.u32 s1, $0xD;
	s1 =	sshrl.u32 s1, $0x2  }
0xb9: {  	s3 =	sand.u32 $0x4000, s31;
	s1 =	sadd.s32 s1, s30  }
0xba: {  	s0 =	sor.u32 s3, s0;
	s1 =	sshll.u32 s1, $0x11  }
0xbb: {  	s0 =	sor.u32 s1, s0  }
0xbc: {  	s0 =	sadd.s32 $0x8F2B, s0  }
0xbd: {  	[sflag:s0] =	ssyncadd.remote.s32 $0x1  }
0xbe: {  	_ =	sfence.sel $0xFFFF  }
0xbf: {  	[dreg:$0x0] =	wrdreg $0xFFFFFFFF;
	(pc) =	sbr.abs _section_cstart, $3  }
0xc0: {  	[dreg:$0x1] =	wrdreg $0xFFFFFFFF  }
0xc1: {  	_ =	task.clear_ibuf [dreg:s7], $0x2FFFF;
	_ =	strace $0x9FFFFFFF  }
0xc2: {  	(tm) =	ssettm $0x7FFFFFFF  }
0xc3: {  	_ =	shalt  }
tec
execute0_lowered:
.L_overlay_start_1:
0x0: {  	(tag) =	ssettag $0x1  }
0x1: {  	s0 =	rddreg [dreg:$0x0]  }
0x2: {  	s2 =	rddreg [dreg:$0x1];
	s1 =	simm.s32 $0x0  }
0x3: {  	s3 =	srdreg.scid;
	s8 =	stileid.u32;
	s15 =	simm.s32 $0x1  }
0x4: {  	s16 =	simm.s32 $0x2;
	s13 =	simm.s32 $0x8200;
	s14 =	simm.s32 $0x8A00  }
0x5: {  	s17 =	simm.s32 $0x9200;
	s18 =	simm.s32 $0x9A00;
	s19 =	simm.s32 $0xA200  }
0x6: {  	s20 =	simm.s32 $0xAA00;
	s21 =	simm.s32 $0xB200;
	s22 =	simm.s32 $0xBA00  }
0x7: {  	s23 =	simm.s32 $0x3;
	s24 =	simm.s32 $0x4;
	s25 =	simm.s32 $0xC200  }
0x8: {  	s26 =	simm.s32 $0x5;
	s28 =	simm.s32 $0x0;
	[smem:$0x7FF] =	sst s1  }
0x9: {  	s3 =	sand.u32 $0x1, s3;
	s5 =	sadd.s32 $0x7A600, s0;
	s8 =	sshll.u32 s8, $0x3  }
0xa: {  	_ =	strace $0x8000004A;
	s4 =	ssub.s32 $0x2, s3;
	s7 =	sshll.u32 s3, $0x7  }
0xb: {  	s3 =	sadd.s32 $0x7A800, s0;
	s6 =	sshrl.u32 s4, $0x1;
	s30 =	sor.u32 s8, s7  }
0xc: {  	s7 =	sadd.s32 $0x7AA00, s0;
	s12 =	ssub.s32 s4, s6;
	s4 =	sadd.s32 s5, s30  }
0xd: {  	s8 =	smul.u32 $0x300, s30;
	s9 =	sor.u32 $0x4, s30;
	s6 =	sadd.s32 $0x7A900, s0  }
0xe: {  	v2 =	vlaneseq.u32;
	s31 =	sadd.s32 $0x100, s4;
	s11 =	smul.u32 $0x300, s9;
	s9 =	sadd.s32 s5, s9  }
0xf: {  	vm0 =	vmmov $0xffff;
	v1 =	vshrl.u32 v2, $0x3;
	s10 =	sadd.s32 $0x104, s4;
	s12 =	smax.u32 s12, $0x1;
	[dreg:$0x3] =	wrdreg s31  }
0x10: {  	v0 =	vand.u32 $0x7, v2;
	v2 =	vor.u32 $0x8, v2;
	v1 =	vmul.u32 $0x8, v1;
	s8 =	sadd.s32 s2, s8;
	s11 =	sadd.s32 s2, s11;
	s2 =	simm.s32 $0x7A00  }
.LBB2_1:
0x11: {  	s0 =	simm.s32 $0x100  }
0x12: {  	[tilespmem:s0], [sflag:$0x1] =	stream.linear.gather [hbm4b:s4+s1], $0x20, $0x38;
	[tilespmem:$0x12200] =	vst v63  }
0x13: {  	s5 =	simm.s32 $0x180;
	s0 =	rddreg [dreg:$0x3]  }
0x14: {  	[tilespmem:s5], [sflag:$0x2] =	stream.linear.gather [hbm4b:s0+s1], $0x20, $0x38;
	[tilespmem:$0x12200] =	vst v63  }
0x15: {  	_ =	swait.ge [sflag:s15], $0x20  }
0x16: {  	[sflag:s15] =	ssyncset.done $0x0  }
0x17: {  	[sflag:s15] =	ssyncadd.s32 $0xFFFFFFE0  }
0x18: {  	_ =	swait.ge [sflag:s16], $0x20  }
0x19: {  	[sflag:s16] =	ssyncset.done $0x0  }
0x1a: {  	[sflag:s16] =	ssyncadd.s32 $0xFFFFFFE0  }
0x1b: {  	v3 =	vld [tilespmem:$0x100];
	_ =	sdelay $0x4  }
0x1c: {  	vm1 =	vlt.s32 v3, $0x13FF  }
0x1d: {  	v3 =	vnsel vm1, $0x13FF, v3  }
0x1e: {  	v4 =	vshrl.u32 v3, $0x3  }
0x1f: {  	v5 =	vld [tilespmem:$0x110];
	v4 =	vmul.u32 $0x30, v4  }
0x20: {  	v6 =	vld [tilespmem:$0x180];
	v7 =	vand.u32 $0x7, v3  }
0x21: {  	v8 =	vld [tilespmem:$0x190];
	v4 =	vor.u32 v7, v4  }
0x22: {  	v7 =	vperm.xlane v4, v0;
	_ =	sdelay $0x1  }
0x23: {  	vm1 =	vlt.s32 v5, $0x13FF;
	v7 =	vadd.s32 v1, v7  }
0x24: {  	[tilespmem:$0x0] =	vst v3;
	v3 =	vnsel vm1, $0x13FF, v5;
	vm1 =	vlt.s32 v6, $0x13FF  }
0x25: {  	[tilespmem:$0x10] =	vst v3;
	v3 =	vnsel vm1, $0x13FF, v6;
	vm1 =	vlt.s32 v8, $0x13FF  }
0x26: {  	[tilespmem:$0x80] =	vst v3;
	v3 =	vnsel vm1, $0x13FF, v8  }
0x27: {  	s5 =	simm.s32 $0x200;
	[tilespmem:$0x90] =	vst v3;
	v3 =	vperm.xlane v4, v2  }
0x28: {  	[tilespmem:s5], [sflag:$0x3] =	stream.indirect_vreg.gather [hbm4b:s3+s1], $0x80, v7, vm0, $0xb8;
	[tilespmem:$0x12200] =	vst v63  }
0x29: {  	v3 =	vadd.s32 v1, v3;
	s5 =	simm.s32 $0xA00  }
0x2a: {  	[tilespmem:s5], [sflag:$0x3] =	stream.indirect_vreg.gather [hbm4b:s6+s1], $0x80, v7, vm0, $0xb8;
	[tilespmem:$0x12200] =	vst v63  }
0x2b: {  	s5 =	simm.s32 $0x1200  }
0x2c: {  	[tilespmem:s5], [sflag:$0x3] =	stream.indirect_vreg.gather [hbm4b:s7+s1], $0x80, v7, vm0, $0xb8;
	[tilespmem:$0x12200] =	vst v63  }
0x2d: {  	s5 =	simm.s32 $0x1A00  }
0x2e: {  	[tilespmem:s5], [sflag:$0x3] =	stream.indirect_vreg.gather [hbm4b:s3+s1], $0x80, v3, vm0, $0xb8;
	[tilespmem:$0x12200] =	vst v63  }
0x2f: {  	s5 =	simm.s32 $0x2200  }
0x30: {  	[tilespmem:s5], [sflag:$0x3] =	stream.indirect_vreg.gather [hbm4b:s6+s1], $0x80, v3, vm0, $0xb8;
	[tilespmem:$0x12200] =	vst v63  }
0x31: {  	s5 =	simm.s32 $0x2A00  }
0x32: {  	[tilespmem:s5], [sflag:$0x3] =	stream.indirect_vreg.gather [hbm4b:s7+s1], $0x80, v3, vm0, $0xb8;
	[tilespmem:$0x12200] =	vst v63  }
0x33: {  	v3 =	vld [tilespmem:$0x10];
	_ =	sdelay $0x4  }
0x34: {  	v4 =	vshrl.u32 v3, $0x3  }
0x35: {  	v4 =	vmul.u32 $0x30, v4  }
0x36: {  	v3 =	vand.u32 $0x7, v3  }
0x37: {  	v3 =	vor.u32 v3, v4  }
0x38: {  	v4 =	vperm.xlane v3, v0;
	_ =	sdelay $0x1  }
0x39: {  	v4 =	vadd.s32 v1, v4;
	_ =	sdelay $0x3  }
0x3a: {  	s5 =	simm.s32 $0x3200;
	v3 =	vperm.xlane v3, v2  }
0x3b: {  	[tilespmem:s5], [sflag:$0x3] =	stream.indirect_vreg.gather [hbm4b:s3+s1], $0x80, v4, vm0, $0xb8;
	[tilespmem:$0x12200] =	vst v63  }
0x3c: {  	v3 =	vadd.s32 v1, v3;
	s5 =	simm.s32 $0x3A00  }
0x3d: {  	[tilespmem:s5], [sflag:$0x3] =	stream.indirect_vreg.gather [hbm4b:s6+s1], $0x80, v4, vm0, $0xb8;
	[tilespmem:$0x12200] =	vst v63  }
0x3e: {  	s5 =	simm.s32 $0x4200  }
0x3f: {  	[tilespmem:s5], [sflag:$0x3] =	stream.indirect_vreg.gather [hbm4b:s7+s1], $0x80, v4, vm0, $0xb8;
	[tilespmem:$0x12200] =	vst v63  }
0x40: {  	s5 =	simm.s32 $0x4A00  }
0x41: {  	[tilespmem:s5], [sflag:$0x3] =	stream.indirect_vreg.gather [hbm4b:s3+s1], $0x80, v3, vm0, $0xb8;
	[tilespmem:$0x12200] =	vst v63  }
0x42: {  	s5 =	simm.s32 $0x5200  }
0x43: {  	[tilespmem:s5], [sflag:$0x3] =	stream.indirect_vreg.gather [hbm4b:s6+s1], $0x80, v3, vm0, $0xb8;
	[tilespmem:$0x12200] =	vst v63  }
0x44: {  	s5 =	simm.s32 $0x5A00  }
0x45: {  	[tilespmem:s5], [sflag:$0x3] =	stream.indirect_vreg.gather [hbm4b:s7+s1], $0x80, v3, vm0, $0xb8;
	[tilespmem:$0x12200] =	vst v63  }
0x46: {  	v3 =	vld [tilespmem:$0x80];
	_ =	sdelay $0x4  }
0x47: {  	v4 =	vshrl.u32 v3, $0x3  }
0x48: {  	v4 =	vmul.u32 $0x30, v4  }
0x49: {  	v3 =	vand.u32 $0x7, v3  }
0x4a: {  	v3 =	vor.u32 v3, v4  }
0x4b: {  	v4 =	vperm.xlane v3, v0;
	_ =	sdelay $0x1  }
0x4c: {  	v4 =	vadd.s32 v1, v4;
	_ =	sdelay $0x3  }
0x4d: {  	s5 =	simm.s32 $0x6200;
	v3 =	vperm.xlane v3, v2  }
0x4e: {  	[tilespmem:s5], [sflag:$0x4] =	stream.indirect_vreg.gather [hbm4b:s3+s1], $0x80, v4, vm0, $0xb8;
	[tilespmem:$0x12200] =	vst v63  }
0x4f: {  	v3 =	vadd.s32 v1, v3;
	s5 =	simm.s32 $0x6A00  }
0x50: {  	[tilespmem:s5], [sflag:$0x4] =	stream.indirect_vreg.gather [hbm4b:s6+s1], $0x80, v4, vm0, $0xb8;
	[tilespmem:$0x12200] =	vst v63  }
0x51: {  	s5 =	simm.s32 $0x7200  }
0x52: {  	[tilespmem:s5], [sflag:$0x4] =	stream.indirect_vreg.gather [hbm4b:s7+s1], $0x80, v4, vm0, $0xb8;
	[tilespmem:$0x12200] =	vst v63  }
0x53: {  	_ = 	snop  }
0x54: {  	[tilespmem:s2], [sflag:$0x4] =	stream.indirect_vreg.gather [hbm4b:s3+s1], $0x80, v3, vm0, $0xb8;
	[tilespmem:$0x12200] =	vst v63  }
0x55: {  	_ = 	snop  }
0x56: {  	[tilespmem:s13], [sflag:$0x4] =	stream.indirect_vreg.gather [hbm4b:s6+s1], $0x80, v3, vm0, $0xb8;
	[tilespmem:$0x12200] =	vst v63  }
0x57: {  	_ = 	snop  }
0x58: {  	[tilespmem:s14], [sflag:$0x4] =	stream.indirect_vreg.gather [hbm4b:s7+s1], $0x80, v3, vm0, $0xb8;
	[tilespmem:$0x12200] =	vst v63  }
0x59: {  	v3 =	vld [tilespmem:$0x90];
	_ =	sdelay $0x4  }
0x5a: {  	v4 =	vshrl.u32 v3, $0x3  }
0x5b: {  	v4 =	vmul.u32 $0x30, v4  }
0x5c: {  	v3 =	vand.u32 $0x7, v3  }
0x5d: {  	v3 =	vor.u32 v3, v4  }
0x5e: {  	v4 =	vperm.xlane v3, v0;
	_ =	sdelay $0x1  }
0x5f: {  	v4 =	vadd.s32 v1, v4;
	_ =	sdelay $0x3  }
0x60: {  	v3 =	vperm.xlane v3, v2  }
0x61: {  	[tilespmem:s17], [sflag:$0x4] =	stream.indirect_vreg.gather [hbm4b:s3+s1], $0x80, v4, vm0, $0xb8;
	[tilespmem:$0x12200] =	vst v63  }
0x62: {  	v3 =	vadd.s32 v1, v3  }
0x63: {  	[tilespmem:s18], [sflag:$0x4] =	stream.indirect_vreg.gather [hbm4b:s6+s1], $0x80, v4, vm0, $0xb8;
	[tilespmem:$0x12200] =	vst v63  }
0x64: {  	_ = 	snop  }
0x65: {  	[tilespmem:s19], [sflag:$0x4] =	stream.indirect_vreg.gather [hbm4b:s7+s1], $0x80, v4, vm0, $0xb8;
	[tilespmem:$0x12200] =	vst v63  }
0x66: {  	_ = 	snop  }
0x67: {  	[tilespmem:s20], [sflag:$0x4] =	stream.indirect_vreg.gather [hbm4b:s3+s1], $0x80, v3, vm0, $0xb8;
	[tilespmem:$0x12200] =	vst v63  }
0x68: {  	_ = 	snop  }
0x69: {  	[tilespmem:s21], [sflag:$0x4] =	stream.indirect_vreg.gather [hbm4b:s6+s1], $0x80, v3, vm0, $0xb8;
	[tilespmem:$0x12200] =	vst v63  }
0x6a: {  	_ = 	snop  }
0x6b: {  	[tilespmem:s22], [sflag:$0x4] =	stream.indirect_vreg.gather [hbm4b:s7+s1], $0x80, v3, vm0, $0xb8;
	[tilespmem:$0x12200] =	vst v63  }
0x6c: {  	_ =	swait.ge [sflag:s23], $0x6000  }
0x6d: {  	[sflag:s23] =	ssyncset.done $0x0  }
0x6e: {  	s0 =	simm.s32 $0x0;
	[sflag:s23] =	ssyncadd.s32 $0xFFFFA000  }
0x6f: {  	s5 =	smul.u32 $0x1800, s0;
	_ =	swait.ge [sflag:s24], $0x6000  }
0x70: {  	s29 =	sand.u32 $0x380, s1;
	[sflag:s24] =	ssyncset.done $0x0  }
0x71: {  	s29 =	sor.u32 s29, s5;
	[sflag:s24] =	ssyncadd.s32 $0xFFFFA000  }
0x72: {  	v3 =	vld [tilespmem:s29+$0x1670]  }
0x73: {  	v4 =	vld [tilespmem:s29+$0x7670]  }
0x74: {  	v5 =	vld [tilespmem:s29+$0x200]  }
0x75: {  	v6 =	vld [tilespmem:s29+$0x6200]  }
0x76: {  	v7 =	vld [tilespmem:s29+$0x210]  }
0x77: {  	v8 =	vld [tilespmem:s29+$0x6210]  }
0x78: {  	v9 =	vld [tilespmem:s29+$0x220]  }
0x79: {  	v10 =	vld [tilespmem:s29+$0x230]  }
0x7a: {  	v11 =	vld [tilespmem:s29+$0x7620];
	v3 =	vadd.f32 v4, v3  }
0x7b: {  	v4 =	vld [tilespmem:s29+$0x6220]  }
0x7c: {  	v5 =	vadd.f32 v6, v5;
	[tilespmem:s29+$0xD670] =	vst v3;
	v3 =	vld [tilespmem:s29+$0x6230]  }
0x7d: {  	v6 =	vld [tilespmem:s29+$0x240]  }
0x7e: {  	[tilespmem:s29+$0xC200] =	vst v5;
	v5 =	vadd.f32 v8, v7;
	v7 =	vld [tilespmem:s29+$0x6240]  }
0x7f: {  	v8 =	vld [tilespmem:s29+$0x6250]  }
0x80: {  	[tilespmem:s29+$0xC210] =	vst v5;
	v5 =	vld [tilespmem:s29+$0x250];
	v4 =	vadd.f32 v4, v9  }
0x81: {  	v9 =	vld [tilespmem:s29+$0x6260];
	v3 =	vadd.f32 v3, v10  }
0x82: {  	[tilespmem:s29+$0xC220] =	vst v4;
	v4 =	vld [tilespmem:s29+$0x260]  }
0x83: {  	[tilespmem:s29+$0xC230] =	vst v3;
	v3 =	vadd.f32 v7, v6;
	v6 =	vld [tilespmem:s29+$0x270]  }
0x84: {  	v7 =	vld [tilespmem:s29+$0x6270]  }
0x85: {  	[tilespmem:s29+$0xC240] =	vst v3;
	v3 =	vadd.f32 v8, v5;
	v5 =	vld [tilespmem:s29+$0x600]  }
0x86: {  	v8 =	vld [tilespmem:s29+$0x6600]  }
0x87: {  	[tilespmem:s29+$0xC250] =	vst v3;
	v3 =	vadd.f32 v9, v4;
	v4 =	vld [tilespmem:s29+$0x610]  }
0x88: {  	v9 =	vld [tilespmem:s29+$0x6610]  }
0x89: {  	[tilespmem:s29+$0xC260] =	vst v3;
	v3 =	vadd.f32 v7, v6;
	v6 =	vld [tilespmem:s29+$0x620]  }
0x8a: {  	v7 =	vld [tilespmem:s29+$0x6620]  }
0x8b: {  	[tilespmem:s29+$0xC270] =	vst v3;
	v3 =	vadd.f32 v8, v5;
	v5 =	vld [tilespmem:s29+$0x630]  }
0x8c: {  	v8 =	vld [tilespmem:s29+$0x6630]  }
0x8d: {  	[tilespmem:s29+$0xC600] =	vst v3;
	v3 =	vadd.f32 v9, v4;
	v4 =	vld [tilespmem:s29+$0x640]  }
0x8e: {  	v9 =	vld [tilespmem:s29+$0x6640]  }
0x8f: {  	[tilespmem:s29+$0xC610] =	vst v3;
	v3 =	vadd.f32 v7, v6;
	v6 =	vld [tilespmem:s29+$0x650]  }
0x90: {  	v7 =	vld [tilespmem:s29+$0x6650]  }
0x91: {  	[tilespmem:s29+$0xC620] =	vst v3;
	v3 =	vadd.f32 v8, v5;
	v5 =	vld [tilespmem:s29+$0x660]  }
0x92: {  	v8 =	vld [tilespmem:s29+$0x6660]  }
0x93: {  	[tilespmem:s29+$0xC630] =	vst v3;
	v3 =	vadd.f32 v9, v4;
	v4 =	vld [tilespmem:s29+$0x670]  }
0x94: {  	v9 =	vld [tilespmem:s29+$0x6670]  }
0x95: {  	[tilespmem:s29+$0xC640] =	vst v3;
	v3 =	vadd.f32 v7, v6;
	v6 =	vld [tilespmem:s29+$0xA00]  }
0x96: {  	v7 =	vld [tilespmem:s29+$0x6A00]  }
0x97: {  	[tilespmem:s29+$0xC650] =	vst v3;
	v3 =	vadd.f32 v8, v5;
	v5 =	vld [tilespmem:s29+$0xA10]  }
0x98: {  	v8 =	vld [tilespmem:s29+$0x6A10]  }
0x99: {  	[tilespmem:s29+$0xC660] =	vst v3;
	v3 =	vadd.f32 v9, v4;
	v4 =	vld [tilespmem:s29+$0xA20]  }
0x9a: {  	v9 =	vld [tilespmem:s29+$0x6A20]  }
0x9b: {  	[tilespmem:s29+$0xC670] =	vst v3;
	v3 =	vadd.f32 v7, v6;
	v6 =	vld [tilespmem:s29+$0xA30]  }
0x9c: {  	v7 =	vld [tilespmem:s29+$0x6A30]  }
0x9d: {  	[tilespmem:s29+$0xCA00] =	vst v3;
	v3 =	vadd.f32 v8, v5;
	v5 =	vld [tilespmem:s29+$0xA40]  }
0x9e: {  	v8 =	vld [tilespmem:s29+$0x6A40]  }
0x9f: {  	[tilespmem:s29+$0xCA10] =	vst v3;
	v3 =	vadd.f32 v9, v4;
	v4 =	vld [tilespmem:s29+$0xA50]  }
0xa0: {  	v9 =	vld [tilespmem:s29+$0x6A50]  }
0xa1: {  	[tilespmem:s29+$0xCA20] =	vst v3;
	v3 =	vadd.f32 v7, v6;
	v6 =	vld [tilespmem:s29+$0xA60]  }
0xa2: {  	v7 =	vld [tilespmem:s29+$0x6A60]  }
0xa3: {  	[tilespmem:s29+$0xCA30] =	vst v3;
	v3 =	vadd.f32 v8, v5;
	v5 =	vld [tilespmem:s29+$0xA70]  }
0xa4: {  	v8 =	vld [tilespmem:s29+$0x6A70]  }
0xa5: {  	[tilespmem:s29+$0xCA40] =	vst v3;
	v3 =	vadd.f32 v9, v4;
	v4 =	vld [tilespmem:s29+$0xE00]  }
0xa6: {  	v9 =	vld [tilespmem:s29+$0x6E00]  }
0xa7: {  	[tilespmem:s29+$0xCA50] =	vst v3;
	v3 =	vadd.f32 v7, v6;
	v6 =	vld [tilespmem:s29+$0xE10]  }
0xa8: {  	v7 =	vld [tilespmem:s29+$0x6E10]  }
0xa9: {  	[tilespmem:s29+$0xCA60] =	vst v3;
	v3 =	vadd.f32 v8, v5;
	v5 =	vld [tilespmem:s29+$0xE20]  }
0xaa: {  	v8 =	vld [tilespmem:s29+$0x6E20]  }
0xab: {  	[tilespmem:s29+$0xCA70] =	vst v3;
	v3 =	vadd.f32 v9, v4;
	v4 =	vld [tilespmem:s29+$0xE30]  }
0xac: {  	v9 =	vld [tilespmem:s29+$0x6E30]  }
0xad: {  	[tilespmem:s29+$0xCE00] =	vst v3;
	v3 =	vadd.f32 v7, v6;
	v6 =	vld [tilespmem:s29+$0xE40]  }
0xae: {  	v7 =	vld [tilespmem:s29+$0x6E40]  }
0xaf: {  	[tilespmem:s29+$0xCE10] =	vst v3;
	v3 =	vadd.f32 v8, v5;
	v5 =	vld [tilespmem:s29+$0xE50]  }
0xb0: {  	v8 =	vld [tilespmem:s29+$0x6E50]  }
0xb1: {  	[tilespmem:s29+$0xCE20] =	vst v3;
	v3 =	vadd.f32 v9, v4;
	v4 =	vld [tilespmem:s29+$0xE60]  }
0xb2: {  	v9 =	vld [tilespmem:s29+$0x6E60]  }
0xb3: {  	[tilespmem:s29+$0xCE30] =	vst v3;
	v3 =	vadd.f32 v7, v6;
	v6 =	vld [tilespmem:s29+$0xE70]  }
0xb4: {  	v7 =	vld [tilespmem:s29+$0x6E70]  }
0xb5: {  	[tilespmem:s29+$0xCE40] =	vst v3;
	v3 =	vadd.f32 v8, v5;
	v5 =	vld [tilespmem:s29+$0x1200]  }
0xb6: {  	v8 =	vld [tilespmem:s29+$0x7200]  }
0xb7: {  	[tilespmem:s29+$0xCE50] =	vst v3;
	v3 =	vadd.f32 v9, v4;
	v4 =	vld [tilespmem:s29+$0x1210]  }
0xb8: {  	v9 =	vld [tilespmem:s29+$0x7210]  }
0xb9: {  	[tilespmem:s29+$0xCE60] =	vst v3;
	v3 =	vadd.f32 v7, v6;
	v6 =	vld [tilespmem:s29+$0x1220]  }
0xba: {  	v7 =	vld [tilespmem:s29+$0x7220]  }
0xbb: {  	[tilespmem:s29+$0xCE70] =	vst v3;
	v3 =	vadd.f32 v8, v5;
	v5 =	vld [tilespmem:s29+$0x1230]  }
0xbc: {  	v8 =	vld [tilespmem:s29+$0x7230]  }
0xbd: {  	[tilespmem:s29+$0xD200] =	vst v3;
	v3 =	vadd.f32 v9, v4;
	v4 =	vld [tilespmem:s29+$0x1240]  }
0xbe: {  	v9 =	vld [tilespmem:s29+$0x7240]  }
0xbf: {  	[tilespmem:s29+$0xD210] =	vst v3;
	v3 =	vadd.f32 v7, v6;
	v6 =	vld [tilespmem:s29+$0x1250]  }
0xc0: {  	v7 =	vld [tilespmem:s29+$0x7250]  }
0xc1: {  	[tilespmem:s29+$0xD220] =	vst v3;
	v3 =	vadd.f32 v8, v5;
	v5 =	vld [tilespmem:s29+$0x1260]  }
0xc2: {  	v8 =	vld [tilespmem:s29+$0x7260]  }
0xc3: {  	[tilespmem:s29+$0xD230] =	vst v3;
	v3 =	vadd.f32 v9, v4;
	v4 =	vld [tilespmem:s29+$0x1270]  }
0xc4: {  	v9 =	vld [tilespmem:s29+$0x7270]  }
0xc5: {  	[tilespmem:s29+$0xD240] =	vst v3;
	v3 =	vadd.f32 v7, v6;
	v6 =	vld [tilespmem:s29+$0x1600]  }
0xc6: {  	v7 =	vld [tilespmem:s29+$0x7600]  }
0xc7: {  	v10 =	vld [tilespmem:s29+$0x7610];
	[tilespmem:s29+$0xD250] =	vst v3;
	v3 =	vadd.f32 v8, v5  }
0xc8: {  	v8 =	vld [tilespmem:s29+$0x1610]  }
0xc9: {  	[tilespmem:s29+$0xD260] =	vst v3;
	v3 =	vadd.f32 v9, v4;
	v9 =	vld [tilespmem:s29+$0x1620]  }
0xca: {  	v5 =	vld [tilespmem:s29+$0x1630]  }
0xcb: {  	[tilespmem:s29+$0xD270] =	vst v3;
	v3 =	vadd.f32 v7, v6;
	v7 =	vld [tilespmem:s29+$0x7630]  }
0xcc: {  	v6 =	vld [tilespmem:s29+$0x7640]  }
0xcd: {  	v4 =	vadd.f32 v10, v8;
	[tilespmem:s29+$0xD600] =	vst v3;
	v3 =	vld [tilespmem:s29+$0x1640]  }
0xce: {  	s0 =	simm.s32 $0x0;
	v8 =	vld [tilespmem:s29+$0x7650];
	v9 =	vadd.f32 v11, v9  }
0xcf: {  	s30 =	simm.s32 $0x80;
	s31 =	smul.u32 $0x1800, s0;
	s5 =	simm.s32 $0x2;
	[tilespmem:s29+$0xD610] =	vst v4;
	v4 =	vld [tilespmem:s29+$0x1650]  }
.LBB2_2:
0xd0: {  	p0 =	sne.s32 s5, $0x1F;
	s0 =	sand.u32 $0x380, s30;
	[tilespmem:s29+$0xD620] =	vst v9;
	v5 =	vadd.f32 v7, v5;
	v7 =	vld [tilespmem:s29+$0x1660]  }
0xd1: {  	s0 =	sor.u32 s0, s31;
	v9 =	vld [tilespmem:s29+$0x7660]  }
0xd2: {  	v10 =	vld [tilespmem:s0+$0x1670];
	[tilespmem:s29+$0xD630] =	vst v5;
	v3 =	vadd.f32 v6, v3  }
0xd3: {  	v5 =	vld [tilespmem:s0+$0x7670]  }
0xd4: {  	v6 =	vld [tilespmem:s0+$0x200];
	[tilespmem:s29+$0xD640] =	vst v3;
	v3 =	vadd.f32 v8, v4  }
0xd5: {  	v4 =	vld [tilespmem:s0+$0x6200]  }
0xd6: {  	v8 =	vld [tilespmem:s0+$0x210];
	[tilespmem:s29+$0xD650] =	vst v3;
	v3 =	vadd.f32 v9, v7  }
0xd7: {  	v7 =	vld [tilespmem:s0+$0x6210]  }
0xd8: {  	v9 =	vld [tilespmem:s0+$0x220];
	v5 =	vadd.f32 v5, v10;
	[tilespmem:s29+$0xD660] =	vst v3;
	s29 =	smov.u32 s0  }
0xd9: {  	v3 =	vld [tilespmem:s29+$0x6220]  }
0xda: {  	v4 =	vadd.f32 v4, v6;
	v6 =	vld [tilespmem:s29+$0x230];
	[tilespmem:s29+$0xD670] =	vst v5  }
0xdb: {  	v5 =	vld [tilespmem:s29+$0x6230]  }
0xdc: {  	[tilespmem:s29+$0xC200] =	vst v4;
	v4 =	vadd.f32 v7, v8;
	v7 =	vld [tilespmem:s29+$0x240]  }
0xdd: {  	v8 =	vld [tilespmem:s29+$0x6240]  }
0xde: {  	[tilespmem:s29+$0xC210] =	vst v4;
	v3 =	vadd.f32 v3, v9;
	v4 =	vld [tilespmem:s29+$0x250]  }
0xdf: {  	v9 =	vld [tilespmem:s29+$0x6250]  }
0xe0: {  	[tilespmem:s29+$0xC220] =	vst v3;
	v3 =	vadd.f32 v5, v6;
	v5 =	vld [tilespmem:s29+$0x260]  }
0xe1: {  	v6 =	vld [tilespmem:s29+$0x6260]  }
0xe2: {  	[tilespmem:s29+$0xC230] =	vst v3;
	v3 =	vadd.f32 v8, v7;
	v7 =	vld [tilespmem:s29+$0x270]  }
0xe3: {  	v8 =	vld [tilespmem:s29+$0x6270]  }
0xe4: {  	[tilespmem:s29+$0xC240] =	vst v3;
	v3 =	vadd.f32 v9, v4;
	v4 =	vld [tilespmem:s29+$0x600]  }
0xe5: {  	v9 =	vld [tilespmem:s29+$0x6600]  }
0xe6: {  	[tilespmem:s29+$0xC250] =	vst v3;
	v3 =	vadd.f32 v6, v5;
	v5 =	vld [tilespmem:s29+$0x610]  }
0xe7: {  	v6 =	vld [tilespmem:s29+$0x6610]  }
0xe8: {  	[tilespmem:s29+$0xC260] =	vst v3;
	v3 =	vadd.f32 v8, v7;
	v7 =	vld [tilespmem:s29+$0x620]  }
0xe9: {  	v8 =	vld [tilespmem:s29+$0x6620]  }
0xea: {  	[tilespmem:s29+$0xC270] =	vst v3;
	v3 =	vadd.f32 v9, v4;
	v4 =	vld [tilespmem:s29+$0x630]  }
0xeb: {  	v9 =	vld [tilespmem:s29+$0x6630]  }
0xec: {  	[tilespmem:s29+$0xC600] =	vst v3;
	v3 =	vadd.f32 v6, v5;
	v5 =	vld [tilespmem:s29+$0x640]  }
0xed: {  	v6 =	vld [tilespmem:s29+$0x6640]  }
0xee: {  	[tilespmem:s29+$0xC610] =	vst v3;
	v3 =	vadd.f32 v8, v7;
	v7 =	vld [tilespmem:s29+$0x650]  }
0xef: {  	v8 =	vld [tilespmem:s29+$0x6650]  }
0xf0: {  	[tilespmem:s29+$0xC620] =	vst v3;
	v3 =	vadd.f32 v9, v4;
	v4 =	vld [tilespmem:s29+$0x660]  }
0xf1: {  	v9 =	vld [tilespmem:s29+$0x6660]  }
0xf2: {  	[tilespmem:s29+$0xC630] =	vst v3;
	v3 =	vadd.f32 v6, v5;
	v5 =	vld [tilespmem:s29+$0x670]  }
0xf3: {  	v6 =	vld [tilespmem:s29+$0x6670]  }
0xf4: {  	[tilespmem:s29+$0xC640] =	vst v3;
	v3 =	vadd.f32 v8, v7;
	v7 =	vld [tilespmem:s29+$0xA00]  }
0xf5: {  	v8 =	vld [tilespmem:s29+$0x6A00]  }
0xf6: {  	[tilespmem:s29+$0xC650] =	vst v3;
	v3 =	vadd.f32 v9, v4;
	v4 =	vld [tilespmem:s29+$0xA10]  }
0xf7: {  	v9 =	vld [tilespmem:s29+$0x6A10]  }
0xf8: {  	[tilespmem:s29+$0xC660] =	vst v3;
	v3 =	vadd.f32 v6, v5;
	v5 =	vld [tilespmem:s29+$0xA20]  }
0xf9: {  	v6 =	vld [tilespmem:s29+$0x6A20]  }
0xfa: {  	[tilespmem:s29+$0xC670] =	vst v3;
	v3 =	vadd.f32 v8, v7;
	v7 =	vld [tilespmem:s29+$0xA30]  }
0xfb: {  	v8 =	vld [tilespmem:s29+$0x6A30]  }
0xfc: {  	[tilespmem:s29+$0xCA00] =	vst v3;
	v3 =	vadd.f32 v9, v4;
	v4 =	vld [tilespmem:s29+$0xA40]  }
0xfd: {  	v9 =	vld [tilespmem:s29+$0x6A40]  }
0xfe: {  	[tilespmem:s29+$0xCA10] =	vst v3;
	v3 =	vadd.f32 v6, v5;
	v5 =	vld [tilespmem:s29+$0xA50]  }
0xff: {  	v6 =	vld [tilespmem:s29+$0x6A50]  }
0x100: {  	[tilespmem:s29+$0xCA20] =	vst v3;
	v3 =	vadd.f32 v8, v7;
	v7 =	vld [tilespmem:s29+$0xA60]  }
0x101: {  	v8 =	vld [tilespmem:s29+$0x6A60]  }
0x102: {  	[tilespmem:s29+$0xCA30] =	vst v3;
	v3 =	vadd.f32 v9, v4;
	v4 =	vld [tilespmem:s29+$0xA70]  }
0x103: {  	v9 =	vld [tilespmem:s29+$0x6A70]  }
0x104: {  	[tilespmem:s29+$0xCA40] =	vst v3;
	v3 =	vadd.f32 v6, v5;
	v5 =	vld [tilespmem:s29+$0xE00]  }
0x105: {  	v6 =	vld [tilespmem:s29+$0x6E00]  }
0x106: {  	[tilespmem:s29+$0xCA50] =	vst v3;
	v3 =	vadd.f32 v8, v7;
	v7 =	vld [tilespmem:s29+$0xE10]  }
0x107: {  	v8 =	vld [tilespmem:s29+$0x6E10]  }
0x108: {  	[tilespmem:s29+$0xCA60] =	vst v3;
	v3 =	vadd.f32 v9, v4;
	v4 =	vld [tilespmem:s29+$0xE20]  }
0x109: {  	v9 =	vld [tilespmem:s29+$0x6E20]  }
0x10a: {  	[tilespmem:s29+$0xCA70] =	vst v3;
	v3 =	vadd.f32 v6, v5;
	v5 =	vld [tilespmem:s29+$0xE30]  }
0x10b: {  	v6 =	vld [tilespmem:s29+$0x6E30]  }
0x10c: {  	[tilespmem:s29+$0xCE00] =	vst v3;
	v3 =	vadd.f32 v8, v7;
	v7 =	vld [tilespmem:s29+$0xE40]  }
0x10d: {  	v8 =	vld [tilespmem:s29+$0x6E40]  }
0x10e: {  	[tilespmem:s29+$0xCE10] =	vst v3;
	v3 =	vadd.f32 v9, v4;
	v4 =	vld [tilespmem:s29+$0xE50]  }
0x10f: {  	v9 =	vld [tilespmem:s29+$0x6E50]  }
0x110: {  	[tilespmem:s29+$0xCE20] =	vst v3;
	v3 =	vadd.f32 v6, v5;
	v5 =	vld [tilespmem:s29+$0xE60]  }
0x111: {  	v6 =	vld [tilespmem:s29+$0x6E60]  }
0x112: {  	[tilespmem:s29+$0xCE30] =	vst v3;
	v3 =	vadd.f32 v8, v7;
	v7 =	vld [tilespmem:s29+$0xE70]  }
0x113: {  	v8 =	vld [tilespmem:s29+$0x6E70]  }
0x114: {  	[tilespmem:s29+$0xCE40] =	vst v3;
	v3 =	vadd.f32 v9, v4;
	v4 =	vld [tilespmem:s29+$0x1200]  }
0x115: {  	v9 =	vld [tilespmem:s29+$0x7200]  }
0x116: {  	[tilespmem:s29+$0xCE50] =	vst v3;
	v3 =	vadd.f32 v6, v5;
	v5 =	vld [tilespmem:s29+$0x1210]  }
0x117: {  	v6 =	vld [tilespmem:s29+$0x7210]  }
0x118: {  	[tilespmem:s29+$0xCE60] =	vst v3;
	v3 =	vadd.f32 v8, v7;
	v7 =	vld [tilespmem:s29+$0x1220]  }
0x119: {  	v8 =	vld [tilespmem:s29+$0x7220]  }
0x11a: {  	[tilespmem:s29+$0xCE70] =	vst v3;
	v3 =	vadd.f32 v9, v4;
	v4 =	vld [tilespmem:s29+$0x1230]  }
0x11b: {  	v9 =	vld [tilespmem:s29+$0x7230]  }
0x11c: {  	[tilespmem:s29+$0xD200] =	vst v3;
	v3 =	vadd.f32 v6, v5;
	v5 =	vld [tilespmem:s29+$0x1240]  }
0x11d: {  	v6 =	vld [tilespmem:s29+$0x7240]  }
0x11e: {  	[tilespmem:s29+$0xD210] =	vst v3;
	v3 =	vadd.f32 v8, v7;
	v7 =	vld [tilespmem:s29+$0x1250]  }
0x11f: {  	v8 =	vld [tilespmem:s29+$0x7250]  }
0x120: {  	[tilespmem:s29+$0xD220] =	vst v3;
	v3 =	vadd.f32 v9, v4;
	v4 =	vld [tilespmem:s29+$0x1260]  }
0x121: {  	v9 =	vld [tilespmem:s29+$0x7260]  }
0x122: {  	[tilespmem:s29+$0xD230] =	vst v3;
	v3 =	vadd.f32 v6, v5;
	v5 =	vld [tilespmem:s29+$0x1270]  }
0x123: {  	v6 =	vld [tilespmem:s29+$0x7270]  }
0x124: {  	[tilespmem:s29+$0xD240] =	vst v3;
	v3 =	vadd.f32 v8, v7;
	v7 =	vld [tilespmem:s29+$0x1600]  }
0x125: {  	v8 =	vld [tilespmem:s29+$0x7600]  }
0x126: {  	[tilespmem:s29+$0xD250] =	vst v3;
	v3 =	vadd.f32 v9, v4;
	v4 =	vld [tilespmem:s29+$0x1610]  }
0x127: {  	v9 =	vld [tilespmem:s29+$0x7610]  }
0x128: {  	[tilespmem:s29+$0xD260] =	vst v3;
	v3 =	vadd.f32 v6, v5;
	v10 =	vld [tilespmem:s29+$0x1620]  }
0x129: {  	v11 =	vld [tilespmem:s29+$0x7620]  }
0x12a: {  	[tilespmem:s29+$0xD270] =	vst v3;
	v3 =	vadd.f32 v8, v7;
	v5 =	vld [tilespmem:s29+$0x1630]  }
.Ltmp0:
0x12b: {  	v7 =	vld [tilespmem:s29+$0x7630];
	(pc) =	sbr.rel @p0 .LBB2_2-.Ltmp0, $4  }
0x12c: {  	[tilespmem:s29+$0xD600] =	vst v3;
	v4 =	vadd.f32 v9, v4;
	v3 =	vld [tilespmem:s29+$0x1640]  }
0x12d: {  	v6 =	vld [tilespmem:s29+$0x7640]  }
0x12e: {  	s0 =	sshrl.u32 s5, $0x3;
	[tilespmem:s29+$0xD610] =	vst v4;
	v9 =	vadd.f32 v11, v10;
	v4 =	vld [tilespmem:s29+$0x1650]  }
0x12f: {  	s30 =	sadd.s32 $0x80, s30;
	s5 =	sadd.s32 $0x1, s5;
	s31 =	smul.u32 $0x1800, s0;
	v8 =	vld [tilespmem:s29+$0x7650]  }
0x130: {  	[tilespmem:s29+$0xD620] =	vst v9;
	s0 =	sand.u32 $0x380, s30;
	v9 =	vld [tilespmem:s29+$0x1660];
	v5 =	vadd.f32 v7, v5  }
0x131: {  	v7 =	vld [tilespmem:s29+$0x7660];
	s5 =	sor.u32 s0, s31  }
0x132: {  	v10 =	vld [tilespmem:s5+$0x1670];
	[tilespmem:s29+$0xD630] =	vst v5;
	v3 =	vadd.f32 v6, v3  }
0x133: {  	v5 =	vld [tilespmem:s5+$0x7670]  }
0x134: {  	v6 =	vld [tilespmem:s5+$0x200];
	[tilespmem:s29+$0xD640] =	vst v3;
	v3 =	vadd.f32 v8, v4  }
0x135: {  	v4 =	vld [tilespmem:s5+$0x6200]  }
0x136: {  	v8 =	vld [tilespmem:s5+$0x210];
	[tilespmem:s29+$0xD650] =	vst v3;
	v3 =	vadd.f32 v7, v9  }
0x137: {  	v7 =	vld [tilespmem:s5+$0x6210]  }
0x138: {  	v9 =	vld [tilespmem:s5+$0x220];
	[tilespmem:s29+$0xD660] =	vst v3  }
0x139: {  	v3 =	vld [tilespmem:s5+$0x6220]  }
0x13a: {  	v11 =	vld [tilespmem:s5+$0x230]  }
0x13b: {  	v12 =	vld [tilespmem:s5+$0x6230]  }
0x13c: {  	v13 =	vld [tilespmem:s5+$0x240]  }
0x13d: {  	v14 =	vld [tilespmem:s5+$0x6240]  }
0x13e: {  	v15 =	vld [tilespmem:s5+$0x250]  }
0x13f: {  	v16 =	vld [tilespmem:s5+$0x6250]  }
0x140: {  	v17 =	vld [tilespmem:s5+$0x260]  }
0x141: {  	v18 =	vld [tilespmem:s5+$0x6260]  }
0x142: {  	v19 =	vld [tilespmem:s5+$0x270]  }
0x143: {  	v20 =	vld [tilespmem:s5+$0x6270]  }
0x144: {  	v21 =	vld [tilespmem:s5+$0x600]  }
0x145: {  	v22 =	vld [tilespmem:s5+$0x6600]  }
0x146: {  	v23 =	vld [tilespmem:s5+$0x610]  }
0x147: {  	v24 =	vld [tilespmem:s5+$0x6610]  }
0x148: {  	v25 =	vld [tilespmem:s5+$0x620]  }
0x149: {  	v26 =	vld [tilespmem:s5+$0x6620]  }
0x14a: {  	v27 =	vld [tilespmem:s5+$0x630]  }
0x14b: {  	v28 =	vld [tilespmem:s5+$0x6630]  }
0x14c: {  	v29 =	vld [tilespmem:s5+$0x640]  }
0x14d: {  	v30 =	vld [tilespmem:s5+$0x6640]  }
0x14e: {  	v31 =	vld [tilespmem:s5+$0x650]  }
0x14f: {  	v32 =	vld [tilespmem:s5+$0x6650]  }
0x150: {  	v33 =	vld [tilespmem:s5+$0x660]  }
0x151: {  	v34 =	vld [tilespmem:s5+$0x6660]  }
0x152: {  	v35 =	vld [tilespmem:s5+$0x670]  }
0x153: {  	v36 =	vld [tilespmem:s5+$0x6670]  }
0x154: {  	v37 =	vld [tilespmem:s5+$0xA00]  }
0x155: {  	v38 =	vld [tilespmem:s5+$0x6A00]  }
0x156: {  	v39 =	vld [tilespmem:s5+$0xA10]  }
0x157: {  	v40 =	vld [tilespmem:s5+$0x6A10]  }
0x158: {  	v41 =	vld [tilespmem:s5+$0xA20]  }
0x159: {  	v42 =	vld [tilespmem:s5+$0x6A20]  }
0x15a: {  	v43 =	vld [tilespmem:s5+$0xA30]  }
0x15b: {  	v44 =	vld [tilespmem:s5+$0x6A30]  }
0x15c: {  	v45 =	vld [tilespmem:s5+$0xA40]  }
0x15d: {  	v46 =	vld [tilespmem:s5+$0x6A40]  }
0x15e: {  	v47 =	vld [tilespmem:s5+$0xA50]  }
0x15f: {  	v48 =	vld [tilespmem:s5+$0x6A50]  }
0x160: {  	v49 =	vld [tilespmem:s5+$0xA60]  }
0x161: {  	v50 =	vld [tilespmem:s5+$0x6A60]  }
0x162: {  	v51 =	vld [tilespmem:s5+$0xA70]  }
0x163: {  	v52 =	vld [tilespmem:s5+$0x6A70]  }
0x164: {  	v53 =	vld [tilespmem:s5+$0xE00];
	v4 =	vadd.f32 v4, v6  }
0x165: {  	v5 =	vadd.f32 v5, v10;
	v54 =	vld [tilespmem:s5+$0x6E00]  }
0x166: {  	[tilespmem:s5+$0xC200] =	vst v4;
	v4 =	vld [tilespmem:s5+$0xE30]  }
0x167: {  	[tilespmem:s5+$0xD670] =	vst v5;
	v5 =	vadd.f32 v7, v8;
	v8 =	vld [tilespmem:s5+$0x6E30]  }
0x168: {  	v55 =	vld [tilespmem:s5+$0xE10];
	v3 =	vadd.f32 v3, v9  }
0x169: {  	v10 =	vld [tilespmem:s5+$0x6E10];
	[tilespmem:s5+$0xC210] =	vst v5;
	v5 =	vadd.f32 v12, v11  }
0x16a: {  	v58 =	vld [tilespmem:s5+$0xE60];
	[tilespmem:s5+$0xC220] =	vst v3;
	v3 =	vadd.f32 v14, v13  }
0x16b: {  	v12 =	vld [tilespmem:s5+$0xE50];
	[tilespmem:s5+$0xC230] =	vst v5;
	v5 =	vadd.f32 v16, v15  }
0x16c: {  	v13 =	vld [tilespmem:s5+$0x6E50];
	v4 =	vadd.f32 v8, v4;
	[tilespmem:s5+$0xC240] =	vst v3  }
0x16d: {  	v59 =	vld [tilespmem:s5+$0x6E60];
	v3 =	vadd.f32 v18, v17;
	[tilespmem:s5+$0xC250] =	vst v5  }
0x16e: {  	v60 =	vld [tilespmem:s5+$0xE70];
	v5 =	vadd.f32 v20, v19;
	[tilespmem:s5+$0xCE30] =	vst v4  }
0x16f: {  	v61 =	vld [tilespmem:s5+$0x6E70];
	[tilespmem:s5+$0xC260] =	vst v3;
	v3 =	vadd.f32 v22, v21  }
0x170: {  	v62 =	vld [tilespmem:s5+$0x1200];
	[tilespmem:s5+$0xC270] =	vst v5;
	v5 =	vadd.f32 v24, v23  }
0x171: {  	v63 =	vld [tilespmem:s5+$0x7200];
	v4 =	vadd.f32 v13, v12;
	[tilespmem:s5+$0xC600] =	vst v3  }
0x172: {  	v56 =	vld [tilespmem:s5+$0x7250];
	v3 =	vadd.f32 v26, v25;
	[tilespmem:s5+$0xC610] =	vst v5  }
0x173: {  	v57 =	vld [tilespmem:s5+$0x1260];
	v5 =	vadd.f32 v28, v27;
	[tilespmem:s5+$0xCE50] =	vst v4  }
0x174: {  	v6 =	vld [tilespmem:s5+$0xE20];
	[tilespmem:s5+$0xC620] =	vst v3;
	v3 =	vadd.f32 v30, v29  }
0x175: {  	v7 =	vld [tilespmem:s5+$0x6E20];
	v4 =	vadd.f32 v61, v60;
	[tilespmem:s5+$0xC630] =	vst v5  }
0x176: {  	v9 =	vld [tilespmem:s5+$0xE40];
	[tilespmem:s5+$0xC640] =	vst v3;
	v3 =	vadd.f32 v34, v33  }
0x177: {  	v11 =	vld [tilespmem:s5+$0x6E40];
	v5 =	vadd.f32 v32, v31;
	[tilespmem:s5+$0xCE70] =	vst v4  }
0x178: {  	v8 =	vld [tilespmem:s5+$0x7600];
	[tilespmem:s5+$0xC660] =	vst v3;
	v3 =	vadd.f32 v38, v37  }
0x179: {  	v60 =	vld [tilespmem:s5+$0x1630];
	[tilespmem:s5+$0xC650] =	vst v5;
	v5 =	vadd.f32 v36, v35  }
0x17a: {  	v61 =	vld [tilespmem:s5+$0x7630];
	[tilespmem:s5+$0xCA00] =	vst v3;
	v3 =	vadd.f32 v42, v41  }
0x17b: {  	v34 =	vld [tilespmem:s5+$0x1210];
	[tilespmem:s5+$0xC670] =	vst v5;
	v5 =	vadd.f32 v40, v39  }
0x17c: {  	v36 =	vld [tilespmem:s5+$0x7210];
	[tilespmem:s5+$0xCA20] =	vst v3;
	v3 =	vadd.f32 v46, v45  }
0x17d: {  	v38 =	vld [tilespmem:s5+$0x1220];
	[tilespmem:s5+$0xCA10] =	vst v5;
	v5 =	vadd.f32 v44, v43  }
0x17e: {  	v40 =	vld [tilespmem:s5+$0x7220];
	[tilespmem:s5+$0xCA40] =	vst v3;
	v3 =	vadd.f32 v50, v49  }
0x17f: {  	v42 =	vld [tilespmem:s5+$0x1230];
	[tilespmem:s5+$0xCA30] =	vst v5;
	v5 =	vadd.f32 v48, v47  }
0x180: {  	v44 =	vld [tilespmem:s5+$0x7230];
	[tilespmem:s5+$0xCA60] =	vst v3;
	v3 =	vadd.f32 v54, v53  }
0x181: {  	v46 =	vld [tilespmem:s5+$0x1240];
	[tilespmem:s5+$0xCA50] =	vst v5;
	v5 =	vadd.f32 v52, v51  }
0x182: {  	v48 =	vld [tilespmem:s5+$0x7240];
	[tilespmem:s5+$0xCE00] =	vst v3;
	v3 =	vadd.f32 v7, v6  }
0x183: {  	v50 =	vld [tilespmem:s5+$0x1250];
	[tilespmem:s5+$0xCA70] =	vst v5;
	v5 =	vadd.f32 v10, v55  }
0x184: {  	v10 =	vld [tilespmem:s5+$0x7260];
	[tilespmem:s5+$0xCE20] =	vst v3;
	v3 =	vadd.f32 v11, v9  }
0x185: {  	v4 =	vadd.f32 v36, v34;
	v6 =	vld [tilespmem:s5+$0x1270];
	[tilespmem:s5+$0xCE10] =	vst v5  }
0x186: {  	v5 =	vld [tilespmem:s5+$0x7270];
	[tilespmem:s5+$0xCE40] =	vst v3;
	v3 =	vadd.f32 v59, v58  }
0x187: {  	[tilespmem:s5+$0xD210] =	vst v4;
	v4 =	vadd.f32 v44, v42;
	v7 =	vld [tilespmem:s5+$0x1600]  }
0x188: {  	v9 =	vld [tilespmem:s5+$0x1610];
	[tilespmem:s5+$0xCE60] =	vst v3;
	v3 =	vadd.f32 v63, v62  }
0x189: {  	[tilespmem:s5+$0xD230] =	vst v4;
	v4 =	vadd.f32 v56, v50;
	v11 =	vld [tilespmem:s5+$0x7610]  }
0x18a: {  	v58 =	vld [tilespmem:s5+$0x1620];
	[tilespmem:s5+$0xD200] =	vst v3;
	v3 =	vadd.f32 v40, v38  }
0x18b: {  	[tilespmem:s5+$0xD250] =	vst v4;
	v59 =	vld [tilespmem:s5+$0x7620]  }
0x18c: {  	v4 =	vadd.f32 v5, v6;
	v5 =	vld [tilespmem:s5+$0x7650];
	[tilespmem:s5+$0xD220] =	vst v3;
	v3 =	vadd.f32 v48, v46  }
0x18d: {  	v6 =	vld [tilespmem:s5+$0x1660]  }
0x18e: {  	v62 =	vld [tilespmem:s5+$0x1640];
	[tilespmem:s5+$0xD240] =	vst v3;
	v3 =	vadd.f32 v10, v57  }
0x18f: {  	v63 =	vld [tilespmem:s5+$0x7640]  }
0x190: {  	v10 =	vld [tilespmem:s5+$0x1650];
	[tilespmem:s5+$0xD260] =	vst v3;
	v3 =	vadd.f32 v8, v7  }
0x191: {  	[tilespmem:s5+$0xD270] =	vst v4;
	v4 =	vadd.f32 v11, v9;
	v7 =	vld [tilespmem:s5+$0x7660]  }
0x192: {  	[tilespmem:s5+$0xD600] =	vst v3;
	v3 =	vadd.f32 v59, v58  }
0x193: {  	[tilespmem:s5+$0xD610] =	vst v4;
	v4 =	vadd.f32 v61, v60  }
0x194: {  	[tilespmem:s5+$0xD620] =	vst v3;
	v3 =	vadd.f32 v63, v62  }
0x195: {  	[tilespmem:s5+$0xD630] =	vst v4;
	v4 =	vadd.f32 v5, v10  }
0x196: {  	[tilespmem:s5+$0xD640] =	vst v3;
	v3 =	vadd.f32 v7, v6  }
0x197: {  	[tilespmem:s5+$0xD650] =	vst v4  }
0x198: {  	[tilespmem:s5+$0xD660] =	vst v3;
	s5 =	simm.s32 $0x0  }
0x199: {  	[hbm4b:s8+s5] =	stream.linear.scatter [tilespmem:s25], [sflag:$0x5], $0x6000, $0x38;
	[tilespmem:$0x12200] =	vst v63  }
0x19a: {  	_ =	swait.ge [sflag:s26], $0x6000  }
0x19b: {  	[sflag:s26] =	ssyncset.done $0x0  }
0x19c: {  	s0 =	simm.s32 $0x100;
	[sflag:s26] =	ssyncadd.s32 $0xFFFFA000  }
0x19d: {  	[tilespmem:s0], [sflag:$0x1] =	stream.linear.gather [hbm4b:s9+s5], $0x20, $0x38;
	[tilespmem:$0x12200] =	vst v63  }
0x19e: {  	s0 =	simm.s32 $0x180  }
0x19f: {  	[tilespmem:s0], [sflag:$0x2] =	stream.linear.gather [hbm4b:s10+s5], $0x20, $0x38;
	[tilespmem:$0x12200] =	vst v63  }
0x1a0: {  	_ =	swait.ge [sflag:s15], $0x20  }
0x1a1: {  	[sflag:s15] =	ssyncset.done $0x0  }
0x1a2: {  	[sflag:s15] =	ssyncadd.s32 $0xFFFFFFE0  }
0x1a3: {  	_ =	swait.ge [sflag:s16], $0x20  }
0x1a4: {  	[sflag:s16] =	ssyncset.done $0x0  }
0x1a5: {  	[sflag:s16] =	ssyncadd.s32 $0xFFFFFFE0  }
0x1a6: {  	v3 =	vld [tilespmem:$0x100];
	_ =	sdelay $0x4  }
0x1a7: {  	vm1 =	vlt.s32 v3, $0x13FF  }
0x1a8: {  	v3 =	vnsel vm1, $0x13FF, v3  }
0x1a9: {  	v4 =	vshrl.u32 v3, $0x3  }
0x1aa: {  	v5 =	vld [tilespmem:$0x110];
	v4 =	vmul.u32 $0x30, v4  }
0x1ab: {  	v6 =	vld [tilespmem:$0x180];
	v7 =	vand.u32 $0x7, v3  }
0x1ac: {  	v8 =	vld [tilespmem:$0x190];
	v4 =	vor.u32 v7, v4  }
0x1ad: {  	v7 =	vperm.xlane v4, v0;
	_ =	sdelay $0x1  }
0x1ae: {  	vm1 =	vlt.s32 v5, $0x13FF;
	v7 =	vadd.s32 v1, v7  }
0x1af: {  	[tilespmem:$0x0] =	vst v3;
	v3 =	vnsel vm1, $0x13FF, v5;
	vm1 =	vlt.s32 v6, $0x13FF  }
0x1b0: {  	[tilespmem:$0x10] =	vst v3;
	v3 =	vnsel vm1, $0x13FF, v6;
	vm1 =	vlt.s32 v8, $0x13FF  }
0x1b1: {  	[tilespmem:$0x80] =	vst v3;
	v3 =	vnsel vm1, $0x13FF, v8  }
0x1b2: {  	s0 =	simm.s32 $0x200;
	[tilespmem:$0x90] =	vst v3;
	v3 =	vperm.xlane v4, v2  }
0x1b3: {  	[tilespmem:s0], [sflag:$0x3] =	stream.indirect_vreg.gather [hbm4b:s3+s5], $0x80, v7, vm0, $0xb8;
	[tilespmem:$0x12200] =	vst v63  }
0x1b4: {  	v3 =	vadd.s32 v1, v3;
	s0 =	simm.s32 $0xA00  }
0x1b5: {  	[tilespmem:s0], [sflag:$0x3] =	stream.indirect_vreg.gather [hbm4b:s6+s5], $0x80, v7, vm0, $0xb8;
	[tilespmem:$0x12200] =	vst v63  }
0x1b6: {  	s0 =	simm.s32 $0x1200  }
0x1b7: {  	[tilespmem:s0], [sflag:$0x3] =	stream.indirect_vreg.gather [hbm4b:s7+s5], $0x80, v7, vm0, $0xb8;
	[tilespmem:$0x12200] =	vst v63  }
0x1b8: {  	s0 =	simm.s32 $0x1A00  }
0x1b9: {  	[tilespmem:s0], [sflag:$0x3] =	stream.indirect_vreg.gather [hbm4b:s3+s5], $0x80, v3, vm0, $0xb8;
	[tilespmem:$0x12200] =	vst v63  }
0x1ba: {  	s0 =	simm.s32 $0x2200  }
0x1bb: {  	[tilespmem:s0], [sflag:$0x3] =	stream.indirect_vreg.gather [hbm4b:s6+s5], $0x80, v3, vm0, $0xb8;
	[tilespmem:$0x12200] =	vst v63  }
0x1bc: {  	s0 =	simm.s32 $0x2A00  }
0x1bd: {  	[tilespmem:s0], [sflag:$0x3] =	stream.indirect_vreg.gather [hbm4b:s7+s5], $0x80, v3, vm0, $0xb8;
	[tilespmem:$0x12200] =	vst v63  }
0x1be: {  	v3 =	vld [tilespmem:$0x10];
	_ =	sdelay $0x4  }
0x1bf: {  	v4 =	vshrl.u32 v3, $0x3  }
0x1c0: {  	v4 =	vmul.u32 $0x30, v4  }
0x1c1: {  	v3 =	vand.u32 $0x7, v3  }
0x1c2: {  	v3 =	vor.u32 v3, v4  }
0x1c3: {  	v4 =	vperm.xlane v3, v0;
	_ =	sdelay $0x1  }
0x1c4: {  	v4 =	vadd.s32 v1, v4;
	_ =	sdelay $0x3  }
0x1c5: {  	s0 =	simm.s32 $0x3200;
	v3 =	vperm.xlane v3, v2  }
0x1c6: {  	[tilespmem:s0], [sflag:$0x3] =	stream.indirect_vreg.gather [hbm4b:s3+s5], $0x80, v4, vm0, $0xb8;
	[tilespmem:$0x12200] =	vst v63  }
0x1c7: {  	v3 =	vadd.s32 v1, v3;
	s0 =	simm.s32 $0x3A00  }
0x1c8: {  	[tilespmem:s0], [sflag:$0x3] =	stream.indirect_vreg.gather [hbm4b:s6+s5], $0x80, v4, vm0, $0xb8;
	[tilespmem:$0x12200] =	vst v63  }
0x1c9: {  	s0 =	simm.s32 $0x4200  }
0x1ca: {  	[tilespmem:s0], [sflag:$0x3] =	stream.indirect_vreg.gather [hbm4b:s7+s5], $0x80, v4, vm0, $0xb8;
	[tilespmem:$0x12200] =	vst v63  }
0x1cb: {  	s0 =	simm.s32 $0x4A00  }
0x1cc: {  	[tilespmem:s0], [sflag:$0x3] =	stream.indirect_vreg.gather [hbm4b:s3+s5], $0x80, v3, vm0, $0xb8;
	[tilespmem:$0x12200] =	vst v63  }
0x1cd: {  	s0 =	simm.s32 $0x5200  }
0x1ce: {  	[tilespmem:s0], [sflag:$0x3] =	stream.indirect_vreg.gather [hbm4b:s6+s5], $0x80, v3, vm0, $0xb8;
	[tilespmem:$0x12200] =	vst v63  }
0x1cf: {  	s0 =	simm.s32 $0x5A00  }
0x1d0: {  	[tilespmem:s0], [sflag:$0x3] =	stream.indirect_vreg.gather [hbm4b:s7+s5], $0x80, v3, vm0, $0xb8;
	[tilespmem:$0x12200] =	vst v63  }
0x1d1: {  	v3 =	vld [tilespmem:$0x80];
	_ =	sdelay $0x4  }
0x1d2: {  	v4 =	vshrl.u32 v3, $0x3  }
0x1d3: {  	v4 =	vmul.u32 $0x30, v4  }
0x1d4: {  	v3 =	vand.u32 $0x7, v3  }
0x1d5: {  	v3 =	vor.u32 v3, v4  }
0x1d6: {  	v4 =	vperm.xlane v3, v0;
	_ =	sdelay $0x1  }
0x1d7: {  	v4 =	vadd.s32 v1, v4;
	_ =	sdelay $0x3  }
0x1d8: {  	s0 =	simm.s32 $0x6200;
	v3 =	vperm.xlane v3, v2  }
0x1d9: {  	[tilespmem:s0], [sflag:$0x4] =	stream.indirect_vreg.gather [hbm4b:s3+s5], $0x80, v4, vm0, $0xb8;
	[tilespmem:$0x12200] =	vst v63  }
0x1da: {  	v3 =	vadd.s32 v1, v3;
	s0 =	simm.s32 $0x6A00  }
0x1db: {  	[tilespmem:s0], [sflag:$0x4] =	stream.indirect_vreg.gather [hbm4b:s6+s5], $0x80, v4, vm0, $0xb8;
	[tilespmem:$0x12200] =	vst v63  }
0x1dc: {  	s0 =	simm.s32 $0x7200  }
0x1dd: {  	[tilespmem:s0], [sflag:$0x4] =	stream.indirect_vreg.gather [hbm4b:s7+s5], $0x80, v4, vm0, $0xb8;
	[tilespmem:$0x12200] =	vst v63  }
0x1de: {  	_ = 	snop  }
0x1df: {  	[tilespmem:s2], [sflag:$0x4] =	stream.indirect_vreg.gather [hbm4b:s3+s5], $0x80, v3, vm0, $0xb8;
	[tilespmem:$0x12200] =	vst v63  }
0x1e0: {  	_ = 	snop  }
0x1e1: {  	[tilespmem:s13], [sflag:$0x4] =	stream.indirect_vreg.gather [hbm4b:s6+s5], $0x80, v3, vm0, $0xb8;
	[tilespmem:$0x12200] =	vst v63  }
0x1e2: {  	_ = 	snop  }
0x1e3: {  	[tilespmem:s14], [sflag:$0x4] =	stream.indirect_vreg.gather [hbm4b:s7+s5], $0x80, v3, vm0, $0xb8;
	[tilespmem:$0x12200] =	vst v63  }
0x1e4: {  	v3 =	vld [tilespmem:$0x90];
	_ =	sdelay $0x4  }
0x1e5: {  	v4 =	vshrl.u32 v3, $0x3  }
0x1e6: {  	v4 =	vmul.u32 $0x30, v4  }
0x1e7: {  	v3 =	vand.u32 $0x7, v3  }
0x1e8: {  	v3 =	vor.u32 v3, v4  }
0x1e9: {  	v4 =	vperm.xlane v3, v0;
	_ =	sdelay $0x1  }
0x1ea: {  	v4 =	vadd.s32 v1, v4;
	_ =	sdelay $0x3  }
0x1eb: {  	v3 =	vperm.xlane v3, v2  }
0x1ec: {  	[tilespmem:s17], [sflag:$0x4] =	stream.indirect_vreg.gather [hbm4b:s3+s5], $0x80, v4, vm0, $0xb8;
	[tilespmem:$0x12200] =	vst v63  }
0x1ed: {  	v3 =	vadd.s32 v1, v3  }
0x1ee: {  	[tilespmem:s18], [sflag:$0x4] =	stream.indirect_vreg.gather [hbm4b:s6+s5], $0x80, v4, vm0, $0xb8;
	[tilespmem:$0x12200] =	vst v63  }
0x1ef: {  	_ = 	snop  }
0x1f0: {  	[tilespmem:s19], [sflag:$0x4] =	stream.indirect_vreg.gather [hbm4b:s7+s5], $0x80, v4, vm0, $0xb8;
	[tilespmem:$0x12200] =	vst v63  }
0x1f1: {  	_ = 	snop  }
0x1f2: {  	[tilespmem:s20], [sflag:$0x4] =	stream.indirect_vreg.gather [hbm4b:s3+s5], $0x80, v3, vm0, $0xb8;
	[tilespmem:$0x12200] =	vst v63  }
0x1f3: {  	_ = 	snop  }
0x1f4: {  	[tilespmem:s21], [sflag:$0x4] =	stream.indirect_vreg.gather [hbm4b:s6+s5], $0x80, v3, vm0, $0xb8;
	[tilespmem:$0x12200] =	vst v63  }
0x1f5: {  	_ = 	snop  }
0x1f6: {  	[tilespmem:s22], [sflag:$0x4] =	stream.indirect_vreg.gather [hbm4b:s7+s5], $0x80, v3, vm0, $0xb8;
	[tilespmem:$0x12200] =	vst v63  }
0x1f7: {  	_ =	swait.ge [sflag:s23], $0x6000  }
0x1f8: {  	[sflag:s23] =	ssyncset.done $0x0  }
0x1f9: {  	s0 =	simm.s32 $0x0;
	[sflag:s23] =	ssyncadd.s32 $0xFFFFA000  }
0x1fa: {  	s0 =	smul.u32 $0x1800, s0;
	_ =	swait.ge [sflag:s24], $0x6000  }
0x1fb: {  	s5 =	sand.u32 $0x380, s5;
	[sflag:s24] =	ssyncset.done $0x0  }
0x1fc: {  	s29 =	sor.u32 s5, s0;
	[sflag:s24] =	ssyncadd.s32 $0xFFFFA000  }
0x1fd: {  	v3 =	vld [tilespmem:s29+$0x1670]  }
0x1fe: {  	v4 =	vld [tilespmem:s29+$0x7670]  }
0x1ff: {  	v5 =	vld [tilespmem:s29+$0x200]  }
0x200: {  	v6 =	vld [tilespmem:s29+$0x6200]  }
0x201: {  	v7 =	vld [tilespmem:s29+$0x210]  }
0x202: {  	v8 =	vld [tilespmem:s29+$0x6210]  }
0x203: {  	v9 =	vld [tilespmem:s29+$0x220]  }
0x204: {  	v10 =	vld [tilespmem:s29+$0x230]  }
0x205: {  	v11 =	vld [tilespmem:s29+$0x7620];
	v3 =	vadd.f32 v4, v3  }
0x206: {  	v4 =	vld [tilespmem:s29+$0x6220]  }
0x207: {  	v5 =	vadd.f32 v6, v5;
	[tilespmem:s29+$0xD670] =	vst v3;
	v3 =	vld [tilespmem:s29+$0x6230]  }
0x208: {  	v6 =	vld [tilespmem:s29+$0x240]  }
0x209: {  	[tilespmem:s29+$0xC200] =	vst v5;
	v5 =	vadd.f32 v8, v7;
	v7 =	vld [tilespmem:s29+$0x6240]  }
0x20a: {  	v8 =	vld [tilespmem:s29+$0x6250]  }
0x20b: {  	[tilespmem:s29+$0xC210] =	vst v5;
	v5 =	vld [tilespmem:s29+$0x250];
	v4 =	vadd.f32 v4, v9  }
0x20c: {  	v9 =	vld [tilespmem:s29+$0x6260];
	v3 =	vadd.f32 v3, v10  }
0x20d: {  	[tilespmem:s29+$0xC220] =	vst v4;
	v4 =	vld [tilespmem:s29+$0x260]  }
0x20e: {  	[tilespmem:s29+$0xC230] =	vst v3;
	v3 =	vadd.f32 v7, v6;
	v6 =	vld [tilespmem:s29+$0x270]  }
0x20f: {  	v7 =	vld [tilespmem:s29+$0x6270]  }
0x210: {  	[tilespmem:s29+$0xC240] =	vst v3;
	v3 =	vadd.f32 v8, v5;
	v5 =	vld [tilespmem:s29+$0x600]  }
0x211: {  	v8 =	vld [tilespmem:s29+$0x6600]  }
0x212: {  	[tilespmem:s29+$0xC250] =	vst v3;
	v3 =	vadd.f32 v9, v4;
	v4 =	vld [tilespmem:s29+$0x610]  }
0x213: {  	v9 =	vld [tilespmem:s29+$0x6610]  }
0x214: {  	[tilespmem:s29+$0xC260] =	vst v3;
	v3 =	vadd.f32 v7, v6;
	v6 =	vld [tilespmem:s29+$0x620]  }
0x215: {  	v7 =	vld [tilespmem:s29+$0x6620]  }
0x216: {  	[tilespmem:s29+$0xC270] =	vst v3;
	v3 =	vadd.f32 v8, v5;
	v5 =	vld [tilespmem:s29+$0x630]  }
0x217: {  	v8 =	vld [tilespmem:s29+$0x6630]  }
0x218: {  	[tilespmem:s29+$0xC600] =	vst v3;
	v3 =	vadd.f32 v9, v4;
	v4 =	vld [tilespmem:s29+$0x640]  }
0x219: {  	v9 =	vld [tilespmem:s29+$0x6640]  }
0x21a: {  	[tilespmem:s29+$0xC610] =	vst v3;
	v3 =	vadd.f32 v7, v6;
	v6 =	vld [tilespmem:s29+$0x650]  }
0x21b: {  	v7 =	vld [tilespmem:s29+$0x6650]  }
0x21c: {  	[tilespmem:s29+$0xC620] =	vst v3;
	v3 =	vadd.f32 v8, v5;
	v5 =	vld [tilespmem:s29+$0x660]  }
0x21d: {  	v8 =	vld [tilespmem:s29+$0x6660]  }
0x21e: {  	[tilespmem:s29+$0xC630] =	vst v3;
	v3 =	vadd.f32 v9, v4;
	v4 =	vld [tilespmem:s29+$0x670]  }
0x21f: {  	v9 =	vld [tilespmem:s29+$0x6670]  }
0x220: {  	[tilespmem:s29+$0xC640] =	vst v3;
	v3 =	vadd.f32 v7, v6;
	v6 =	vld [tilespmem:s29+$0xA00]  }
0x221: {  	v7 =	vld [tilespmem:s29+$0x6A00]  }
0x222: {  	[tilespmem:s29+$0xC650] =	vst v3;
	v3 =	vadd.f32 v8, v5;
	v5 =	vld [tilespmem:s29+$0xA10]  }
0x223: {  	v8 =	vld [tilespmem:s29+$0x6A10]  }
0x224: {  	[tilespmem:s29+$0xC660] =	vst v3;
	v3 =	vadd.f32 v9, v4;
	v4 =	vld [tilespmem:s29+$0xA20]  }
0x225: {  	v9 =	vld [tilespmem:s29+$0x6A20]  }
0x226: {  	[tilespmem:s29+$0xC670] =	vst v3;
	v3 =	vadd.f32 v7, v6;
	v6 =	vld [tilespmem:s29+$0xA30]  }
0x227: {  	v7 =	vld [tilespmem:s29+$0x6A30]  }
0x228: {  	[tilespmem:s29+$0xCA00] =	vst v3;
	v3 =	vadd.f32 v8, v5;
	v5 =	vld [tilespmem:s29+$0xA40]  }
0x229: {  	v8 =	vld [tilespmem:s29+$0x6A40]  }
0x22a: {  	[tilespmem:s29+$0xCA10] =	vst v3;
	v3 =	vadd.f32 v9, v4;
	v4 =	vld [tilespmem:s29+$0xA50]  }
0x22b: {  	v9 =	vld [tilespmem:s29+$0x6A50]  }
0x22c: {  	[tilespmem:s29+$0xCA20] =	vst v3;
	v3 =	vadd.f32 v7, v6;
	v6 =	vld [tilespmem:s29+$0xA60]  }
0x22d: {  	v7 =	vld [tilespmem:s29+$0x6A60]  }
0x22e: {  	[tilespmem:s29+$0xCA30] =	vst v3;
	v3 =	vadd.f32 v8, v5;
	v5 =	vld [tilespmem:s29+$0xA70]  }
0x22f: {  	v8 =	vld [tilespmem:s29+$0x6A70]  }
0x230: {  	[tilespmem:s29+$0xCA40] =	vst v3;
	v3 =	vadd.f32 v9, v4;
	v4 =	vld [tilespmem:s29+$0xE00]  }
0x231: {  	v9 =	vld [tilespmem:s29+$0x6E00]  }
0x232: {  	[tilespmem:s29+$0xCA50] =	vst v3;
	v3 =	vadd.f32 v7, v6;
	v6 =	vld [tilespmem:s29+$0xE10]  }
0x233: {  	v7 =	vld [tilespmem:s29+$0x6E10]  }
0x234: {  	[tilespmem:s29+$0xCA60] =	vst v3;
	v3 =	vadd.f32 v8, v5;
	v5 =	vld [tilespmem:s29+$0xE20]  }
0x235: {  	v8 =	vld [tilespmem:s29+$0x6E20]  }
0x236: {  	[tilespmem:s29+$0xCA70] =	vst v3;
	v3 =	vadd.f32 v9, v4;
	v4 =	vld [tilespmem:s29+$0xE30]  }
0x237: {  	v9 =	vld [tilespmem:s29+$0x6E30]  }
0x238: {  	[tilespmem:s29+$0xCE00] =	vst v3;
	v3 =	vadd.f32 v7, v6;
	v6 =	vld [tilespmem:s29+$0xE40]  }
0x239: {  	v7 =	vld [tilespmem:s29+$0x6E40]  }
0x23a: {  	[tilespmem:s29+$0xCE10] =	vst v3;
	v3 =	vadd.f32 v8, v5;
	v5 =	vld [tilespmem:s29+$0xE50]  }
0x23b: {  	v8 =	vld [tilespmem:s29+$0x6E50]  }
0x23c: {  	[tilespmem:s29+$0xCE20] =	vst v3;
	v3 =	vadd.f32 v9, v4;
	v4 =	vld [tilespmem:s29+$0xE60]  }
0x23d: {  	v9 =	vld [tilespmem:s29+$0x6E60]  }
0x23e: {  	[tilespmem:s29+$0xCE30] =	vst v3;
	v3 =	vadd.f32 v7, v6;
	v6 =	vld [tilespmem:s29+$0xE70]  }
0x23f: {  	v7 =	vld [tilespmem:s29+$0x6E70]  }
0x240: {  	[tilespmem:s29+$0xCE40] =	vst v3;
	v3 =	vadd.f32 v8, v5;
	v5 =	vld [tilespmem:s29+$0x1200]  }
0x241: {  	v8 =	vld [tilespmem:s29+$0x7200]  }
0x242: {  	[tilespmem:s29+$0xCE50] =	vst v3;
	v3 =	vadd.f32 v9, v4;
	v4 =	vld [tilespmem:s29+$0x1210]  }
0x243: {  	v9 =	vld [tilespmem:s29+$0x7210]  }
0x244: {  	[tilespmem:s29+$0xCE60] =	vst v3;
	v3 =	vadd.f32 v7, v6;
	v6 =	vld [tilespmem:s29+$0x1220]  }
0x245: {  	v7 =	vld [tilespmem:s29+$0x7220]  }
0x246: {  	[tilespmem:s29+$0xCE70] =	vst v3;
	v3 =	vadd.f32 v8, v5;
	v5 =	vld [tilespmem:s29+$0x1230]  }
0x247: {  	v8 =	vld [tilespmem:s29+$0x7230]  }
0x248: {  	[tilespmem:s29+$0xD200] =	vst v3;
	v3 =	vadd.f32 v9, v4;
	v4 =	vld [tilespmem:s29+$0x1240]  }
0x249: {  	v9 =	vld [tilespmem:s29+$0x7240]  }
0x24a: {  	[tilespmem:s29+$0xD210] =	vst v3;
	v3 =	vadd.f32 v7, v6;
	v6 =	vld [tilespmem:s29+$0x1250]  }
0x24b: {  	v7 =	vld [tilespmem:s29+$0x7250]  }
0x24c: {  	[tilespmem:s29+$0xD220] =	vst v3;
	v3 =	vadd.f32 v8, v5;
	v5 =	vld [tilespmem:s29+$0x1260]  }
0x24d: {  	v8 =	vld [tilespmem:s29+$0x7260]  }
0x24e: {  	[tilespmem:s29+$0xD230] =	vst v3;
	v3 =	vadd.f32 v9, v4;
	v4 =	vld [tilespmem:s29+$0x1270]  }
0x24f: {  	v9 =	vld [tilespmem:s29+$0x7270]  }
0x250: {  	[tilespmem:s29+$0xD240] =	vst v3;
	v3 =	vadd.f32 v7, v6;
	v6 =	vld [tilespmem:s29+$0x1600]  }
0x251: {  	v7 =	vld [tilespmem:s29+$0x7600]  }
0x252: {  	v10 =	vld [tilespmem:s29+$0x7610];
	[tilespmem:s29+$0xD250] =	vst v3;
	v3 =	vadd.f32 v8, v5  }
0x253: {  	v8 =	vld [tilespmem:s29+$0x1610]  }
0x254: {  	[tilespmem:s29+$0xD260] =	vst v3;
	v3 =	vadd.f32 v9, v4;
	v9 =	vld [tilespmem:s29+$0x1620]  }
0x255: {  	v5 =	vld [tilespmem:s29+$0x1630]  }
0x256: {  	[tilespmem:s29+$0xD270] =	vst v3;
	v3 =	vadd.f32 v7, v6;
	v7 =	vld [tilespmem:s29+$0x7630]  }
0x257: {  	v6 =	vld [tilespmem:s29+$0x7640]  }
0x258: {  	v4 =	vadd.f32 v10, v8;
	[tilespmem:s29+$0xD600] =	vst v3;
	v3 =	vld [tilespmem:s29+$0x1640]  }
0x259: {  	s5 =	simm.s32 $0x0;
	v8 =	vld [tilespmem:s29+$0x7650];
	v9 =	vadd.f32 v11, v9  }
0x25a: {  	s30 =	simm.s32 $0x80;
	s31 =	smul.u32 $0x1800, s5;
	s5 =	simm.s32 $0x2;
	[tilespmem:s29+$0xD610] =	vst v4;
	v4 =	vld [tilespmem:s29+$0x1650]  }
.LBB2_4:
0x25b: {  	p0 =	sne.s32 s5, $0x1F;
	s0 =	sand.u32 $0x380, s30;
	[tilespmem:s29+$0xD620] =	vst v9;
	v5 =	vadd.f32 v7, v5;
	v7 =	vld [tilespmem:s29+$0x1660]  }
0x25c: {  	s0 =	sor.u32 s0, s31;
	v9 =	vld [tilespmem:s29+$0x7660]  }
0x25d: {  	v10 =	vld [tilespmem:s0+$0x1670];
	[tilespmem:s29+$0xD630] =	vst v5;
	v3 =	vadd.f32 v6, v3  }
0x25e: {  	v5 =	vld [tilespmem:s0+$0x7670]  }
0x25f: {  	v6 =	vld [tilespmem:s0+$0x200];
	[tilespmem:s29+$0xD640] =	vst v3;
	v3 =	vadd.f32 v8, v4  }
0x260: {  	v4 =	vld [tilespmem:s0+$0x6200]  }
0x261: {  	v8 =	vld [tilespmem:s0+$0x210];
	[tilespmem:s29+$0xD650] =	vst v3;
	v3 =	vadd.f32 v9, v7  }
0x262: {  	v7 =	vld [tilespmem:s0+$0x6210]  }
0x263: {  	v9 =	vld [tilespmem:s0+$0x220];
	v5 =	vadd.f32 v5, v10;
	[tilespmem:s29+$0xD660] =	vst v3;
	s29 =	smov.u32 s0  }
0x264: {  	v3 =	vld [tilespmem:s29+$0x6220]  }
0x265: {  	v4 =	vadd.f32 v4, v6;
	v6 =	vld [tilespmem:s29+$0x230];
	[tilespmem:s29+$0xD670] =	vst v5  }
0x266: {  	v5 =	vld [tilespmem:s29+$0x6230]  }
0x267: {  	[tilespmem:s29+$0xC200] =	vst v4;
	v4 =	vadd.f32 v7, v8;
	v7 =	vld [tilespmem:s29+$0x240]  }
0x268: {  	v8 =	vld [tilespmem:s29+$0x6240]  }
0x269: {  	[tilespmem:s29+$0xC210] =	vst v4;
	v3 =	vadd.f32 v3, v9;
	v4 =	vld [tilespmem:s29+$0x250]  }
0x26a: {  	v9 =	vld [tilespmem:s29+$0x6250]  }
0x26b: {  	[tilespmem:s29+$0xC220] =	vst v3;
	v3 =	vadd.f32 v5, v6;
	v5 =	vld [tilespmem:s29+$0x260]  }
0x26c: {  	v6 =	vld [tilespmem:s29+$0x6260]  }
0x26d: {  	[tilespmem:s29+$0xC230] =	vst v3;
	v3 =	vadd.f32 v8, v7;
	v7 =	vld [tilespmem:s29+$0x270]  }
0x26e: {  	v8 =	vld [tilespmem:s29+$0x6270]  }
0x26f: {  	[tilespmem:s29+$0xC240] =	vst v3;
	v3 =	vadd.f32 v9, v4;
	v4 =	vld [tilespmem:s29+$0x600]  }
0x270: {  	v9 =	vld [tilespmem:s29+$0x6600]  }
0x271: {  	[tilespmem:s29+$0xC250] =	vst v3;
	v3 =	vadd.f32 v6, v5;
	v5 =	vld [tilespmem:s29+$0x610]  }
0x272: {  	v6 =	vld [tilespmem:s29+$0x6610]  }
0x273: {  	[tilespmem:s29+$0xC260] =	vst v3;
	v3 =	vadd.f32 v8, v7;
	v7 =	vld [tilespmem:s29+$0x620]  }
0x274: {  	v8 =	vld [tilespmem:s29+$0x6620]  }
0x275: {  	[tilespmem:s29+$0xC270] =	vst v3;
	v3 =	vadd.f32 v9, v4;
	v4 =	vld [tilespmem:s29+$0x630]  }
0x276: {  	v9 =	vld [tilespmem:s29+$0x6630]  }
0x277: {  	[tilespmem:s29+$0xC600] =	vst v3;
	v3 =	vadd.f32 v6, v5;
	v5 =	vld [tilespmem:s29+$0x640]  }
0x278: {  	v6 =	vld [tilespmem:s29+$0x6640]  }
0x279: {  	[tilespmem:s29+$0xC610] =	vst v3;
	v3 =	vadd.f32 v8, v7;
	v7 =	vld [tilespmem:s29+$0x650]  }
0x27a: {  	v8 =	vld [tilespmem:s29+$0x6650]  }
0x27b: {  	[tilespmem:s29+$0xC620] =	vst v3;
	v3 =	vadd.f32 v9, v4;
	v4 =	vld [tilespmem:s29+$0x660]  }
0x27c: {  	v9 =	vld [tilespmem:s29+$0x6660]  }
0x27d: {  	[tilespmem:s29+$0xC630] =	vst v3;
	v3 =	vadd.f32 v6, v5;
	v5 =	vld [tilespmem:s29+$0x670]  }
0x27e: {  	v6 =	vld [tilespmem:s29+$0x6670]  }
0x27f: {  	[tilespmem:s29+$0xC640] =	vst v3;
	v3 =	vadd.f32 v8, v7;
	v7 =	vld [tilespmem:s29+$0xA00]  }
0x280: {  	v8 =	vld [tilespmem:s29+$0x6A00]  }
0x281: {  	[tilespmem:s29+$0xC650] =	vst v3;
	v3 =	vadd.f32 v9, v4;
	v4 =	vld [tilespmem:s29+$0xA10]  }
0x282: {  	v9 =	vld [tilespmem:s29+$0x6A10]  }
0x283: {  	[tilespmem:s29+$0xC660] =	vst v3;
	v3 =	vadd.f32 v6, v5;
	v5 =	vld [tilespmem:s29+$0xA20]  }
0x284: {  	v6 =	vld [tilespmem:s29+$0x6A20]  }
0x285: {  	[tilespmem:s29+$0xC670] =	vst v3;
	v3 =	vadd.f32 v8, v7;
	v7 =	vld [tilespmem:s29+$0xA30]  }
0x286: {  	v8 =	vld [tilespmem:s29+$0x6A30]  }
0x287: {  	[tilespmem:s29+$0xCA00] =	vst v3;
	v3 =	vadd.f32 v9, v4;
	v4 =	vld [tilespmem:s29+$0xA40]  }
0x288: {  	v9 =	vld [tilespmem:s29+$0x6A40]  }
0x289: {  	[tilespmem:s29+$0xCA10] =	vst v3;
	v3 =	vadd.f32 v6, v5;
	v5 =	vld [tilespmem:s29+$0xA50]  }
0x28a: {  	v6 =	vld [tilespmem:s29+$0x6A50]  }
0x28b: {  	[tilespmem:s29+$0xCA20] =	vst v3;
	v3 =	vadd.f32 v8, v7;
	v7 =	vld [tilespmem:s29+$0xA60]  }
0x28c: {  	v8 =	vld [tilespmem:s29+$0x6A60]  }
0x28d: {  	[tilespmem:s29+$0xCA30] =	vst v3;
	v3 =	vadd.f32 v9, v4;
	v4 =	vld [tilespmem:s29+$0xA70]  }
0x28e: {  	v9 =	vld [tilespmem:s29+$0x6A70]  }
0x28f: {  	[tilespmem:s29+$0xCA40] =	vst v3;
	v3 =	vadd.f32 v6, v5;
	v5 =	vld [tilespmem:s29+$0xE00]  }
0x290: {  	v6 =	vld [tilespmem:s29+$0x6E00]  }
0x291: {  	[tilespmem:s29+$0xCA50] =	vst v3;
	v3 =	vadd.f32 v8, v7;
	v7 =	vld [tilespmem:s29+$0xE10]  }
0x292: {  	v8 =	vld [tilespmem:s29+$0x6E10]  }
0x293: {  	[tilespmem:s29+$0xCA60] =	vst v3;
	v3 =	vadd.f32 v9, v4;
	v4 =	vld [tilespmem:s29+$0xE20]  }
0x294: {  	v9 =	vld [tilespmem:s29+$0x6E20]  }
0x295: {  	[tilespmem:s29+$0xCA70] =	vst v3;
	v3 =	vadd.f32 v6, v5;
	v5 =	vld [tilespmem:s29+$0xE30]  }
0x296: {  	v6 =	vld [tilespmem:s29+$0x6E30]  }
0x297: {  	[tilespmem:s29+$0xCE00] =	vst v3;
	v3 =	vadd.f32 v8, v7;
	v7 =	vld [tilespmem:s29+$0xE40]  }
0x298: {  	v8 =	vld [tilespmem:s29+$0x6E40]  }
0x299: {  	[tilespmem:s29+$0xCE10] =	vst v3;
	v3 =	vadd.f32 v9, v4;
	v4 =	vld [tilespmem:s29+$0xE50]  }
0x29a: {  	v9 =	vld [tilespmem:s29+$0x6E50]  }
0x29b: {  	[tilespmem:s29+$0xCE20] =	vst v3;
	v3 =	vadd.f32 v6, v5;
	v5 =	vld [tilespmem:s29+$0xE60]  }
0x29c: {  	v6 =	vld [tilespmem:s29+$0x6E60]  }
0x29d: {  	[tilespmem:s29+$0xCE30] =	vst v3;
	v3 =	vadd.f32 v8, v7;
	v7 =	vld [tilespmem:s29+$0xE70]  }
0x29e: {  	v8 =	vld [tilespmem:s29+$0x6E70]  }
0x29f: {  	[tilespmem:s29+$0xCE40] =	vst v3;
	v3 =	vadd.f32 v9, v4;
	v4 =	vld [tilespmem:s29+$0x1200]  }
0x2a0: {  	v9 =	vld [tilespmem:s29+$0x7200]  }
0x2a1: {  	[tilespmem:s29+$0xCE50] =	vst v3;
	v3 =	vadd.f32 v6, v5;
	v5 =	vld [tilespmem:s29+$0x1210]  }
0x2a2: {  	v6 =	vld [tilespmem:s29+$0x7210]  }
0x2a3: {  	[tilespmem:s29+$0xCE60] =	vst v3;
	v3 =	vadd.f32 v8, v7;
	v7 =	vld [tilespmem:s29+$0x1220]  }
0x2a4: {  	v8 =	vld [tilespmem:s29+$0x7220]  }
0x2a5: {  	[tilespmem:s29+$0xCE70] =	vst v3;
	v3 =	vadd.f32 v9, v4;
	v4 =	vld [tilespmem:s29+$0x1230]  }
0x2a6: {  	v9 =	vld [tilespmem:s29+$0x7230]  }
0x2a7: {  	[tilespmem:s29+$0xD200] =	vst v3;
	v3 =	vadd.f32 v6, v5;
	v5 =	vld [tilespmem:s29+$0x1240]  }
0x2a8: {  	v6 =	vld [tilespmem:s29+$0x7240]  }
0x2a9: {  	[tilespmem:s29+$0xD210] =	vst v3;
	v3 =	vadd.f32 v8, v7;
	v7 =	vld [tilespmem:s29+$0x1250]  }
0x2aa: {  	v8 =	vld [tilespmem:s29+$0x7250]  }
0x2ab: {  	[tilespmem:s29+$0xD220] =	vst v3;
	v3 =	vadd.f32 v9, v4;
	v4 =	vld [tilespmem:s29+$0x1260]  }
0x2ac: {  	v9 =	vld [tilespmem:s29+$0x7260]  }
0x2ad: {  	[tilespmem:s29+$0xD230] =	vst v3;
	v3 =	vadd.f32 v6, v5;
	v5 =	vld [tilespmem:s29+$0x1270]  }
0x2ae: {  	v6 =	vld [tilespmem:s29+$0x7270]  }
0x2af: {  	[tilespmem:s29+$0xD240] =	vst v3;
	v3 =	vadd.f32 v8, v7;
	v7 =	vld [tilespmem:s29+$0x1600]  }
0x2b0: {  	v8 =	vld [tilespmem:s29+$0x7600]  }
0x2b1: {  	[tilespmem:s29+$0xD250] =	vst v3;
	v3 =	vadd.f32 v9, v4;
	v4 =	vld [tilespmem:s29+$0x1610]  }
0x2b2: {  	v9 =	vld [tilespmem:s29+$0x7610]  }
0x2b3: {  	[tilespmem:s29+$0xD260] =	vst v3;
	v3 =	vadd.f32 v6, v5;
	v10 =	vld [tilespmem:s29+$0x1620]  }
0x2b4: {  	v11 =	vld [tilespmem:s29+$0x7620]  }
0x2b5: {  	[tilespmem:s29+$0xD270] =	vst v3;
	v3 =	vadd.f32 v8, v7;
	v5 =	vld [tilespmem:s29+$0x1630]  }
.Ltmp1:
0x2b6: {  	v7 =	vld [tilespmem:s29+$0x7630];
	(pc) =	sbr.rel @p0 .LBB2_4-.Ltmp1, $4  }
0x2b7: {  	[tilespmem:s29+$0xD600] =	vst v3;
	v4 =	vadd.f32 v9, v4;
	v3 =	vld [tilespmem:s29+$0x1640]  }
0x2b8: {  	v6 =	vld [tilespmem:s29+$0x7640]  }
0x2b9: {  	s0 =	sshrl.u32 s5, $0x3;
	[tilespmem:s29+$0xD610] =	vst v4;
	v9 =	vadd.f32 v11, v10;
	v4 =	vld [tilespmem:s29+$0x1650]  }
0x2ba: {  	s30 =	sadd.s32 $0x80, s30;
	s5 =	sadd.s32 $0x1, s5;
	s31 =	smul.u32 $0x1800, s0;
	v8 =	vld [tilespmem:s29+$0x7650]  }
0x2bb: {  	s0 =	sand.u32 $0x380, s30;
	v56 =	vld [tilespmem:s29+$0x1660];
	v5 =	vadd.f32 v7, v5  }
0x2bc: {  	[tilespmem:s29+$0xD620] =	vst v9;
	v57 =	vld [tilespmem:s29+$0x7660];
	s5 =	sor.u32 s0, s31  }
0x2bd: {  	v10 =	vld [tilespmem:s5+$0x1670];
	[tilespmem:s29+$0xD630] =	vst v5;
	v3 =	vadd.f32 v6, v3  }
0x2be: {  	v5 =	vld [tilespmem:s5+$0x7670]  }
0x2bf: {  	v58 =	vld [tilespmem:s5+$0x200];
	[tilespmem:s29+$0xD640] =	vst v3;
	v3 =	vadd.f32 v8, v4  }
0x2c0: {  	v59 =	vld [tilespmem:s5+$0x6200]  }
0x2c1: {  	v60 =	vld [tilespmem:s5+$0x210];
	[tilespmem:s29+$0xD650] =	vst v3;
	v3 =	vadd.f32 v57, v56  }
0x2c2: {  	v61 =	vld [tilespmem:s5+$0x6210]  }
0x2c3: {  	v62 =	vld [tilespmem:s5+$0x220];
	[tilespmem:s29+$0xD660] =	vst v3  }
0x2c4: {  	v3 =	vld [tilespmem:s5+$0x6220]  }
0x2c5: {  	v11 =	vld [tilespmem:s5+$0x230]  }
0x2c6: {  	v12 =	vld [tilespmem:s5+$0x6230]  }
0x2c7: {  	v13 =	vld [tilespmem:s5+$0x240]  }
0x2c8: {  	v14 =	vld [tilespmem:s5+$0x6240]  }
0x2c9: {  	v15 =	vld [tilespmem:s5+$0x250]  }
0x2ca: {  	v16 =	vld [tilespmem:s5+$0x6250]  }
0x2cb: {  	v17 =	vld [tilespmem:s5+$0x260]  }
0x2cc: {  	v18 =	vld [tilespmem:s5+$0x6260]  }
0x2cd: {  	v19 =	vld [tilespmem:s5+$0x270]  }
0x2ce: {  	v20 =	vld [tilespmem:s5+$0x6270]  }
0x2cf: {  	v21 =	vld [tilespmem:s5+$0x600]  }
0x2d0: {  	v22 =	vld [tilespmem:s5+$0x6600]  }
0x2d1: {  	v23 =	vld [tilespmem:s5+$0x610]  }
0x2d2: {  	v24 =	vld [tilespmem:s5+$0x6610]  }
0x2d3: {  	v25 =	vld [tilespmem:s5+$0x620]  }
0x2d4: {  	v26 =	vld [tilespmem:s5+$0x6620]  }
0x2d5: {  	v27 =	vld [tilespmem:s5+$0x630]  }
0x2d6: {  	v28 =	vld [tilespmem:s5+$0x6630]  }
0x2d7: {  	v29 =	vld [tilespmem:s5+$0x640]  }
0x2d8: {  	v30 =	vld [tilespmem:s5+$0x6640]  }
0x2d9: {  	v31 =	vld [tilespmem:s5+$0x650]  }
0x2da: {  	v32 =	vld [tilespmem:s5+$0x6650]  }
0x2db: {  	v33 =	vld [tilespmem:s5+$0x660]  }
0x2dc: {  	v34 =	vld [tilespmem:s5+$0x6660]  }
0x2dd: {  	v35 =	vld [tilespmem:s5+$0x670]  }
0x2de: {  	v36 =	vld [tilespmem:s5+$0x6670]  }
0x2df: {  	v37 =	vld [tilespmem:s5+$0xA00]  }
0x2e0: {  	v38 =	vld [tilespmem:s5+$0x6A00]  }
0x2e1: {  	v39 =	vld [tilespmem:s5+$0xA10]  }
0x2e2: {  	v40 =	vld [tilespmem:s5+$0x6A10]  }
0x2e3: {  	v41 =	vld [tilespmem:s5+$0xA20]  }
0x2e4: {  	v42 =	vld [tilespmem:s5+$0x6A20]  }
0x2e5: {  	v43 =	vld [tilespmem:s5+$0xA30]  }
0x2e6: {  	v44 =	vld [tilespmem:s5+$0x6A30]  }
0x2e7: {  	v45 =	vld [tilespmem:s5+$0xA40]  }
0x2e8: {  	v46 =	vld [tilespmem:s5+$0x6A40]  }
0x2e9: {  	v47 =	vld [tilespmem:s5+$0xA50]  }
0x2ea: {  	v48 =	vld [tilespmem:s5+$0x6A50]  }
0x2eb: {  	v49 =	vld [tilespmem:s5+$0xA60]  }
0x2ec: {  	v50 =	vld [tilespmem:s5+$0x6A60]  }
0x2ed: {  	v51 =	vld [tilespmem:s5+$0xA70]  }
0x2ee: {  	v52 =	vld [tilespmem:s5+$0x6A70]  }
0x2ef: {  	v53 =	vld [tilespmem:s5+$0xE00]  }
0x2f0: {  	v54 =	vld [tilespmem:s5+$0x6E00]  }
0x2f1: {  	v55 =	vld [tilespmem:s5+$0xE10]  }
0x2f2: {  	v5 =	vadd.f32 v5, v10;
	v10 =	vld [tilespmem:s5+$0x6E10]  }
0x2f3: {  	v6 =	vld [tilespmem:s5+$0xE20];
	v4 =	vadd.f32 v59, v58  }
0x2f4: {  	v7 =	vld [tilespmem:s5+$0x6E20];
	[tilespmem:s5+$0xD670] =	vst v5;
	v63 =	vadd.f32 v61, v60  }
0x2f5: {  	v8 =	vld [tilespmem:s5+$0x6E30];
	[tilespmem:s5+$0xC200] =	vst v4;
	v3 =	vadd.f32 v3, v62  }
0x2f6: {  	v9 =	vld [tilespmem:s5+$0xE40];
	[tilespmem:s5+$0xC210] =	vst v63;
	v12 =	vadd.f32 v12, v11  }
0x2f7: {  	v57 =	vld [tilespmem:s5+$0x7220];
	[tilespmem:s5+$0xC220] =	vst v3;
	v3 =	vadd.f32 v14, v13  }
0x2f8: {  	v58 =	vld [tilespmem:s5+$0x1230];
	v16 =	vadd.f32 v16, v15;
	[tilespmem:s5+$0xC230] =	vst v12  }
0x2f9: {  	v4 =	vld [tilespmem:s5+$0xE30];
	[tilespmem:s5+$0xC240] =	vst v3;
	v3 =	vadd.f32 v18, v17  }
0x2fa: {  	v60 =	vld [tilespmem:s5+$0x7230];
	v20 =	vadd.f32 v20, v19;
	[tilespmem:s5+$0xC250] =	vst v16  }
0x2fb: {  	v61 =	vld [tilespmem:s5+$0x1240];
	[tilespmem:s5+$0xC260] =	vst v3;
	v3 =	vadd.f32 v22, v21  }
0x2fc: {  	v11 =	vld [tilespmem:s5+$0x6E40];
	v24 =	vadd.f32 v24, v23;
	[tilespmem:s5+$0xC270] =	vst v20  }
0x2fd: {  	v15 =	vld [tilespmem:s5+$0x6E60];
	[tilespmem:s5+$0xC600] =	vst v3;
	v3 =	vadd.f32 v26, v25  }
0x2fe: {  	v28 =	vadd.f32 v28, v27;
	v19 =	vld [tilespmem:s5+$0x7200];
	[tilespmem:s5+$0xC610] =	vst v24  }
0x2ff: {  	v63 =	vld [tilespmem:s5+$0x7240];
	[tilespmem:s5+$0xC620] =	vst v3;
	v3 =	vadd.f32 v30, v29  }
0x300: {  	v32 =	vadd.f32 v32, v31;
	v36 =	vadd.f32 v36, v35;
	v35 =	vld [tilespmem:s5+$0x7250];
	[tilespmem:s5+$0xC630] =	vst v28  }
0x301: {  	v56 =	vadd.f32 v40, v39;
	v39 =	vld [tilespmem:s5+$0x1270];
	[tilespmem:s5+$0xC640] =	vst v3;
	v3 =	vadd.f32 v34, v33  }
0x302: {  	v40 =	vld [tilespmem:s5+$0x7270];
	[tilespmem:s5+$0xC650] =	vst v32  }
0x303: {  	v59 =	vadd.f32 v44, v43;
	v43 =	vld [tilespmem:s5+$0x7600];
	[tilespmem:s5+$0xC660] =	vst v3;
	v3 =	vadd.f32 v38, v37  }
0x304: {  	v44 =	vld [tilespmem:s5+$0x1610];
	[tilespmem:s5+$0xC670] =	vst v36  }
0x305: {  	v62 =	vadd.f32 v48, v47;
	v47 =	vld [tilespmem:s5+$0x1620];
	[tilespmem:s5+$0xCA00] =	vst v3;
	v3 =	vadd.f32 v42, v41  }
0x306: {  	v20 =	vld [tilespmem:s5+$0x1210];
	[tilespmem:s5+$0xCA10] =	vst v56  }
0x307: {  	v21 =	vld [tilespmem:s5+$0x7210];
	[tilespmem:s5+$0xCA20] =	vst v3;
	v3 =	vadd.f32 v46, v45  }
0x308: {  	v12 =	vld [tilespmem:s5+$0xE50];
	[tilespmem:s5+$0xCA30] =	vst v59  }
0x309: {  	v13 =	vld [tilespmem:s5+$0x6E50];
	[tilespmem:s5+$0xCA40] =	vst v3;
	v3 =	vadd.f32 v50, v49  }
0x30a: {  	v14 =	vld [tilespmem:s5+$0xE60];
	[tilespmem:s5+$0xCA50] =	vst v62;
	v4 =	vadd.f32 v8, v4  }
0x30b: {  	v16 =	vld [tilespmem:s5+$0xE70];
	[tilespmem:s5+$0xCA60] =	vst v3;
	v3 =	vadd.f32 v54, v53  }
0x30c: {  	v36 =	vld [tilespmem:s5+$0x1260];
	[tilespmem:s5+$0xCE30] =	vst v4;
	v48 =	vadd.f32 v21, v20  }
0x30d: {  	v56 =	vld [tilespmem:s5+$0x1650];
	[tilespmem:s5+$0xCE00] =	vst v3;
	v3 =	vadd.f32 v7, v6  }
0x30e: {  	v18 =	vld [tilespmem:s5+$0x1200];
	v34 =	vadd.f32 v52, v51;
	[tilespmem:s5+$0xD210] =	vst v48  }
0x30f: {  	v59 =	vld [tilespmem:s5+$0x1660];
	[tilespmem:s5+$0xCE20] =	vst v3;
	v3 =	vadd.f32 v11, v9  }
0x310: {  	v22 =	vld [tilespmem:s5+$0x1220];
	v51 =	vadd.f32 v60, v58;
	[tilespmem:s5+$0xCA70] =	vst v34  }
0x311: {  	v17 =	vld [tilespmem:s5+$0x6E70];
	[tilespmem:s5+$0xCE40] =	vst v3;
	v3 =	vadd.f32 v15, v14  }
0x312: {  	v33 =	vld [tilespmem:s5+$0x1250];
	v37 =	vadd.f32 v10, v55;
	[tilespmem:s5+$0xD230] =	vst v51  }
0x313: {  	v52 =	vld [tilespmem:s5+$0x7630];
	[tilespmem:s5+$0xCE60] =	vst v3;
	v3 =	vadd.f32 v19, v18  }
0x314: {  	v38 =	vld [tilespmem:s5+$0x7260];
	[tilespmem:s5+$0xCE10] =	vst v37;
	v42 =	vadd.f32 v13, v12  }
0x315: {  	v46 =	vld [tilespmem:s5+$0x7610];
	[tilespmem:s5+$0xD200] =	vst v3;
	v3 =	vadd.f32 v57, v22  }
0x316: {  	v41 =	vld [tilespmem:s5+$0x1600];
	[tilespmem:s5+$0xCE50] =	vst v42;
	v45 =	vadd.f32 v17, v16  }
0x317: {  	v50 =	vld [tilespmem:s5+$0x1630];
	[tilespmem:s5+$0xD220] =	vst v3;
	v3 =	vadd.f32 v63, v61  }
0x318: {  	[tilespmem:s5+$0xCE70] =	vst v45;
	v49 =	vld [tilespmem:s5+$0x7620];
	v54 =	vadd.f32 v35, v33  }
0x319: {  	v55 =	vld [tilespmem:s5+$0x7640];
	[tilespmem:s5+$0xD240] =	vst v3;
	v3 =	vadd.f32 v38, v36  }
0x31a: {  	v53 =	vld [tilespmem:s5+$0x1640];
	v60 =	vadd.f32 v46, v44;
	[tilespmem:s5+$0xD250] =	vst v54  }
0x31b: {  	v58 =	vld [tilespmem:s5+$0x7650];
	[tilespmem:s5+$0xD260] =	vst v3;
	v3 =	vadd.f32 v43, v41  }
0x31c: {  	[tilespmem:s5+$0xD610] =	vst v60;
	v62 =	vadd.f32 v52, v50;
	v61 =	vld [tilespmem:s5+$0x7660]  }
0x31d: {  	[tilespmem:s5+$0xD600] =	vst v3;
	v3 =	vadd.f32 v49, v47  }
0x31e: {  	[tilespmem:s5+$0xD630] =	vst v62;
	v57 =	vadd.f32 v40, v39  }
0x31f: {  	[tilespmem:s5+$0xD620] =	vst v3;
	v3 =	vadd.f32 v55, v53  }
0x320: {  	[tilespmem:s5+$0xD270] =	vst v57;
	v63 =	vadd.f32 v58, v56  }
0x321: {  	s28 =	sadd.s32 $0x1, s28;
	[tilespmem:s5+$0xD640] =	vst v3;
	v3 =	vadd.f32 v61, v59  }
0x322: {  	p0 =	sne.s32 s28, s12;
	[tilespmem:s5+$0xD650] =	vst v63  }
.Ltmp2:
0x323: {  	[tilespmem:s5+$0xD660] =	vst v3;
	(pc) =	sbr.rel @p0 .LBB2_1-.Ltmp2, $4  }
0x324: {  	[hbm4b:s11+s1] =	stream.linear.scatter [tilespmem:s25], [sflag:$0x5], $0x6000, $0x38;
	[tilespmem:$0x12200] =	vst v63  }
0x325: {  	_ =	swait.ge [sflag:s26], $0x6000  }
0x326: {  	[sflag:s26] =	ssyncset.done $0x0  }
0x327: {  	[sflag:s26] =	ssyncadd.s32 $0xFFFFA000  }
0x328: {  	_ =	sfence.sel $0x180000  }
0x329: {  	[bflag:$0x0] =	sbarrier.arrive $0xFFFF  }
0x32a: {  	_ =	strace $0x9000004A  }
0x32b: {  	s0 =	stileid.u32;
	[bflag:$0x2] =	sbarrier.arrive $0xFFFF  }
0x32c: {  	p0 =	sne.s32 s0, $0x0;
	s0 =	rddreg [dreg:$0x2]  }
0x32d: {  	s0 =	sadd.s32 @!p0 $0x100000, s0  }
0x32e: {  	[sflag:s0] =	ssyncadd.tile.s32 @!p0 $0x1;
	_ =	shalt  }
.Lfunc_end2:
_tile_overlayer_lowered:
.L_overlay_start_2:
0x32f: {  	(tag) =	ssettag $0x2  }
0x330: {  	s0 =	rddreg [dreg:$0x0];
	s2 =	stileid.u32  }
0x331: {  	s1 =	rddreg [dreg:$0x1];
	p0 =	sne.s32 s2, $0x0  }
0x332: {  	s3 =	rddreg [dreg:$0x2];
	[bflag:$0x3] =	sbarrier.arrive $0xFFFF;
	s2 =	simm.s32 @!p0 $0x1C05  }
0x333: {  	[timem:s3], [sflag:s2] =	dma.local @!p0 [hbm:s0], s1  }
0x334: {  	s0 =	simm.s32 @!p0 $0x5  }
0x335: {  	_ =	swait.ge @!p0 [sflag:s0], s1  }
0x336: {  	s1 =	ssub.s32 @!p0 $0x0, s1;
	[sflag:s0] =	ssyncset.done @!p0 $0x0  }
0x337: {  	[sflag:s0] =	ssyncadd.s32 @!p0 s1  }
0x338: {  	[bflag:$0x3] =	sbarrier.arrive $0xFFFF  }
0x339: {  	_ =	shalt  }

</sc_bundles>
